<compile_context>
chip_gen: v7x
topology: tpu7x:2x2x1
jax: 0.10.2.dev20260603
libtpu: 0.0.44.dev20260713+nightly
codegen_flags: <defaults>
</compile_context>

<pallas_src>
import functools
import math

import jax
import jax.numpy as jnp
from jax import lax
from jax.experimental import pallas as pl
from jax.experimental.pallas import tpu as pltpu
from jax.experimental.pallas import tpu_sc as plsc

N = 10000
E = 320000
D_NODE = 128
D_EDGE = 16
HID = 128
MID = 256
OUT = 128
ATTN = 128
L = 3
G = 200
S = 50

NC = 2
NS = 16
NW = NC * NS
EPW = E // NW
CHUNK = 80
NCHUNK = EPW // CHUNK
ROWS_PT = N // NS


def _sc_layer_body(hid_hbm, el_hbm, srcr_hbm, dstr_hbm, out_hbm,
                   aggr_sh, sidx, didx, rows_v, e_v,
                   gsem0, gsem1, esem0, esem1, isem0, isem1,
                   dsem0, dsem1):
    cid = lax.axis_index("c")
    sid = lax.axis_index("s")
    w = cid * NS + sid
    gsem = (gsem0, gsem1)
    esem = (esem0, esem1)
    isem = (isem0, isem1)
    dsem = (dsem0, dsem1)
    def zbody(i, _):
        for j in range(8):
            rows_v[i, pl.ds(j * 16, 16)] = jnp.zeros((16,), jnp.float32)
        return _
    lax.fori_loop(0, 2 * CHUNK, zbody, None)
    off = sid * ROWS_PT
    for sz in (160, 160, 160, 145):
        pltpu.sync_copy(rows_v.at[pl.ds(0, sz)], aggr_sh.at[pl.ds(off, sz)])
        off = off + sz
    plsc.subcore_barrier()

    def prefetch_sidx(c, s):
        pltpu.async_copy(srcr_hbm.at[w, c], sidx.at[s], isem[s])

    def fire(c, s):
        pltpu.make_async_copy(srcr_hbm.at[w, 0], sidx.at[s], isem[s]).wait()
        pltpu.async_copy(dstr_hbm.at[w, c], didx.at[s], dsem[s])
        pltpu.async_copy(el_hbm.at[pl.ds(w * EPW + c * CHUNK, CHUNK)],
                         e_v.at[pl.ds(s * CHUNK, CHUNK)], esem[s])
        pltpu.async_copy(hid_hbm.at[sidx.at[s, 0]],
                         rows_v.at[pl.ds(s * CHUNK, CHUNK)], gsem[s])

    def process(c, s, pf, guard):
        pltpu.make_async_copy(el_hbm.at[pl.ds(0, CHUNK)],
                              e_v.at[pl.ds(s * CHUNK, CHUNK)], esem[s]).wait()
        pltpu.make_async_copy(hid_hbm.at[pl.ds(0, CHUNK)],
                              rows_v.at[pl.ds(s * CHUNK, CHUNK)],
                              gsem[s]).wait()
        if pf is not None:
            if guard:
                @pl.when(pf < NCHUNK)
                def _p():
                    prefetch_sidx(pf, s)
            else:
                prefetch_sidx(pf, s)

        def cbody(i, _):
            ii = s * CHUNK + i
            for j in range(8):
                sl = pl.ds(j * 16, 16)
                rows_v[ii, sl] = jnp.maximum(rows_v[ii, sl] + e_v[ii, sl],
                                             0.0)
            return _
        lax.fori_loop(0, CHUNK, cbody, None)
        pltpu.make_async_copy(dstr_hbm.at[w, 0], didx.at[s],
                              dsem[s]).wait()
        pltpu.sync_copy(rows_v.at[pl.ds(s * CHUNK, CHUNK)],
                        aggr_sh.at[didx.at[s, 0]], add=True)

    prefetch_sidx(0, 0)
    prefetch_sidx(1, 1)
    fire(0, 0)

    def pair(t, _):
        c0 = 2 * t
        fire(c0 + 1, 1)
        process(c0, 0, c0 + 2, False)
        fire(c0 + 2, 0)
        process(c0 + 1, 1, c0 + 3, True)
        return _
    lax.fori_loop(0, (NCHUNK - 1) // 2, pair, None)
    process(NCHUNK - 1, 0, None, False)

    plsc.subcore_barrier()
    pltpu.sync_copy(aggr_sh.at[pl.ds(sid * ROWS_PT, ROWS_PT)],
                    out_hbm.at[cid, sid])


def _sc_layer(hid, el, srcr, dstr):
    mesh = plsc.VectorSubcoreMesh(core_axis_name="c", subcore_axis_name="s",
                                  num_cores=NC, num_subcores=NS)
    f = pl.kernel(
        _sc_layer_body,
        out_type=jax.ShapeDtypeStruct((NC, NS, ROWS_PT, HID), jnp.float32),
        mesh=mesh,
        scratch_types=[
            pltpu.VMEM_SHARED((N, HID), jnp.float32),
            pltpu.VMEM((2, 1, CHUNK), jnp.int32),
            pltpu.VMEM((2, 1, CHUNK), jnp.int32),
            pltpu.VMEM((2 * CHUNK, HID), jnp.float32),
            pltpu.VMEM((2 * CHUNK, HID), jnp.float32),
        ] + [pltpu.SemaphoreType.DMA] * 8,
    )
    return f(hid, el, srcr, dstr)


def _node_proj_body(x_ref, w_ref, b_ref, o_ref):
    o_ref[...] = jnp.dot(x_ref[...], w_ref[...],
                         preferred_element_type=jnp.float32) + b_ref[...]


def _node_proj(x, W, b2):
    return pl.pallas_call(
        _node_proj_body,
        grid=(10,),
        in_specs=[
            pl.BlockSpec((1000, D_NODE), lambda i: (i, 0)),
            pl.BlockSpec((D_NODE, HID), lambda i: (0, 0)),
            pl.BlockSpec((1, HID), lambda i: (0, 0)),
        ],
        out_specs=pl.BlockSpec((1000, HID), lambda i: (i, 0)),
        out_shape=jax.ShapeDtypeStruct((N, HID), jnp.float32),
    )(x, W, b2)


EB = 2560
HH = HID // 2


def _edge_proj_body(ea_ref, w_ref, b_ref, o_ref):
    o_ref[...] = jnp.dot(ea_ref[...], w_ref[0],
                         preferred_element_type=jnp.float32) + b_ref[0]


def _edge_proj_one(l, ea, W_e, b_e):
    return pl.pallas_call(
        _edge_proj_body,
        grid=(E // EB,),
        in_specs=[
            pl.BlockSpec((EB, D_EDGE), lambda i: (i, 0)),
            pl.BlockSpec((1, D_EDGE, HID), lambda i, l=l: (l, 0, 0)),
            pl.BlockSpec((1, 1, HID), lambda i, l=l: (l, 0, 0)),
        ],
        out_specs=pl.BlockSpec((EB, HID), lambda i: (i, 0)),
        out_shape=jax.ShapeDtypeStruct((E, HID), jnp.float32),
    )(ea, W_e, b_e)


def _update_body(scale_ref, hid_ref, ap_ref, w_ref, b_ref, o_ref):
    h = scale_ref[0, 0] * hid_ref[...] + (ap_ref[0] + ap_ref[1])
    o_ref[...] = jnp.maximum(
        jnp.dot(h, w_ref[...], preferred_element_type=jnp.float32)
        + b_ref[...], 0.0)


def _update(hid, parts, scale, W_nn, b2):
    return pl.pallas_call(
        _update_body,
        grid=(10,),
        in_specs=[
            pl.BlockSpec(memory_space=pltpu.SMEM),
            pl.BlockSpec((1000, HID), lambda i: (i, 0)),
            pl.BlockSpec((NC, 1000, HID), lambda i: (0, i, 0)),
            pl.BlockSpec((HID, HID), lambda i: (0, 0)),
            pl.BlockSpec((1, HID), lambda i: (0, 0)),
        ],
        out_specs=pl.BlockSpec((1000, HID), lambda i: (i, 0)),
        out_shape=jax.ShapeDtypeStruct((N, HID), jnp.float32),
    )(scale, hid, parts, W_nn, b2)


GB = 8
RB = GB * S


def _final_body(hid_ref, w1_ref, b1_ref, w2_ref, b2_ref,
                wq_ref, wk_ref, wv_ref, wo_ref, o_ref):
    h = hid_ref[...]
    t = jnp.maximum(jnp.dot(h, w1_ref[...],
                            preferred_element_type=jnp.float32)
                    + b1_ref[...], 0.0)
    f = jnp.dot(t, w2_ref[...], preferred_element_type=jnp.float32) \
        + b2_ref[...]
    q = jnp.dot(f, wq_ref[...], preferred_element_type=jnp.float32)
    k = jnp.dot(f, wk_ref[...], preferred_element_type=jnp.float32)
    v = jnp.dot(f, wv_ref[...], preferred_element_type=jnp.float32)
    s = lax.dot_general(q, k, (((1,), (1,)), ((), ())),
                        preferred_element_type=jnp.float32)
    s = s / jnp.sqrt(jnp.float32(ATTN))
    ri = lax.broadcasted_iota(jnp.int32, (RB, RB), 0) // S
    ci = lax.broadcasted_iota(jnp.int32, (RB, RB), 1) // S
    s = jnp.where(ri == ci, s, -1e30)
    m = jnp.max(s, axis=-1, keepdims=True)
    p = jnp.exp(s - m)
    p = p / jnp.sum(p, axis=-1, keepdims=True)
    ca = jnp.dot(jnp.dot(p, v, preferred_element_type=jnp.float32),
                 wo_ref[...], preferred_element_type=jnp.float32)
    gi = lax.broadcasted_iota(jnp.int32, (GB, RB), 0)
    rj = lax.broadcasted_iota(jnp.int32, (GB, RB), 1) // S
    sel = (gi == rj).astype(jnp.float32)
    o_ref[...] = jnp.dot(sel, ca, preferred_element_type=jnp.float32)


def _final(hid, W1, b1_2, W2, b2_2, Wq, Wk, Wv, Wo):
    full = lambda a, b: pl.BlockSpec((a, b), lambda i: (0, 0))
    return pl.pallas_call(
        _final_body,
        grid=(G // GB,),
        in_specs=[
            pl.BlockSpec((RB, HID), lambda i: (i, 0)),
            full(HID, MID), full(1, MID), full(MID, OUT), full(1, OUT),
            full(OUT, ATTN), full(OUT, ATTN), full(OUT, ATTN),
            full(ATTN, ATTN),
        ],
        out_specs=pl.BlockSpec((GB, ATTN), lambda i: (i, 0)),
        out_shape=jax.ShapeDtypeStruct((G, ATTN), jnp.float32),
    )(hid, W1, b1_2, W2, b2_2, Wq, Wk, Wv, Wo)


def kernel(x, edge_index, edge_attr, batch, W_nth, b_nth, W_nn, b_nn,
           W_e, b_e, eps, W1, b1, W2, b2, Wq, Wk, Wv, Wo):
    del batch
    srcr = edge_index[0].reshape(NW, NCHUNK, 1, CHUNK)
    dstr = edge_index[1].reshape(NW, NCHUNK, 1, CHUNK)

    b_e3 = b_e.reshape(L, 1, HID)
    hid = _node_proj(x, W_nth, b_nth.reshape(1, HID))
    el = _edge_proj_one(0, edge_attr, W_e, b_e3)
    for l in range(L):
        parts = _sc_layer(hid, el, srcr, dstr).reshape(NC, N, HID)
        if l + 1 < L:
            el = _edge_proj_one(l + 1, edge_attr, W_e, b_e3)
        scale = (1.0 + eps[l]).reshape(1, 1)
        hid = _update(hid, parts, scale, W_nn, b_nn.reshape(1, HID))
    return _final(hid, W1, b1.reshape(1, MID), W2, b2.reshape(1, OUT),
                  Wq, Wk, Wv, Wo)

# --- scband reference (transcript-rebuilt; emitter-appended) ---
"""Pipeline reference for scband-gin-cross-attention-net-41618233099061 (READ-ONLY COPY).

The authoritative reference and input builder live on the scoring server;
editing this copy changes nothing except your own understanding.
"""

import jax, jax.numpy as jnp
import numpy as np

N = 10000
E = 320000
D_NODE = 128
D_EDGE = 16
HID = 128
MID = 256
OUT = 128
ATTN = 128
L = 3
G = 200
S = 50


def setup_inputs(seed: int = 0) -> dict:
    key = jax.random.key(seed)
    ks = jax.random.split(key, 16)

    def w(k, shape):
        return jax.random.normal(k, shape, dtype=jnp.float32) * 0.05

    inp = {}
    inp["x"] = jax.random.normal(ks[0], (N, D_NODE), dtype=jnp.float32)
    inp["edge_index"] = jax.random.randint(ks[1], (2, E), 0, N, dtype=jnp.int32)
    inp["edge_attr"] = jax.random.normal(ks[2], (E, D_EDGE), dtype=jnp.float32)
    # 200 equal-sized graphs of 50 nodes each (sorted segment ids)
    inp["batch"] = jnp.repeat(jnp.arange(G, dtype=jnp.int32), S)
    # node_to_hid
    inp["W_nth"] = w(ks[3], (D_NODE, HID))
    inp["b_nth"] = jnp.zeros((HID,), dtype=jnp.float32)
    # shared nn_layer MLP used by every GINEConv (same instance in torch code)
    inp["W_nn"] = w(ks[4], (HID, HID))
    inp["b_nn"] = jnp.zeros((HID,), dtype=jnp.float32)
    # per-layer GINE edge projection (edge_dim -> hidden) and eps
    inp["W_e"] = w(ks[5], (L, D_EDGE, HID))
    inp["b_e"] = jnp.zeros((L, HID), dtype=jnp.float32)
    inp["eps"] = jnp.zeros((L,), dtype=jnp.float32)
    # lin1 / lin2
    inp["W1"] = w(ks[6], (HID, MID))
    inp["b1"] = jnp.zeros((MID,), dtype=jnp.float32)
    inp["W2"] = w(ks[7], (MID, OUT))
    inp["b2"] = jnp.zeros((OUT,), dtype=jnp.float32)
    # cross attention (input_size=out_channels, attn_hidden=128)
    inp["Wq"] = w(ks[8], (OUT, ATTN))
    inp["Wk"] = w(ks[9], (OUT, ATTN))
    inp["Wv"] = w(ks[10], (OUT, ATTN))
    inp["Wo"] = w(ks[11], (ATTN, ATTN))
    return inp


def reference(x, edge_index, edge_attr, batch, W_nth, b_nth, W_nn, b_nn, W_e, b_e, eps, W1, b1, W2, b2, Wq, Wk, Wv, Wo):
    src = edge_index[0]
    dst = edge_index[1]
    # node_to_hid
    hid = x @ W_nth + b_nth
    # stacked GINEConv layers (batch_norms are created but never applied in forward)
    for l in range(L):
        e = edge_attr @ W_e[l] + b_e[l]
        m = jax.nn.relu(hid[src] + e)                       # gather (SparseCore)
        aggr = jax.ops.segment_sum(m, dst, num_segments=N)  # scatter-add (SparseCore)
        h = (1.0 + eps[l]) * hid + aggr
        hid = jax.nn.relu(jax.nn.relu(h @ W_nn + b_nn))     # nn=(Linear,ReLU), then outer relu
    out = jax.nn.relu(hid @ W1 + b1)
    out = out @ W2 + b2
    # per-graph cross attention (unbatch -> per-graph attention -> concat)
    f = out.reshape(G, S, OUT)
    q = f @ Wq
    k = f @ Wk
    v = f @ Wv
    scores = (q @ jnp.swapaxes(k, -1, -2)) / jnp.sqrt(jnp.float32(ATTN))
    attn = jax.nn.softmax(scores, axis=-1)
    ca = (attn @ v) @ Wo
    ca_flat = ca.reshape(N, ATTN)
    # readout: global_add_pool (config.aggr_type='sum')
    pooled = jax.ops.segment_sum(ca_flat, batch, num_segments=G)
    return pooled

if __name__ == "__main__":
    import jax
    _d = setup_inputs()
    print(jax.jit(kernel)(*tuple(_d.values())))

</pallas_src>

<mosaic_0001>
#map = affine_map<(d0, d1) -> (0, 0)>
#map1 = affine_map<(d0, d1) -> (0, 0, 0, 0)>
module attributes {stable_mosaic.version = 14 : i64} {
  func.func @_sc_layer_body(%arg0: i32, %arg1: i32, %arg2: memref<10000x128xf32, #tpu.memory_space<hbm>>, %arg3: memref<320000x128xf32, #tpu.memory_space<hbm>>, %arg4: memref<32x125x1x80xi32, #tpu.memory_space<hbm>>, %arg5: memref<32x125x1x80xi32, #tpu.memory_space<hbm>>, %arg6: memref<2x16x625x128xf32, #tpu.memory_space<hbm>>, %arg7: memref<10000x128xf32, #tpu.memory_space<vmem_shared>>, %arg8: memref<2x1x80xi32, #tpu.memory_space<vmem>>, %arg9: memref<2x1x80xi32, #tpu.memory_space<vmem>>, %arg10: memref<160x128xf32, #tpu.memory_space<vmem>>, %arg11: memref<160x128xf32, #tpu.memory_space<vmem>>, %arg12: memref<!tpu.dma_semaphore, #tpu.memory_space<semaphore_mem>>, %arg13: memref<!tpu.dma_semaphore, #tpu.memory_space<semaphore_mem>>, %arg14: memref<!tpu.dma_semaphore, #tpu.memory_space<semaphore_mem>>, %arg15: memref<!tpu.dma_semaphore, #tpu.memory_space<semaphore_mem>>, %arg16: memref<!tpu.dma_semaphore, #tpu.memory_space<semaphore_mem>>, %arg17: memref<!tpu.dma_semaphore, #tpu.memory_space<semaphore_mem>>, %arg18: memref<!tpu.dma_semaphore, #tpu.memory_space<semaphore_mem>>, %arg19: memref<!tpu.dma_semaphore, #tpu.memory_space<semaphore_mem>>) attributes {dimension_semantics = [#tpu.dimension_semantics<core_parallel>, #tpu.dimension_semantics<subcore_parallel>], iteration_bounds = array<i64: 2, 16>, scalar_prefetch = 0 : i64, scratch_operands = 13 : i64, tpu.core_type = #tpu.core_type<sc_vector_subcore>, window_params = [{transform_indices = #map}, {transform_indices = #map}, {transform_indices = #map1}, {transform_indices = #map1}, {transform_indices = #map1}]} {
    %mul3A = arith.constant 16 : i32
    %mul3A_0 = arith.muli %arg0, %mul3A : i32
    %add3A = arith.addi %mul3A_0, %arg1 : i32
    %scan3A = arith.constant 0 : i32
    %scan3A_1 = arith.constant 160 : i32
    %scan3A_2 = arith.addi %scan3A, %scan3A_1 : i32
    %scan3A_3 = arith.constant 1 : i32
    scf.for %scan3A_166 = %scan3A to %scan3A_2 step %scan3A_3  : i32 {
      %broadcast_in_dim3A = arith.constant 0.000000e+00 : f32
      %broadcast_in_dim3A_167 = vector.broadcast %broadcast_in_dim3A : f32 to vector<16xf32>
      %swap3A = arith.index_cast %scan3A_166 : i32 to index
      %swap3A_168 = arith.constant 0 : index
      %swap3A_169 = tpu.vector_load %arg10[%swap3A, %swap3A_168] {strides = array<i32>} : memref<160x128xf32, #tpu.memory_space<vmem>>, vector<1x16xf32>,
      %swap3A_170 = vector.shape_cast %swap3A_169 : vector<1x16xf32> to vector<16xf32>
      %swap3A_171 = vector.shape_cast %broadcast_in_dim3A_167 : vector<16xf32> to vector<1x16xf32>
      tpu.vector_store %arg10[%swap3A, %swap3A_168], %swap3A_171 {strides = array<i32>} : memref<160x128xf32, #tpu.memory_space<vmem>>, vector<1x16xf32>,
      %broadcast_in_dim3A_172 = arith.constant 0.000000e+00 : f32
      %broadcast_in_dim3A_173 = vector.broadcast %broadcast_in_dim3A_172 : f32 to vector<16xf32>
      %swap3A_174 = arith.index_cast %scan3A_166 : i32 to index
      %swap3A_175 = arith.constant 16 : index
      %swap3A_176 = tpu.vector_load %arg10[%swap3A_174, %swap3A_175] {strides = array<i32>} : memref<160x128xf32, #tpu.memory_space<vmem>>, vector<1x16xf32>,
      %swap3A_177 = vector.shape_cast %swap3A_176 : vector<1x16xf32> to vector<16xf32>
      %swap3A_178 = vector.shape_cast %broadcast_in_dim3A_173 : vector<16xf32> to vector<1x16xf32>
      tpu.vector_store %arg10[%swap3A_174, %swap3A_175], %swap3A_178 {strides = array<i32>} : memref<160x128xf32, #tpu.memory_space<vmem>>, vector<1x16xf32>,
      %broadcast_in_dim3A_179 = arith.constant 0.000000e+00 : f32
      %broadcast_in_dim3A_180 = vector.broadcast %broadcast_in_dim3A_179 : f32 to vector<16xf32>
      %swap3A_181 = arith.index_cast %scan3A_166 : i32 to index
      %swap3A_182 = arith.constant 32 : index
      %swap3A_183 = tpu.vector_load %arg10[%swap3A_181, %swap3A_182] {strides = array<i32>} : memref<160x128xf32, #tpu.memory_space<vmem>>, vector<1x16xf32>,
      %swap3A_184 = vector.shape_cast %swap3A_183 : vector<1x16xf32> to vector<16xf32>
      %swap3A_185 = vector.shape_cast %broadcast_in_dim3A_180 : vector<16xf32> to vector<1x16xf32>
      tpu.vector_store %arg10[%swap3A_181, %swap3A_182], %swap3A_185 {strides = array<i32>} : memref<160x128xf32, #tpu.memory_space<vmem>>, vector<1x16xf32>,
      %broadcast_in_dim3A_186 = arith.constant 0.000000e+00 : f32
      %broadcast_in_dim3A_187 = vector.broadcast %broadcast_in_dim3A_186 : f32 to vector<16xf32>
      %swap3A_188 = arith.index_cast %scan3A_166 : i32 to index
      %swap3A_189 = arith.constant 48 : index
      %swap3A_190 = tpu.vector_load %arg10[%swap3A_188, %swap3A_189] {strides = array<i32>} : memref<160x128xf32, #tpu.memory_space<vmem>>, vector<1x16xf32>,
      %swap3A_191 = vector.shape_cast %swap3A_190 : vector<1x16xf32> to vector<16xf32>
      %swap3A_192 = vector.shape_cast %broadcast_in_dim3A_187 : vector<16xf32> to vector<1x16xf32>
      tpu.vector_store %arg10[%swap3A_188, %swap3A_189], %swap3A_192 {strides = array<i32>} : memref<160x128xf32, #tpu.memory_space<vmem>>, vector<1x16xf32>,
      %broadcast_in_dim3A_193 = arith.constant 0.000000e+00 : f32
      %broadcast_in_dim3A_194 = vector.broadcast %broadcast_in_dim3A_193 : f32 to vector<16xf32>
      %swap3A_195 = arith.index_cast %scan3A_166 : i32 to index
      %swap3A_196 = arith.constant 64 : index
      %swap3A_197 = tpu.vector_load %arg10[%swap3A_195, %swap3A_196] {strides = array<i32>} : memref<160x128xf32, #tpu.memory_space<vmem>>, vector<1x16xf32>,
      %swap3A_198 = vector.shape_cast %swap3A_197 : vector<1x16xf32> to vector<16xf32>
      %swap3A_199 = vector.shape_cast %broadcast_in_dim3A_194 : vector<16xf32> to vector<1x16xf32>
      tpu.vector_store %arg10[%swap3A_195, %swap3A_196], %swap3A_199 {strides = array<i32>} : memref<160x128xf32, #tpu.memory_space<vmem>>, vector<1x16xf32>,
      %broadcast_in_dim3A_200 = arith.constant 0.000000e+00 : f32
      %broadcast_in_dim3A_201 = vector.broadcast %broadcast_in_dim3A_200 : f32 to vector<16xf32>
      %swap3A_202 = arith.index_cast %scan3A_166 : i32 to index
      %swap3A_203 = arith.constant 80 : index
      %swap3A_204 = tpu.vector_load %arg10[%swap3A_202, %swap3A_203] {strides = array<i32>} : memref<160x128xf32, #tpu.memory_space<vmem>>, vector<1x16xf32>,
      %swap3A_205 = vector.shape_cast %swap3A_204 : vector<1x16xf32> to vector<16xf32>
      %swap3A_206 = vector.shape_cast %broadcast_in_dim3A_201 : vector<16xf32> to vector<1x16xf32>
      tpu.vector_store %arg10[%swap3A_202, %swap3A_203], %swap3A_206 {strides = array<i32>} : memref<160x128xf32, #tpu.memory_space<vmem>>, vector<1x16xf32>,
      %broadcast_in_dim3A_207 = arith.constant 0.000000e+00 : f32
      %broadcast_in_dim3A_208 = vector.broadcast %broadcast_in_dim3A_207 : f32 to vector<16xf32>
      %swap3A_209 = arith.index_cast %scan3A_166 : i32 to index
      %swap3A_210 = arith.constant 96 : index
      %swap3A_211 = tpu.vector_load %arg10[%swap3A_209, %swap3A_210] {strides = array<i32>} : memref<160x128xf32, #tpu.memory_space<vmem>>, vector<1x16xf32>,
      %swap3A_212 = vector.shape_cast %swap3A_211 : vector<1x16xf32> to vector<16xf32>
      %swap3A_213 = vector.shape_cast %broadcast_in_dim3A_208 : vector<16xf32> to vector<1x16xf32>
      tpu.vector_store %arg10[%swap3A_209, %swap3A_210], %swap3A_213 {strides = array<i32>} : memref<160x128xf32, #tpu.memory_space<vmem>>, vector<1x16xf32>,
      %broadcast_in_dim3A_214 = arith.constant 0.000000e+00 : f32
      %broadcast_in_dim3A_215 = vector.broadcast %broadcast_in_dim3A_214 : f32 to vector<16xf32>
      %swap3A_216 = arith.index_cast %scan3A_166 : i32 to index
      %swap3A_217 = arith.constant 112 : index
      %swap3A_218 = tpu.vector_load %arg10[%swap3A_216, %swap3A_217] {strides = array<i32>} : memref<160x128xf32, #tpu.memory_space<vmem>>, vector<1x16xf32>,
      %swap3A_219 = vector.shape_cast %swap3A_218 : vector<1x16xf32> to vector<16xf32>
      %swap3A_220 = vector.shape_cast %broadcast_in_dim3A_215 : vector<16xf32> to vector<1x16xf32>
      tpu.vector_store %arg10[%swap3A_216, %swap3A_217], %swap3A_220 {strides = array<i32>} : memref<160x128xf32, #tpu.memory_space<vmem>>, vector<1x16xf32>,
    }
    %scan3A_4 = arith.constant 160 : i32
    %mul3A_5 = arith.constant 625 : i32
    %mul3A_6 = arith.muli %arg1, %mul3A_5 : i32
    "tpu.region"() ({
      %run_scoped3A_166 = tpu.sem_alloc : memref<!tpu.dma_semaphore, #tpu.memory_space<semaphore_mem>>
      %dma_start3A_167 = arith.constant 0 : i32
      %dma_start3A_168 = arith.constant 0 : i32
      %dma_start3A_169 = tpu.memref_slice %arg10[%dma_start3A_167, %dma_start3A_168] : memref<160x128xf32, #tpu.memory_space<vmem>> -> memref<160x128xf32, #tpu.memory_space<vmem>>
      %dma_start3A_170 = arith.constant 0 : i32
      %dma_start3A_171 = tpu.memref_slice %arg7[%mul3A_6, %dma_start3A_170] : memref<10000x128xf32, #tpu.memory_space<vmem_shared>> -> memref<160x128xf32, #tpu.memory_space<vmem_shared>>
      %dma_start3A_172 = arith.constant 0 : i32
      %dma_start3A_173 = tpu.memref_slice %arg7[%mul3A_6, %dma_start3A_172] : memref<10000x128xf32, #tpu.memory_space<vmem_shared>> -> memref<160x128xf32, #tpu.memory_space<vmem_shared>>
      %dma_start3A_174 = arith.constant 0 : i32
      %dma_start3A_175 = arith.constant 0 : i32
      %dma_start3A_176 = tpu.memref_slice %arg10[%dma_start3A_174, %dma_start3A_175] : memref<160x128xf32, #tpu.memory_space<vmem>> -> memref<160x128xf32, #tpu.memory_space<vmem>>
      tpu.enqueue_dma source(%dma_start3A_176 : memref<160x128xf32, #tpu.memory_space<vmem>>) target(%dma_start3A_173 : memref<160x128xf32, #tpu.memory_space<vmem_shared>>) target_semaphore(%run_scoped3A_166 : memref<!tpu.dma_semaphore, #tpu.memory_space<semaphore_mem>>)
      %dma_wait3A_177 = arith.constant 0 : i32
      %dma_wait3A_178 = arith.constant 0 : i32
      %dma_wait3A_179 = tpu.memref_slice %arg10[%dma_wait3A_177, %dma_wait3A_178] : memref<160x128xf32, #tpu.memory_space<vmem>> -> memref<160x128xf32, #tpu.memory_space<vmem>>
      %dma_wait3A_180 = arith.constant 0 : i32
      %dma_wait3A_181 = tpu.memref_slice %arg7[%mul3A_6, %dma_wait3A_180] : memref<10000x128xf32, #tpu.memory_space<vmem_shared>> -> memref<160x128xf32, #tpu.memory_space<vmem_shared>>
      %dma_wait3A_182 = arith.constant 0 : i32
      %dma_wait3A_183 = tpu.memref_slice %arg7[%mul3A_6, %dma_wait3A_182] : memref<10000x128xf32, #tpu.memory_space<vmem_shared>> -> memref<160x128xf32, #tpu.memory_space<vmem_shared>>
      %dma_wait3A_184 = arith.constant 0 : i32
      %dma_wait3A_185 = arith.constant 0 : i32
      %dma_wait3A_186 = tpu.memref_slice %arg10[%dma_wait3A_184, %dma_wait3A_185] : memref<160x128xf32, #tpu.memory_space<vmem>> -> memref<160x128xf32, #tpu.memory_space<vmem>>
      tpu.wait_dma2 semaphore(%run_scoped3A_166 : memref<!tpu.dma_semaphore, #tpu.memory_space<semaphore_mem>>) src(%dma_wait3A_186 : memref<160x128xf32, #tpu.memory_space<vmem>>) dst(%dma_wait3A_183 : memref<160x128xf32, #tpu.memory_space<vmem_shared>>)
      tpu.yield
    }) : () -> ()
    %add3A_7 = arith.constant 160 : i32
    %add3A_8 = arith.addi %mul3A_6, %add3A_7 : i32
    "tpu.region"() ({
      %run_scoped3A_166 = tpu.sem_alloc : memref<!tpu.dma_semaphore, #tpu.memory_space<semaphore_mem>>
      %dma_start3A_167 = arith.constant 0 : i32
      %dma_start3A_168 = arith.constant 0 : i32
      %dma_start3A_169 = tpu.memref_slice %arg10[%dma_start3A_167, %dma_start3A_168] : memref<160x128xf32, #tpu.memory_space<vmem>> -> memref<160x128xf32, #tpu.memory_space<vmem>>
      %dma_start3A_170 = arith.constant 0 : i32
      %dma_start3A_171 = tpu.memref_slice %arg7[%add3A_8, %dma_start3A_170] : memref<10000x128xf32, #tpu.memory_space<vmem_shared>> -> memref<160x128xf32, #tpu.memory_space<vmem_shared>>
      %dma_start3A_172 = arith.constant 0 : i32
      %dma_start3A_173 = tpu.memref_slice %arg7[%add3A_8, %dma_start3A_172] : memref<10000x128xf32, #tpu.memory_space<vmem_shared>> -> memref<160x128xf32, #tpu.memory_space<vmem_shared>>
      %dma_start3A_174 = arith.constant 0 : i32
      %dma_start3A_175 = arith.constant 0 : i32
      %dma_start3A_176 = tpu.memref_slice %arg10[%dma_start3A_174, %dma_start3A_175] : memref<160x128xf32, #tpu.memory_space<vmem>> -> memref<160x128xf32, #tpu.memory_space<vmem>>
      tpu.enqueue_dma source(%dma_start3A_176 : memref<160x128xf32, #tpu.memory_space<vmem>>) target(%dma_start3A_173 : memref<160x128xf32, #tpu.memory_space<vmem_shared>>) target_semaphore(%run_scoped3A_166 : memref<!tpu.dma_semaphore, #tpu.memory_space<semaphore_mem>>)
      %dma_wait3A_177 = arith.constant 0 : i32
      %dma_wait3A_178 = arith.constant 0 : i32
      %dma_wait3A_179 = tpu.memref_slice %arg10[%dma_wait3A_177, %dma_wait3A_178] : memref<160x128xf32, #tpu.memory_space<vmem>> -> memref<160x128xf32, #tpu.memory_space<vmem>>
      %dma_wait3A_180 = arith.constant 0 : i32
      %dma_wait3A_181 = tpu.memref_slice %arg7[%add3A_8, %dma_wait3A_180] : memref<10000x128xf32, #tpu.memory_space<vmem_shared>> -> memref<160x128xf32, #tpu.memory_space<vmem_shared>>
      %dma_wait3A_182 = arith.constant 0 : i32
      %dma_wait3A_183 = tpu.memref_slice %arg7[%add3A_8, %dma_wait3A_182] : memref<10000x128xf32, #tpu.memory_space<vmem_shared>> -> memref<160x128xf32, #tpu.memory_space<vmem_shared>>
      %dma_wait3A_184 = arith.constant 0 : i32
      %dma_wait3A_185 = arith.constant 0 : i32
      %dma_wait3A_186 = tpu.memref_slice %arg10[%dma_wait3A_184, %dma_wait3A_185] : memref<160x128xf32, #tpu.memory_space<vmem>> -> memref<160x128xf32, #tpu.memory_space<vmem>>
      tpu.wait_dma2 semaphore(%run_scoped3A_166 : memref<!tpu.dma_semaphore, #tpu.memory_space<semaphore_mem>>) src(%dma_wait3A_186 : memref<160x128xf32, #tpu.memory_space<vmem>>) dst(%dma_wait3A_183 : memref<160x128xf32, #tpu.memory_space<vmem_shared>>)
      tpu.yield
    }) : () -> ()
    %add3A_9 = arith.constant 160 : i32
    %add3A_10 = arith.addi %add3A_8, %add3A_9 : i32
    "tpu.region"() ({
      %run_scoped3A_166 = tpu.sem_alloc : memref<!tpu.dma_semaphore, #tpu.memory_space<semaphore_mem>>
      %dma_start3A_167 = arith.constant 0 : i32
      %dma_start3A_168 = arith.constant 0 : i32
      %dma_start3A_169 = tpu.memref_slice %arg10[%dma_start3A_167, %dma_start3A_168] : memref<160x128xf32, #tpu.memory_space<vmem>> -> memref<160x128xf32, #tpu.memory_space<vmem>>
      %dma_start3A_170 = arith.constant 0 : i32
      %dma_start3A_171 = tpu.memref_slice %arg7[%add3A_10, %dma_start3A_170] : memref<10000x128xf32, #tpu.memory_space<vmem_shared>> -> memref<160x128xf32, #tpu.memory_space<vmem_shared>>
      %dma_start3A_172 = arith.constant 0 : i32
      %dma_start3A_173 = tpu.memref_slice %arg7[%add3A_10, %dma_start3A_172] : memref<10000x128xf32, #tpu.memory_space<vmem_shared>> -> memref<160x128xf32, #tpu.memory_space<vmem_shared>>
      %dma_start3A_174 = arith.constant 0 : i32
      %dma_start3A_175 = arith.constant 0 : i32
      %dma_start3A_176 = tpu.memref_slice %arg10[%dma_start3A_174, %dma_start3A_175] : memref<160x128xf32, #tpu.memory_space<vmem>> -> memref<160x128xf32, #tpu.memory_space<vmem>>
      tpu.enqueue_dma source(%dma_start3A_176 : memref<160x128xf32, #tpu.memory_space<vmem>>) target(%dma_start3A_173 : memref<160x128xf32, #tpu.memory_space<vmem_shared>>) target_semaphore(%run_scoped3A_166 : memref<!tpu.dma_semaphore, #tpu.memory_space<semaphore_mem>>)
      %dma_wait3A_177 = arith.constant 0 : i32
      %dma_wait3A_178 = arith.constant 0 : i32
      %dma_wait3A_179 = tpu.memref_slice %arg10[%dma_wait3A_177, %dma_wait3A_178] : memref<160x128xf32, #tpu.memory_space<vmem>> -> memref<160x128xf32, #tpu.memory_space<vmem>>
      %dma_wait3A_180 = arith.constant 0 : i32
      %dma_wait3A_181 = tpu.memref_slice %arg7[%add3A_10, %dma_wait3A_180] : memref<10000x128xf32, #tpu.memory_space<vmem_shared>> -> memref<160x128xf32, #tpu.memory_space<vmem_shared>>
      %dma_wait3A_182 = arith.constant 0 : i32
      %dma_wait3A_183 = tpu.memref_slice %arg7[%add3A_10, %dma_wait3A_182] : memref<10000x128xf32, #tpu.memory_space<vmem_shared>> -> memref<160x128xf32, #tpu.memory_space<vmem_shared>>
      %dma_wait3A_184 = arith.constant 0 : i32
      %dma_wait3A_185 = arith.constant 0 : i32
      %dma_wait3A_186 = tpu.memref_slice %arg10[%dma_wait3A_184, %dma_wait3A_185] : memref<160x128xf32, #tpu.memory_space<vmem>> -> memref<160x128xf32, #tpu.memory_space<vmem>>
      tpu.wait_dma2 semaphore(%run_scoped3A_166 : memref<!tpu.dma_semaphore, #tpu.memory_space<semaphore_mem>>) src(%dma_wait3A_186 : memref<160x128xf32, #tpu.memory_space<vmem>>) dst(%dma_wait3A_183 : memref<160x128xf32, #tpu.memory_space<vmem_shared>>)
      tpu.yield
    }) : () -> ()
    %add3A_11 = arith.constant 160 : i32
    %add3A_12 = arith.addi %add3A_10, %add3A_11 : i32
    "tpu.region"() ({
      %run_scoped3A_166 = tpu.sem_alloc : memref<!tpu.dma_semaphore, #tpu.memory_space<semaphore_mem>>
      %dma_start3A_167 = arith.constant 0 : i32
      %dma_start3A_168 = arith.constant 0 : i32
      %dma_start3A_169 = tpu.memref_slice %arg10[%dma_start3A_167, %dma_start3A_168] : memref<160x128xf32, #tpu.memory_space<vmem>> -> memref<145x128xf32, #tpu.memory_space<vmem>>
      %dma_start3A_170 = arith.constant 0 : i32
      %dma_start3A_171 = tpu.memref_slice %arg7[%add3A_12, %dma_start3A_170] : memref<10000x128xf32, #tpu.memory_space<vmem_shared>> -> memref<145x128xf32, #tpu.memory_space<vmem_shared>>
      %dma_start3A_172 = arith.constant 0 : i32
      %dma_start3A_173 = tpu.memref_slice %arg7[%add3A_12, %dma_start3A_172] : memref<10000x128xf32, #tpu.memory_space<vmem_shared>> -> memref<145x128xf32, #tpu.memory_space<vmem_shared>>
      %dma_start3A_174 = arith.constant 0 : i32
      %dma_start3A_175 = arith.constant 0 : i32
      %dma_start3A_176 = tpu.memref_slice %arg10[%dma_start3A_174, %dma_start3A_175] : memref<160x128xf32, #tpu.memory_space<vmem>> -> memref<145x128xf32, #tpu.memory_space<vmem>>
      tpu.enqueue_dma source(%dma_start3A_176 : memref<145x128xf32, #tpu.memory_space<vmem>>) target(%dma_start3A_173 : memref<145x128xf32, #tpu.memory_space<vmem_shared>>) target_semaphore(%run_scoped3A_166 : memref<!tpu.dma_semaphore, #tpu.memory_space<semaphore_mem>>)
      %dma_wait3A_177 = arith.constant 0 : i32
      %dma_wait3A_178 = arith.constant 0 : i32
      %dma_wait3A_179 = tpu.memref_slice %arg10[%dma_wait3A_177, %dma_wait3A_178] : memref<160x128xf32, #tpu.memory_space<vmem>> -> memref<145x128xf32, #tpu.memory_space<vmem>>
      %dma_wait3A_180 = arith.constant 0 : i32
      %dma_wait3A_181 = tpu.memref_slice %arg7[%add3A_12, %dma_wait3A_180] : memref<10000x128xf32, #tpu.memory_space<vmem_shared>> -> memref<145x128xf32, #tpu.memory_space<vmem_shared>>
      %dma_wait3A_182 = arith.constant 0 : i32
      %dma_wait3A_183 = tpu.memref_slice %arg7[%add3A_12, %dma_wait3A_182] : memref<10000x128xf32, #tpu.memory_space<vmem_shared>> -> memref<145x128xf32, #tpu.memory_space<vmem_shared>>
      %dma_wait3A_184 = arith.constant 0 : i32
      %dma_wait3A_185 = arith.constant 0 : i32
      %dma_wait3A_186 = tpu.memref_slice %arg10[%dma_wait3A_184, %dma_wait3A_185] : memref<160x128xf32, #tpu.memory_space<vmem>> -> memref<145x128xf32, #tpu.memory_space<vmem>>
      tpu.wait_dma2 semaphore(%run_scoped3A_166 : memref<!tpu.dma_semaphore, #tpu.memory_space<semaphore_mem>>) src(%dma_wait3A_186 : memref<145x128xf32, #tpu.memory_space<vmem>>) dst(%dma_wait3A_183 : memref<145x128xf32, #tpu.memory_space<vmem_shared>>)
      tpu.yield
    }) : () -> ()
    %add3A_13 = arith.constant 145 : i32
    %add3A_14 = arith.addi %add3A_12, %add3A_13 : i32
    %barrier3A = arith.constant 0 : index
    tpu.barrier barrier_id(%barrier3A)
    %dma_start3A = arith.constant 0 : i32
    %dma_start3A_15 = arith.constant 0 : i32
    %dma_start3A_16 = arith.constant 0 : i32
    %dma_start3A_17 = arith.constant 0 : i32
    %dma_start3A_18 = tpu.memref_slice %arg8[%dma_start3A_15, %dma_start3A_16, %dma_start3A_17] : memref<2x1x80xi32, #tpu.memory_space<vmem>> -> memref<1x1x80xi32, #tpu.memory_space<vmem>>
    %dma_start3A_19 = tpu.memref_squeeze %dma_start3A_18 : memref<1x1x80xi32, #tpu.memory_space<vmem>> -> memref<1x80xi32, #tpu.memory_space<vmem>>
    %dma_start3A_20 = arith.constant 0 : i32
    %dma_start3A_21 = arith.constant 0 : i32
    %dma_start3A_22 = tpu.memref_slice %arg4[%add3A, %dma_start3A, %dma_start3A_20, %dma_start3A_21] : memref<32x125x1x80xi32, #tpu.memory_space<hbm>> -> memref<1x1x1x80xi32, #tpu.memory_space<hbm>>
    %dma_start3A_23 = tpu.memref_squeeze %dma_start3A_22 : memref<1x1x1x80xi32, #tpu.memory_space<hbm>> -> memref<1x80xi32, #tpu.memory_space<hbm>>
    %dma_start3A_24 = arith.constant 0 : i32
    %dma_start3A_25 = arith.constant 0 : i32
    %dma_start3A_26 = tpu.memref_slice %arg8[%dma_start3A_15, %dma_start3A_24, %dma_start3A_25] : memref<2x1x80xi32, #tpu.memory_space<vmem>> -> memref<1x1x80xi32, #tpu.memory_space<vmem>>
    %dma_start3A_27 = tpu.memref_squeeze %dma_start3A_26 : memref<1x1x80xi32, #tpu.memory_space<vmem>> -> memref<1x80xi32, #tpu.memory_space<vmem>>
    %dma_start3A_28 = arith.constant 0 : i32
    %dma_start3A_29 = arith.constant 0 : i32
    %dma_start3A_30 = tpu.memref_slice %arg4[%add3A, %dma_start3A, %dma_start3A_28, %dma_start3A_29] : memref<32x125x1x80xi32, #tpu.memory_space<hbm>> -> memref<1x1x1x80xi32, #tpu.memory_space<hbm>>
    %dma_start3A_31 = tpu.memref_squeeze %dma_start3A_30 : memref<1x1x1x80xi32, #tpu.memory_space<hbm>> -> memref<1x80xi32, #tpu.memory_space<hbm>>
    tpu.enqueue_dma source(%dma_start3A_31 : memref<1x80xi32, #tpu.memory_space<hbm>>) target(%dma_start3A_27 : memref<1x80xi32, #tpu.memory_space<vmem>>) target_semaphore(%arg16 : memref<!tpu.dma_semaphore, #tpu.memory_space<semaphore_mem>>)
    %dma_start3A_32 = arith.constant 1 : i32
    %dma_start3A_33 = arith.constant 1 : i32
    %dma_start3A_34 = arith.constant 0 : i32
    %dma_start3A_35 = arith.constant 0 : i32
    %dma_start3A_36 = tpu.memref_slice %arg8[%dma_start3A_33, %dma_start3A_34, %dma_start3A_35] : memref<2x1x80xi32, #tpu.memory_space<vmem>> -> memref<1x1x80xi32, #tpu.memory_space<vmem>>
    %dma_start3A_37 = tpu.memref_squeeze %dma_start3A_36 : memref<1x1x80xi32, #tpu.memory_space<vmem>> -> memref<1x80xi32, #tpu.memory_space<vmem>>
    %dma_start3A_38 = arith.constant 0 : i32
    %dma_start3A_39 = arith.constant 0 : i32
    %dma_start3A_40 = tpu.memref_slice %arg4[%add3A, %dma_start3A_32, %dma_start3A_38, %dma_start3A_39] : memref<32x125x1x80xi32, #tpu.memory_space<hbm>> -> memref<1x1x1x80xi32, #tpu.memory_space<hbm>>
    %dma_start3A_41 = tpu.memref_squeeze %dma_start3A_40 : memref<1x1x1x80xi32, #tpu.memory_space<hbm>> -> memref<1x80xi32, #tpu.memory_space<hbm>>
    %dma_start3A_42 = arith.constant 0 : i32
    %dma_start3A_43 = arith.constant 0 : i32
    %dma_start3A_44 = tpu.memref_slice %arg8[%dma_start3A_33, %dma_start3A_42, %dma_start3A_43] : memref<2x1x80xi32, #tpu.memory_space<vmem>> -> memref<1x1x80xi32, #tpu.memory_space<vmem>>
    %dma_start3A_45 = tpu.memref_squeeze %dma_start3A_44 : memref<1x1x80xi32, #tpu.memory_space<vmem>> -> memref<1x80xi32, #tpu.memory_space<vmem>>
    %dma_start3A_46 = arith.constant 0 : i32
    %dma_start3A_47 = arith.constant 0 : i32
    %dma_start3A_48 = tpu.memref_slice %arg4[%add3A, %dma_start3A_32, %dma_start3A_46, %dma_start3A_47] : memref<32x125x1x80xi32, #tpu.memory_space<hbm>> -> memref<1x1x1x80xi32, #tpu.memory_space<hbm>>
    %dma_start3A_49 = tpu.memref_squeeze %dma_start3A_48 : memref<1x1x1x80xi32, #tpu.memory_space<hbm>> -> memref<1x80xi32, #tpu.memory_space<hbm>>
    tpu.enqueue_dma source(%dma_start3A_49 : memref<1x80xi32, #tpu.memory_space<hbm>>) target(%dma_start3A_45 : memref<1x80xi32, #tpu.memory_space<vmem>>) target_semaphore(%arg17 : memref<!tpu.dma_semaphore, #tpu.memory_space<semaphore_mem>>)
    %dma_wait3A = arith.constant 0 : i32
    %dma_wait3A_50 = arith.constant 0 : i32
    %dma_wait3A_51 = arith.constant 0 : i32
    %dma_wait3A_52 = arith.constant 0 : i32
    %dma_wait3A_53 = tpu.memref_slice %arg8[%dma_wait3A_50, %dma_wait3A_51, %dma_wait3A_52] : memref<2x1x80xi32, #tpu.memory_space<vmem>> -> memref<1x1x80xi32, #tpu.memory_space<vmem>>
    %dma_wait3A_54 = tpu.memref_squeeze %dma_wait3A_53 : memref<1x1x80xi32, #tpu.memory_space<vmem>> -> memref<1x80xi32, #tpu.memory_space<vmem>>
    %dma_wait3A_55 = arith.constant 0 : i32
    %dma_wait3A_56 = arith.constant 0 : i32
    %dma_wait3A_57 = tpu.memref_slice %arg4[%add3A, %dma_wait3A, %dma_wait3A_55, %dma_wait3A_56] : memref<32x125x1x80xi32, #tpu.memory_space<hbm>> -> memref<1x1x1x80xi32, #tpu.memory_space<hbm>>
    %dma_wait3A_58 = tpu.memref_squeeze %dma_wait3A_57 : memref<1x1x1x80xi32, #tpu.memory_space<hbm>> -> memref<1x80xi32, #tpu.memory_space<hbm>>
    %dma_wait3A_59 = arith.constant 0 : i32
    %dma_wait3A_60 = arith.constant 0 : i32
    %dma_wait3A_61 = tpu.memref_slice %arg8[%dma_wait3A_50, %dma_wait3A_59, %dma_wait3A_60] : memref<2x1x80xi32, #tpu.memory_space<vmem>> -> memref<1x1x80xi32, #tpu.memory_space<vmem>>
    %dma_wait3A_62 = tpu.memref_squeeze %dma_wait3A_61 : memref<1x1x80xi32, #tpu.memory_space<vmem>> -> memref<1x80xi32, #tpu.memory_space<vmem>>
    %dma_wait3A_63 = arith.constant 0 : i32
    %dma_wait3A_64 = arith.constant 0 : i32
    %dma_wait3A_65 = tpu.memref_slice %arg4[%add3A, %dma_wait3A, %dma_wait3A_63, %dma_wait3A_64] : memref<32x125x1x80xi32, #tpu.memory_space<hbm>> -> memref<1x1x1x80xi32, #tpu.memory_space<hbm>>
    %dma_wait3A_66 = tpu.memref_squeeze %dma_wait3A_65 : memref<1x1x1x80xi32, #tpu.memory_space<hbm>> -> memref<1x80xi32, #tpu.memory_space<hbm>>
    tpu.wait_dma2 semaphore(%arg16 : memref<!tpu.dma_semaphore, #tpu.memory_space<semaphore_mem>>) src(%dma_wait3A_66 : memref<1x80xi32, #tpu.memory_space<hbm>>) dst(%dma_wait3A_62 : memref<1x80xi32, #tpu.memory_space<vmem>>)
    %dma_start3A_67 = arith.constant 0 : i32
    %dma_start3A_68 = arith.constant 0 : i32
    %dma_start3A_69 = arith.constant 0 : i32
    %dma_start3A_70 = arith.constant 0 : i32
    %dma_start3A_71 = tpu.memref_slice %arg9[%dma_start3A_68, %dma_start3A_69, %dma_start3A_70] : memref<2x1x80xi32, #tpu.memory_space<vmem>> -> memref<1x1x80xi32, #tpu.memory_space<vmem>>
    %dma_start3A_72 = tpu.memref_squeeze %dma_start3A_71 : memref<1x1x80xi32, #tpu.memory_space<vmem>> -> memref<1x80xi32, #tpu.memory_space<vmem>>
    %dma_start3A_73 = arith.constant 0 : i32
    %dma_start3A_74 = arith.constant 0 : i32
    %dma_start3A_75 = tpu.memref_slice %arg5[%add3A, %dma_start3A_67, %dma_start3A_73, %dma_start3A_74] : memref<32x125x1x80xi32, #tpu.memory_space<hbm>> -> memref<1x1x1x80xi32, #tpu.memory_space<hbm>>
    %dma_start3A_76 = tpu.memref_squeeze %dma_start3A_75 : memref<1x1x1x80xi32, #tpu.memory_space<hbm>> -> memref<1x80xi32, #tpu.memory_space<hbm>>
    %dma_start3A_77 = arith.constant 0 : i32
    %dma_start3A_78 = arith.constant 0 : i32
    %dma_start3A_79 = tpu.memref_slice %arg9[%dma_start3A_68, %dma_start3A_77, %dma_start3A_78] : memref<2x1x80xi32, #tpu.memory_space<vmem>> -> memref<1x1x80xi32, #tpu.memory_space<vmem>>
    %dma_start3A_80 = tpu.memref_squeeze %dma_start3A_79 : memref<1x1x80xi32, #tpu.memory_space<vmem>> -> memref<1x80xi32, #tpu.memory_space<vmem>>
    %dma_start3A_81 = arith.constant 0 : i32
    %dma_start3A_82 = arith.constant 0 : i32
    %dma_start3A_83 = tpu.memref_slice %arg5[%add3A, %dma_start3A_67, %dma_start3A_81, %dma_start3A_82] : memref<32x125x1x80xi32, #tpu.memory_space<hbm>> -> memref<1x1x1x80xi32, #tpu.memory_space<hbm>>
    %dma_start3A_84 = tpu.memref_squeeze %dma_start3A_83 : memref<1x1x1x80xi32, #tpu.memory_space<hbm>> -> memref<1x80xi32, #tpu.memory_space<hbm>>
    tpu.enqueue_dma source(%dma_start3A_84 : memref<1x80xi32, #tpu.memory_space<hbm>>) target(%dma_start3A_80 : memref<1x80xi32, #tpu.memory_space<vmem>>) target_semaphore(%arg18 : memref<!tpu.dma_semaphore, #tpu.memory_space<semaphore_mem>>)
    %mul3A_85 = arith.constant 10000 : i32
    %mul3A_86 = arith.muli %add3A, %mul3A_85 : i32
    %add3A_87 = arith.constant 0 : i32
    %add3A_88 = arith.addi %mul3A_86, %add3A_87 : i32
    %dma_start3A_89 = arith.constant 0 : i32
    %dma_start3A_90 = arith.constant 0 : i32
    %dma_start3A_91 = tpu.memref_slice %arg11[%dma_start3A_89, %dma_start3A_90] : memref<160x128xf32, #tpu.memory_space<vmem>> -> memref<80x128xf32, #tpu.memory_space<vmem>>
    %dma_start3A_92 = arith.constant 0 : i32
    %dma_start3A_93 = tpu.memref_slice %arg3[%add3A_88, %dma_start3A_92] : memref<320000x128xf32, #tpu.memory_space<hbm>> -> memref<80x128xf32, #tpu.memory_space<hbm>>
    %dma_start3A_94 = arith.constant 0 : i32
    %dma_start3A_95 = arith.constant 0 : i32
    %dma_start3A_96 = tpu.memref_slice %arg11[%dma_start3A_94, %dma_start3A_95] : memref<160x128xf32, #tpu.memory_space<vmem>> -> memref<80x128xf32, #tpu.memory_space<vmem>>
    %dma_start3A_97 = arith.constant 0 : i32
    %dma_start3A_98 = tpu.memref_slice %arg3[%add3A_88, %dma_start3A_97] : memref<320000x128xf32, #tpu.memory_space<hbm>> -> memref<80x128xf32, #tpu.memory_space<hbm>>
    tpu.enqueue_dma source(%dma_start3A_98 : memref<80x128xf32, #tpu.memory_space<hbm>>) target(%dma_start3A_96 : memref<80x128xf32, #tpu.memory_space<vmem>>) target_semaphore(%arg14 : memref<!tpu.dma_semaphore, #tpu.memory_space<semaphore_mem>>)
    %dma_start3A_99 = arith.constant 0 : i32
    %dma_start3A_100 = arith.constant 0 : i32
    %dma_start3A_101 = arith.constant 0 : i32
    %dma_start3A_102 = arith.constant 0 : i32
    %dma_start3A_103 = tpu.memref_slice %arg10[%dma_start3A_101, %dma_start3A_102] : memref<160x128xf32, #tpu.memory_space<vmem>> -> memref<80x128xf32, #tpu.memory_space<vmem>>
    %dma_start3A_104 = arith.constant 0 : i32
    %dma_start3A_105 = tpu.memref_slice %arg8[%dma_start3A_99, %dma_start3A_100, %dma_start3A_104] : memref<2x1x80xi32, #tpu.memory_space<vmem>> -> memref<1x1x80xi32, #tpu.memory_space<vmem>>
    %dma_start3A_106 = tpu.memref_squeeze %dma_start3A_105 : memref<1x1x80xi32, #tpu.memory_space<vmem>> -> memref<80xi32, #tpu.memory_space<vmem>>
    %dma_start3A_107 = arith.constant 0 : i32
    %dma_start3A_108 = arith.constant 0 : i32
    %dma_start3A_109 = tpu.memref_slice %arg2[%dma_start3A_107, %dma_start3A_108] : memref<10000x128xf32, #tpu.memory_space<hbm>> -> memref<10000x128xf32, #tpu.memory_space<hbm>>
    tpu.enqueue_indirect_dma source(%dma_start3A_109 : memref<10000x128xf32, #tpu.memory_space<hbm>>) target(%dma_start3A_103 : memref<80x128xf32, #tpu.memory_space<vmem>>) offsets(%dma_start3A_106 : memref<80xi32, #tpu.memory_space<vmem>>) semaphore(%arg12 : memref<!tpu.dma_semaphore, #tpu.memory_space<semaphore_mem>>)
    %scan3A_110 = arith.constant 0 : i32
    %scan3A_111 = arith.constant 62 : i32
    %scan3A_112 = arith.addi %scan3A_110, %scan3A_111 : i32
    %scan3A_113 = arith.constant 1 : i32
    scf.for %scan3A_166 = %scan3A_110 to %scan3A_112 step %scan3A_113  : i32 {
      %mul3A_167 = arith.constant 2 : i32
      %mul3A_168 = arith.muli %mul3A_167, %scan3A_166 : i32
      %add3A_169 = arith.constant 1 : i32
      %add3A_170 = arith.addi %mul3A_168, %add3A_169 : i32
      %dma_wait3A_171 = arith.constant 0 : i32
      %dma_wait3A_172 = arith.constant 1 : i32
      %dma_wait3A_173 = arith.constant 0 : i32
      %dma_wait3A_174 = arith.constant 0 : i32
      %dma_wait3A_175 = tpu.memref_slice %arg8[%dma_wait3A_172, %dma_wait3A_173, %dma_wait3A_174] : memref<2x1x80xi32, #tpu.memory_space<vmem>> -> memref<1x1x80xi32, #tpu.memory_space<vmem>>
      %dma_wait3A_176 = tpu.memref_squeeze %dma_wait3A_175 : memref<1x1x80xi32, #tpu.memory_space<vmem>> -> memref<1x80xi32, #tpu.memory_space<vmem>>
      %dma_wait3A_177 = arith.constant 0 : i32
      %dma_wait3A_178 = arith.constant 0 : i32
      %dma_wait3A_179 = tpu.memref_slice %arg4[%add3A, %dma_wait3A_171, %dma_wait3A_177, %dma_wait3A_178] : memref<32x125x1x80xi32, #tpu.memory_space<hbm>> -> memref<1x1x1x80xi32, #tpu.memory_space<hbm>>
      %dma_wait3A_180 = tpu.memref_squeeze %dma_wait3A_179 : memref<1x1x1x80xi32, #tpu.memory_space<hbm>> -> memref<1x80xi32, #tpu.memory_space<hbm>>
      %dma_wait3A_181 = arith.constant 0 : i32
      %dma_wait3A_182 = arith.constant 0 : i32
      %dma_wait3A_183 = tpu.memref_slice %arg8[%dma_wait3A_172, %dma_wait3A_181, %dma_wait3A_182] : memref<2x1x80xi32, #tpu.memory_space<vmem>> -> memref<1x1x80xi32, #tpu.memory_space<vmem>>
      %dma_wait3A_184 = tpu.memref_squeeze %dma_wait3A_183 : memref<1x1x80xi32, #tpu.memory_space<vmem>> -> memref<1x80xi32, #tpu.memory_space<vmem>>
      %dma_wait3A_185 = arith.constant 0 : i32
      %dma_wait3A_186 = arith.constant 0 : i32
      %dma_wait3A_187 = tpu.memref_slice %arg4[%add3A, %dma_wait3A_171, %dma_wait3A_185, %dma_wait3A_186] : memref<32x125x1x80xi32, #tpu.memory_space<hbm>> -> memref<1x1x1x80xi32, #tpu.memory_space<hbm>>
      %dma_wait3A_188 = tpu.memref_squeeze %dma_wait3A_187 : memref<1x1x1x80xi32, #tpu.memory_space<hbm>> -> memref<1x80xi32, #tpu.memory_space<hbm>>
      tpu.wait_dma2 semaphore(%arg17 : memref<!tpu.dma_semaphore, #tpu.memory_space<semaphore_mem>>) src(%dma_wait3A_188 : memref<1x80xi32, #tpu.memory_space<hbm>>) dst(%dma_wait3A_184 : memref<1x80xi32, #tpu.memory_space<vmem>>)
      %dma_start3A_189 = arith.constant 1 : i32
      %dma_start3A_190 = arith.constant 0 : i32
      %dma_start3A_191 = arith.constant 0 : i32
      %dma_start3A_192 = tpu.memref_slice %arg9[%dma_start3A_189, %dma_start3A_190, %dma_start3A_191] : memref<2x1x80xi32, #tpu.memory_space<vmem>> -> memref<1x1x80xi32, #tpu.memory_space<vmem>>
      %dma_start3A_193 = tpu.memref_squeeze %dma_start3A_192 : memref<1x1x80xi32, #tpu.memory_space<vmem>> -> memref<1x80xi32, #tpu.memory_space<vmem>>
      %dma_start3A_194 = arith.constant 0 : i32
      %dma_start3A_195 = arith.constant 0 : i32
      %dma_start3A_196 = tpu.memref_slice %arg5[%add3A, %add3A_170, %dma_start3A_194, %dma_start3A_195] : memref<32x125x1x80xi32, #tpu.memory_space<hbm>> -> memref<1x1x1x80xi32, #tpu.memory_space<hbm>>
      %dma_start3A_197 = tpu.memref_squeeze %dma_start3A_196 : memref<1x1x1x80xi32, #tpu.memory_space<hbm>> -> memref<1x80xi32, #tpu.memory_space<hbm>>
      %dma_start3A_198 = arith.constant 0 : i32
      %dma_start3A_199 = arith.constant 0 : i32
      %dma_start3A_200 = tpu.memref_slice %arg9[%dma_start3A_189, %dma_start3A_198, %dma_start3A_199] : memref<2x1x80xi32, #tpu.memory_space<vmem>> -> memref<1x1x80xi32, #tpu.memory_space<vmem>>
      %dma_start3A_201 = tpu.memref_squeeze %dma_start3A_200 : memref<1x1x80xi32, #tpu.memory_space<vmem>> -> memref<1x80xi32, #tpu.memory_space<vmem>>
      %dma_start3A_202 = arith.constant 0 : i32
      %dma_start3A_203 = arith.constant 0 : i32
      %dma_start3A_204 = tpu.memref_slice %arg5[%add3A, %add3A_170, %dma_start3A_202, %dma_start3A_203] : memref<32x125x1x80xi32, #tpu.memory_space<hbm>> -> memref<1x1x1x80xi32, #tpu.memory_space<hbm>>
      %dma_start3A_205 = tpu.memref_squeeze %dma_start3A_204 : memref<1x1x1x80xi32, #tpu.memory_space<hbm>> -> memref<1x80xi32, #tpu.memory_space<hbm>>
      tpu.enqueue_dma source(%dma_start3A_205 : memref<1x80xi32, #tpu.memory_space<hbm>>) target(%dma_start3A_201 : memref<1x80xi32, #tpu.memory_space<vmem>>) target_semaphore(%arg19 : memref<!tpu.dma_semaphore, #tpu.memory_space<semaphore_mem>>)
      %mul3A_206 = arith.constant 10000 : i32
      %mul3A_207 = arith.muli %add3A, %mul3A_206 : i32
      %mul3A_208 = arith.constant 80 : i32
      %mul3A_209 = arith.muli %add3A_170, %mul3A_208 : i32
      %add3A_210 = arith.addi %mul3A_207, %mul3A_209 : i32
      %dma_start3A_211 = arith.constant 80 : i32
      %dma_start3A_212 = arith.constant 0 : i32
      %dma_start3A_213 = tpu.memref_slice %arg11[%dma_start3A_211, %dma_start3A_212] : memref<160x128xf32, #tpu.memory_space<vmem>> -> memref<80x128xf32, #tpu.memory_space<vmem>>
      %dma_start3A_214 = arith.constant 0 : i32
      %dma_start3A_215 = tpu.memref_slice %arg3[%add3A_210, %dma_start3A_214] : memref<320000x128xf32, #tpu.memory_space<hbm>> -> memref<80x128xf32, #tpu.memory_space<hbm>>
      %dma_start3A_216 = arith.constant 80 : i32
      %dma_start3A_217 = arith.constant 0 : i32
      %dma_start3A_218 = tpu.memref_slice %arg11[%dma_start3A_216, %dma_start3A_217] : memref<160x128xf32, #tpu.memory_space<vmem>> -> memref<80x128xf32, #tpu.memory_space<vmem>>
      %dma_start3A_219 = arith.constant 0 : i32
      %dma_start3A_220 = tpu.memref_slice %arg3[%add3A_210, %dma_start3A_219] : memref<320000x128xf32, #tpu.memory_space<hbm>> -> memref<80x128xf32, #tpu.memory_space<hbm>>
      tpu.enqueue_dma source(%dma_start3A_220 : memref<80x128xf32, #tpu.memory_space<hbm>>) target(%dma_start3A_218 : memref<80x128xf32, #tpu.memory_space<vmem>>) target_semaphore(%arg15 : memref<!tpu.dma_semaphore, #tpu.memory_space<semaphore_mem>>)
      %dma_start3A_221 = arith.constant 1 : i32
      %dma_start3A_222 = arith.constant 0 : i32
      %dma_start3A_223 = arith.constant 80 : i32
      %dma_start3A_224 = arith.constant 0 : i32
      %dma_start3A_225 = tpu.memref_slice %arg10[%dma_start3A_223, %dma_start3A_224] : memref<160x128xf32, #tpu.memory_space<vmem>> -> memref<80x128xf32, #tpu.memory_space<vmem>>
      %dma_start3A_226 = arith.constant 0 : i32
      %dma_start3A_227 = tpu.memref_slice %arg8[%dma_start3A_221, %dma_start3A_222, %dma_start3A_226] : memref<2x1x80xi32, #tpu.memory_space<vmem>> -> memref<1x1x80xi32, #tpu.memory_space<vmem>>
      %dma_start3A_228 = tpu.memref_squeeze %dma_start3A_227 : memref<1x1x80xi32, #tpu.memory_space<vmem>> -> memref<80xi32, #tpu.memory_space<vmem>>
      %dma_start3A_229 = arith.constant 0 : i32
      %dma_start3A_230 = arith.constant 0 : i32
      %dma_start3A_231 = tpu.memref_slice %arg2[%dma_start3A_229, %dma_start3A_230] : memref<10000x128xf32, #tpu.memory_space<hbm>> -> memref<10000x128xf32, #tpu.memory_space<hbm>>
      tpu.enqueue_indirect_dma source(%dma_start3A_231 : memref<10000x128xf32, #tpu.memory_space<hbm>>) target(%dma_start3A_225 : memref<80x128xf32, #tpu.memory_space<vmem>>) offsets(%dma_start3A_228 : memref<80xi32, #tpu.memory_space<vmem>>) semaphore(%arg13 : memref<!tpu.dma_semaphore, #tpu.memory_space<semaphore_mem>>)
      %add3A_232 = arith.constant 2 : i32
      %add3A_233 = arith.addi %mul3A_168, %add3A_232 : i32
      %dma_wait3A_234 = arith.constant 0 : i32
      %dma_wait3A_235 = arith.constant 0 : i32
      %dma_wait3A_236 = tpu.memref_slice %arg11[%dma_wait3A_234, %dma_wait3A_235] : memref<160x128xf32, #tpu.memory_space<vmem>> -> memref<80x128xf32, #tpu.memory_space<vmem>>
      %dma_wait3A_237 = arith.constant 0 : i32
      %dma_wait3A_238 = arith.constant 0 : i32
      %dma_wait3A_239 = tpu.memref_slice %arg3[%dma_wait3A_237, %dma_wait3A_238] : memref<320000x128xf32, #tpu.memory_space<hbm>> -> memref<80x128xf32, #tpu.memory_space<hbm>>
      %dma_wait3A_240 = arith.constant 0 : i32
      %dma_wait3A_241 = arith.constant 0 : i32
      %dma_wait3A_242 = tpu.memref_slice %arg11[%dma_wait3A_240, %dma_wait3A_241] : memref<160x128xf32, #tpu.memory_space<vmem>> -> memref<80x128xf32, #tpu.memory_space<vmem>>
      %dma_wait3A_243 = arith.constant 0 : i32
      %dma_wait3A_244 = arith.constant 0 : i32
      %dma_wait3A_245 = tpu.memref_slice %arg3[%dma_wait3A_243, %dma_wait3A_244] : memref<320000x128xf32, #tpu.memory_space<hbm>> -> memref<80x128xf32, #tpu.memory_space<hbm>>
      tpu.wait_dma2 semaphore(%arg14 : memref<!tpu.dma_semaphore, #tpu.memory_space<semaphore_mem>>) src(%dma_wait3A_245 : memref<80x128xf32, #tpu.memory_space<hbm>>) dst(%dma_wait3A_242 : memref<80x128xf32, #tpu.memory_space<vmem>>)
      %dma_wait3A_246 = arith.constant 0 : i32
      %dma_wait3A_247 = arith.constant 0 : i32
      %dma_wait3A_248 = tpu.memref_slice %arg10[%dma_wait3A_246, %dma_wait3A_247] : memref<160x128xf32, #tpu.memory_space<vmem>> -> memref<80x128xf32, #tpu.memory_space<vmem>>
      %dma_wait3A_249 = arith.constant 0 : i32
      %dma_wait3A_250 = arith.constant 0 : i32
      %dma_wait3A_251 = tpu.memref_slice %arg2[%dma_wait3A_249, %dma_wait3A_250] : memref<10000x128xf32, #tpu.memory_space<hbm>> -> memref<80x128xf32, #tpu.memory_space<hbm>>
      %dma_wait3A_252 = arith.constant 0 : i32
      %dma_wait3A_253 = arith.constant 0 : i32
      %dma_wait3A_254 = tpu.memref_slice %arg10[%dma_wait3A_252, %dma_wait3A_253] : memref<160x128xf32, #tpu.memory_space<vmem>> -> memref<80x128xf32, #tpu.memory_space<vmem>>
      %dma_wait3A_255 = arith.constant 0 : i32
      %dma_wait3A_256 = arith.constant 0 : i32
      %dma_wait3A_257 = tpu.memref_slice %arg2[%dma_wait3A_255, %dma_wait3A_256] : memref<10000x128xf32, #tpu.memory_space<hbm>> -> memref<80x128xf32, #tpu.memory_space<hbm>>
      tpu.wait_dma2 semaphore(%arg12 : memref<!tpu.dma_semaphore, #tpu.memory_space<semaphore_mem>>) src(%dma_wait3A_257 : memref<80x128xf32, #tpu.memory_space<hbm>>) dst(%dma_wait3A_254 : memref<80x128xf32, #tpu.memory_space<vmem>>)
      %dma_start3A_258 = arith.constant 0 : i32
      %dma_start3A_259 = arith.constant 0 : i32
      %dma_start3A_260 = arith.constant 0 : i32
      %dma_start3A_261 = tpu.memref_slice %arg8[%dma_start3A_258, %dma_start3A_259, %dma_start3A_260] : memref<2x1x80xi32, #tpu.memory_space<vmem>> -> memref<1x1x80xi32, #tpu.memory_space<vmem>>
      %dma_start3A_262 = tpu.memref_squeeze %dma_start3A_261 : memref<1x1x80xi32, #tpu.memory_space<vmem>> -> memref<1x80xi32, #tpu.memory_space<vmem>>
      %dma_start3A_263 = arith.constant 0 : i32
      %dma_start3A_264 = arith.constant 0 : i32
      %dma_start3A_265 = tpu.memref_slice %arg4[%add3A, %add3A_233, %dma_start3A_263, %dma_start3A_264] : memref<32x125x1x80xi32, #tpu.memory_space<hbm>> -> memref<1x1x1x80xi32, #tpu.memory_space<hbm>>
      %dma_start3A_266 = tpu.memref_squeeze %dma_start3A_265 : memref<1x1x1x80xi32, #tpu.memory_space<hbm>> -> memref<1x80xi32, #tpu.memory_space<hbm>>
      %dma_start3A_267 = arith.constant 0 : i32
      %dma_start3A_268 = arith.constant 0 : i32
      %dma_start3A_269 = tpu.memref_slice %arg8[%dma_start3A_258, %dma_start3A_267, %dma_start3A_268] : memref<2x1x80xi32, #tpu.memory_space<vmem>> -> memref<1x1x80xi32, #tpu.memory_space<vmem>>
      %dma_start3A_270 = tpu.memref_squeeze %dma_start3A_269 : memref<1x1x80xi32, #tpu.memory_space<vmem>> -> memref<1x80xi32, #tpu.memory_space<vmem>>
      %dma_start3A_271 = arith.constant 0 : i32
      %dma_start3A_272 = arith.constant 0 : i32
      %dma_start3A_273 = tpu.memref_slice %arg4[%add3A, %add3A_233, %dma_start3A_271, %dma_start3A_272] : memref<32x125x1x80xi32, #tpu.memory_space<hbm>> -> memref<1x1x1x80xi32, #tpu.memory_space<hbm>>
      %dma_start3A_274 = tpu.memref_squeeze %dma_start3A_273 : memref<1x1x1x80xi32, #tpu.memory_space<hbm>> -> memref<1x80xi32, #tpu.memory_space<hbm>>
      tpu.enqueue_dma source(%dma_start3A_274 : memref<1x80xi32, #tpu.memory_space<hbm>>) target(%dma_start3A_270 : memref<1x80xi32, #tpu.memory_space<vmem>>) target_semaphore(%arg16 : memref<!tpu.dma_semaphore, #tpu.memory_space<semaphore_mem>>)
      %scan3A_275 = arith.constant 0 : i32
      %scan3A_276 = arith.constant 80 : i32
      %scan3A_277 = arith.addi %scan3A_275, %scan3A_276 : i32
      %scan3A_278 = arith.constant 1 : i32
      scf.for %scan3A_418 = %scan3A_275 to %scan3A_277 step %scan3A_278  : i32 {
        %add3A_419 = arith.constant 0 : i32
        %add3A_420 = arith.addi %add3A_419, %scan3A_418 : i32
        %get3A = arith.index_cast %add3A_420 : i32 to index
        %get3A_421 = arith.constant 0 : index
        %get3A_422 = tpu.vector_load %arg10[%get3A, %get3A_421] {strides = array<i32>} : memref<160x128xf32, #tpu.memory_space<vmem>>, vector<1x16xf32>,
        %get3A_423 = vector.shape_cast %get3A_422 : vector<1x16xf32> to vector<16xf32>
        %get3A_424 = arith.index_cast %add3A_420 : i32 to index
        %get3A_425 = arith.constant 0 : index
        %get3A_426 = tpu.vector_load %arg11[%get3A_424, %get3A_425] {strides = array<i32>} : memref<160x128xf32, #tpu.memory_space<vmem>>, vector<1x16xf32>,
        %get3A_427 = vector.shape_cast %get3A_426 : vector<1x16xf32> to vector<16xf32>
        %add3A_428 = arith.addf %get3A_423, %get3A_427 : vector<16xf32>
        %max3A = arith.constant 0.000000e+00 : f32
        %max3A_429 = vector.broadcast %max3A : f32 to vector<16xf32>
        %max3A_430 = arith.maximumf %add3A_428, %max3A_429 : vector<16xf32>
        %swap3A = arith.index_cast %add3A_420 : i32 to index
        %swap3A_431 = arith.constant 0 : index
        %swap3A_432 = tpu.vector_load %arg10[%swap3A, %swap3A_431] {strides = array<i32>} : memref<160x128xf32, #tpu.memory_space<vmem>>, vector<1x16xf32>,
        %swap3A_433 = vector.shape_cast %swap3A_432 : vector<1x16xf32> to vector<16xf32>
        %swap3A_434 = vector.shape_cast %max3A_430 : vector<16xf32> to vector<1x16xf32>
        tpu.vector_store %arg10[%swap3A, %swap3A_431], %swap3A_434 {strides = array<i32>} : memref<160x128xf32, #tpu.memory_space<vmem>>, vector<1x16xf32>,
        %get3A_435 = arith.index_cast %add3A_420 : i32 to index
        %get3A_436 = arith.constant 16 : index
        %get3A_437 = tpu.vector_load %arg10[%get3A_435, %get3A_436] {strides = array<i32>} : memref<160x128xf32, #tpu.memory_space<vmem>>, vector<1x16xf32>,
        %get3A_438 = vector.shape_cast %get3A_437 : vector<1x16xf32> to vector<16xf32>
        %get3A_439 = arith.index_cast %add3A_420 : i32 to index
        %get3A_440 = arith.constant 16 : index
        %get3A_441 = tpu.vector_load %arg11[%get3A_439, %get3A_440] {strides = array<i32>} : memref<160x128xf32, #tpu.memory_space<vmem>>, vector<1x16xf32>,
        %get3A_442 = vector.shape_cast %get3A_441 : vector<1x16xf32> to vector<16xf32>
        %add3A_443 = arith.addf %get3A_438, %get3A_442 : vector<16xf32>
        %max3A_444 = arith.constant 0.000000e+00 : f32
        %max3A_445 = vector.broadcast %max3A_444 : f32 to vector<16xf32>
        %max3A_446 = arith.maximumf %add3A_443, %max3A_445 : vector<16xf32>
        %swap3A_447 = arith.index_cast %add3A_420 : i32 to index
        %swap3A_448 = arith.constant 16 : index
        %swap3A_449 = tpu.vector_load %arg10[%swap3A_447, %swap3A_448] {strides = array<i32>} : memref<160x128xf32, #tpu.memory_space<vmem>>, vector<1x16xf32>,
        %swap3A_450 = vector.shape_cast %swap3A_449 : vector<1x16xf32> to vector<16xf32>
        %swap3A_451 = vector.shape_cast %max3A_446 : vector<16xf32> to vector<1x16xf32>
        tpu.vector_store %arg10[%swap3A_447, %swap3A_448], %swap3A_451 {strides = array<i32>} : memref<160x128xf32, #tpu.memory_space<vmem>>, vector<1x16xf32>,
        %get3A_452 = arith.index_cast %add3A_420 : i32 to index
        %get3A_453 = arith.constant 32 : index
        %get3A_454 = tpu.vector_load %arg10[%get3A_452, %get3A_453] {strides = array<i32>} : memref<160x128xf32, #tpu.memory_space<vmem>>, vector<1x16xf32>,
        %get3A_455 = vector.shape_cast %get3A_454 : vector<1x16xf32> to vector<16xf32>
        %get3A_456 = arith.index_cast %add3A_420 : i32 to index
        %get3A_457 = arith.constant 32 : index
        %get3A_458 = tpu.vector_load %arg11[%get3A_456, %get3A_457] {strides = array<i32>} : memref<160x128xf32, #tpu.memory_space<vmem>>, vector<1x16xf32>,
        %get3A_459 = vector.shape_cast %get3A_458 : vector<1x16xf32> to vector<16xf32>
        %add3A_460 = arith.addf %get3A_455, %get3A_459 : vector<16xf32>
        %max3A_461 = arith.constant 0.000000e+00 : f32
        %max3A_462 = vector.broadcast %max3A_461 : f32 to vector<16xf32>
        %max3A_463 = arith.maximumf %add3A_460, %max3A_462 : vector<16xf32>
        %swap3A_464 = arith.index_cast %add3A_420 : i32 to index
        %swap3A_465 = arith.constant 32 : index
        %swap3A_466 = tpu.vector_load %arg10[%swap3A_464, %swap3A_465] {strides = array<i32>} : memref<160x128xf32, #tpu.memory_space<vmem>>, vector<1x16xf32>,
        %swap3A_467 = vector.shape_cast %swap3A_466 : vector<1x16xf32> to vector<16xf32>
        %swap3A_468 = vector.shape_cast %max3A_463 : vector<16xf32> to vector<1x16xf32>
        tpu.vector_store %arg10[%swap3A_464, %swap3A_465], %swap3A_468 {strides = array<i32>} : memref<160x128xf32, #tpu.memory_space<vmem>>, vector<1x16xf32>,
        %get3A_469 = arith.index_cast %add3A_420 : i32 to index
        %get3A_470 = arith.constant 48 : index
        %get3A_471 = tpu.vector_load %arg10[%get3A_469, %get3A_470] {strides = array<i32>} : memref<160x128xf32, #tpu.memory_space<vmem>>, vector<1x16xf32>,
        %get3A_472 = vector.shape_cast %get3A_471 : vector<1x16xf32> to vector<16xf32>
        %get3A_473 = arith.index_cast %add3A_420 : i32 to index
        %get3A_474 = arith.constant 48 : index
        %get3A_475 = tpu.vector_load %arg11[%get3A_473, %get3A_474] {strides = array<i32>} : memref<160x128xf32, #tpu.memory_space<vmem>>, vector<1x16xf32>,
        %get3A_476 = vector.shape_cast %get3A_475 : vector<1x16xf32> to vector<16xf32>
        %add3A_477 = arith.addf %get3A_472, %get3A_476 : vector<16xf32>
        %max3A_478 = arith.constant 0.000000e+00 : f32
        %max3A_479 = vector.broadcast %max3A_478 : f32 to vector<16xf32>
        %max3A_480 = arith.maximumf %add3A_477, %max3A_479 : vector<16xf32>
        %swap3A_481 = arith.index_cast %add3A_420 : i32 to index
        %swap3A_482 = arith.constant 48 : index
        %swap3A_483 = tpu.vector_load %arg10[%swap3A_481, %swap3A_482] {strides = array<i32>} : memref<160x128xf32, #tpu.memory_space<vmem>>, vector<1x16xf32>,
        %swap3A_484 = vector.shape_cast %swap3A_483 : vector<1x16xf32> to vector<16xf32>
        %swap3A_485 = vector.shape_cast %max3A_480 : vector<16xf32> to vector<1x16xf32>
        tpu.vector_store %arg10[%swap3A_481, %swap3A_482], %swap3A_485 {strides = array<i32>} : memref<160x128xf32, #tpu.memory_space<vmem>>, vector<1x16xf32>,
        %get3A_486 = arith.index_cast %add3A_420 : i32 to index
        %get3A_487 = arith.constant 64 : index
        %get3A_488 = tpu.vector_load %arg10[%get3A_486, %get3A_487] {strides = array<i32>} : memref<160x128xf32, #tpu.memory_space<vmem>>, vector<1x16xf32>,
        %get3A_489 = vector.shape_cast %get3A_488 : vector<1x16xf32> to vector<16xf32>
        %get3A_490 = arith.index_cast %add3A_420 : i32 to index
        %get3A_491 = arith.constant 64 : index
        %get3A_492 = tpu.vector_load %arg11[%get3A_490, %get3A_491] {strides = array<i32>} : memref<160x128xf32, #tpu.memory_space<vmem>>, vector<1x16xf32>,
        %get3A_493 = vector.shape_cast %get3A_492 : vector<1x16xf32> to vector<16xf32>
        %add3A_494 = arith.addf %get3A_489, %get3A_493 : vector<16xf32>
        %max3A_495 = arith.constant 0.000000e+00 : f32
        %max3A_496 = vector.broadcast %max3A_495 : f32 to vector<16xf32>
        %max3A_497 = arith.maximumf %add3A_494, %max3A_496 : vector<16xf32>
        %swap3A_498 = arith.index_cast %add3A_420 : i32 to index
        %swap3A_499 = arith.constant 64 : index
        %swap3A_500 = tpu.vector_load %arg10[%swap3A_498, %swap3A_499] {strides = array<i32>} : memref<160x128xf32, #tpu.memory_space<vmem>>, vector<1x16xf32>,
        %swap3A_501 = vector.shape_cast %swap3A_500 : vector<1x16xf32> to vector<16xf32>
        %swap3A_502 = vector.shape_cast %max3A_497 : vector<16xf32> to vector<1x16xf32>
        tpu.vector_store %arg10[%swap3A_498, %swap3A_499], %swap3A_502 {strides = array<i32>} : memref<160x128xf32, #tpu.memory_space<vmem>>, vector<1x16xf32>,
        %get3A_503 = arith.index_cast %add3A_420 : i32 to index
        %get3A_504 = arith.constant 80 : index
        %get3A_505 = tpu.vector_load %arg10[%get3A_503, %get3A_504] {strides = array<i32>} : memref<160x128xf32, #tpu.memory_space<vmem>>, vector<1x16xf32>,
        %get3A_506 = vector.shape_cast %get3A_505 : vector<1x16xf32> to vector<16xf32>
        %get3A_507 = arith.index_cast %add3A_420 : i32 to index
        %get3A_508 = arith.constant 80 : index
        %get3A_509 = tpu.vector_load %arg11[%get3A_507, %get3A_508] {strides = array<i32>} : memref<160x128xf32, #tpu.memory_space<vmem>>, vector<1x16xf32>,
        %get3A_510 = vector.shape_cast %get3A_509 : vector<1x16xf32> to vector<16xf32>
        %add3A_511 = arith.addf %get3A_506, %get3A_510 : vector<16xf32>
        %max3A_512 = arith.constant 0.000000e+00 : f32
        %max3A_513 = vector.broadcast %max3A_512 : f32 to vector<16xf32>
        %max3A_514 = arith.maximumf %add3A_511, %max3A_513 : vector<16xf32>
        %swap3A_515 = arith.index_cast %add3A_420 : i32 to index
        %swap3A_516 = arith.constant 80 : index
        %swap3A_517 = tpu.vector_load %arg10[%swap3A_515, %swap3A_516] {strides = array<i32>} : memref<160x128xf32, #tpu.memory_space<vmem>>, vector<1x16xf32>,
        %swap3A_518 = vector.shape_cast %swap3A_517 : vector<1x16xf32> to vector<16xf32>
        %swap3A_519 = vector.shape_cast %max3A_514 : vector<16xf32> to vector<1x16xf32>
        tpu.vector_store %arg10[%swap3A_515, %swap3A_516], %swap3A_519 {strides = array<i32>} : memref<160x128xf32, #tpu.memory_space<vmem>>, vector<1x16xf32>,
        %get3A_520 = arith.index_cast %add3A_420 : i32 to index
        %get3A_521 = arith.constant 96 : index
        %get3A_522 = tpu.vector_load %arg10[%get3A_520, %get3A_521] {strides = array<i32>} : memref<160x128xf32, #tpu.memory_space<vmem>>, vector<1x16xf32>,
        %get3A_523 = vector.shape_cast %get3A_522 : vector<1x16xf32> to vector<16xf32>
        %get3A_524 = arith.index_cast %add3A_420 : i32 to index
        %get3A_525 = arith.constant 96 : index
        %get3A_526 = tpu.vector_load %arg11[%get3A_524, %get3A_525] {strides = array<i32>} : memref<160x128xf32, #tpu.memory_space<vmem>>, vector<1x16xf32>,
        %get3A_527 = vector.shape_cast %get3A_526 : vector<1x16xf32> to vector<16xf32>
        %add3A_528 = arith.addf %get3A_523, %get3A_527 : vector<16xf32>
        %max3A_529 = arith.constant 0.000000e+00 : f32
        %max3A_530 = vector.broadcast %max3A_529 : f32 to vector<16xf32>
        %max3A_531 = arith.maximumf %add3A_528, %max3A_530 : vector<16xf32>
        %swap3A_532 = arith.index_cast %add3A_420 : i32 to index
        %swap3A_533 = arith.constant 96 : index
        %swap3A_534 = tpu.vector_load %arg10[%swap3A_532, %swap3A_533] {strides = array<i32>} : memref<160x128xf32, #tpu.memory_space<vmem>>, vector<1x16xf32>,
        %swap3A_535 = vector.shape_cast %swap3A_534 : vector<1x16xf32> to vector<16xf32>
        %swap3A_536 = vector.shape_cast %max3A_531 : vector<16xf32> to vector<1x16xf32>
        tpu.vector_store %arg10[%swap3A_532, %swap3A_533], %swap3A_536 {strides = array<i32>} : memref<160x128xf32, #tpu.memory_space<vmem>>, vector<1x16xf32>,
        %get3A_537 = arith.index_cast %add3A_420 : i32 to index
        %get3A_538 = arith.constant 112 : index
        %get3A_539 = tpu.vector_load %arg10[%get3A_537, %get3A_538] {strides = array<i32>} : memref<160x128xf32, #tpu.memory_space<vmem>>, vector<1x16xf32>,
        %get3A_540 = vector.shape_cast %get3A_539 : vector<1x16xf32> to vector<16xf32>
        %get3A_541 = arith.index_cast %add3A_420 : i32 to index
        %get3A_542 = arith.constant 112 : index
        %get3A_543 = tpu.vector_load %arg11[%get3A_541, %get3A_542] {strides = array<i32>} : memref<160x128xf32, #tpu.memory_space<vmem>>, vector<1x16xf32>,
        %get3A_544 = vector.shape_cast %get3A_543 : vector<1x16xf32> to vector<16xf32>
        %add3A_545 = arith.addf %get3A_540, %get3A_544 : vector<16xf32>
        %max3A_546 = arith.constant 0.000000e+00 : f32
        %max3A_547 = vector.broadcast %max3A_546 : f32 to vector<16xf32>
        %max3A_548 = arith.maximumf %add3A_545, %max3A_547 : vector<16xf32>
        %swap3A_549 = arith.index_cast %add3A_420 : i32 to index
        %swap3A_550 = arith.constant 112 : index
        %swap3A_551 = tpu.vector_load %arg10[%swap3A_549, %swap3A_550] {strides = array<i32>} : memref<160x128xf32, #tpu.memory_space<vmem>>, vector<1x16xf32>,
        %swap3A_552 = vector.shape_cast %swap3A_551 : vector<1x16xf32> to vector<16xf32>
        %swap3A_553 = vector.shape_cast %max3A_548 : vector<16xf32> to vector<1x16xf32>
        tpu.vector_store %arg10[%swap3A_549, %swap3A_550], %swap3A_553 {strides = array<i32>} : memref<160x128xf32, #tpu.memory_space<vmem>>, vector<1x16xf32>,
      }
      %scan3A_279 = arith.constant 80 : i32
      %dma_wait3A_280 = arith.constant 0 : i32
      %dma_wait3A_281 = arith.constant 0 : i32
      %dma_wait3A_282 = arith.constant 0 : i32
      %dma_wait3A_283 = arith.constant 0 : i32
      %dma_wait3A_284 = tpu.memref_slice %arg9[%dma_wait3A_281, %dma_wait3A_282, %dma_wait3A_283] : memref<2x1x80xi32, #tpu.memory_space<vmem>> -> memref<1x1x80xi32, #tpu.memory_space<vmem>>
      %dma_wait3A_285 = tpu.memref_squeeze %dma_wait3A_284 : memref<1x1x80xi32, #tpu.memory_space<vmem>> -> memref<1x80xi32, #tpu.memory_space<vmem>>
      %dma_wait3A_286 = arith.constant 0 : i32
      %dma_wait3A_287 = arith.constant 0 : i32
      %dma_wait3A_288 = tpu.memref_slice %arg5[%add3A, %dma_wait3A_280, %dma_wait3A_286, %dma_wait3A_287] : memref<32x125x1x80xi32, #tpu.memory_space<hbm>> -> memref<1x1x1x80xi32, #tpu.memory_space<hbm>>
      %dma_wait3A_289 = tpu.memref_squeeze %dma_wait3A_288 : memref<1x1x1x80xi32, #tpu.memory_space<hbm>> -> memref<1x80xi32, #tpu.memory_space<hbm>>
      %dma_wait3A_290 = arith.constant 0 : i32
      %dma_wait3A_291 = arith.constant 0 : i32
      %dma_wait3A_292 = tpu.memref_slice %arg9[%dma_wait3A_281, %dma_wait3A_290, %dma_wait3A_291] : memref<2x1x80xi32, #tpu.memory_space<vmem>> -> memref<1x1x80xi32, #tpu.memory_space<vmem>>
      %dma_wait3A_293 = tpu.memref_squeeze %dma_wait3A_292 : memref<1x1x80xi32, #tpu.memory_space<vmem>> -> memref<1x80xi32, #tpu.memory_space<vmem>>
      %dma_wait3A_294 = arith.constant 0 : i32
      %dma_wait3A_295 = arith.constant 0 : i32
      %dma_wait3A_296 = tpu.memref_slice %arg5[%add3A, %dma_wait3A_280, %dma_wait3A_294, %dma_wait3A_295] : memref<32x125x1x80xi32, #tpu.memory_space<hbm>> -> memref<1x1x1x80xi32, #tpu.memory_space<hbm>>
      %dma_wait3A_297 = tpu.memref_squeeze %dma_wait3A_296 : memref<1x1x1x80xi32, #tpu.memory_space<hbm>> -> memref<1x80xi32, #tpu.memory_space<hbm>>
      tpu.wait_dma2 semaphore(%arg18 : memref<!tpu.dma_semaphore, #tpu.memory_space<semaphore_mem>>) src(%dma_wait3A_297 : memref<1x80xi32, #tpu.memory_space<hbm>>) dst(%dma_wait3A_293 : memref<1x80xi32, #tpu.memory_space<vmem>>)
      %run_scoped3A_298 = arith.constant 0 : i32
      %run_scoped3A_299 = arith.constant 0 : i32
      "tpu.region"() ({
        %run_scoped3A_418 = tpu.sem_alloc : memref<!tpu.dma_semaphore, #tpu.memory_space<semaphore_mem>>
        %dma_start3A_419 = arith.constant 0 : i32
        %dma_start3A_420 = arith.constant 0 : i32
        %dma_start3A_421 = tpu.memref_slice %arg10[%dma_start3A_419, %dma_start3A_420] : memref<160x128xf32, #tpu.memory_space<vmem>> -> memref<80x128xf32, #tpu.memory_space<vmem>>
        %dma_start3A_422 = arith.constant 0 : i32
        %dma_start3A_423 = tpu.memref_slice %arg9[%run_scoped3A_298, %run_scoped3A_299, %dma_start3A_422] : memref<2x1x80xi32, #tpu.memory_space<vmem>> -> memref<1x1x80xi32, #tpu.memory_space<vmem>>
        %dma_start3A_424 = tpu.memref_squeeze %dma_start3A_423 : memref<1x1x80xi32, #tpu.memory_space<vmem>> -> memref<80xi32, #tpu.memory_space<vmem>>
        %dma_start3A_425 = arith.constant 0 : i32
        %dma_start3A_426 = arith.constant 0 : i32
        %dma_start3A_427 = tpu.memref_slice %arg7[%dma_start3A_425, %dma_start3A_426] : memref<10000x128xf32, #tpu.memory_space<vmem_shared>> -> memref<10000x128xf32, #tpu.memory_space<vmem_shared>>
        tpu.enqueue_indirect_dma source(%dma_start3A_421 : memref<80x128xf32, #tpu.memory_space<vmem>>) target(%dma_start3A_427 : memref<10000x128xf32, #tpu.memory_space<vmem_shared>>) offsets(%dma_start3A_424 : memref<80xi32, #tpu.memory_space<vmem>>) semaphore(%run_scoped3A_418 : memref<!tpu.dma_semaphore, #tpu.memory_space<semaphore_mem>>) {add = true}
        %dma_wait3A_428 = arith.constant 0 : i32
        %dma_wait3A_429 = arith.constant 0 : i32
        %dma_wait3A_430 = tpu.memref_slice %arg10[%dma_wait3A_428, %dma_wait3A_429] : memref<160x128xf32, #tpu.memory_space<vmem>> -> memref<80x128xf32, #tpu.memory_space<vmem>>
        %dma_wait3A_431 = arith.constant 0 : i32
        %dma_wait3A_432 = tpu.memref_slice %arg9[%run_scoped3A_298, %run_scoped3A_299, %dma_wait3A_431] : memref<2x1x80xi32, #tpu.memory_space<vmem>> -> memref<1x1x80xi32, #tpu.memory_space<vmem>>
        %dma_wait3A_433 = tpu.memref_squeeze %dma_wait3A_432 : memref<1x1x80xi32, #tpu.memory_space<vmem>> -> memref<80xi32, #tpu.memory_space<vmem>>
        %dma_wait3A_434 = arith.constant 0 : i32
        %dma_wait3A_435 = arith.constant 0 : i32
        %dma_wait3A_436 = tpu.memref_slice %arg7[%dma_wait3A_434, %dma_wait3A_435] : memref<10000x128xf32, #tpu.memory_space<vmem_shared>> -> memref<10000x128xf32, #tpu.memory_space<vmem_shared>>
        tpu.wait_indirect_dma semaphore(%run_scoped3A_418 : memref<!tpu.dma_semaphore, #tpu.memory_space<semaphore_mem>>) src(%dma_wait3A_430 : memref<80x128xf32, #tpu.memory_space<vmem>>) dst(%dma_wait3A_436 : memref<10000x128xf32, #tpu.memory_space<vmem_shared>>)
        tpu.yield
      }) : () -> ()
      %add3A_300 = arith.constant 2 : i32
      %add3A_301 = arith.addi %mul3A_168, %add3A_300 : i32
      %dma_wait3A_302 = arith.constant 0 : i32
      %dma_wait3A_303 = arith.constant 0 : i32
      %dma_wait3A_304 = arith.constant 0 : i32
      %dma_wait3A_305 = arith.constant 0 : i32
      %dma_wait3A_306 = tpu.memref_slice %arg8[%dma_wait3A_303, %dma_wait3A_304, %dma_wait3A_305] : memref<2x1x80xi32, #tpu.memory_space<vmem>> -> memref<1x1x80xi32, #tpu.memory_space<vmem>>
      %dma_wait3A_307 = tpu.memref_squeeze %dma_wait3A_306 : memref<1x1x80xi32, #tpu.memory_space<vmem>> -> memref<1x80xi32, #tpu.memory_space<vmem>>
      %dma_wait3A_308 = arith.constant 0 : i32
      %dma_wait3A_309 = arith.constant 0 : i32
      %dma_wait3A_310 = tpu.memref_slice %arg4[%add3A, %dma_wait3A_302, %dma_wait3A_308, %dma_wait3A_309] : memref<32x125x1x80xi32, #tpu.memory_space<hbm>> -> memref<1x1x1x80xi32, #tpu.memory_space<hbm>>
      %dma_wait3A_311 = tpu.memref_squeeze %dma_wait3A_310 : memref<1x1x1x80xi32, #tpu.memory_space<hbm>> -> memref<1x80xi32, #tpu.memory_space<hbm>>
      %dma_wait3A_312 = arith.constant 0 : i32
      %dma_wait3A_313 = arith.constant 0 : i32
      %dma_wait3A_314 = tpu.memref_slice %arg8[%dma_wait3A_303, %dma_wait3A_312, %dma_wait3A_313] : memref<2x1x80xi32, #tpu.memory_space<vmem>> -> memref<1x1x80xi32, #tpu.memory_space<vmem>>
      %dma_wait3A_315 = tpu.memref_squeeze %dma_wait3A_314 : memref<1x1x80xi32, #tpu.memory_space<vmem>> -> memref<1x80xi32, #tpu.memory_space<vmem>>
      %dma_wait3A_316 = arith.constant 0 : i32
      %dma_wait3A_317 = arith.constant 0 : i32
      %dma_wait3A_318 = tpu.memref_slice %arg4[%add3A, %dma_wait3A_302, %dma_wait3A_316, %dma_wait3A_317] : memref<32x125x1x80xi32, #tpu.memory_space<hbm>> -> memref<1x1x1x80xi32, #tpu.memory_space<hbm>>
      %dma_wait3A_319 = tpu.memref_squeeze %dma_wait3A_318 : memref<1x1x1x80xi32, #tpu.memory_space<hbm>> -> memref<1x80xi32, #tpu.memory_space<hbm>>
      tpu.wait_dma2 semaphore(%arg16 : memref<!tpu.dma_semaphore, #tpu.memory_space<semaphore_mem>>) src(%dma_wait3A_319 : memref<1x80xi32, #tpu.memory_space<hbm>>) dst(%dma_wait3A_315 : memref<1x80xi32, #tpu.memory_space<vmem>>)
      %dma_start3A_320 = arith.constant 0 : i32
      %dma_start3A_321 = arith.constant 0 : i32
      %dma_start3A_322 = arith.constant 0 : i32
      %dma_start3A_323 = tpu.memref_slice %arg9[%dma_start3A_320, %dma_start3A_321, %dma_start3A_322] : memref<2x1x80xi32, #tpu.memory_space<vmem>> -> memref<1x1x80xi32, #tpu.memory_space<vmem>>
      %dma_start3A_324 = tpu.memref_squeeze %dma_start3A_323 : memref<1x1x80xi32, #tpu.memory_space<vmem>> -> memref<1x80xi32, #tpu.memory_space<vmem>>
      %dma_start3A_325 = arith.constant 0 : i32
      %dma_start3A_326 = arith.constant 0 : i32
      %dma_start3A_327 = tpu.memref_slice %arg5[%add3A, %add3A_301, %dma_start3A_325, %dma_start3A_326] : memref<32x125x1x80xi32, #tpu.memory_space<hbm>> -> memref<1x1x1x80xi32, #tpu.memory_space<hbm>>
      %dma_start3A_328 = tpu.memref_squeeze %dma_start3A_327 : memref<1x1x1x80xi32, #tpu.memory_space<hbm>> -> memref<1x80xi32, #tpu.memory_space<hbm>>
      %dma_start3A_329 = arith.constant 0 : i32
      %dma_start3A_330 = arith.constant 0 : i32
      %dma_start3A_331 = tpu.memref_slice %arg9[%dma_start3A_320, %dma_start3A_329, %dma_start3A_330] : memref<2x1x80xi32, #tpu.memory_space<vmem>> -> memref<1x1x80xi32, #tpu.memory_space<vmem>>
      %dma_start3A_332 = tpu.memref_squeeze %dma_start3A_331 : memref<1x1x80xi32, #tpu.memory_space<vmem>> -> memref<1x80xi32, #tpu.memory_space<vmem>>
      %dma_start3A_333 = arith.constant 0 : i32
      %dma_start3A_334 = arith.constant 0 : i32
      %dma_start3A_335 = tpu.memref_slice %arg5[%add3A, %add3A_301, %dma_start3A_333, %dma_start3A_334] : memref<32x125x1x80xi32, #tpu.memory_space<hbm>> -> memref<1x1x1x80xi32, #tpu.memory_space<hbm>>
      %dma_start3A_336 = tpu.memref_squeeze %dma_start3A_335 : memref<1x1x1x80xi32, #tpu.memory_space<hbm>> -> memref<1x80xi32, #tpu.memory_space<hbm>>
      tpu.enqueue_dma source(%dma_start3A_336 : memref<1x80xi32, #tpu.memory_space<hbm>>) target(%dma_start3A_332 : memref<1x80xi32, #tpu.memory_space<vmem>>) target_semaphore(%arg18 : memref<!tpu.dma_semaphore, #tpu.memory_space<semaphore_mem>>)
      %mul3A_337 = arith.constant 10000 : i32
      %mul3A_338 = arith.muli %add3A, %mul3A_337 : i32
      %mul3A_339 = arith.constant 80 : i32
      %mul3A_340 = arith.muli %add3A_301, %mul3A_339 : i32
      %add3A_341 = arith.addi %mul3A_338, %mul3A_340 : i32
      %dma_start3A_342 = arith.constant 0 : i32
      %dma_start3A_343 = arith.constant 0 : i32
      %dma_start3A_344 = tpu.memref_slice %arg11[%dma_start3A_342, %dma_start3A_343] : memref<160x128xf32, #tpu.memory_space<vmem>> -> memref<80x128xf32, #tpu.memory_space<vmem>>
      %dma_start3A_345 = arith.constant 0 : i32
      %dma_start3A_346 = tpu.memref_slice %arg3[%add3A_341, %dma_start3A_345] : memref<320000x128xf32, #tpu.memory_space<hbm>> -> memref<80x128xf32, #tpu.memory_space<hbm>>
      %dma_start3A_347 = arith.constant 0 : i32
      %dma_start3A_348 = arith.constant 0 : i32
      %dma_start3A_349 = tpu.memref_slice %arg11[%dma_start3A_347, %dma_start3A_348] : memref<160x128xf32, #tpu.memory_space<vmem>> -> memref<80x128xf32, #tpu.memory_space<vmem>>
      %dma_start3A_350 = arith.constant 0 : i32
      %dma_start3A_351 = tpu.memref_slice %arg3[%add3A_341, %dma_start3A_350] : memref<320000x128xf32, #tpu.memory_space<hbm>> -> memref<80x128xf32, #tpu.memory_space<hbm>>
      tpu.enqueue_dma source(%dma_start3A_351 : memref<80x128xf32, #tpu.memory_space<hbm>>) target(%dma_start3A_349 : memref<80x128xf32, #tpu.memory_space<vmem>>) target_semaphore(%arg14 : memref<!tpu.dma_semaphore, #tpu.memory_space<semaphore_mem>>)
      %dma_start3A_352 = arith.constant 0 : i32
      %dma_start3A_353 = arith.constant 0 : i32
      %dma_start3A_354 = arith.constant 0 : i32
      %dma_start3A_355 = arith.constant 0 : i32
      %dma_start3A_356 = tpu.memref_slice %arg10[%dma_start3A_354, %dma_start3A_355] : memref<160x128xf32, #tpu.memory_space<vmem>> -> memref<80x128xf32, #tpu.memory_space<vmem>>
      %dma_start3A_357 = arith.constant 0 : i32
      %dma_start3A_358 = tpu.memref_slice %arg8[%dma_start3A_352, %dma_start3A_353, %dma_start3A_357] : memref<2x1x80xi32, #tpu.memory_space<vmem>> -> memref<1x1x80xi32, #tpu.memory_space<vmem>>
      %dma_start3A_359 = tpu.memref_squeeze %dma_start3A_358 : memref<1x1x80xi32, #tpu.memory_space<vmem>> -> memref<80xi32, #tpu.memory_space<vmem>>
      %dma_start3A_360 = arith.constant 0 : i32
      %dma_start3A_361 = arith.constant 0 : i32
      %dma_start3A_362 = tpu.memref_slice %arg2[%dma_start3A_360, %dma_start3A_361] : memref<10000x128xf32, #tpu.memory_space<hbm>> -> memref<10000x128xf32, #tpu.memory_space<hbm>>
      tpu.enqueue_indirect_dma source(%dma_start3A_362 : memref<10000x128xf32, #tpu.memory_space<hbm>>) target(%dma_start3A_356 : memref<80x128xf32, #tpu.memory_space<vmem>>) offsets(%dma_start3A_359 : memref<80xi32, #tpu.memory_space<vmem>>) semaphore(%arg12 : memref<!tpu.dma_semaphore, #tpu.memory_space<semaphore_mem>>)
      %add3A_363 = arith.constant 1 : i32
      %add3A_364 = arith.addi %mul3A_168, %add3A_363 : i32
      %add3A_365 = arith.constant 3 : i32
      %add3A_366 = arith.addi %mul3A_168, %add3A_365 : i32
      %dma_wait3A_367 = arith.constant 80 : i32
      %dma_wait3A_368 = arith.constant 0 : i32
      %dma_wait3A_369 = tpu.memref_slice %arg11[%dma_wait3A_367, %dma_wait3A_368] : memref<160x128xf32, #tpu.memory_space<vmem>> -> memref<80x128xf32, #tpu.memory_space<vmem>>
      %dma_wait3A_370 = arith.constant 0 : i32
      %dma_wait3A_371 = arith.constant 0 : i32
      %dma_wait3A_372 = tpu.memref_slice %arg3[%dma_wait3A_370, %dma_wait3A_371] : memref<320000x128xf32, #tpu.memory_space<hbm>> -> memref<80x128xf32, #tpu.memory_space<hbm>>
      %dma_wait3A_373 = arith.constant 80 : i32
      %dma_wait3A_374 = arith.constant 0 : i32
      %dma_wait3A_375 = tpu.memref_slice %arg11[%dma_wait3A_373, %dma_wait3A_374] : memref<160x128xf32, #tpu.memory_space<vmem>> -> memref<80x128xf32, #tpu.memory_space<vmem>>
      %dma_wait3A_376 = arith.constant 0 : i32
      %dma_wait3A_377 = arith.constant 0 : i32
      %dma_wait3A_378 = tpu.memref_slice %arg3[%dma_wait3A_376, %dma_wait3A_377] : memref<320000x128xf32, #tpu.memory_space<hbm>> -> memref<80x128xf32, #tpu.memory_space<hbm>>
      tpu.wait_dma2 semaphore(%arg15 : memref<!tpu.dma_semaphore, #tpu.memory_space<semaphore_mem>>) src(%dma_wait3A_378 : memref<80x128xf32, #tpu.memory_space<hbm>>) dst(%dma_wait3A_375 : memref<80x128xf32, #tpu.memory_space<vmem>>)
      %dma_wait3A_379 = arith.constant 80 : i32
      %dma_wait3A_380 = arith.constant 0 : i32
      %dma_wait3A_381 = tpu.memref_slice %arg10[%dma_wait3A_379, %dma_wait3A_380] : memref<160x128xf32, #tpu.memory_space<vmem>> -> memref<80x128xf32, #tpu.memory_space<vmem>>
      %dma_wait3A_382 = arith.constant 0 : i32
      %dma_wait3A_383 = arith.constant 0 : i32
      %dma_wait3A_384 = tpu.memref_slice %arg2[%dma_wait3A_382, %dma_wait3A_383] : memref<10000x128xf32, #tpu.memory_space<hbm>> -> memref<80x128xf32, #tpu.memory_space<hbm>>
      %dma_wait3A_385 = arith.constant 80 : i32
      %dma_wait3A_386 = arith.constant 0 : i32
      %dma_wait3A_387 = tpu.memref_slice %arg10[%dma_wait3A_385, %dma_wait3A_386] : memref<160x128xf32, #tpu.memory_space<vmem>> -> memref<80x128xf32, #tpu.memory_space<vmem>>
      %dma_wait3A_388 = arith.constant 0 : i32
      %dma_wait3A_389 = arith.constant 0 : i32
      %dma_wait3A_390 = tpu.memref_slice %arg2[%dma_wait3A_388, %dma_wait3A_389] : memref<10000x128xf32, #tpu.memory_space<hbm>> -> memref<80x128xf32, #tpu.memory_space<hbm>>
      tpu.wait_dma2 semaphore(%arg13 : memref<!tpu.dma_semaphore, #tpu.memory_space<semaphore_mem>>) src(%dma_wait3A_390 : memref<80x128xf32, #tpu.memory_space<hbm>>) dst(%dma_wait3A_387 : memref<80x128xf32, #tpu.memory_space<vmem>>)
      %lt3A = arith.constant 125 : i32
      %lt3A_391 = arith.cmpi slt, %add3A_366, %lt3A : i32
      %convert_element_type3A = arith.extui %lt3A_391 : i1 to i32
      %cond3A = arith.constant 0 : i32
      %cond3A_392 = arith.cmpi ne, %convert_element_type3A, %cond3A : i32
      scf.if %cond3A_392 {
        %dma_start3A_418 = arith.constant 1 : i32
        %dma_start3A_419 = arith.constant 0 : i32
        %dma_start3A_420 = arith.constant 0 : i32
        %dma_start3A_421 = tpu.memref_slice %arg8[%dma_start3A_418, %dma_start3A_419, %dma_start3A_420] : memref<2x1x80xi32, #tpu.memory_space<vmem>> -> memref<1x1x80xi32, #tpu.memory_space<vmem>>
        %dma_start3A_422 = tpu.memref_squeeze %dma_start3A_421 : memref<1x1x80xi32, #tpu.memory_space<vmem>> -> memref<1x80xi32, #tpu.memory_space<vmem>>
        %dma_start3A_423 = arith.constant 0 : i32
        %dma_start3A_424 = arith.constant 0 : i32
        %dma_start3A_425 = tpu.memref_slice %arg4[%add3A, %add3A_366, %dma_start3A_423, %dma_start3A_424] : memref<32x125x1x80xi32, #tpu.memory_space<hbm>> -> memref<1x1x1x80xi32, #tpu.memory_space<hbm>>
        %dma_start3A_426 = tpu.memref_squeeze %dma_start3A_425 : memref<1x1x1x80xi32, #tpu.memory_space<hbm>> -> memref<1x80xi32, #tpu.memory_space<hbm>>
        %dma_start3A_427 = arith.constant 0 : i32
        %dma_start3A_428 = arith.constant 0 : i32
        %dma_start3A_429 = tpu.memref_slice %arg8[%dma_start3A_418, %dma_start3A_427, %dma_start3A_428] : memref<2x1x80xi32, #tpu.memory_space<vmem>> -> memref<1x1x80xi32, #tpu.memory_space<vmem>>
        %dma_start3A_430 = tpu.memref_squeeze %dma_start3A_429 : memref<1x1x80xi32, #tpu.memory_space<vmem>> -> memref<1x80xi32, #tpu.memory_space<vmem>>
        %dma_start3A_431 = arith.constant 0 : i32
        %dma_start3A_432 = arith.constant 0 : i32
        %dma_start3A_433 = tpu.memref_slice %arg4[%add3A, %add3A_366, %dma_start3A_431, %dma_start3A_432] : memref<32x125x1x80xi32, #tpu.memory_space<hbm>> -> memref<1x1x1x80xi32, #tpu.memory_space<hbm>>
        %dma_start3A_434 = tpu.memref_squeeze %dma_start3A_433 : memref<1x1x1x80xi32, #tpu.memory_space<hbm>> -> memref<1x80xi32, #tpu.memory_space<hbm>>
        tpu.enqueue_dma source(%dma_start3A_434 : memref<1x80xi32, #tpu.memory_space<hbm>>) target(%dma_start3A_430 : memref<1x80xi32, #tpu.memory_space<vmem>>) target_semaphore(%arg17 : memref<!tpu.dma_semaphore, #tpu.memory_space<semaphore_mem>>)
      } else {
      }
      %scan3A_393 = arith.constant 0 : i32
      %scan3A_394 = arith.constant 80 : i32
      %scan3A_395 = arith.addi %scan3A_393, %scan3A_394 : i32
      %scan3A_396 = arith.constant 1 : i32
      scf.for %scan3A_418 = %scan3A_393 to %scan3A_395 step %scan3A_396  : i32 {
        %add3A_419 = arith.constant 80 : i32
        %add3A_420 = arith.addi %add3A_419, %scan3A_418 : i32
        %get3A = arith.index_cast %add3A_420 : i32 to index
        %get3A_421 = arith.constant 0 : index
        %get3A_422 = tpu.vector_load %arg10[%get3A, %get3A_421] {strides = array<i32>} : memref<160x128xf32, #tpu.memory_space<vmem>>, vector<1x16xf32>,
        %get3A_423 = vector.shape_cast %get3A_422 : vector<1x16xf32> to vector<16xf32>
        %get3A_424 = arith.index_cast %add3A_420 : i32 to index
        %get3A_425 = arith.constant 0 : index
        %get3A_426 = tpu.vector_load %arg11[%get3A_424, %get3A_425] {strides = array<i32>} : memref<160x128xf32, #tpu.memory_space<vmem>>, vector<1x16xf32>,
        %get3A_427 = vector.shape_cast %get3A_426 : vector<1x16xf32> to vector<16xf32>
        %add3A_428 = arith.addf %get3A_423, %get3A_427 : vector<16xf32>
        %max3A = arith.constant 0.000000e+00 : f32
        %max3A_429 = vector.broadcast %max3A : f32 to vector<16xf32>
        %max3A_430 = arith.maximumf %add3A_428, %max3A_429 : vector<16xf32>
        %swap3A = arith.index_cast %add3A_420 : i32 to index
        %swap3A_431 = arith.constant 0 : index
        %swap3A_432 = tpu.vector_load %arg10[%swap3A, %swap3A_431] {strides = array<i32>} : memref<160x128xf32, #tpu.memory_space<vmem>>, vector<1x16xf32>,
        %swap3A_433 = vector.shape_cast %swap3A_432 : vector<1x16xf32> to vector<16xf32>
        %swap3A_434 = vector.shape_cast %max3A_430 : vector<16xf32> to vector<1x16xf32>
        tpu.vector_store %arg10[%swap3A, %swap3A_431], %swap3A_434 {strides = array<i32>} : memref<160x128xf32, #tpu.memory_space<vmem>>, vector<1x16xf32>,
        %get3A_435 = arith.index_cast %add3A_420 : i32 to index
        %get3A_436 = arith.constant 16 : index
        %get3A_437 = tpu.vector_load %arg10[%get3A_435, %get3A_436] {strides = array<i32>} : memref<160x128xf32, #tpu.memory_space<vmem>>, vector<1x16xf32>,
        %get3A_438 = vector.shape_cast %get3A_437 : vector<1x16xf32> to vector<16xf32>
        %get3A_439 = arith.index_cast %add3A_420 : i32 to index
        %get3A_440 = arith.constant 16 : index
        %get3A_441 = tpu.vector_load %arg11[%get3A_439, %get3A_440] {strides = array<i32>} : memref<160x128xf32, #tpu.memory_space<vmem>>, vector<1x16xf32>,
        %get3A_442 = vector.shape_cast %get3A_441 : vector<1x16xf32> to vector<16xf32>
        %add3A_443 = arith.addf %get3A_438, %get3A_442 : vector<16xf32>
        %max3A_444 = arith.constant 0.000000e+00 : f32
        %max3A_445 = vector.broadcast %max3A_444 : f32 to vector<16xf32>
        %max3A_446 = arith.maximumf %add3A_443, %max3A_445 : vector<16xf32>
        %swap3A_447 = arith.index_cast %add3A_420 : i32 to index
        %swap3A_448 = arith.constant 16 : index
        %swap3A_449 = tpu.vector_load %arg10[%swap3A_447, %swap3A_448] {strides = array<i32>} : memref<160x128xf32, #tpu.memory_space<vmem>>, vector<1x16xf32>,
        %swap3A_450 = vector.shape_cast %swap3A_449 : vector<1x16xf32> to vector<16xf32>
        %swap3A_451 = vector.shape_cast %max3A_446 : vector<16xf32> to vector<1x16xf32>
        tpu.vector_store %arg10[%swap3A_447, %swap3A_448], %swap3A_451 {strides = array<i32>} : memref<160x128xf32, #tpu.memory_space<vmem>>, vector<1x16xf32>,
        %get3A_452 = arith.index_cast %add3A_420 : i32 to index
        %get3A_453 = arith.constant 32 : index
        %get3A_454 = tpu.vector_load %arg10[%get3A_452, %get3A_453] {strides = array<i32>} : memref<160x128xf32, #tpu.memory_space<vmem>>, vector<1x16xf32>,
        %get3A_455 = vector.shape_cast %get3A_454 : vector<1x16xf32> to vector<16xf32>
        %get3A_456 = arith.index_cast %add3A_420 : i32 to index
        %get3A_457 = arith.constant 32 : index
        %get3A_458 = tpu.vector_load %arg11[%get3A_456, %get3A_457] {strides = array<i32>} : memref<160x128xf32, #tpu.memory_space<vmem>>, vector<1x16xf32>,
        %get3A_459 = vector.shape_cast %get3A_458 : vector<1x16xf32> to vector<16xf32>
        %add3A_460 = arith.addf %get3A_455, %get3A_459 : vector<16xf32>
        %max3A_461 = arith.constant 0.000000e+00 : f32
        %max3A_462 = vector.broadcast %max3A_461 : f32 to vector<16xf32>
        %max3A_463 = arith.maximumf %add3A_460, %max3A_462 : vector<16xf32>
        %swap3A_464 = arith.index_cast %add3A_420 : i32 to index
        %swap3A_465 = arith.constant 32 : index
        %swap3A_466 = tpu.vector_load %arg10[%swap3A_464, %swap3A_465] {strides = array<i32>} : memref<160x128xf32, #tpu.memory_space<vmem>>, vector<1x16xf32>,
        %swap3A_467 = vector.shape_cast %swap3A_466 : vector<1x16xf32> to vector<16xf32>
        %swap3A_468 = vector.shape_cast %max3A_463 : vector<16xf32> to vector<1x16xf32>
        tpu.vector_store %arg10[%swap3A_464, %swap3A_465], %swap3A_468 {strides = array<i32>} : memref<160x128xf32, #tpu.memory_space<vmem>>, vector<1x16xf32>,
        %get3A_469 = arith.index_cast %add3A_420 : i32 to index
        %get3A_470 = arith.constant 48 : index
        %get3A_471 = tpu.vector_load %arg10[%get3A_469, %get3A_470] {strides = array<i32>} : memref<160x128xf32, #tpu.memory_space<vmem>>, vector<1x16xf32>,
        %get3A_472 = vector.shape_cast %get3A_471 : vector<1x16xf32> to vector<16xf32>
        %get3A_473 = arith.index_cast %add3A_420 : i32 to index
        %get3A_474 = arith.constant 48 : index
        %get3A_475 = tpu.vector_load %arg11[%get3A_473, %get3A_474] {strides = array<i32>} : memref<160x128xf32, #tpu.memory_space<vmem>>, vector<1x16xf32>,
        %get3A_476 = vector.shape_cast %get3A_475 : vector<1x16xf32> to vector<16xf32>
        %add3A_477 = arith.addf %get3A_472, %get3A_476 : vector<16xf32>
        %max3A_478 = arith.constant 0.000000e+00 : f32
        %max3A_479 = vector.broadcast %max3A_478 : f32 to vector<16xf32>
        %max3A_480 = arith.maximumf %add3A_477, %max3A_479 : vector<16xf32>
        %swap3A_481 = arith.index_cast %add3A_420 : i32 to index
        %swap3A_482 = arith.constant 48 : index
        %swap3A_483 = tpu.vector_load %arg10[%swap3A_481, %swap3A_482] {strides = array<i32>} : memref<160x128xf32, #tpu.memory_space<vmem>>, vector<1x16xf32>,
        %swap3A_484 = vector.shape_cast %swap3A_483 : vector<1x16xf32> to vector<16xf32>
        %swap3A_485 = vector.shape_cast %max3A_480 : vector<16xf32> to vector<1x16xf32>
        tpu.vector_store %arg10[%swap3A_481, %swap3A_482], %swap3A_485 {strides = array<i32>} : memref<160x128xf32, #tpu.memory_space<vmem>>, vector<1x16xf32>,
        %get3A_486 = arith.index_cast %add3A_420 : i32 to index
        %get3A_487 = arith.constant 64 : index
        %get3A_488 = tpu.vector_load %arg10[%get3A_486, %get3A_487] {strides = array<i32>} : memref<160x128xf32, #tpu.memory_space<vmem>>, vector<1x16xf32>,
        %get3A_489 = vector.shape_cast %get3A_488 : vector<1x16xf32> to vector<16xf32>
        %get3A_490 = arith.index_cast %add3A_420 : i32 to index
        %get3A_491 = arith.constant 64 : index
        %get3A_492 = tpu.vector_load %arg11[%get3A_490, %get3A_491] {strides = array<i32>} : memref<160x128xf32, #tpu.memory_space<vmem>>, vector<1x16xf32>,
        %get3A_493 = vector.shape_cast %get3A_492 : vector<1x16xf32> to vector<16xf32>
        %add3A_494 = arith.addf %get3A_489, %get3A_493 : vector<16xf32>
        %max3A_495 = arith.constant 0.000000e+00 : f32
        %max3A_496 = vector.broadcast %max3A_495 : f32 to vector<16xf32>
        %max3A_497 = arith.maximumf %add3A_494, %max3A_496 : vector<16xf32>
        %swap3A_498 = arith.index_cast %add3A_420 : i32 to index
        %swap3A_499 = arith.constant 64 : index
        %swap3A_500 = tpu.vector_load %arg10[%swap3A_498, %swap3A_499] {strides = array<i32>} : memref<160x128xf32, #tpu.memory_space<vmem>>, vector<1x16xf32>,
        %swap3A_501 = vector.shape_cast %swap3A_500 : vector<1x16xf32> to vector<16xf32>
        %swap3A_502 = vector.shape_cast %max3A_497 : vector<16xf32> to vector<1x16xf32>
        tpu.vector_store %arg10[%swap3A_498, %swap3A_499], %swap3A_502 {strides = array<i32>} : memref<160x128xf32, #tpu.memory_space<vmem>>, vector<1x16xf32>,
        %get3A_503 = arith.index_cast %add3A_420 : i32 to index
        %get3A_504 = arith.constant 80 : index
        %get3A_505 = tpu.vector_load %arg10[%get3A_503, %get3A_504] {strides = array<i32>} : memref<160x128xf32, #tpu.memory_space<vmem>>, vector<1x16xf32>,
        %get3A_506 = vector.shape_cast %get3A_505 : vector<1x16xf32> to vector<16xf32>
        %get3A_507 = arith.index_cast %add3A_420 : i32 to index
        %get3A_508 = arith.constant 80 : index
        %get3A_509 = tpu.vector_load %arg11[%get3A_507, %get3A_508] {strides = array<i32>} : memref<160x128xf32, #tpu.memory_space<vmem>>, vector<1x16xf32>,
        %get3A_510 = vector.shape_cast %get3A_509 : vector<1x16xf32> to vector<16xf32>
        %add3A_511 = arith.addf %get3A_506, %get3A_510 : vector<16xf32>
        %max3A_512 = arith.constant 0.000000e+00 : f32
        %max3A_513 = vector.broadcast %max3A_512 : f32 to vector<16xf32>
        %max3A_514 = arith.maximumf %add3A_511, %max3A_513 : vector<16xf32>
        %swap3A_515 = arith.index_cast %add3A_420 : i32 to index
        %swap3A_516 = arith.constant 80 : index
        %swap3A_517 = tpu.vector_load %arg10[%swap3A_515, %swap3A_516] {strides = array<i32>} : memref<160x128xf32, #tpu.memory_space<vmem>>, vector<1x16xf32>,
        %swap3A_518 = vector.shape_cast %swap3A_517 : vector<1x16xf32> to vector<16xf32>
        %swap3A_519 = vector.shape_cast %max3A_514 : vector<16xf32> to vector<1x16xf32>
        tpu.vector_store %arg10[%swap3A_515, %swap3A_516], %swap3A_519 {strides = array<i32>} : memref<160x128xf32, #tpu.memory_space<vmem>>, vector<1x16xf32>,
        %get3A_520 = arith.index_cast %add3A_420 : i32 to index
        %get3A_521 = arith.constant 96 : index
        %get3A_522 = tpu.vector_load %arg10[%get3A_520, %get3A_521] {strides = array<i32>} : memref<160x128xf32, #tpu.memory_space<vmem>>, vector<1x16xf32>,
        %get3A_523 = vector.shape_cast %get3A_522 : vector<1x16xf32> to vector<16xf32>
        %get3A_524 = arith.index_cast %add3A_420 : i32 to index
        %get3A_525 = arith.constant 96 : index
        %get3A_526 = tpu.vector_load %arg11[%get3A_524, %get3A_525] {strides = array<i32>} : memref<160x128xf32, #tpu.memory_space<vmem>>, vector<1x16xf32>,
        %get3A_527 = vector.shape_cast %get3A_526 : vector<1x16xf32> to vector<16xf32>
        %add3A_528 = arith.addf %get3A_523, %get3A_527 : vector<16xf32>
        %max3A_529 = arith.constant 0.000000e+00 : f32
        %max3A_530 = vector.broadcast %max3A_529 : f32 to vector<16xf32>
        %max3A_531 = arith.maximumf %add3A_528, %max3A_530 : vector<16xf32>
        %swap3A_532 = arith.index_cast %add3A_420 : i32 to index
        %swap3A_533 = arith.constant 96 : index
        %swap3A_534 = tpu.vector_load %arg10[%swap3A_532, %swap3A_533] {strides = array<i32>} : memref<160x128xf32, #tpu.memory_space<vmem>>, vector<1x16xf32>,
        %swap3A_535 = vector.shape_cast %swap3A_534 : vector<1x16xf32> to vector<16xf32>
        %swap3A_536 = vector.shape_cast %max3A_531 : vector<16xf32> to vector<1x16xf32>
        tpu.vector_store %arg10[%swap3A_532, %swap3A_533], %swap3A_536 {strides = array<i32>} : memref<160x128xf32, #tpu.memory_space<vmem>>, vector<1x16xf32>,
        %get3A_537 = arith.index_cast %add3A_420 : i32 to index
        %get3A_538 = arith.constant 112 : index
        %get3A_539 = tpu.vector_load %arg10[%get3A_537, %get3A_538] {strides = array<i32>} : memref<160x128xf32, #tpu.memory_space<vmem>>, vector<1x16xf32>,
        %get3A_540 = vector.shape_cast %get3A_539 : vector<1x16xf32> to vector<16xf32>
        %get3A_541 = arith.index_cast %add3A_420 : i32 to index
        %get3A_542 = arith.constant 112 : index
        %get3A_543 = tpu.vector_load %arg11[%get3A_541, %get3A_542] {strides = array<i32>} : memref<160x128xf32, #tpu.memory_space<vmem>>, vector<1x16xf32>,
        %get3A_544 = vector.shape_cast %get3A_543 : vector<1x16xf32> to vector<16xf32>
        %add3A_545 = arith.addf %get3A_540, %get3A_544 : vector<16xf32>
        %max3A_546 = arith.constant 0.000000e+00 : f32
        %max3A_547 = vector.broadcast %max3A_546 : f32 to vector<16xf32>
        %max3A_548 = arith.maximumf %add3A_545, %max3A_547 : vector<16xf32>
        %swap3A_549 = arith.index_cast %add3A_420 : i32 to index
        %swap3A_550 = arith.constant 112 : index
        %swap3A_551 = tpu.vector_load %arg10[%swap3A_549, %swap3A_550] {strides = array<i32>} : memref<160x128xf32, #tpu.memory_space<vmem>>, vector<1x16xf32>,
        %swap3A_552 = vector.shape_cast %swap3A_551 : vector<1x16xf32> to vector<16xf32>
        %swap3A_553 = vector.shape_cast %max3A_548 : vector<16xf32> to vector<1x16xf32>
        tpu.vector_store %arg10[%swap3A_549, %swap3A_550], %swap3A_553 {strides = array<i32>} : memref<160x128xf32, #tpu.memory_space<vmem>>, vector<1x16xf32>,
      }
      %scan3A_397 = arith.constant 80 : i32
      %dma_wait3A_398 = arith.constant 0 : i32
      %dma_wait3A_399 = arith.constant 1 : i32
      %dma_wait3A_400 = arith.constant 0 : i32
      %dma_wait3A_401 = arith.constant 0 : i32
      %dma_wait3A_402 = tpu.memref_slice %arg9[%dma_wait3A_399, %dma_wait3A_400, %dma_wait3A_401] : memref<2x1x80xi32, #tpu.memory_space<vmem>> -> memref<1x1x80xi32, #tpu.memory_space<vmem>>
      %dma_wait3A_403 = tpu.memref_squeeze %dma_wait3A_402 : memref<1x1x80xi32, #tpu.memory_space<vmem>> -> memref<1x80xi32, #tpu.memory_space<vmem>>
      %dma_wait3A_404 = arith.constant 0 : i32
      %dma_wait3A_405 = arith.constant 0 : i32
      %dma_wait3A_406 = tpu.memref_slice %arg5[%add3A, %dma_wait3A_398, %dma_wait3A_404, %dma_wait3A_405] : memref<32x125x1x80xi32, #tpu.memory_space<hbm>> -> memref<1x1x1x80xi32, #tpu.memory_space<hbm>>
      %dma_wait3A_407 = tpu.memref_squeeze %dma_wait3A_406 : memref<1x1x1x80xi32, #tpu.memory_space<hbm>> -> memref<1x80xi32, #tpu.memory_space<hbm>>
      %dma_wait3A_408 = arith.constant 0 : i32
      %dma_wait3A_409 = arith.constant 0 : i32
      %dma_wait3A_410 = tpu.memref_slice %arg9[%dma_wait3A_399, %dma_wait3A_408, %dma_wait3A_409] : memref<2x1x80xi32, #tpu.memory_space<vmem>> -> memref<1x1x80xi32, #tpu.memory_space<vmem>>
      %dma_wait3A_411 = tpu.memref_squeeze %dma_wait3A_410 : memref<1x1x80xi32, #tpu.memory_space<vmem>> -> memref<1x80xi32, #tpu.memory_space<vmem>>
      %dma_wait3A_412 = arith.constant 0 : i32
      %dma_wait3A_413 = arith.constant 0 : i32
      %dma_wait3A_414 = tpu.memref_slice %arg5[%add3A, %dma_wait3A_398, %dma_wait3A_412, %dma_wait3A_413] : memref<32x125x1x80xi32, #tpu.memory_space<hbm>> -> memref<1x1x1x80xi32, #tpu.memory_space<hbm>>
      %dma_wait3A_415 = tpu.memref_squeeze %dma_wait3A_414 : memref<1x1x1x80xi32, #tpu.memory_space<hbm>> -> memref<1x80xi32, #tpu.memory_space<hbm>>
      tpu.wait_dma2 semaphore(%arg19 : memref<!tpu.dma_semaphore, #tpu.memory_space<semaphore_mem>>) src(%dma_wait3A_415 : memref<1x80xi32, #tpu.memory_space<hbm>>) dst(%dma_wait3A_411 : memref<1x80xi32, #tpu.memory_space<vmem>>)
      %run_scoped3A_416 = arith.constant 1 : i32
      %run_scoped3A_417 = arith.constant 0 : i32
      "tpu.region"() ({
        %run_scoped3A_418 = tpu.sem_alloc : memref<!tpu.dma_semaphore, #tpu.memory_space<semaphore_mem>>
        %dma_start3A_419 = arith.constant 80 : i32
        %dma_start3A_420 = arith.constant 0 : i32
        %dma_start3A_421 = tpu.memref_slice %arg10[%dma_start3A_419, %dma_start3A_420] : memref<160x128xf32, #tpu.memory_space<vmem>> -> memref<80x128xf32, #tpu.memory_space<vmem>>
        %dma_start3A_422 = arith.constant 0 : i32
        %dma_start3A_423 = tpu.memref_slice %arg9[%run_scoped3A_416, %run_scoped3A_417, %dma_start3A_422] : memref<2x1x80xi32, #tpu.memory_space<vmem>> -> memref<1x1x80xi32, #tpu.memory_space<vmem>>
        %dma_start3A_424 = tpu.memref_squeeze %dma_start3A_423 : memref<1x1x80xi32, #tpu.memory_space<vmem>> -> memref<80xi32, #tpu.memory_space<vmem>>
        %dma_start3A_425 = arith.constant 0 : i32
        %dma_start3A_426 = arith.constant 0 : i32
        %dma_start3A_427 = tpu.memref_slice %arg7[%dma_start3A_425, %dma_start3A_426] : memref<10000x128xf32, #tpu.memory_space<vmem_shared>> -> memref<10000x128xf32, #tpu.memory_space<vmem_shared>>
        tpu.enqueue_indirect_dma source(%dma_start3A_421 : memref<80x128xf32, #tpu.memory_space<vmem>>) target(%dma_start3A_427 : memref<10000x128xf32, #tpu.memory_space<vmem_shared>>) offsets(%dma_start3A_424 : memref<80xi32, #tpu.memory_space<vmem>>) semaphore(%run_scoped3A_418 : memref<!tpu.dma_semaphore, #tpu.memory_space<semaphore_mem>>) {add = true}
        %dma_wait3A_428 = arith.constant 80 : i32
        %dma_wait3A_429 = arith.constant 0 : i32
        %dma_wait3A_430 = tpu.memref_slice %arg10[%dma_wait3A_428, %dma_wait3A_429] : memref<160x128xf32, #tpu.memory_space<vmem>> -> memref<80x128xf32, #tpu.memory_space<vmem>>
        %dma_wait3A_431 = arith.constant 0 : i32
        %dma_wait3A_432 = tpu.memref_slice %arg9[%run_scoped3A_416, %run_scoped3A_417, %dma_wait3A_431] : memref<2x1x80xi32, #tpu.memory_space<vmem>> -> memref<1x1x80xi32, #tpu.memory_space<vmem>>
        %dma_wait3A_433 = tpu.memref_squeeze %dma_wait3A_432 : memref<1x1x80xi32, #tpu.memory_space<vmem>> -> memref<80xi32, #tpu.memory_space<vmem>>
        %dma_wait3A_434 = arith.constant 0 : i32
        %dma_wait3A_435 = arith.constant 0 : i32
        %dma_wait3A_436 = tpu.memref_slice %arg7[%dma_wait3A_434, %dma_wait3A_435] : memref<10000x128xf32, #tpu.memory_space<vmem_shared>> -> memref<10000x128xf32, #tpu.memory_space<vmem_shared>>
        tpu.wait_indirect_dma semaphore(%run_scoped3A_418 : memref<!tpu.dma_semaphore, #tpu.memory_space<semaphore_mem>>) src(%dma_wait3A_430 : memref<80x128xf32, #tpu.memory_space<vmem>>) dst(%dma_wait3A_436 : memref<10000x128xf32, #tpu.memory_space<vmem_shared>>)
        tpu.yield
      }) : () -> ()
    }
    %scan3A_114 = arith.constant 62 : i32
    %dma_wait3A_115 = arith.constant 0 : i32
    %dma_wait3A_116 = arith.constant 0 : i32
    %dma_wait3A_117 = tpu.memref_slice %arg11[%dma_wait3A_115, %dma_wait3A_116] : memref<160x128xf32, #tpu.memory_space<vmem>> -> memref<80x128xf32, #tpu.memory_space<vmem>>
    %dma_wait3A_118 = arith.constant 0 : i32
    %dma_wait3A_119 = arith.constant 0 : i32
    %dma_wait3A_120 = tpu.memref_slice %arg3[%dma_wait3A_118, %dma_wait3A_119] : memref<320000x128xf32, #tpu.memory_space<hbm>> -> memref<80x128xf32, #tpu.memory_space<hbm>>
    %dma_wait3A_121 = arith.constant 0 : i32
    %dma_wait3A_122 = arith.constant 0 : i32
    %dma_wait3A_123 = tpu.memref_slice %arg11[%dma_wait3A_121, %dma_wait3A_122] : memref<160x128xf32, #tpu.memory_space<vmem>> -> memref<80x128xf32, #tpu.memory_space<vmem>>
    %dma_wait3A_124 = arith.constant 0 : i32
    %dma_wait3A_125 = arith.constant 0 : i32
    %dma_wait3A_126 = tpu.memref_slice %arg3[%dma_wait3A_124, %dma_wait3A_125] : memref<320000x128xf32, #tpu.memory_space<hbm>> -> memref<80x128xf32, #tpu.memory_space<hbm>>
    tpu.wait_dma2 semaphore(%arg14 : memref<!tpu.dma_semaphore, #tpu.memory_space<semaphore_mem>>) src(%dma_wait3A_126 : memref<80x128xf32, #tpu.memory_space<hbm>>) dst(%dma_wait3A_123 : memref<80x128xf32, #tpu.memory_space<vmem>>)
    %dma_wait3A_127 = arith.constant 0 : i32
    %dma_wait3A_128 = arith.constant 0 : i32
    %dma_wait3A_129 = tpu.memref_slice %arg10[%dma_wait3A_127, %dma_wait3A_128] : memref<160x128xf32, #tpu.memory_space<vmem>> -> memref<80x128xf32, #tpu.memory_space<vmem>>
    %dma_wait3A_130 = arith.constant 0 : i32
    %dma_wait3A_131 = arith.constant 0 : i32
    %dma_wait3A_132 = tpu.memref_slice %arg2[%dma_wait3A_130, %dma_wait3A_131] : memref<10000x128xf32, #tpu.memory_space<hbm>> -> memref<80x128xf32, #tpu.memory_space<hbm>>
    %dma_wait3A_133 = arith.constant 0 : i32
    %dma_wait3A_134 = arith.constant 0 : i32
    %dma_wait3A_135 = tpu.memref_slice %arg10[%dma_wait3A_133, %dma_wait3A_134] : memref<160x128xf32, #tpu.memory_space<vmem>> -> memref<80x128xf32, #tpu.memory_space<vmem>>
    %dma_wait3A_136 = arith.constant 0 : i32
    %dma_wait3A_137 = arith.constant 0 : i32
    %dma_wait3A_138 = tpu.memref_slice %arg2[%dma_wait3A_136, %dma_wait3A_137] : memref<10000x128xf32, #tpu.memory_space<hbm>> -> memref<80x128xf32, #tpu.memory_space<hbm>>
    tpu.wait_dma2 semaphore(%arg12 : memref<!tpu.dma_semaphore, #tpu.memory_space<semaphore_mem>>) src(%dma_wait3A_138 : memref<80x128xf32, #tpu.memory_space<hbm>>) dst(%dma_wait3A_135 : memref<80x128xf32, #tpu.memory_space<vmem>>)
    %scan3A_139 = arith.constant 0 : i32
    %scan3A_140 = arith.constant 80 : i32
    %scan3A_141 = arith.addi %scan3A_139, %scan3A_140 : i32
    %scan3A_142 = arith.constant 1 : i32
    scf.for %scan3A_166 = %scan3A_139 to %scan3A_141 step %scan3A_142  : i32 {
      %add3A_167 = arith.constant 0 : i32
      %add3A_168 = arith.addi %add3A_167, %scan3A_166 : i32
      %get3A = arith.index_cast %add3A_168 : i32 to index
      %get3A_169 = arith.constant 0 : index
      %get3A_170 = tpu.vector_load %arg10[%get3A, %get3A_169] {strides = array<i32>} : memref<160x128xf32, #tpu.memory_space<vmem>>, vector<1x16xf32>,
      %get3A_171 = vector.shape_cast %get3A_170 : vector<1x16xf32> to vector<16xf32>
      %get3A_172 = arith.index_cast %add3A_168 : i32 to index
      %get3A_173 = arith.constant 0 : index
      %get3A_174 = tpu.vector_load %arg11[%get3A_172, %get3A_173] {strides = array<i32>} : memref<160x128xf32, #tpu.memory_space<vmem>>, vector<1x16xf32>,
      %get3A_175 = vector.shape_cast %get3A_174 : vector<1x16xf32> to vector<16xf32>
      %add3A_176 = arith.addf %get3A_171, %get3A_175 : vector<16xf32>
      %max3A = arith.constant 0.000000e+00 : f32
      %max3A_177 = vector.broadcast %max3A : f32 to vector<16xf32>
      %max3A_178 = arith.maximumf %add3A_176, %max3A_177 : vector<16xf32>
      %swap3A = arith.index_cast %add3A_168 : i32 to index
      %swap3A_179 = arith.constant 0 : index
      %swap3A_180 = tpu.vector_load %arg10[%swap3A, %swap3A_179] {strides = array<i32>} : memref<160x128xf32, #tpu.memory_space<vmem>>, vector<1x16xf32>,
      %swap3A_181 = vector.shape_cast %swap3A_180 : vector<1x16xf32> to vector<16xf32>
      %swap3A_182 = vector.shape_cast %max3A_178 : vector<16xf32> to vector<1x16xf32>
      tpu.vector_store %arg10[%swap3A, %swap3A_179], %swap3A_182 {strides = array<i32>} : memref<160x128xf32, #tpu.memory_space<vmem>>, vector<1x16xf32>,
      %get3A_183 = arith.index_cast %add3A_168 : i32 to index
      %get3A_184 = arith.constant 16 : index
      %get3A_185 = tpu.vector_load %arg10[%get3A_183, %get3A_184] {strides = array<i32>} : memref<160x128xf32, #tpu.memory_space<vmem>>, vector<1x16xf32>,
      %get3A_186 = vector.shape_cast %get3A_185 : vector<1x16xf32> to vector<16xf32>
      %get3A_187 = arith.index_cast %add3A_168 : i32 to index
      %get3A_188 = arith.constant 16 : index
      %get3A_189 = tpu.vector_load %arg11[%get3A_187, %get3A_188] {strides = array<i32>} : memref<160x128xf32, #tpu.memory_space<vmem>>, vector<1x16xf32>,
      %get3A_190 = vector.shape_cast %get3A_189 : vector<1x16xf32> to vector<16xf32>
      %add3A_191 = arith.addf %get3A_186, %get3A_190 : vector<16xf32>
      %max3A_192 = arith.constant 0.000000e+00 : f32
      %max3A_193 = vector.broadcast %max3A_192 : f32 to vector<16xf32>
      %max3A_194 = arith.maximumf %add3A_191, %max3A_193 : vector<16xf32>
      %swap3A_195 = arith.index_cast %add3A_168 : i32 to index
      %swap3A_196 = arith.constant 16 : index
      %swap3A_197 = tpu.vector_load %arg10[%swap3A_195, %swap3A_196] {strides = array<i32>} : memref<160x128xf32, #tpu.memory_space<vmem>>, vector<1x16xf32>,
      %swap3A_198 = vector.shape_cast %swap3A_197 : vector<1x16xf32> to vector<16xf32>
      %swap3A_199 = vector.shape_cast %max3A_194 : vector<16xf32> to vector<1x16xf32>
      tpu.vector_store %arg10[%swap3A_195, %swap3A_196], %swap3A_199 {strides = array<i32>} : memref<160x128xf32, #tpu.memory_space<vmem>>, vector<1x16xf32>,
      %get3A_200 = arith.index_cast %add3A_168 : i32 to index
      %get3A_201 = arith.constant 32 : index
      %get3A_202 = tpu.vector_load %arg10[%get3A_200, %get3A_201] {strides = array<i32>} : memref<160x128xf32, #tpu.memory_space<vmem>>, vector<1x16xf32>,
      %get3A_203 = vector.shape_cast %get3A_202 : vector<1x16xf32> to vector<16xf32>
      %get3A_204 = arith.index_cast %add3A_168 : i32 to index
      %get3A_205 = arith.constant 32 : index
      %get3A_206 = tpu.vector_load %arg11[%get3A_204, %get3A_205] {strides = array<i32>} : memref<160x128xf32, #tpu.memory_space<vmem>>, vector<1x16xf32>,
      %get3A_207 = vector.shape_cast %get3A_206 : vector<1x16xf32> to vector<16xf32>
      %add3A_208 = arith.addf %get3A_203, %get3A_207 : vector<16xf32>
      %max3A_209 = arith.constant 0.000000e+00 : f32
      %max3A_210 = vector.broadcast %max3A_209 : f32 to vector<16xf32>
      %max3A_211 = arith.maximumf %add3A_208, %max3A_210 : vector<16xf32>
      %swap3A_212 = arith.index_cast %add3A_168 : i32 to index
      %swap3A_213 = arith.constant 32 : index
      %swap3A_214 = tpu.vector_load %arg10[%swap3A_212, %swap3A_213] {strides = array<i32>} : memref<160x128xf32, #tpu.memory_space<vmem>>, vector<1x16xf32>,
      %swap3A_215 = vector.shape_cast %swap3A_214 : vector<1x16xf32> to vector<16xf32>
      %swap3A_216 = vector.shape_cast %max3A_211 : vector<16xf32> to vector<1x16xf32>
      tpu.vector_store %arg10[%swap3A_212, %swap3A_213], %swap3A_216 {strides = array<i32>} : memref<160x128xf32, #tpu.memory_space<vmem>>, vector<1x16xf32>,
      %get3A_217 = arith.index_cast %add3A_168 : i32 to index
      %get3A_218 = arith.constant 48 : index
      %get3A_219 = tpu.vector_load %arg10[%get3A_217, %get3A_218] {strides = array<i32>} : memref<160x128xf32, #tpu.memory_space<vmem>>, vector<1x16xf32>,
      %get3A_220 = vector.shape_cast %get3A_219 : vector<1x16xf32> to vector<16xf32>
      %get3A_221 = arith.index_cast %add3A_168 : i32 to index
      %get3A_222 = arith.constant 48 : index
      %get3A_223 = tpu.vector_load %arg11[%get3A_221, %get3A_222] {strides = array<i32>} : memref<160x128xf32, #tpu.memory_space<vmem>>, vector<1x16xf32>,
      %get3A_224 = vector.shape_cast %get3A_223 : vector<1x16xf32> to vector<16xf32>
      %add3A_225 = arith.addf %get3A_220, %get3A_224 : vector<16xf32>
      %max3A_226 = arith.constant 0.000000e+00 : f32
      %max3A_227 = vector.broadcast %max3A_226 : f32 to vector<16xf32>
      %max3A_228 = arith.maximumf %add3A_225, %max3A_227 : vector<16xf32>
      %swap3A_229 = arith.index_cast %add3A_168 : i32 to index
      %swap3A_230 = arith.constant 48 : index
      %swap3A_231 = tpu.vector_load %arg10[%swap3A_229, %swap3A_230] {strides = array<i32>} : memref<160x128xf32, #tpu.memory_space<vmem>>, vector<1x16xf32>,
      %swap3A_232 = vector.shape_cast %swap3A_231 : vector<1x16xf32> to vector<16xf32>
      %swap3A_233 = vector.shape_cast %max3A_228 : vector<16xf32> to vector<1x16xf32>
      tpu.vector_store %arg10[%swap3A_229, %swap3A_230], %swap3A_233 {strides = array<i32>} : memref<160x128xf32, #tpu.memory_space<vmem>>, vector<1x16xf32>,
      %get3A_234 = arith.index_cast %add3A_168 : i32 to index
      %get3A_235 = arith.constant 64 : index
      %get3A_236 = tpu.vector_load %arg10[%get3A_234, %get3A_235] {strides = array<i32>} : memref<160x128xf32, #tpu.memory_space<vmem>>, vector<1x16xf32>,
      %get3A_237 = vector.shape_cast %get3A_236 : vector<1x16xf32> to vector<16xf32>
      %get3A_238 = arith.index_cast %add3A_168 : i32 to index
      %get3A_239 = arith.constant 64 : index
      %get3A_240 = tpu.vector_load %arg11[%get3A_238, %get3A_239] {strides = array<i32>} : memref<160x128xf32, #tpu.memory_space<vmem>>, vector<1x16xf32>,
      %get3A_241 = vector.shape_cast %get3A_240 : vector<1x16xf32> to vector<16xf32>
      %add3A_242 = arith.addf %get3A_237, %get3A_241 : vector<16xf32>
      %max3A_243 = arith.constant 0.000000e+00 : f32
      %max3A_244 = vector.broadcast %max3A_243 : f32 to vector<16xf32>
      %max3A_245 = arith.maximumf %add3A_242, %max3A_244 : vector<16xf32>
      %swap3A_246 = arith.index_cast %add3A_168 : i32 to index
      %swap3A_247 = arith.constant 64 : index
      %swap3A_248 = tpu.vector_load %arg10[%swap3A_246, %swap3A_247] {strides = array<i32>} : memref<160x128xf32, #tpu.memory_space<vmem>>, vector<1x16xf32>,
      %swap3A_249 = vector.shape_cast %swap3A_248 : vector<1x16xf32> to vector<16xf32>
      %swap3A_250 = vector.shape_cast %max3A_245 : vector<16xf32> to vector<1x16xf32>
      tpu.vector_store %arg10[%swap3A_246, %swap3A_247], %swap3A_250 {strides = array<i32>} : memref<160x128xf32, #tpu.memory_space<vmem>>, vector<1x16xf32>,
      %get3A_251 = arith.index_cast %add3A_168 : i32 to index
      %get3A_252 = arith.constant 80 : index
      %get3A_253 = tpu.vector_load %arg10[%get3A_251, %get3A_252] {strides = array<i32>} : memref<160x128xf32, #tpu.memory_space<vmem>>, vector<1x16xf32>,
      %get3A_254 = vector.shape_cast %get3A_253 : vector<1x16xf32> to vector<16xf32>
      %get3A_255 = arith.index_cast %add3A_168 : i32 to index
      %get3A_256 = arith.constant 80 : index
      %get3A_257 = tpu.vector_load %arg11[%get3A_255, %get3A_256] {strides = array<i32>} : memref<160x128xf32, #tpu.memory_space<vmem>>, vector<1x16xf32>,
      %get3A_258 = vector.shape_cast %get3A_257 : vector<1x16xf32> to vector<16xf32>
      %add3A_259 = arith.addf %get3A_254, %get3A_258 : vector<16xf32>
      %max3A_260 = arith.constant 0.000000e+00 : f32
      %max3A_261 = vector.broadcast %max3A_260 : f32 to vector<16xf32>
      %max3A_262 = arith.maximumf %add3A_259, %max3A_261 : vector<16xf32>
      %swap3A_263 = arith.index_cast %add3A_168 : i32 to index
      %swap3A_264 = arith.constant 80 : index
      %swap3A_265 = tpu.vector_load %arg10[%swap3A_263, %swap3A_264] {strides = array<i32>} : memref<160x128xf32, #tpu.memory_space<vmem>>, vector<1x16xf32>,
      %swap3A_266 = vector.shape_cast %swap3A_265 : vector<1x16xf32> to vector<16xf32>
      %swap3A_267 = vector.shape_cast %max3A_262 : vector<16xf32> to vector<1x16xf32>
      tpu.vector_store %arg10[%swap3A_263, %swap3A_264], %swap3A_267 {strides = array<i32>} : memref<160x128xf32, #tpu.memory_space<vmem>>, vector<1x16xf32>,
      %get3A_268 = arith.index_cast %add3A_168 : i32 to index
      %get3A_269 = arith.constant 96 : index
      %get3A_270 = tpu.vector_load %arg10[%get3A_268, %get3A_269] {strides = array<i32>} : memref<160x128xf32, #tpu.memory_space<vmem>>, vector<1x16xf32>,
      %get3A_271 = vector.shape_cast %get3A_270 : vector<1x16xf32> to vector<16xf32>
      %get3A_272 = arith.index_cast %add3A_168 : i32 to index
      %get3A_273 = arith.constant 96 : index
      %get3A_274 = tpu.vector_load %arg11[%get3A_272, %get3A_273] {strides = array<i32>} : memref<160x128xf32, #tpu.memory_space<vmem>>, vector<1x16xf32>,
      %get3A_275 = vector.shape_cast %get3A_274 : vector<1x16xf32> to vector<16xf32>
      %add3A_276 = arith.addf %get3A_271, %get3A_275 : vector<16xf32>
      %max3A_277 = arith.constant 0.000000e+00 : f32
      %max3A_278 = vector.broadcast %max3A_277 : f32 to vector<16xf32>
      %max3A_279 = arith.maximumf %add3A_276, %max3A_278 : vector<16xf32>
      %swap3A_280 = arith.index_cast %add3A_168 : i32 to index
      %swap3A_281 = arith.constant 96 : index
      %swap3A_282 = tpu.vector_load %arg10[%swap3A_280, %swap3A_281] {strides = array<i32>} : memref<160x128xf32, #tpu.memory_space<vmem>>, vector<1x16xf32>,
      %swap3A_283 = vector.shape_cast %swap3A_282 : vector<1x16xf32> to vector<16xf32>
      %swap3A_284 = vector.shape_cast %max3A_279 : vector<16xf32> to vector<1x16xf32>
      tpu.vector_store %arg10[%swap3A_280, %swap3A_281], %swap3A_284 {strides = array<i32>} : memref<160x128xf32, #tpu.memory_space<vmem>>, vector<1x16xf32>,
      %get3A_285 = arith.index_cast %add3A_168 : i32 to index
      %get3A_286 = arith.constant 112 : index
      %get3A_287 = tpu.vector_load %arg10[%get3A_285, %get3A_286] {strides = array<i32>} : memref<160x128xf32, #tpu.memory_space<vmem>>, vector<1x16xf32>,
      %get3A_288 = vector.shape_cast %get3A_287 : vector<1x16xf32> to vector<16xf32>
      %get3A_289 = arith.index_cast %add3A_168 : i32 to index
      %get3A_290 = arith.constant 112 : index
      %get3A_291 = tpu.vector_load %arg11[%get3A_289, %get3A_290] {strides = array<i32>} : memref<160x128xf32, #tpu.memory_space<vmem>>, vector<1x16xf32>,
      %get3A_292 = vector.shape_cast %get3A_291 : vector<1x16xf32> to vector<16xf32>
      %add3A_293 = arith.addf %get3A_288, %get3A_292 : vector<16xf32>
      %max3A_294 = arith.constant 0.000000e+00 : f32
      %max3A_295 = vector.broadcast %max3A_294 : f32 to vector<16xf32>
      %max3A_296 = arith.maximumf %add3A_293, %max3A_295 : vector<16xf32>
      %swap3A_297 = arith.index_cast %add3A_168 : i32 to index
      %swap3A_298 = arith.constant 112 : index
      %swap3A_299 = tpu.vector_load %arg10[%swap3A_297, %swap3A_298] {strides = array<i32>} : memref<160x128xf32, #tpu.memory_space<vmem>>, vector<1x16xf32>,
      %swap3A_300 = vector.shape_cast %swap3A_299 : vector<1x16xf32> to vector<16xf32>
      %swap3A_301 = vector.shape_cast %max3A_296 : vector<16xf32> to vector<1x16xf32>
      tpu.vector_store %arg10[%swap3A_297, %swap3A_298], %swap3A_301 {strides = array<i32>} : memref<160x128xf32, #tpu.memory_space<vmem>>, vector<1x16xf32>,
    }
    %scan3A_143 = arith.constant 80 : i32
    %dma_wait3A_144 = arith.constant 0 : i32
    %dma_wait3A_145 = arith.constant 0 : i32
    %dma_wait3A_146 = arith.constant 0 : i32
    %dma_wait3A_147 = arith.constant 0 : i32
    %dma_wait3A_148 = tpu.memref_slice %arg9[%dma_wait3A_145, %dma_wait3A_146, %dma_wait3A_147] : memref<2x1x80xi32, #tpu.memory_space<vmem>> -> memref<1x1x80xi32, #tpu.memory_space<vmem>>
    %dma_wait3A_149 = tpu.memref_squeeze %dma_wait3A_148 : memref<1x1x80xi32, #tpu.memory_space<vmem>> -> memref<1x80xi32, #tpu.memory_space<vmem>>
    %dma_wait3A_150 = arith.constant 0 : i32
    %dma_wait3A_151 = arith.constant 0 : i32
    %dma_wait3A_152 = tpu.memref_slice %arg5[%add3A, %dma_wait3A_144, %dma_wait3A_150, %dma_wait3A_151] : memref<32x125x1x80xi32, #tpu.memory_space<hbm>> -> memref<1x1x1x80xi32, #tpu.memory_space<hbm>>
    %dma_wait3A_153 = tpu.memref_squeeze %dma_wait3A_152 : memref<1x1x1x80xi32, #tpu.memory_space<hbm>> -> memref<1x80xi32, #tpu.memory_space<hbm>>
    %dma_wait3A_154 = arith.constant 0 : i32
    %dma_wait3A_155 = arith.constant 0 : i32
    %dma_wait3A_156 = tpu.memref_slice %arg9[%dma_wait3A_145, %dma_wait3A_154, %dma_wait3A_155] : memref<2x1x80xi32, #tpu.memory_space<vmem>> -> memref<1x1x80xi32, #tpu.memory_space<vmem>>
    %dma_wait3A_157 = tpu.memref_squeeze %dma_wait3A_156 : memref<1x1x80xi32, #tpu.memory_space<vmem>> -> memref<1x80xi32, #tpu.memory_space<vmem>>
    %dma_wait3A_158 = arith.constant 0 : i32
    %dma_wait3A_159 = arith.constant 0 : i32
    %dma_wait3A_160 = tpu.memref_slice %arg5[%add3A, %dma_wait3A_144, %dma_wait3A_158, %dma_wait3A_159] : memref<32x125x1x80xi32, #tpu.memory_space<hbm>> -> memref<1x1x1x80xi32, #tpu.memory_space<hbm>>
    %dma_wait3A_161 = tpu.memref_squeeze %dma_wait3A_160 : memref<1x1x1x80xi32, #tpu.memory_space<hbm>> -> memref<1x80xi32, #tpu.memory_space<hbm>>
    tpu.wait_dma2 semaphore(%arg18 : memref<!tpu.dma_semaphore, #tpu.memory_space<semaphore_mem>>) src(%dma_wait3A_161 : memref<1x80xi32, #tpu.memory_space<hbm>>) dst(%dma_wait3A_157 : memref<1x80xi32, #tpu.memory_space<vmem>>)
    %run_scoped3A = arith.constant 0 : i32
    %run_scoped3A_162 = arith.constant 0 : i32
    "tpu.region"() ({
      %run_scoped3A_166 = tpu.sem_alloc : memref<!tpu.dma_semaphore, #tpu.memory_space<semaphore_mem>>
      %dma_start3A_167 = arith.constant 0 : i32
      %dma_start3A_168 = arith.constant 0 : i32
      %dma_start3A_169 = tpu.memref_slice %arg10[%dma_start3A_167, %dma_start3A_168] : memref<160x128xf32, #tpu.memory_space<vmem>> -> memref<80x128xf32, #tpu.memory_space<vmem>>
      %dma_start3A_170 = arith.constant 0 : i32
      %dma_start3A_171 = tpu.memref_slice %arg9[%run_scoped3A, %run_scoped3A_162, %dma_start3A_170] : memref<2x1x80xi32, #tpu.memory_space<vmem>> -> memref<1x1x80xi32, #tpu.memory_space<vmem>>
      %dma_start3A_172 = tpu.memref_squeeze %dma_start3A_171 : memref<1x1x80xi32, #tpu.memory_space<vmem>> -> memref<80xi32, #tpu.memory_space<vmem>>
      %dma_start3A_173 = arith.constant 0 : i32
      %dma_start3A_174 = arith.constant 0 : i32
      %dma_start3A_175 = tpu.memref_slice %arg7[%dma_start3A_173, %dma_start3A_174] : memref<10000x128xf32, #tpu.memory_space<vmem_shared>> -> memref<10000x128xf32, #tpu.memory_space<vmem_shared>>
      tpu.enqueue_indirect_dma source(%dma_start3A_169 : memref<80x128xf32, #tpu.memory_space<vmem>>) target(%dma_start3A_175 : memref<10000x128xf32, #tpu.memory_space<vmem_shared>>) offsets(%dma_start3A_172 : memref<80xi32, #tpu.memory_space<vmem>>) semaphore(%run_scoped3A_166 : memref<!tpu.dma_semaphore, #tpu.memory_space<semaphore_mem>>) {add = true}
      %dma_wait3A_176 = arith.constant 0 : i32
      %dma_wait3A_177 = arith.constant 0 : i32
      %dma_wait3A_178 = tpu.memref_slice %arg10[%dma_wait3A_176, %dma_wait3A_177] : memref<160x128xf32, #tpu.memory_space<vmem>> -> memref<80x128xf32, #tpu.memory_space<vmem>>
      %dma_wait3A_179 = arith.constant 0 : i32
      %dma_wait3A_180 = tpu.memref_slice %arg9[%run_scoped3A, %run_scoped3A_162, %dma_wait3A_179] : memref<2x1x80xi32, #tpu.memory_space<vmem>> -> memref<1x1x80xi32, #tpu.memory_space<vmem>>
      %dma_wait3A_181 = tpu.memref_squeeze %dma_wait3A_180 : memref<1x1x80xi32, #tpu.memory_space<vmem>> -> memref<80xi32, #tpu.memory_space<vmem>>
      %dma_wait3A_182 = arith.constant 0 : i32
      %dma_wait3A_183 = arith.constant 0 : i32
      %dma_wait3A_184 = tpu.memref_slice %arg7[%dma_wait3A_182, %dma_wait3A_183] : memref<10000x128xf32, #tpu.memory_space<vmem_shared>> -> memref<10000x128xf32, #tpu.memory_space<vmem_shared>>
      tpu.wait_indirect_dma semaphore(%run_scoped3A_166 : memref<!tpu.dma_semaphore, #tpu.memory_space<semaphore_mem>>) src(%dma_wait3A_178 : memref<80x128xf32, #tpu.memory_space<vmem>>) dst(%dma_wait3A_184 : memref<10000x128xf32, #tpu.memory_space<vmem_shared>>)
      tpu.yield
    }) : () -> ()
    %barrier3A_163 = arith.constant 0 : index
    tpu.barrier barrier_id(%barrier3A_163)
    %mul3A_164 = arith.constant 625 : i32
    %mul3A_165 = arith.muli %arg1, %mul3A_164 : i32
    "tpu.region"() ({
      %run_scoped3A_166 = tpu.sem_alloc : memref<!tpu.dma_semaphore, #tpu.memory_space<semaphore_mem>>
      %dma_start3A_167 = arith.constant 0 : i32
      %dma_start3A_168 = arith.constant 0 : i32
      %dma_start3A_169 = tpu.memref_slice %arg6[%arg0, %arg1, %dma_start3A_167, %dma_start3A_168] : memref<2x16x625x128xf32, #tpu.memory_space<hbm>> -> memref<1x1x625x128xf32, #tpu.memory_space<hbm>>
      %dma_start3A_170 = tpu.memref_squeeze %dma_start3A_169 : memref<1x1x625x128xf32, #tpu.memory_space<hbm>> -> memref<625x128xf32, #tpu.memory_space<hbm>>
      %dma_start3A_171 = arith.constant 0 : i32
      %dma_start3A_172 = tpu.memref_slice %arg7[%mul3A_165, %dma_start3A_171] : memref<10000x128xf32, #tpu.memory_space<vmem_shared>> -> memref<625x128xf32, #tpu.memory_space<vmem_shared>>
      tpu.enqueue_dma source(%dma_start3A_172 : memref<625x128xf32, #tpu.memory_space<vmem_shared>>) target(%dma_start3A_170 : memref<625x128xf32, #tpu.memory_space<hbm>>) target_semaphore(%run_scoped3A_166 : memref<!tpu.dma_semaphore, #tpu.memory_space<semaphore_mem>>)
      %dma_wait3A_173 = arith.constant 0 : i32
      %dma_wait3A_174 = arith.constant 0 : i32
      %dma_wait3A_175 = tpu.memref_slice %arg6[%arg0, %arg1, %dma_wait3A_173, %dma_wait3A_174] : memref<2x16x625x128xf32, #tpu.memory_space<hbm>> -> memref<1x1x625x128xf32, #tpu.memory_space<hbm>>
      %dma_wait3A_176 = tpu.memref_squeeze %dma_wait3A_175 : memref<1x1x625x128xf32, #tpu.memory_space<hbm>> -> memref<625x128xf32, #tpu.memory_space<hbm>>
      %dma_wait3A_177 = arith.constant 0 : i32
      %dma_wait3A_178 = tpu.memref_slice %arg7[%mul3A_165, %dma_wait3A_177] : memref<10000x128xf32, #tpu.memory_space<vmem_shared>> -> memref<625x128xf32, #tpu.memory_space<vmem_shared>>
      tpu.wait_dma2 semaphore(%run_scoped3A_166 : memref<!tpu.dma_semaphore, #tpu.memory_space<semaphore_mem>>) src(%dma_wait3A_178 : memref<625x128xf32, #tpu.memory_space<vmem_shared>>) dst(%dma_wait3A_176 : memref<625x128xf32, #tpu.memory_space<hbm>>)
      tpu.yield
    }) : () -> ()
    return
  }
}

#map = affine_map<(d0, d1) -> (0, 0)>
#map1 = affine_map<(d0, d1) -> (0, 0, 0, 0)>
module attributes {stable_mosaic.version = 14 : i64} {
  func.func @_sc_layer_body(%arg0: i32, %arg1: i32, %arg2: memref<10000x128xf32, #tpu.memory_space<hbm>>, %arg3: memref<320000x128xf32, #tpu.memory_space<hbm>>, %arg4: memref<32x125x1x80xi32, #tpu.memory_space<hbm>>, %arg5: memref<32x125x1x80xi32, #tpu.memory_space<hbm>>, %arg6: memref<2x16x625x128xf32, #tpu.memory_space<hbm>>, %arg7: memref<10000x128xf32, #tpu.memory_space<vmem_shared>>, %arg8: memref<2x1x80xi32, #tpu.memory_space<vmem>>, %arg9: memref<2x1x80xi32, #tpu.memory_space<vmem>>, %arg10: memref<160x128xf32, #tpu.memory_space<vmem>>, %arg11: memref<160x128xf32, #tpu.memory_space<vmem>>, %arg12: memref<!tpu.dma_semaphore, #tpu.memory_space<semaphore_mem>>, %arg13: memref<!tpu.dma_semaphore, #tpu.memory_space<semaphore_mem>>, %arg14: memref<!tpu.dma_semaphore, #tpu.memory_space<semaphore_mem>>, %arg15: memref<!tpu.dma_semaphore, #tpu.memory_space<semaphore_mem>>, %arg16: memref<!tpu.dma_semaphore, #tpu.memory_space<semaphore_mem>>, %arg17: memref<!tpu.dma_semaphore, #tpu.memory_space<semaphore_mem>>, %arg18: memref<!tpu.dma_semaphore, #tpu.memory_space<semaphore_mem>>, %arg19: memref<!tpu.dma_semaphore, #tpu.memory_space<semaphore_mem>>) attributes {dimension_semantics = [#tpu.dimension_semantics<core_parallel>, #tpu.dimension_semantics<subcore_parallel>], iteration_bounds = array<i64: 2, 16>, scalar_prefetch = 0 : i64, scratch_operands = 13 : i64, tpu.core_type = #tpu.core_type<sc_vector_subcore>, window_params = [{transform_indices = #map}, {transform_indices = #map}, {transform_indices = #map1}, {transform_indices = #map1}, {transform_indices = #map1}]} {
    %mul3A = arith.constant 16 : i32
    %mul3A_0 = arith.muli %arg0, %mul3A : i32
    %add3A = arith.addi %mul3A_0, %arg1 : i32
    %scan3A = arith.constant 0 : i32
    %scan3A_1 = arith.constant 160 : i32
    %scan3A_2 = arith.addi %scan3A, %scan3A_1 : i32
    %scan3A_3 = arith.constant 1 : i32
    scf.for %scan3A_166 = %scan3A to %scan3A_2 step %scan3A_3  : i32 {
      %broadcast_in_dim3A = arith.constant 0.000000e+00 : f32
      %broadcast_in_dim3A_167 = vector.broadcast %broadcast_in_dim3A : f32 to vector<16xf32>
      %swap3A = arith.index_cast %scan3A_166 : i32 to index
      %swap3A_168 = arith.constant 0 : index
      %swap3A_169 = tpu.vector_load %arg10[%swap3A, %swap3A_168] {strides = array<i32>} : memref<160x128xf32, #tpu.memory_space<vmem>>, vector<1x16xf32>,
      %swap3A_170 = vector.shape_cast %swap3A_169 : vector<1x16xf32> to vector<16xf32>
      %swap3A_171 = vector.shape_cast %broadcast_in_dim3A_167 : vector<16xf32> to vector<1x16xf32>
      tpu.vector_store %arg10[%swap3A, %swap3A_168], %swap3A_171 {strides = array<i32>} : memref<160x128xf32, #tpu.memory_space<vmem>>, vector<1x16xf32>,
      %broadcast_in_dim3A_172 = arith.constant 0.000000e+00 : f32
      %broadcast_in_dim3A_173 = vector.broadcast %broadcast_in_dim3A_172 : f32 to vector<16xf32>
      %swap3A_174 = arith.index_cast %scan3A_166 : i32 to index
      %swap3A_175 = arith.constant 16 : index
      %swap3A_176 = tpu.vector_load %arg10[%swap3A_174, %swap3A_175] {strides = array<i32>} : memref<160x128xf32, #tpu.memory_space<vmem>>, vector<1x16xf32>,
      %swap3A_177 = vector.shape_cast %swap3A_176 : vector<1x16xf32> to vector<16xf32>
      %swap3A_178 = vector.shape_cast %broadcast_in_dim3A_173 : vector<16xf32> to vector<1x16xf32>
      tpu.vector_store %arg10[%swap3A_174, %swap3A_175], %swap3A_178 {strides = array<i32>} : memref<160x128xf32, #tpu.memory_space<vmem>>, vector<1x16xf32>,
      %broadcast_in_dim3A_179 = arith.constant 0.000000e+00 : f32
      %broadcast_in_dim3A_180 = vector.broadcast %broadcast_in_dim3A_179 : f32 to vector<16xf32>
      %swap3A_181 = arith.index_cast %scan3A_166 : i32 to index
      %swap3A_182 = arith.constant 32 : index
      %swap3A_183 = tpu.vector_load %arg10[%swap3A_181, %swap3A_182] {strides = array<i32>} : memref<160x128xf32, #tpu.memory_space<vmem>>, vector<1x16xf32>,
      %swap3A_184 = vector.shape_cast %swap3A_183 : vector<1x16xf32> to vector<16xf32>
      %swap3A_185 = vector.shape_cast %broadcast_in_dim3A_180 : vector<16xf32> to vector<1x16xf32>
      tpu.vector_store %arg10[%swap3A_181, %swap3A_182], %swap3A_185 {strides = array<i32>} : memref<160x128xf32, #tpu.memory_space<vmem>>, vector<1x16xf32>,
      %broadcast_in_dim3A_186 = arith.constant 0.000000e+00 : f32
      %broadcast_in_dim3A_187 = vector.broadcast %broadcast_in_dim3A_186 : f32 to vector<16xf32>
      %swap3A_188 = arith.index_cast %scan3A_166 : i32 to index
      %swap3A_189 = arith.constant 48 : index
      %swap3A_190 = tpu.vector_load %arg10[%swap3A_188, %swap3A_189] {strides = array<i32>} : memref<160x128xf32, #tpu.memory_space<vmem>>, vector<1x16xf32>,
      %swap3A_191 = vector.shape_cast %swap3A_190 : vector<1x16xf32> to vector<16xf32>
      %swap3A_192 = vector.shape_cast %broadcast_in_dim3A_187 : vector<16xf32> to vector<1x16xf32>
      tpu.vector_store %arg10[%swap3A_188, %swap3A_189], %swap3A_192 {strides = array<i32>} : memref<160x128xf32, #tpu.memory_space<vmem>>, vector<1x16xf32>,
      %broadcast_in_dim3A_193 = arith.constant 0.000000e+00 : f32
      %broadcast_in_dim3A_194 = vector.broadcast %broadcast_in_dim3A_193 : f32 to vector<16xf32>
      %swap3A_195 = arith.index_cast %scan3A_166 : i32 to index
      %swap3A_196 = arith.constant 64 : index
      %swap3A_197 = tpu.vector_load %arg10[%swap3A_195, %swap3A_196] {strides = array<i32>} : memref<160x128xf32, #tpu.memory_space<vmem>>, vector<1x16xf32>,
      %swap3A_198 = vector.shape_cast %swap3A_197 : vector<1x16xf32> to vector<16xf32>
      %swap3A_199 = vector.shape_cast %broadcast_in_dim3A_194 : vector<16xf32> to vector<1x16xf32>
      tpu.vector_store %arg10[%swap3A_195, %swap3A_196], %swap3A_199 {strides = array<i32>} : memref<160x128xf32, #tpu.memory_space<vmem>>, vector<1x16xf32>,
      %broadcast_in_dim3A_200 = arith.constant 0.000000e+00 : f32
      %broadcast_in_dim3A_201 = vector.broadcast %broadcast_in_dim3A_200 : f32 to vector<16xf32>
      %swap3A_202 = arith.index_cast %scan3A_166 : i32 to index
      %swap3A_203 = arith.constant 80 : index
      %swap3A_204 = tpu.vector_load %arg10[%swap3A_202, %swap3A_203] {strides = array<i32>} : memref<160x128xf32, #tpu.memory_space<vmem>>, vector<1x16xf32>,
      %swap3A_205 = vector.shape_cast %swap3A_204 : vector<1x16xf32> to vector<16xf32>
      %swap3A_206 = vector.shape_cast %broadcast_in_dim3A_201 : vector<16xf32> to vector<1x16xf32>
      tpu.vector_store %arg10[%swap3A_202, %swap3A_203], %swap3A_206 {strides = array<i32>} : memref<160x128xf32, #tpu.memory_space<vmem>>, vector<1x16xf32>,
      %broadcast_in_dim3A_207 = arith.constant 0.000000e+00 : f32
      %broadcast_in_dim3A_208 = vector.broadcast %broadcast_in_dim3A_207 : f32 to vector<16xf32>
      %swap3A_209 = arith.index_cast %scan3A_166 : i32 to index
      %swap3A_210 = arith.constant 96 : index
      %swap3A_211 = tpu.vector_load %arg10[%swap3A_209, %swap3A_210] {strides = array<i32>} : memref<160x128xf32, #tpu.memory_space<vmem>>, vector<1x16xf32>,
      %swap3A_212 = vector.shape_cast %swap3A_211 : vector<1x16xf32> to vector<16xf32>
      %swap3A_213 = vector.shape_cast %broadcast_in_dim3A_208 : vector<16xf32> to vector<1x16xf32>
      tpu.vector_store %arg10[%swap3A_209, %swap3A_210], %swap3A_213 {strides = array<i32>} : memref<160x128xf32, #tpu.memory_space<vmem>>, vector<1x16xf32>,
      %broadcast_in_dim3A_214 = arith.constant 0.000000e+00 : f32
      %broadcast_in_dim3A_215 = vector.broadcast %broadcast_in_dim3A_214 : f32 to vector<16xf32>
      %swap3A_216 = arith.index_cast %scan3A_166 : i32 to index
      %swap3A_217 = arith.constant 112 : index
      %swap3A_218 = tpu.vector_load %arg10[%swap3A_216, %swap3A_217] {strides = array<i32>} : memref<160x128xf32, #tpu.memory_space<vmem>>, vector<1x16xf32>,
      %swap3A_219 = vector.shape_cast %swap3A_218 : vector<1x16xf32> to vector<16xf32>
      %swap3A_220 = vector.shape_cast %broadcast_in_dim3A_215 : vector<16xf32> to vector<1x16xf32>
      tpu.vector_store %arg10[%swap3A_216, %swap3A_217], %swap3A_220 {strides = array<i32>} : memref<160x128xf32, #tpu.memory_space<vmem>>, vector<1x16xf32>,
    }
    %scan3A_4 = arith.constant 160 : i32
    %mul3A_5 = arith.constant 625 : i32
    %mul3A_6 = arith.muli %arg1, %mul3A_5 : i32
    "tpu.region"() ({
      %run_scoped3A_166 = tpu.sem_alloc : memref<!tpu.dma_semaphore, #tpu.memory_space<semaphore_mem>>
      %dma_start3A_167 = arith.constant 0 : i32
      %dma_start3A_168 = arith.constant 0 : i32
      %dma_start3A_169 = tpu.memref_slice %arg10[%dma_start3A_167, %dma_start3A_168] : memref<160x128xf32, #tpu.memory_space<vmem>> -> memref<160x128xf32, #tpu.memory_space<vmem>>
      %dma_start3A_170 = arith.constant 0 : i32
      %dma_start3A_171 = tpu.memref_slice %arg7[%mul3A_6, %dma_start3A_170] : memref<10000x128xf32, #tpu.memory_space<vmem_shared>> -> memref<160x128xf32, #tpu.memory_space<vmem_shared>>
      %dma_start3A_172 = arith.constant 0 : i32
      %dma_start3A_173 = tpu.memref_slice %arg7[%mul3A_6, %dma_start3A_172] : memref<10000x128xf32, #tpu.memory_space<vmem_shared>> -> memref<160x128xf32, #tpu.memory_space<vmem_shared>>
      %dma_start3A_174 = arith.constant 0 : i32
      %dma_start3A_175 = arith.constant 0 : i32
      %dma_start3A_176 = tpu.memref_slice %arg10[%dma_start3A_174, %dma_start3A_175] : memref<160x128xf32, #tpu.memory_space<vmem>> -> memref<160x128xf32, #tpu.memory_space<vmem>>
      tpu.enqueue_dma source(%dma_start3A_176 : memref<160x128xf32, #tpu.memory_space<vmem>>) target(%dma_start3A_173 : memref<160x128xf32, #tpu.memory_space<vmem_shared>>) target_semaphore(%run_scoped3A_166 : memref<!tpu.dma_semaphore, #tpu.memory_space<semaphore_mem>>)
      %dma_wait3A_177 = arith.constant 0 : i32
      %dma_wait3A_178 = arith.constant 0 : i32
      %dma_wait3A_179 = tpu.memref_slice %arg10[%dma_wait3A_177, %dma_wait3A_178] : memref<160x128xf32, #tpu.memory_space<vmem>> -> memref<160x128xf32, #tpu.memory_space<vmem>>
      %dma_wait3A_180 = arith.constant 0 : i32
      %dma_wait3A_181 = tpu.memref_slice %arg7[%mul3A_6, %dma_wait3A_180] : memref<10000x128xf32, #tpu.memory_space<vmem_shared>> -> memref<160x128xf32, #tpu.memory_space<vmem_shared>>
      %dma_wait3A_182 = arith.constant 0 : i32
      %dma_wait3A_183 = tpu.memref_slice %arg7[%mul3A_6, %dma_wait3A_182] : memref<10000x128xf32, #tpu.memory_space<vmem_shared>> -> memref<160x128xf32, #tpu.memory_space<vmem_shared>>
      %dma_wait3A_184 = arith.constant 0 : i32
      %dma_wait3A_185 = arith.constant 0 : i32
      %dma_wait3A_186 = tpu.memref_slice %arg10[%dma_wait3A_184, %dma_wait3A_185] : memref<160x128xf32, #tpu.memory_space<vmem>> -> memref<160x128xf32, #tpu.memory_space<vmem>>
      tpu.wait_dma2 semaphore(%run_scoped3A_166 : memref<!tpu.dma_semaphore, #tpu.memory_space<semaphore_mem>>) src(%dma_wait3A_186 : memref<160x128xf32, #tpu.memory_space<vmem>>) dst(%dma_wait3A_183 : memref<160x128xf32, #tpu.memory_space<vmem_shared>>)
      tpu.yield
    }) : () -> ()
    %add3A_7 = arith.constant 160 : i32
    %add3A_8 = arith.addi %mul3A_6, %add3A_7 : i32
    "tpu.region"() ({
      %run_scoped3A_166 = tpu.sem_alloc : memref<!tpu.dma_semaphore, #tpu.memory_space<semaphore_mem>>
      %dma_start3A_167 = arith.constant 0 : i32
      %dma_start3A_168 = arith.constant 0 : i32
      %dma_start3A_169 = tpu.memref_slice %arg10[%dma_start3A_167, %dma_start3A_168] : memref<160x128xf32, #tpu.memory_space<vmem>> -> memref<160x128xf32, #tpu.memory_space<vmem>>
      %dma_start3A_170 = arith.constant 0 : i32
      %dma_start3A_171 = tpu.memref_slice %arg7[%add3A_8, %dma_start3A_170] : memref<10000x128xf32, #tpu.memory_space<vmem_shared>> -> memref<160x128xf32, #tpu.memory_space<vmem_shared>>
      %dma_start3A_172 = arith.constant 0 : i32
      %dma_start3A_173 = tpu.memref_slice %arg7[%add3A_8, %dma_start3A_172] : memref<10000x128xf32, #tpu.memory_space<vmem_shared>> -> memref<160x128xf32, #tpu.memory_space<vmem_shared>>
      %dma_start3A_174 = arith.constant 0 : i32
      %dma_start3A_175 = arith.constant 0 : i32
      %dma_start3A_176 = tpu.memref_slice %arg10[%dma_start3A_174, %dma_start3A_175] : memref<160x128xf32, #tpu.memory_space<vmem>> -> memref<160x128xf32, #tpu.memory_space<vmem>>
      tpu.enqueue_dma source(%dma_start3A_176 : memref<160x128xf32, #tpu.memory_space<vmem>>) target(%dma_start3A_173 : memref<160x128xf32, #tpu.memory_space<vmem_shared>>) target_semaphore(%run_scoped3A_166 : memref<!tpu.dma_semaphore, #tpu.memory_space<semaphore_mem>>)
      %dma_wait3A_177 = arith.constant 0 : i32
      %dma_wait3A_178 = arith.constant 0 : i32
      %dma_wait3A_179 = tpu.memref_slice %arg10[%dma_wait3A_177, %dma_wait3A_178] : memref<160x128xf32, #tpu.memory_space<vmem>> -> memref<160x128xf32, #tpu.memory_space<vmem>>
      %dma_wait3A_180 = arith.constant 0 : i32
      %dma_wait3A_181 = tpu.memref_slice %arg7[%add3A_8, %dma_wait3A_180] : memref<10000x128xf32, #tpu.memory_space<vmem_shared>> -> memref<160x128xf32, #tpu.memory_space<vmem_shared>>
      %dma_wait3A_182 = arith.constant 0 : i32
      %dma_wait3A_183 = tpu.memref_slice %arg7[%add3A_8, %dma_wait3A_182] : memref<10000x128xf32, #tpu.memory_space<vmem_shared>> -> memref<160x128xf32, #tpu.memory_space<vmem_shared>>
      %dma_wait3A_184 = arith.constant 0 : i32
      %dma_wait3A_185 = arith.constant 0 : i32
      %dma_wait3A_186 = tpu.memref_slice %arg10[%dma_wait3A_184, %dma_wait3A_185] : memref<160x128xf32, #tpu.memory_space<vmem>> -> memref<160x128xf32, #tpu.memory_space<vmem>>
      tpu.wait_dma2 semaphore(%run_scoped3A_166 : memref<!tpu.dma_semaphore, #tpu.memory_space<semaphore_mem>>) src(%dma_wait3A_186 : memref<160x128xf32, #tpu.memory_space<vmem>>) dst(%dma_wait3A_183 : memref<160x128xf32, #tpu.memory_space<vmem_shared>>)
      tpu.yield
    }) : () -> ()
    %add3A_9 = arith.constant 160 : i32
    %add3A_10 = arith.addi %add3A_8, %add3A_9 : i32
    "tpu.region"() ({
      %run_scoped3A_166 = tpu.sem_alloc : memref<!tpu.dma_semaphore, #tpu.memory_space<semaphore_mem>>
      %dma_start3A_167 = arith.constant 0 : i32
      %dma_start3A_168 = arith.constant 0 : i32
      %dma_start3A_169 = tpu.memref_slice %arg10[%dma_start3A_167, %dma_start3A_168] : memref<160x128xf32, #tpu.memory_space<vmem>> -> memref<160x128xf32, #tpu.memory_space<vmem>>
      %dma_start3A_170 = arith.constant 0 : i32
      %dma_start3A_171 = tpu.memref_slice %arg7[%add3A_10, %dma_start3A_170] : memref<10000x128xf32, #tpu.memory_space<vmem_shared>> -> memref<160x128xf32, #tpu.memory_space<vmem_shared>>
      %dma_start3A_172 = arith.constant 0 : i32
      %dma_start3A_173 = tpu.memref_slice %arg7[%add3A_10, %dma_start3A_172] : memref<10000x128xf32, #tpu.memory_space<vmem_shared>> -> memref<160x128xf32, #tpu.memory_space<vmem_shared>>
      %dma_start3A_174 = arith.constant 0 : i32
      %dma_start3A_175 = arith.constant 0 : i32
      %dma_start3A_176 = tpu.memref_slice %arg10[%dma_start3A_174, %dma_start3A_175] : memref<160x128xf32, #tpu.memory_space<vmem>> -> memref<160x128xf32, #tpu.memory_space<vmem>>
      tpu.enqueue_dma source(%dma_start3A_176 : memref<160x128xf32, #tpu.memory_space<vmem>>) target(%dma_start3A_173 : memref<160x128xf32, #tpu.memory_space<vmem_shared>>) target_semaphore(%run_scoped3A_166 : memref<!tpu.dma_semaphore, #tpu.memory_space<semaphore_mem>>)
      %dma_wait3A_177 = arith.constant 0 : i32
      %dma_wait3A_178 = arith.constant 0 : i32
      %dma_wait3A_179 = tpu.memref_slice %arg10[%dma_wait3A_177, %dma_wait3A_178] : memref<160x128xf32, #tpu.memory_space<vmem>> -> memref<160x128xf32, #tpu.memory_space<vmem>>
      %dma_wait3A_180 = arith.constant 0 : i32
      %dma_wait3A_181 = tpu.memref_slice %arg7[%add3A_10, %dma_wait3A_180] : memref<10000x128xf32, #tpu.memory_space<vmem_shared>> -> memref<160x128xf32, #tpu.memory_space<vmem_shared>>
      %dma_wait3A_182 = arith.constant 0 : i32
      %dma_wait3A_183 = tpu.memref_slice %arg7[%add3A_10, %dma_wait3A_182] : memref<10000x128xf32, #tpu.memory_space<vmem_shared>> -> memref<160x128xf32, #tpu.memory_space<vmem_shared>>
      %dma_wait3A_184 = arith.constant 0 : i32
      %dma_wait3A_185 = arith.constant 0 : i32
      %dma_wait3A_186 = tpu.memref_slice %arg10[%dma_wait3A_184, %dma_wait3A_185] : memref<160x128xf32, #tpu.memory_space<vmem>> -> memref<160x128xf32, #tpu.memory_space<vmem>>
      tpu.wait_dma2 semaphore(%run_scoped3A_166 : memref<!tpu.dma_semaphore, #tpu.memory_space<semaphore_mem>>) src(%dma_wait3A_186 : memref<160x128xf32, #tpu.memory_space<vmem>>) dst(%dma_wait3A_183 : memref<160x128xf32, #tpu.memory_space<vmem_shared>>)
      tpu.yield
    }) : () -> ()
    %add3A_11 = arith.constant 160 : i32
    %add3A_12 = arith.addi %add3A_10, %add3A_11 : i32
    "tpu.region"() ({
      %run_scoped3A_166 = tpu.sem_alloc : memref<!tpu.dma_semaphore, #tpu.memory_space<semaphore_mem>>
      %dma_start3A_167 = arith.constant 0 : i32
      %dma_start3A_168 = arith.constant 0 : i32
      %dma_start3A_169 = tpu.memref_slice %arg10[%dma_start3A_167, %dma_start3A_168] : memref<160x128xf32, #tpu.memory_space<vmem>> -> memref<145x128xf32, #tpu.memory_space<vmem>>
      %dma_start3A_170 = arith.constant 0 : i32
      %dma_start3A_171 = tpu.memref_slice %arg7[%add3A_12, %dma_start3A_170] : memref<10000x128xf32, #tpu.memory_space<vmem_shared>> -> memref<145x128xf32, #tpu.memory_space<vmem_shared>>
      %dma_start3A_172 = arith.constant 0 : i32
      %dma_start3A_173 = tpu.memref_slice %arg7[%add3A_12, %dma_start3A_172] : memref<10000x128xf32, #tpu.memory_space<vmem_shared>> -> memref<145x128xf32, #tpu.memory_space<vmem_shared>>
      %dma_start3A_174 = arith.constant 0 : i32
      %dma_start3A_175 = arith.constant 0 : i32
      %dma_start3A_176 = tpu.memref_slice %arg10[%dma_start3A_174, %dma_start3A_175] : memref<160x128xf32, #tpu.memory_space<vmem>> -> memref<145x128xf32, #tpu.memory_space<vmem>>
      tpu.enqueue_dma source(%dma_start3A_176 : memref<145x128xf32, #tpu.memory_space<vmem>>) target(%dma_start3A_173 : memref<145x128xf32, #tpu.memory_space<vmem_shared>>) target_semaphore(%run_scoped3A_166 : memref<!tpu.dma_semaphore, #tpu.memory_space<semaphore_mem>>)
      %dma_wait3A_177 = arith.constant 0 : i32
      %dma_wait3A_178 = arith.constant 0 : i32
      %dma_wait3A_179 = tpu.memref_slice %arg10[%dma_wait3A_177, %dma_wait3A_178] : memref<160x128xf32, #tpu.memory_space<vmem>> -> memref<145x128xf32, #tpu.memory_space<vmem>>
      %dma_wait3A_180 = arith.constant 0 : i32
      %dma_wait3A_181 = tpu.memref_slice %arg7[%add3A_12, %dma_wait3A_180] : memref<10000x128xf32, #tpu.memory_space<vmem_shared>> -> memref<145x128xf32, #tpu.memory_space<vmem_shared>>
      %dma_wait3A_182 = arith.constant 0 : i32
      %dma_wait3A_183 = tpu.memref_slice %arg7[%add3A_12, %dma_wait3A_182] : memref<10000x128xf32, #tpu.memory_space<vmem_shared>> -> memref<145x128xf32, #tpu.memory_space<vmem_shared>>
      %dma_wait3A_184 = arith.constant 0 : i32
      %dma_wait3A_185 = arith.constant 0 : i32
      %dma_wait3A_186 = tpu.memref_slice %arg10[%dma_wait3A_184, %dma_wait3A_185] : memref<160x128xf32, #tpu.memory_space<vmem>> -> memref<145x128xf32, #tpu.memory_space<vmem>>
      tpu.wait_dma2 semaphore(%run_scoped3A_166 : memref<!tpu.dma_semaphore, #tpu.memory_space<semaphore_mem>>) src(%dma_wait3A_186 : memref<145x128xf32, #tpu.memory_space<vmem>>) dst(%dma_wait3A_183 : memref<145x128xf32, #tpu.memory_space<vmem_shared>>)
      tpu.yield
    }) : () -> ()
    %add3A_13 = arith.constant 145 : i32
    %add3A_14 = arith.addi %add3A_12, %add3A_13 : i32
    %barrier3A = arith.constant 0 : index
    tpu.barrier barrier_id(%barrier3A)
    %dma_start3A = arith.constant 0 : i32
    %dma_start3A_15 = arith.constant 0 : i32
    %dma_start3A_16 = arith.constant 0 : i32
    %dma_start3A_17 = arith.constant 0 : i32
    %dma_start3A_18 = tpu.memref_slice %arg8[%dma_start3A_15, %dma_start3A_16, %dma_start3A_17] : memref<2x1x80xi32, #tpu.memory_space<vmem>> -> memref<1x1x80xi32, #tpu.memory_space<vmem>>
    %dma_start3A_19 = tpu.memref_squeeze %dma_start3A_18 : memref<1x1x80xi32, #tpu.memory_space<vmem>> -> memref<1x80xi32, #tpu.memory_space<vmem>>
    %dma_start3A_20 = arith.constant 0 : i32
    %dma_start3A_21 = arith.constant 0 : i32
    %dma_start3A_22 = tpu.memref_slice %arg4[%add3A, %dma_start3A, %dma_start3A_20, %dma_start3A_21] : memref<32x125x1x80xi32, #tpu.memory_space<hbm>> -> memref<1x1x1x80xi32, #tpu.memory_space<hbm>>
    %dma_start3A_23 = tpu.memref_squeeze %dma_start3A_22 : memref<1x1x1x80xi32, #tpu.memory_space<hbm>> -> memref<1x80xi32, #tpu.memory_space<hbm>>
    %dma_start3A_24 = arith.constant 0 : i32
    %dma_start3A_25 = arith.constant 0 : i32
    %dma_start3A_26 = tpu.memref_slice %arg8[%dma_start3A_15, %dma_start3A_24, %dma_start3A_25] : memref<2x1x80xi32, #tpu.memory_space<vmem>> -> memref<1x1x80xi32, #tpu.memory_space<vmem>>
    %dma_start3A_27 = tpu.memref_squeeze %dma_start3A_26 : memref<1x1x80xi32, #tpu.memory_space<vmem>> -> memref<1x80xi32, #tpu.memory_space<vmem>>
    %dma_start3A_28 = arith.constant 0 : i32
    %dma_start3A_29 = arith.constant 0 : i32
    %dma_start3A_30 = tpu.memref_slice %arg4[%add3A, %dma_start3A, %dma_start3A_28, %dma_start3A_29] : memref<32x125x1x80xi32, #tpu.memory_space<hbm>> -> memref<1x1x1x80xi32, #tpu.memory_space<hbm>>
    %dma_start3A_31 = tpu.memref_squeeze %dma_start3A_30 : memref<1x1x1x80xi32, #tpu.memory_space<hbm>> -> memref<1x80xi32, #tpu.memory_space<hbm>>
    tpu.enqueue_dma source(%dma_start3A_31 : memref<1x80xi32, #tpu.memory_space<hbm>>) target(%dma_start3A_27 : memref<1x80xi32, #tpu.memory_space<vmem>>) target_semaphore(%arg16 : memref<!tpu.dma_semaphore, #tpu.memory_space<semaphore_mem>>)
    %dma_start3A_32 = arith.constant 1 : i32
    %dma_start3A_33 = arith.constant 1 : i32
    %dma_start3A_34 = arith.constant 0 : i32
    %dma_start3A_35 = arith.constant 0 : i32
    %dma_start3A_36 = tpu.memref_slice %arg8[%dma_start3A_33, %dma_start3A_34, %dma_start3A_35] : memref<2x1x80xi32, #tpu.memory_space<vmem>> -> memref<1x1x80xi32, #tpu.memory_space<vmem>>
    %dma_start3A_37 = tpu.memref_squeeze %dma_start3A_36 : memref<1x1x80xi32, #tpu.memory_space<vmem>> -> memref<1x80xi32, #tpu.memory_space<vmem>>
    %dma_start3A_38 = arith.constant 0 : i32
    %dma_start3A_39 = arith.constant 0 : i32
    %dma_start3A_40 = tpu.memref_slice %arg4[%add3A, %dma_start3A_32, %dma_start3A_38, %dma_start3A_39] : memref<32x125x1x80xi32, #tpu.memory_space<hbm>> -> memref<1x1x1x80xi32, #tpu.memory_space<hbm>>
    %dma_start3A_41 = tpu.memref_squeeze %dma_start3A_40 : memref<1x1x1x80xi32, #tpu.memory_space<hbm>> -> memref<1x80xi32, #tpu.memory_space<hbm>>
    %dma_start3A_42 = arith.constant 0 : i32
    %dma_start3A_43 = arith.constant 0 : i32
    %dma_start3A_44 = tpu.memref_slice %arg8[%dma_start3A_33, %dma_start3A_42, %dma_start3A_43] : memref<2x1x80xi32, #tpu.memory_space<vmem>> -> memref<1x1x80xi32, #tpu.memory_space<vmem>>
    %dma_start3A_45 = tpu.memref_squeeze %dma_start3A_44 : memref<1x1x80xi32, #tpu.memory_space<vmem>> -> memref<1x80xi32, #tpu.memory_space<vmem>>
    %dma_start3A_46 = arith.constant 0 : i32
    %dma_start3A_47 = arith.constant 0 : i32
    %dma_start3A_48 = tpu.memref_slice %arg4[%add3A, %dma_start3A_32, %dma_start3A_46, %dma_start3A_47] : memref<32x125x1x80xi32, #tpu.memory_space<hbm>> -> memref<1x1x1x80xi32, #tpu.memory_space<hbm>>
    %dma_start3A_49 = tpu.memref_squeeze %dma_start3A_48 : memref<1x1x1x80xi32, #tpu.memory_space<hbm>> -> memref<1x80xi32, #tpu.memory_space<hbm>>
    tpu.enqueue_dma source(%dma_start3A_49 : memref<1x80xi32, #tpu.memory_space<hbm>>) target(%dma_start3A_45 : memref<1x80xi32, #tpu.memory_space<vmem>>) target_semaphore(%arg17 : memref<!tpu.dma_semaphore, #tpu.memory_space<semaphore_mem>>)
    %dma_wait3A = arith.constant 0 : i32
    %dma_wait3A_50 = arith.constant 0 : i32
    %dma_wait3A_51 = arith.constant 0 : i32
    %dma_wait3A_52 = arith.constant 0 : i32
    %dma_wait3A_53 = tpu.memref_slice %arg8[%dma_wait3A_50, %dma_wait3A_51, %dma_wait3A_52] : memref<2x1x80xi32, #tpu.memory_space<vmem>> -> memref<1x1x80xi32, #tpu.memory_space<vmem>>
    %dma_wait3A_54 = tpu.memref_squeeze %dma_wait3A_53 : memref<1x1x80xi32, #tpu.memory_space<vmem>> -> memref<1x80xi32, #tpu.memory_space<vmem>>
    %dma_wait3A_55 = arith.constant 0 : i32
    %dma_wait3A_56 = arith.constant 0 : i32
    %dma_wait3A_57 = tpu.memref_slice %arg4[%add3A, %dma_wait3A, %dma_wait3A_55, %dma_wait3A_56] : memref<32x125x1x80xi32, #tpu.memory_space<hbm>> -> memref<1x1x1x80xi32, #tpu.memory_space<hbm>>
    %dma_wait3A_58 = tpu.memref_squeeze %dma_wait3A_57 : memref<1x1x1x80xi32, #tpu.memory_space<hbm>> -> memref<1x80xi32, #tpu.memory_space<hbm>>
    %dma_wait3A_59 = arith.constant 0 : i32
    %dma_wait3A_60 = arith.constant 0 : i32
    %dma_wait3A_61 = tpu.memref_slice %arg8[%dma_wait3A_50, %dma_wait3A_59, %dma_wait3A_60] : memref<2x1x80xi32, #tpu.memory_space<vmem>> -> memref<1x1x80xi32, #tpu.memory_space<vmem>>
    %dma_wait3A_62 = tpu.memref_squeeze %dma_wait3A_61 : memref<1x1x80xi32, #tpu.memory_space<vmem>> -> memref<1x80xi32, #tpu.memory_space<vmem>>
    %dma_wait3A_63 = arith.constant 0 : i32
    %dma_wait3A_64 = arith.constant 0 : i32
    %dma_wait3A_65 = tpu.memref_slice %arg4[%add3A, %dma_wait3A, %dma_wait3A_63, %dma_wait3A_64] : memref<32x125x1x80xi32, #tpu.memory_space<hbm>> -> memref<1x1x1x80xi32, #tpu.memory_space<hbm>>
    %dma_wait3A_66 = tpu.memref_squeeze %dma_wait3A_65 : memref<1x1x1x80xi32, #tpu.memory_space<hbm>> -> memref<1x80xi32, #tpu.memory_space<hbm>>
    tpu.wait_dma2 semaphore(%arg16 : memref<!tpu.dma_semaphore, #tpu.memory_space<semaphore_mem>>) src(%dma_wait3A_66 : memref<1x80xi32, #tpu.memory_space<hbm>>) dst(%dma_wait3A_62 : memref<1x80xi32, #tpu.memory_space<vmem>>)
    %dma_start3A_67 = arith.constant 0 : i32
    %dma_start3A_68 = arith.constant 0 : i32
    %dma_start3A_69 = arith.constant 0 : i32
    %dma_start3A_70 = arith.constant 0 : i32
    %dma_start3A_71 = tpu.memref_slice %arg9[%dma_start3A_68, %dma_start3A_69, %dma_start3A_70] : memref<2x1x80xi32, #tpu.memory_space<vmem>> -> memref<1x1x80xi32, #tpu.memory_space<vmem>>
    %dma_start3A_72 = tpu.memref_squeeze %dma_start3A_71 : memref<1x1x80xi32, #tpu.memory_space<vmem>> -> memref<1x80xi32, #tpu.memory_space<vmem>>
    %dma_start3A_73 = arith.constant 0 : i32
    %dma_start3A_74 = arith.constant 0 : i32
    %dma_start3A_75 = tpu.memref_slice %arg5[%add3A, %dma_start3A_67, %dma_start3A_73, %dma_start3A_74] : memref<32x125x1x80xi32, #tpu.memory_space<hbm>> -> memref<1x1x1x80xi32, #tpu.memory_space<hbm>>
    %dma_start3A_76 = tpu.memref_squeeze %dma_start3A_75 : memref<1x1x1x80xi32, #tpu.memory_space<hbm>> -> memref<1x80xi32, #tpu.memory_space<hbm>>
    %dma_start3A_77 = arith.constant 0 : i32
    %dma_start3A_78 = arith.constant 0 : i32
    %dma_start3A_79 = tpu.memref_slice %arg9[%dma_start3A_68, %dma_start3A_77, %dma_start3A_78] : memref<2x1x80xi32, #tpu.memory_space<vmem>> -> memref<1x1x80xi32, #tpu.memory_space<vmem>>
    %dma_start3A_80 = tpu.memref_squeeze %dma_start3A_79 : memref<1x1x80xi32, #tpu.memory_space<vmem>> -> memref<1x80xi32, #tpu.memory_space<vmem>>
    %dma_start3A_81 = arith.constant 0 : i32
    %dma_start3A_82 = arith.constant 0 : i32
    %dma_start3A_83 = tpu.memref_slice %arg5[%add3A, %dma_start3A_67, %dma_start3A_81, %dma_start3A_82] : memref<32x125x1x80xi32, #tpu.memory_space<hbm>> -> memref<1x1x1x80xi32, #tpu.memory_space<hbm>>
    %dma_start3A_84 = tpu.memref_squeeze %dma_start3A_83 : memref<1x1x1x80xi32, #tpu.memory_space<hbm>> -> memref<1x80xi32, #tpu.memory_space<hbm>>
    tpu.enqueue_dma source(%dma_start3A_84 : memref<1x80xi32, #tpu.memory_space<hbm>>) target(%dma_start3A_80 : memref<1x80xi32, #tpu.memory_space<vmem>>) target_semaphore(%arg18 : memref<!tpu.dma_semaphore, #tpu.memory_space<semaphore_mem>>)
    %mul3A_85 = arith.constant 10000 : i32
    %mul3A_86 = arith.muli %add3A, %mul3A_85 : i32
    %add3A_87 = arith.constant 0 : i32
    %add3A_88 = arith.addi %mul3A_86, %add3A_87 : i32
    %dma_start3A_89 = arith.constant 0 : i32
    %dma_start3A_90 = arith.constant 0 : i32
    %dma_start3A_91 = tpu.memref_slice %arg11[%dma_start3A_89, %dma_start3A_90] : memref<160x128xf32, #tpu.memory_space<vmem>> -> memref<80x128xf32, #tpu.memory_space<vmem>>
    %dma_start3A_92 = arith.constant 0 : i32
    %dma_start3A_93 = tpu.memref_slice %arg3[%add3A_88, %dma_start3A_92] : memref<320000x128xf32, #tpu.memory_space<hbm>> -> memref<80x128xf32, #tpu.memory_space<hbm>>
    %dma_start3A_94 = arith.constant 0 : i32
    %dma_start3A_95 = arith.constant 0 : i32
    %dma_start3A_96 = tpu.memref_slice %arg11[%dma_start3A_94, %dma_start3A_95] : memref<160x128xf32, #tpu.memory_space<vmem>> -> memref<80x128xf32, #tpu.memory_space<vmem>>
    %dma_start3A_97 = arith.constant 0 : i32
    %dma_start3A_98 = tpu.memref_slice %arg3[%add3A_88, %dma_start3A_97] : memref<320000x128xf32, #tpu.memory_space<hbm>> -> memref<80x128xf32, #tpu.memory_space<hbm>>
    tpu.enqueue_dma source(%dma_start3A_98 : memref<80x128xf32, #tpu.memory_space<hbm>>) target(%dma_start3A_96 : memref<80x128xf32, #tpu.memory_space<vmem>>) target_semaphore(%arg14 : memref<!tpu.dma_semaphore, #tpu.memory_space<semaphore_mem>>)
    %dma_start3A_99 = arith.constant 0 : i32
    %dma_start3A_100 = arith.constant 0 : i32
    %dma_start3A_101 = arith.constant 0 : i32
    %dma_start3A_102 = arith.constant 0 : i32
    %dma_start3A_103 = tpu.memref_slice %arg10[%dma_start3A_101, %dma_start3A_102] : memref<160x128xf32, #tpu.memory_space<vmem>> -> memref<80x128xf32, #tpu.memory_space<vmem>>
    %dma_start3A_104 = arith.constant 0 : i32
    %dma_start3A_105 = tpu.memref_slice %arg8[%dma_start3A_99, %dma_start3A_100, %dma_start3A_104] : memref<2x1x80xi32, #tpu.memory_space<vmem>> -> memref<1x1x80xi32, #tpu.memory_space<vmem>>
    %dma_start3A_106 = tpu.memref_squeeze %dma_start3A_105 : memref<1x1x80xi32, #tpu.memory_space<vmem>> -> memref<80xi32, #tpu.memory_space<vmem>>
    %dma_start3A_107 = arith.constant 0 : i32
    %dma_start3A_108 = arith.constant 0 : i32
    %dma_start3A_109 = tpu.memref_slice %arg2[%dma_start3A_107, %dma_start3A_108] : memref<10000x128xf32, #tpu.memory_space<hbm>> -> memref<10000x128xf32, #tpu.memory_space<hbm>>
    tpu.enqueue_indirect_dma source(%dma_start3A_109 : memref<10000x128xf32, #tpu.memory_space<hbm>>) target(%dma_start3A_103 : memref<80x128xf32, #tpu.memory_space<vmem>>) offsets(%dma_start3A_106 : memref<80xi32, #tpu.memory_space<vmem>>) semaphore(%arg12 : memref<!tpu.dma_semaphore, #tpu.memory_space<semaphore_mem>>)
    %scan3A_110 = arith.constant 0 : i32
    %scan3A_111 = arith.constant 62 : i32
    %scan3A_112 = arith.addi %scan3A_110, %scan3A_111 : i32
    %scan3A_113 = arith.constant 1 : i32
    scf.for %scan3A_166 = %scan3A_110 to %scan3A_112 step %scan3A_113  : i32 {
      %mul3A_167 = arith.constant 2 : i32
      %mul3A_168 = arith.muli %mul3A_167, %scan3A_166 : i32
      %add3A_169 = arith.constant 1 : i32
      %add3A_170 = arith.addi %mul3A_168, %add3A_169 : i32
      %dma_wait3A_171 = arith.constant 0 : i32
      %dma_wait3A_172 = arith.constant 1 : i32
      %dma_wait3A_173 = arith.constant 0 : i32
      %dma_wait3A_174 = arith.constant 0 : i32
      %dma_wait3A_175 = tpu.memref_slice %arg8[%dma_wait3A_172, %dma_wait3A_173, %dma_wait3A_174] : memref<2x1x80xi32, #tpu.memory_space<vmem>> -> memref<1x1x80xi32, #tpu.memory_space<vmem>>
      %dma_wait3A_176 = tpu.memref_squeeze %dma_wait3A_175 : memref<1x1x80xi32, #tpu.memory_space<vmem>> -> memref<1x80xi32, #tpu.memory_space<vmem>>
      %dma_wait3A_177 = arith.constant 0 : i32
      %dma_wait3A_178 = arith.constant 0 : i32
      %dma_wait3A_179 = tpu.memref_slice %arg4[%add3A, %dma_wait3A_171, %dma_wait3A_177, %dma_wait3A_178] : memref<32x125x1x80xi32, #tpu.memory_space<hbm>> -> memref<1x1x1x80xi32, #tpu.memory_space<hbm>>
      %dma_wait3A_180 = tpu.memref_squeeze %dma_wait3A_179 : memref<1x1x1x80xi32, #tpu.memory_space<hbm>> -> memref<1x80xi32, #tpu.memory_space<hbm>>
      %dma_wait3A_181 = arith.constant 0 : i32
      %dma_wait3A_182 = arith.constant 0 : i32
      %dma_wait3A_183 = tpu.memref_slice %arg8[%dma_wait3A_172, %dma_wait3A_181, %dma_wait3A_182] : memref<2x1x80xi32, #tpu.memory_space<vmem>> -> memref<1x1x80xi32, #tpu.memory_space<vmem>>
      %dma_wait3A_184 = tpu.memref_squeeze %dma_wait3A_183 : memref<1x1x80xi32, #tpu.memory_space<vmem>> -> memref<1x80xi32, #tpu.memory_space<vmem>>
      %dma_wait3A_185 = arith.constant 0 : i32
      %dma_wait3A_186 = arith.constant 0 : i32
      %dma_wait3A_187 = tpu.memref_slice %arg4[%add3A, %dma_wait3A_171, %dma_wait3A_185, %dma_wait3A_186] : memref<32x125x1x80xi32, #tpu.memory_space<hbm>> -> memref<1x1x1x80xi32, #tpu.memory_space<hbm>>
      %dma_wait3A_188 = tpu.memref_squeeze %dma_wait3A_187 : memref<1x1x1x80xi32, #tpu.memory_space<hbm>> -> memref<1x80xi32, #tpu.memory_space<hbm>>
      tpu.wait_dma2 semaphore(%arg17 : memref<!tpu.dma_semaphore, #tpu.memory_space<semaphore_mem>>) src(%dma_wait3A_188 : memref<1x80xi32, #tpu.memory_space<hbm>>) dst(%dma_wait3A_184 : memref<1x80xi32, #tpu.memory_space<vmem>>)
      %dma_start3A_189 = arith.constant 1 : i32
      %dma_start3A_190 = arith.constant 0 : i32
      %dma_start3A_191 = arith.constant 0 : i32
      %dma_start3A_192 = tpu.memref_slice %arg9[%dma_start3A_189, %dma_start3A_190, %dma_start3A_191] : memref<2x1x80xi32, #tpu.memory_space<vmem>> -> memref<1x1x80xi32, #tpu.memory_space<vmem>>
      %dma_start3A_193 = tpu.memref_squeeze %dma_start3A_192 : memref<1x1x80xi32, #tpu.memory_space<vmem>> -> memref<1x80xi32, #tpu.memory_space<vmem>>
      %dma_start3A_194 = arith.constant 0 : i32
      %dma_start3A_195 = arith.constant 0 : i32
      %dma_start3A_196 = tpu.memref_slice %arg5[%add3A, %add3A_170, %dma_start3A_194, %dma_start3A_195] : memref<32x125x1x80xi32, #tpu.memory_space<hbm>> -> memref<1x1x1x80xi32, #tpu.memory_space<hbm>>
      %dma_start3A_197 = tpu.memref_squeeze %dma_start3A_196 : memref<1x1x1x80xi32, #tpu.memory_space<hbm>> -> memref<1x80xi32, #tpu.memory_space<hbm>>
      %dma_start3A_198 = arith.constant 0 : i32
      %dma_start3A_199 = arith.constant 0 : i32
      %dma_start3A_200 = tpu.memref_slice %arg9[%dma_start3A_189, %dma_start3A_198, %dma_start3A_199] : memref<2x1x80xi32, #tpu.memory_space<vmem>> -> memref<1x1x80xi32, #tpu.memory_space<vmem>>
      %dma_start3A_201 = tpu.memref_squeeze %dma_start3A_200 : memref<1x1x80xi32, #tpu.memory_space<vmem>> -> memref<1x80xi32, #tpu.memory_space<vmem>>
      %dma_start3A_202 = arith.constant 0 : i32
      %dma_start3A_203 = arith.constant 0 : i32
      %dma_start3A_204 = tpu.memref_slice %arg5[%add3A, %add3A_170, %dma_start3A_202, %dma_start3A_203] : memref<32x125x1x80xi32, #tpu.memory_space<hbm>> -> memref<1x1x1x80xi32, #tpu.memory_space<hbm>>
      %dma_start3A_205 = tpu.memref_squeeze %dma_start3A_204 : memref<1x1x1x80xi32, #tpu.memory_space<hbm>> -> memref<1x80xi32, #tpu.memory_space<hbm>>
      tpu.enqueue_dma source(%dma_start3A_205 : memref<1x80xi32, #tpu.memory_space<hbm>>) target(%dma_start3A_201 : memref<1x80xi32, #tpu.memory_space<vmem>>) target_semaphore(%arg19 : memref<!tpu.dma_semaphore, #tpu.memory_space<semaphore_mem>>)
      %mul3A_206 = arith.constant 10000 : i32
      %mul3A_207 = arith.muli %add3A, %mul3A_206 : i32
      %mul3A_208 = arith.constant 80 : i32
      %mul3A_209 = arith.muli %add3A_170, %mul3A_208 : i32
      %add3A_210 = arith.addi %mul3A_207, %mul3A_209 : i32
      %dma_start3A_211 = arith.constant 80 : i32
      %dma_start3A_212 = arith.constant 0 : i32
      %dma_start3A_213 = tpu.memref_slice %arg11[%dma_start3A_211, %dma_start3A_212] : memref<160x128xf32, #tpu.memory_space<vmem>> -> memref<80x128xf32, #tpu.memory_space<vmem>>
      %dma_start3A_214 = arith.constant 0 : i32
      %dma_start3A_215 = tpu.memref_slice %arg3[%add3A_210, %dma_start3A_214] : memref<320000x128xf32, #tpu.memory_space<hbm>> -> memref<80x128xf32, #tpu.memory_space<hbm>>
      %dma_start3A_216 = arith.constant 80 : i32
      %dma_start3A_217 = arith.constant 0 : i32
      %dma_start3A_218 = tpu.memref_slice %arg11[%dma_start3A_216, %dma_start3A_217] : memref<160x128xf32, #tpu.memory_space<vmem>> -> memref<80x128xf32, #tpu.memory_space<vmem>>
      %dma_start3A_219 = arith.constant 0 : i32
      %dma_start3A_220 = tpu.memref_slice %arg3[%add3A_210, %dma_start3A_219] : memref<320000x128xf32, #tpu.memory_space<hbm>> -> memref<80x128xf32, #tpu.memory_space<hbm>>
      tpu.enqueue_dma source(%dma_start3A_220 : memref<80x128xf32, #tpu.memory_space<hbm>>) target(%dma_start3A_218 : memref<80x128xf32, #tpu.memory_space<vmem>>) target_semaphore(%arg15 : memref<!tpu.dma_semaphore, #tpu.memory_space<semaphore_mem>>)
      %dma_start3A_221 = arith.constant 1 : i32
      %dma_start3A_222 = arith.constant 0 : i32
      %dma_start3A_223 = arith.constant 80 : i32
      %dma_start3A_224 = arith.constant 0 : i32
      %dma_start3A_225 = tpu.memref_slice %arg10[%dma_start3A_223, %dma_start3A_224] : memref<160x128xf32, #tpu.memory_space<vmem>> -> memref<80x128xf32, #tpu.memory_space<vmem>>
      %dma_start3A_226 = arith.constant 0 : i32
      %dma_start3A_227 = tpu.memref_slice %arg8[%dma_start3A_221, %dma_start3A_222, %dma_start3A_226] : memref<2x1x80xi32, #tpu.memory_space<vmem>> -> memref<1x1x80xi32, #tpu.memory_space<vmem>>
      %dma_start3A_228 = tpu.memref_squeeze %dma_start3A_227 : memref<1x1x80xi32, #tpu.memory_space<vmem>> -> memref<80xi32, #tpu.memory_space<vmem>>
      %dma_start3A_229 = arith.constant 0 : i32
      %dma_start3A_230 = arith.constant 0 : i32
      %dma_start3A_231 = tpu.memref_slice %arg2[%dma_start3A_229, %dma_start3A_230] : memref<10000x128xf32, #tpu.memory_space<hbm>> -> memref<10000x128xf32, #tpu.memory_space<hbm>>
      tpu.enqueue_indirect_dma source(%dma_start3A_231 : memref<10000x128xf32, #tpu.memory_space<hbm>>) target(%dma_start3A_225 : memref<80x128xf32, #tpu.memory_space<vmem>>) offsets(%dma_start3A_228 : memref<80xi32, #tpu.memory_space<vmem>>) semaphore(%arg13 : memref<!tpu.dma_semaphore, #tpu.memory_space<semaphore_mem>>)
      %add3A_232 = arith.constant 2 : i32
      %add3A_233 = arith.addi %mul3A_168, %add3A_232 : i32
      %dma_wait3A_234 = arith.constant 0 : i32
      %dma_wait3A_235 = arith.constant 0 : i32
      %dma_wait3A_236 = tpu.memref_slice %arg11[%dma_wait3A_234, %dma_wait3A_235] : memref<160x128xf32, #tpu.memory_space<vmem>> -> memref<80x128xf32, #tpu.memory_space<vmem>>
      %dma_wait3A_237 = arith.constant 0 : i32
      %dma_wait3A_238 = arith.constant 0 : i32
      %dma_wait3A_239 = tpu.memref_slice %arg3[%dma_wait3A_237, %dma_wait3A_238] : memref<320000x128xf32, #tpu.memory_space<hbm>> -> memref<80x128xf32, #tpu.memory_space<hbm>>
      %dma_wait3A_240 = arith.constant 0 : i32
      %dma_wait3A_241 = arith.constant 0 : i32
      %dma_wait3A_242 = tpu.memref_slice %arg11[%dma_wait3A_240, %dma_wait3A_241] : memref<160x128xf32, #tpu.memory_space<vmem>> -> memref<80x128xf32, #tpu.memory_space<vmem>>
      %dma_wait3A_243 = arith.constant 0 : i32
      %dma_wait3A_244 = arith.constant 0 : i32
      %dma_wait3A_245 = tpu.memref_slice %arg3[%dma_wait3A_243, %dma_wait3A_244] : memref<320000x128xf32, #tpu.memory_space<hbm>> -> memref<80x128xf32, #tpu.memory_space<hbm>>
      tpu.wait_dma2 semaphore(%arg14 : memref<!tpu.dma_semaphore, #tpu.memory_space<semaphore_mem>>) src(%dma_wait3A_245 : memref<80x128xf32, #tpu.memory_space<hbm>>) dst(%dma_wait3A_242 : memref<80x128xf32, #tpu.memory_space<vmem>>)
      %dma_wait3A_246 = arith.constant 0 : i32
      %dma_wait3A_247 = arith.constant 0 : i32
      %dma_wait3A_248 = tpu.memref_slice %arg10[%dma_wait3A_246, %dma_wait3A_247] : memref<160x128xf32, #tpu.memory_space<vmem>> -> memref<80x128xf32, #tpu.memory_space<vmem>>
      %dma_wait3A_249 = arith.constant 0 : i32
      %dma_wait3A_250 = arith.constant 0 : i32
      %dma_wait3A_251 = tpu.memref_slice %arg2[%dma_wait3A_249, %dma_wait3A_250] : memref<10000x128xf32, #tpu.memory_space<hbm>> -> memref<80x128xf32, #tpu.memory_space<hbm>>
      %dma_wait3A_252 = arith.constant 0 : i32
      %dma_wait3A_253 = arith.constant 0 : i32
      %dma_wait3A_254 = tpu.memref_slice %arg10[%dma_wait3A_252, %dma_wait3A_253] : memref<160x128xf32, #tpu.memory_space<vmem>> -> memref<80x128xf32, #tpu.memory_space<vmem>>
      %dma_wait3A_255 = arith.constant 0 : i32
      %dma_wait3A_256 = arith.constant 0 : i32
      %dma_wait3A_257 = tpu.memref_slice %arg2[%dma_wait3A_255, %dma_wait3A_256] : memref<10000x128xf32, #tpu.memory_space<hbm>> -> memref<80x128xf32, #tpu.memory_space<hbm>>
      tpu.wait_dma2 semaphore(%arg12 : memref<!tpu.dma_semaphore, #tpu.memory_space<semaphore_mem>>) src(%dma_wait3A_257 : memref<80x128xf32, #tpu.memory_space<hbm>>) dst(%dma_wait3A_254 : memref<80x128xf32, #tpu.memory_space<vmem>>)
      %dma_start3A_258 = arith.constant 0 : i32
      %dma_start3A_259 = arith.constant 0 : i32
      %dma_start3A_260 = arith.constant 0 : i32
      %dma_start3A_261 = tpu.memref_slice %arg8[%dma_start3A_258, %dma_start3A_259, %dma_start3A_260] : memref<2x1x80xi32, #tpu.memory_space<vmem>> -> memref<1x1x80xi32, #tpu.memory_space<vmem>>
      %dma_start3A_262 = tpu.memref_squeeze %dma_start3A_261 : memref<1x1x80xi32, #tpu.memory_space<vmem>> -> memref<1x80xi32, #tpu.memory_space<vmem>>
      %dma_start3A_263 = arith.constant 0 : i32
      %dma_start3A_264 = arith.constant 0 : i32
      %dma_start3A_265 = tpu.memref_slice %arg4[%add3A, %add3A_233, %dma_start3A_263, %dma_start3A_264] : memref<32x125x1x80xi32, #tpu.memory_space<hbm>> -> memref<1x1x1x80xi32, #tpu.memory_space<hbm>>
      %dma_start3A_266 = tpu.memref_squeeze %dma_start3A_265 : memref<1x1x1x80xi32, #tpu.memory_space<hbm>> -> memref<1x80xi32, #tpu.memory_space<hbm>>
      %dma_start3A_267 = arith.constant 0 : i32
      %dma_start3A_268 = arith.constant 0 : i32
      %dma_start3A_269 = tpu.memref_slice %arg8[%dma_start3A_258, %dma_start3A_267, %dma_start3A_268] : memref<2x1x80xi32, #tpu.memory_space<vmem>> -> memref<1x1x80xi32, #tpu.memory_space<vmem>>
      %dma_start3A_270 = tpu.memref_squeeze %dma_start3A_269 : memref<1x1x80xi32, #tpu.memory_space<vmem>> -> memref<1x80xi32, #tpu.memory_space<vmem>>
      %dma_start3A_271 = arith.constant 0 : i32
      %dma_start3A_272 = arith.constant 0 : i32
      %dma_start3A_273 = tpu.memref_slice %arg4[%add3A, %add3A_233, %dma_start3A_271, %dma_start3A_272] : memref<32x125x1x80xi32, #tpu.memory_space<hbm>> -> memref<1x1x1x80xi32, #tpu.memory_space<hbm>>
      %dma_start3A_274 = tpu.memref_squeeze %dma_start3A_273 : memref<1x1x1x80xi32, #tpu.memory_space<hbm>> -> memref<1x80xi32, #tpu.memory_space<hbm>>
      tpu.enqueue_dma source(%dma_start3A_274 : memref<1x80xi32, #tpu.memory_space<hbm>>) target(%dma_start3A_270 : memref<1x80xi32, #tpu.memory_space<vmem>>) target_semaphore(%arg16 : memref<!tpu.dma_semaphore, #tpu.memory_space<semaphore_mem>>)
      %scan3A_275 = arith.constant 0 : i32
      %scan3A_276 = arith.constant 80 : i32
      %scan3A_277 = arith.addi %scan3A_275, %scan3A_276 : i32
      %scan3A_278 = arith.constant 1 : i32
      scf.for %scan3A_418 = %scan3A_275 to %scan3A_277 step %scan3A_278  : i32 {
        %add3A_419 = arith.constant 0 : i32
        %add3A_420 = arith.addi %add3A_419, %scan3A_418 : i32
        %get3A = arith.index_cast %add3A_420 : i32 to index
        %get3A_421 = arith.constant 0 : index
        %get3A_422 = tpu.vector_load %arg10[%get3A, %get3A_421] {strides = array<i32>} : memref<160x128xf32, #tpu.memory_space<vmem>>, vector<1x16xf32>,
        %get3A_423 = vector.shape_cast %get3A_422 : vector<1x16xf32> to vector<16xf32>
        %get3A_424 = arith.index_cast %add3A_420 : i32 to index
        %get3A_425 = arith.constant 0 : index
        %get3A_426 = tpu.vector_load %arg11[%get3A_424, %get3A_425] {strides = array<i32>} : memref<160x128xf32, #tpu.memory_space<vmem>>, vector<1x16xf32>,
        %get3A_427 = vector.shape_cast %get3A_426 : vector<1x16xf32> to vector<16xf32>
        %add3A_428 = arith.addf %get3A_423, %get3A_427 : vector<16xf32>
        %max3A = arith.constant 0.000000e+00 : f32
        %max3A_429 = vector.broadcast %max3A : f32 to vector<16xf32>
        %max3A_430 = arith.maximumf %add3A_428, %max3A_429 : vector<16xf32>
        %swap3A = arith.index_cast %add3A_420 : i32 to index
        %swap3A_431 = arith.constant 0 : index
        %swap3A_432 = tpu.vector_load %arg10[%swap3A, %swap3A_431] {strides = array<i32>} : memref<160x128xf32, #tpu.memory_space<vmem>>, vector<1x16xf32>,
        %swap3A_433 = vector.shape_cast %swap3A_432 : vector<1x16xf32> to vector<16xf32>
        %swap3A_434 = vector.shape_cast %max3A_430 : vector<16xf32> to vector<1x16xf32>
        tpu.vector_store %arg10[%swap3A, %swap3A_431], %swap3A_434 {strides = array<i32>} : memref<160x128xf32, #tpu.memory_space<vmem>>, vector<1x16xf32>,
        %get3A_435 = arith.index_cast %add3A_420 : i32 to index
        %get3A_436 = arith.constant 16 : index
        %get3A_437 = tpu.vector_load %arg10[%get3A_435, %get3A_436] {strides = array<i32>} : memref<160x128xf32, #tpu.memory_space<vmem>>, vector<1x16xf32>,
        %get3A_438 = vector.shape_cast %get3A_437 : vector<1x16xf32> to vector<16xf32>
        %get3A_439 = arith.index_cast %add3A_420 : i32 to index
        %get3A_440 = arith.constant 16 : index
        %get3A_441 = tpu.vector_load %arg11[%get3A_439, %get3A_440] {strides = array<i32>} : memref<160x128xf32, #tpu.memory_space<vmem>>, vector<1x16xf32>,
        %get3A_442 = vector.shape_cast %get3A_441 : vector<1x16xf32> to vector<16xf32>
        %add3A_443 = arith.addf %get3A_438, %get3A_442 : vector<16xf32>
        %max3A_444 = arith.constant 0.000000e+00 : f32
        %max3A_445 = vector.broadcast %max3A_444 : f32 to vector<16xf32>
        %max3A_446 = arith.maximumf %add3A_443, %max3A_445 : vector<16xf32>
        %swap3A_447 = arith.index_cast %add3A_420 : i32 to index
        %swap3A_448 = arith.constant 16 : index
        %swap3A_449 = tpu.vector_load %arg10[%swap3A_447, %swap3A_448] {strides = array<i32>} : memref<160x128xf32, #tpu.memory_space<vmem>>, vector<1x16xf32>,
        %swap3A_450 = vector.shape_cast %swap3A_449 : vector<1x16xf32> to vector<16xf32>
        %swap3A_451 = vector.shape_cast %max3A_446 : vector<16xf32> to vector<1x16xf32>
        tpu.vector_store %arg10[%swap3A_447, %swap3A_448], %swap3A_451 {strides = array<i32>} : memref<160x128xf32, #tpu.memory_space<vmem>>, vector<1x16xf32>,
        %get3A_452 = arith.index_cast %add3A_420 : i32 to index
        %get3A_453 = arith.constant 32 : index
        %get3A_454 = tpu.vector_load %arg10[%get3A_452, %get3A_453] {strides = array<i32>} : memref<160x128xf32, #tpu.memory_space<vmem>>, vector<1x16xf32>,
        %get3A_455 = vector.shape_cast %get3A_454 : vector<1x16xf32> to vector<16xf32>
        %get3A_456 = arith.index_cast %add3A_420 : i32 to index
        %get3A_457 = arith.constant 32 : index
        %get3A_458 = tpu.vector_load %arg11[%get3A_456, %get3A_457] {strides = array<i32>} : memref<160x128xf32, #tpu.memory_space<vmem>>, vector<1x16xf32>,
        %get3A_459 = vector.shape_cast %get3A_458 : vector<1x16xf32> to vector<16xf32>
        %add3A_460 = arith.addf %get3A_455, %get3A_459 : vector<16xf32>
        %max3A_461 = arith.constant 0.000000e+00 : f32
        %max3A_462 = vector.broadcast %max3A_461 : f32 to vector<16xf32>
        %max3A_463 = arith.maximumf %add3A_460, %max3A_462 : vector<16xf32>
        %swap3A_464 = arith.index_cast %add3A_420 : i32 to index
        %swap3A_465 = arith.constant 32 : index
        %swap3A_466 = tpu.vector_load %arg10[%swap3A_464, %swap3A_465] {strides = array<i32>} : memref<160x128xf32, #tpu.memory_space<vmem>>, vector<1x16xf32>,
        %swap3A_467 = vector.shape_cast %swap3A_466 : vector<1x16xf32> to vector<16xf32>
        %swap3A_468 = vector.shape_cast %max3A_463 : vector<16xf32> to vector<1x16xf32>
        tpu.vector_store %arg10[%swap3A_464, %swap3A_465], %swap3A_468 {strides = array<i32>} : memref<160x128xf32, #tpu.memory_space<vmem>>, vector<1x16xf32>,
        %get3A_469 = arith.index_cast %add3A_420 : i32 to index
        %get3A_470 = arith.constant 48 : index
        %get3A_471 = tpu.vector_load %arg10[%get3A_469, %get3A_470] {strides = array<i32>} : memref<160x128xf32, #tpu.memory_space<vmem>>, vector<1x16xf32>,
        %get3A_472 = vector.shape_cast %get3A_471 : vector<1x16xf32> to vector<16xf32>
        %get3A_473 = arith.index_cast %add3A_420 : i32 to index
        %get3A_474 = arith.constant 48 : index
        %get3A_475 = tpu.vector_load %arg11[%get3A_473, %get3A_474] {strides = array<i32>} : memref<160x128xf32, #tpu.memory_space<vmem>>, vector<1x16xf32>,
        %get3A_476 = vector.shape_cast %get3A_475 : vector<1x16xf32> to vector<16xf32>
        %add3A_477 = arith.addf %get3A_472, %get3A_476 : vector<16xf32>
        %max3A_478 = arith.constant 0.000000e+00 : f32
        %max3A_479 = vector.broadcast %max3A_478 : f32 to vector<16xf32>
        %max3A_480 = arith.maximumf %add3A_477, %max3A_479 : vector<16xf32>
        %swap3A_481 = arith.index_cast %add3A_420 : i32 to index
        %swap3A_482 = arith.constant 48 : index
        %swap3A_483 = tpu.vector_load %arg10[%swap3A_481, %swap3A_482] {strides = array<i32>} : memref<160x128xf32, #tpu.memory_space<vmem>>, vector<1x16xf32>,
        %swap3A_484 = vector.shape_cast %swap3A_483 : vector<1x16xf32> to vector<16xf32>
        %swap3A_485 = vector.shape_cast %max3A_480 : vector<16xf32> to vector<1x16xf32>
        tpu.vector_store %arg10[%swap3A_481, %swap3A_482], %swap3A_485 {strides = array<i32>} : memref<160x128xf32, #tpu.memory_space<vmem>>, vector<1x16xf32>,
        %get3A_486 = arith.index_cast %add3A_420 : i32 to index
        %get3A_487 = arith.constant 64 : index
        %get3A_488 = tpu.vector_load %arg10[%get3A_486, %get3A_487] {strides = array<i32>} : memref<160x128xf32, #tpu.memory_space<vmem>>, vector<1x16xf32>,
        %get3A_489 = vector.shape_cast %get3A_488 : vector<1x16xf32> to vector<16xf32>
        %get3A_490 = arith.index_cast %add3A_420 : i32 to index
        %get3A_491 = arith.constant 64 : index
        %get3A_492 = tpu.vector_load %arg11[%get3A_490, %get3A_491] {strides = array<i32>} : memref<160x128xf32, #tpu.memory_space<vmem>>, vector<1x16xf32>,
        %get3A_493 = vector.shape_cast %get3A_492 : vector<1x16xf32> to vector<16xf32>
        %add3A_494 = arith.addf %get3A_489, %get3A_493 : vector<16xf32>
        %max3A_495 = arith.constant 0.000000e+00 : f32
        %max3A_496 = vector.broadcast %max3A_495 : f32 to vector<16xf32>
        %max3A_497 = arith.maximumf %add3A_494, %max3A_496 : vector<16xf32>
        %swap3A_498 = arith.index_cast %add3A_420 : i32 to index
        %swap3A_499 = arith.constant 64 : index
        %swap3A_500 = tpu.vector_load %arg10[%swap3A_498, %swap3A_499] {strides = array<i32>} : memref<160x128xf32, #tpu.memory_space<vmem>>, vector<1x16xf32>,
        %swap3A_501 = vector.shape_cast %swap3A_500 : vector<1x16xf32> to vector<16xf32>
        %swap3A_502 = vector.shape_cast %max3A_497 : vector<16xf32> to vector<1x16xf32>
        tpu.vector_store %arg10[%swap3A_498, %swap3A_499], %swap3A_502 {strides = array<i32>} : memref<160x128xf32, #tpu.memory_space<vmem>>, vector<1x16xf32>,
        %get3A_503 = arith.index_cast %add3A_420 : i32 to index
        %get3A_504 = arith.constant 80 : index
        %get3A_505 = tpu.vector_load %arg10[%get3A_503, %get3A_504] {strides = array<i32>} : memref<160x128xf32, #tpu.memory_space<vmem>>, vector<1x16xf32>,
        %get3A_506 = vector.shape_cast %get3A_505 : vector<1x16xf32> to vector<16xf32>
        %get3A_507 = arith.index_cast %add3A_420 : i32 to index
        %get3A_508 = arith.constant 80 : index
        %get3A_509 = tpu.vector_load %arg11[%get3A_507, %get3A_508] {strides = array<i32>} : memref<160x128xf32, #tpu.memory_space<vmem>>, vector<1x16xf32>,
        %get3A_510 = vector.shape_cast %get3A_509 : vector<1x16xf32> to vector<16xf32>
        %add3A_511 = arith.addf %get3A_506, %get3A_510 : vector<16xf32>
        %max3A_512 = arith.constant 0.000000e+00 : f32
        %max3A_513 = vector.broadcast %max3A_512 : f32 to vector<16xf32>
        %max3A_514 = arith.maximumf %add3A_511, %max3A_513 : vector<16xf32>
        %swap3A_515 = arith.index_cast %add3A_420 : i32 to index
        %swap3A_516 = arith.constant 80 : index
        %swap3A_517 = tpu.vector_load %arg10[%swap3A_515, %swap3A_516] {strides = array<i32>} : memref<160x128xf32, #tpu.memory_space<vmem>>, vector<1x16xf32>,
        %swap3A_518 = vector.shape_cast %swap3A_517 : vector<1x16xf32> to vector<16xf32>
        %swap3A_519 = vector.shape_cast %max3A_514 : vector<16xf32> to vector<1x16xf32>
        tpu.vector_store %arg10[%swap3A_515, %swap3A_516], %swap3A_519 {strides = array<i32>} : memref<160x128xf32, #tpu.memory_space<vmem>>, vector<1x16xf32>,
        %get3A_520 = arith.index_cast %add3A_420 : i32 to index
        %get3A_521 = arith.constant 96 : index
        %get3A_522 = tpu.vector_load %arg10[%get3A_520, %get3A_521] {strides = array<i32>} : memref<160x128xf32, #tpu.memory_space<vmem>>, vector<1x16xf32>,
        %get3A_523 = vector.shape_cast %get3A_522 : vector<1x16xf32> to vector<16xf32>
        %get3A_524 = arith.index_cast %add3A_420 : i32 to index
        %get3A_525 = arith.constant 96 : index
        %get3A_526 = tpu.vector_load %arg11[%get3A_524, %get3A_525] {strides = array<i32>} : memref<160x128xf32, #tpu.memory_space<vmem>>, vector<1x16xf32>,
        %get3A_527 = vector.shape_cast %get3A_526 : vector<1x16xf32> to vector<16xf32>
        %add3A_528 = arith.addf %get3A_523, %get3A_527 : vector<16xf32>
        %max3A_529 = arith.constant 0.000000e+00 : f32
        %max3A_530 = vector.broadcast %max3A_529 : f32 to vector<16xf32>
        %max3A_531 = arith.maximumf %add3A_528, %max3A_530 : vector<16xf32>
        %swap3A_532 = arith.index_cast %add3A_420 : i32 to index
        %swap3A_533 = arith.constant 96 : index
        %swap3A_534 = tpu.vector_load %arg10[%swap3A_532, %swap3A_533] {strides = array<i32>} : memref<160x128xf32, #tpu.memory_space<vmem>>, vector<1x16xf32>,
        %swap3A_535 = vector.shape_cast %swap3A_534 : vector<1x16xf32> to vector<16xf32>
        %swap3A_536 = vector.shape_cast %max3A_531 : vector<16xf32> to vector<1x16xf32>
        tpu.vector_store %arg10[%swap3A_532, %swap3A_533], %swap3A_536 {strides = array<i32>} : memref<160x128xf32, #tpu.memory_space<vmem>>, vector<1x16xf32>,
        %get3A_537 = arith.index_cast %add3A_420 : i32 to index
        %get3A_538 = arith.constant 112 : index
        %get3A_539 = tpu.vector_load %arg10[%get3A_537, %get3A_538] {strides = array<i32>} : memref<160x128xf32, #tpu.memory_space<vmem>>, vector<1x16xf32>,
        %get3A_540 = vector.shape_cast %get3A_539 : vector<1x16xf32> to vector<16xf32>
        %get3A_541 = arith.index_cast %add3A_420 : i32 to index
        %get3A_542 = arith.constant 112 : index
        %get3A_543 = tpu.vector_load %arg11[%get3A_541, %get3A_542] {strides = array<i32>} : memref<160x128xf32, #tpu.memory_space<vmem>>, vector<1x16xf32>,
        %get3A_544 = vector.shape_cast %get3A_543 : vector<1x16xf32> to vector<16xf32>
        %add3A_545 = arith.addf %get3A_540, %get3A_544 : vector<16xf32>
        %max3A_546 = arith.constant 0.000000e+00 : f32
        %max3A_547 = vector.broadcast %max3A_546 : f32 to vector<16xf32>
        %max3A_548 = arith.maximumf %add3A_545, %max3A_547 : vector<16xf32>
        %swap3A_549 = arith.index_cast %add3A_420 : i32 to index
        %swap3A_550 = arith.constant 112 : index
        %swap3A_551 = tpu.vector_load %arg10[%swap3A_549, %swap3A_550] {strides = array<i32>} : memref<160x128xf32, #tpu.memory_space<vmem>>, vector<1x16xf32>,
        %swap3A_552 = vector.shape_cast %swap3A_551 : vector<1x16xf32> to vector<16xf32>
        %swap3A_553 = vector.shape_cast %max3A_548 : vector<16xf32> to vector<1x16xf32>
        tpu.vector_store %arg10[%swap3A_549, %swap3A_550], %swap3A_553 {strides = array<i32>} : memref<160x128xf32, #tpu.memory_space<vmem>>, vector<1x16xf32>,
      }
      %scan3A_279 = arith.constant 80 : i32
      %dma_wait3A_280 = arith.constant 0 : i32
      %dma_wait3A_281 = arith.constant 0 : i32
      %dma_wait3A_282 = arith.constant 0 : i32
      %dma_wait3A_283 = arith.constant 0 : i32
      %dma_wait3A_284 = tpu.memref_slice %arg9[%dma_wait3A_281, %dma_wait3A_282, %dma_wait3A_283] : memref<2x1x80xi32, #tpu.memory_space<vmem>> -> memref<1x1x80xi32, #tpu.memory_space<vmem>>
      %dma_wait3A_285 = tpu.memref_squeeze %dma_wait3A_284 : memref<1x1x80xi32, #tpu.memory_space<vmem>> -> memref<1x80xi32, #tpu.memory_space<vmem>>
      %dma_wait3A_286 = arith.constant 0 : i32
      %dma_wait3A_287 = arith.constant 0 : i32
      %dma_wait3A_288 = tpu.memref_slice %arg5[%add3A, %dma_wait3A_280, %dma_wait3A_286, %dma_wait3A_287] : memref<32x125x1x80xi32, #tpu.memory_space<hbm>> -> memref<1x1x1x80xi32, #tpu.memory_space<hbm>>
      %dma_wait3A_289 = tpu.memref_squeeze %dma_wait3A_288 : memref<1x1x1x80xi32, #tpu.memory_space<hbm>> -> memref<1x80xi32, #tpu.memory_space<hbm>>
      %dma_wait3A_290 = arith.constant 0 : i32
      %dma_wait3A_291 = arith.constant 0 : i32
      %dma_wait3A_292 = tpu.memref_slice %arg9[%dma_wait3A_281, %dma_wait3A_290, %dma_wait3A_291] : memref<2x1x80xi32, #tpu.memory_space<vmem>> -> memref<1x1x80xi32, #tpu.memory_space<vmem>>
      %dma_wait3A_293 = tpu.memref_squeeze %dma_wait3A_292 : memref<1x1x80xi32, #tpu.memory_space<vmem>> -> memref<1x80xi32, #tpu.memory_space<vmem>>
      %dma_wait3A_294 = arith.constant 0 : i32
      %dma_wait3A_295 = arith.constant 0 : i32
      %dma_wait3A_296 = tpu.memref_slice %arg5[%add3A, %dma_wait3A_280, %dma_wait3A_294, %dma_wait3A_295] : memref<32x125x1x80xi32, #tpu.memory_space<hbm>> -> memref<1x1x1x80xi32, #tpu.memory_space<hbm>>
      %dma_wait3A_297 = tpu.memref_squeeze %dma_wait3A_296 : memref<1x1x1x80xi32, #tpu.memory_space<hbm>> -> memref<1x80xi32, #tpu.memory_space<hbm>>
      tpu.wait_dma2 semaphore(%arg18 : memref<!tpu.dma_semaphore, #tpu.memory_space<semaphore_mem>>) src(%dma_wait3A_297 : memref<1x80xi32, #tpu.memory_space<hbm>>) dst(%dma_wait3A_293 : memref<1x80xi32, #tpu.memory_space<vmem>>)
      %run_scoped3A_298 = arith.constant 0 : i32
      %run_scoped3A_299 = arith.constant 0 : i32
      "tpu.region"() ({
        %run_scoped3A_418 = tpu.sem_alloc : memref<!tpu.dma_semaphore, #tpu.memory_space<semaphore_mem>>
        %dma_start3A_419 = arith.constant 0 : i32
        %dma_start3A_420 = arith.constant 0 : i32
        %dma_start3A_421 = tpu.memref_slice %arg10[%dma_start3A_419, %dma_start3A_420] : memref<160x128xf32, #tpu.memory_space<vmem>> -> memref<80x128xf32, #tpu.memory_space<vmem>>
        %dma_start3A_422 = arith.constant 0 : i32
        %dma_start3A_423 = tpu.memref_slice %arg9[%run_scoped3A_298, %run_scoped3A_299, %dma_start3A_422] : memref<2x1x80xi32, #tpu.memory_space<vmem>> -> memref<1x1x80xi32, #tpu.memory_space<vmem>>
        %dma_start3A_424 = tpu.memref_squeeze %dma_start3A_423 : memref<1x1x80xi32, #tpu.memory_space<vmem>> -> memref<80xi32, #tpu.memory_space<vmem>>
        %dma_start3A_425 = arith.constant 0 : i32
        %dma_start3A_426 = arith.constant 0 : i32
        %dma_start3A_427 = tpu.memref_slice %arg7[%dma_start3A_425, %dma_start3A_426] : memref<10000x128xf32, #tpu.memory_space<vmem_shared>> -> memref<10000x128xf32, #tpu.memory_space<vmem_shared>>
        tpu.enqueue_indirect_dma source(%dma_start3A_421 : memref<80x128xf32, #tpu.memory_space<vmem>>) target(%dma_start3A_427 : memref<10000x128xf32, #tpu.memory_space<vmem_shared>>) offsets(%dma_start3A_424 : memref<80xi32, #tpu.memory_space<vmem>>) semaphore(%run_scoped3A_418 : memref<!tpu.dma_semaphore, #tpu.memory_space<semaphore_mem>>) {add = true}
        %dma_wait3A_428 = arith.constant 0 : i32
        %dma_wait3A_429 = arith.constant 0 : i32
        %dma_wait3A_430 = tpu.memref_slice %arg10[%dma_wait3A_428, %dma_wait3A_429] : memref<160x128xf32, #tpu.memory_space<vmem>> -> memref<80x128xf32, #tpu.memory_space<vmem>>
        %dma_wait3A_431 = arith.constant 0 : i32
        %dma_wait3A_432 = tpu.memref_slice %arg9[%run_scoped3A_298, %run_scoped3A_299, %dma_wait3A_431] : memref<2x1x80xi32, #tpu.memory_space<vmem>> -> memref<1x1x80xi32, #tpu.memory_space<vmem>>
        %dma_wait3A_433 = tpu.memref_squeeze %dma_wait3A_432 : memref<1x1x80xi32, #tpu.memory_space<vmem>> -> memref<80xi32, #tpu.memory_space<vmem>>
        %dma_wait3A_434 = arith.constant 0 : i32
        %dma_wait3A_435 = arith.constant 0 : i32
        %dma_wait3A_436 = tpu.memref_slice %arg7[%dma_wait3A_434, %dma_wait3A_435] : memref<10000x128xf32, #tpu.memory_space<vmem_shared>> -> memref<10000x128xf32, #tpu.memory_space<vmem_shared>>
        tpu.wait_indirect_dma semaphore(%run_scoped3A_418 : memref<!tpu.dma_semaphore, #tpu.memory_space<semaphore_mem>>) src(%dma_wait3A_430 : memref<80x128xf32, #tpu.memory_space<vmem>>) dst(%dma_wait3A_436 : memref<10000x128xf32, #tpu.memory_space<vmem_shared>>)
        tpu.yield
      }) : () -> ()
      %add3A_300 = arith.constant 2 : i32
      %add3A_301 = arith.addi %mul3A_168, %add3A_300 : i32
      %dma_wait3A_302 = arith.constant 0 : i32
      %dma_wait3A_303 = arith.constant 0 : i32
      %dma_wait3A_304 = arith.constant 0 : i32
      %dma_wait3A_305 = arith.constant 0 : i32
      %dma_wait3A_306 = tpu.memref_slice %arg8[%dma_wait3A_303, %dma_wait3A_304, %dma_wait3A_305] : memref<2x1x80xi32, #tpu.memory_space<vmem>> -> memref<1x1x80xi32, #tpu.memory_space<vmem>>
      %dma_wait3A_307 = tpu.memref_squeeze %dma_wait3A_306 : memref<1x1x80xi32, #tpu.memory_space<vmem>> -> memref<1x80xi32, #tpu.memory_space<vmem>>
      %dma_wait3A_308 = arith.constant 0 : i32
      %dma_wait3A_309 = arith.constant 0 : i32
      %dma_wait3A_310 = tpu.memref_slice %arg4[%add3A, %dma_wait3A_302, %dma_wait3A_308, %dma_wait3A_309] : memref<32x125x1x80xi32, #tpu.memory_space<hbm>> -> memref<1x1x1x80xi32, #tpu.memory_space<hbm>>
      %dma_wait3A_311 = tpu.memref_squeeze %dma_wait3A_310 : memref<1x1x1x80xi32, #tpu.memory_space<hbm>> -> memref<1x80xi32, #tpu.memory_space<hbm>>
      %dma_wait3A_312 = arith.constant 0 : i32
      %dma_wait3A_313 = arith.constant 0 : i32
      %dma_wait3A_314 = tpu.memref_slice %arg8[%dma_wait3A_303, %dma_wait3A_312, %dma_wait3A_313] : memref<2x1x80xi32, #tpu.memory_space<vmem>> -> memref<1x1x80xi32, #tpu.memory_space<vmem>>
      %dma_wait3A_315 = tpu.memref_squeeze %dma_wait3A_314 : memref<1x1x80xi32, #tpu.memory_space<vmem>> -> memref<1x80xi32, #tpu.memory_space<vmem>>
      %dma_wait3A_316 = arith.constant 0 : i32
      %dma_wait3A_317 = arith.constant 0 : i32
      %dma_wait3A_318 = tpu.memref_slice %arg4[%add3A, %dma_wait3A_302, %dma_wait3A_316, %dma_wait3A_317] : memref<32x125x1x80xi32, #tpu.memory_space<hbm>> -> memref<1x1x1x80xi32, #tpu.memory_space<hbm>>
      %dma_wait3A_319 = tpu.memref_squeeze %dma_wait3A_318 : memref<1x1x1x80xi32, #tpu.memory_space<hbm>> -> memref<1x80xi32, #tpu.memory_space<hbm>>
      tpu.wait_dma2 semaphore(%arg16 : memref<!tpu.dma_semaphore, #tpu.memory_space<semaphore_mem>>) src(%dma_wait3A_319 : memref<1x80xi32, #tpu.memory_space<hbm>>) dst(%dma_wait3A_315 : memref<1x80xi32, #tpu.memory_space<vmem>>)
      %dma_start3A_320 = arith.constant 0 : i32
      %dma_start3A_321 = arith.constant 0 : i32
      %dma_start3A_322 = arith.constant 0 : i32
      %dma_start3A_323 = tpu.memref_slice %arg9[%dma_start3A_320, %dma_start3A_321, %dma_start3A_322] : memref<2x1x80xi32, #tpu.memory_space<vmem>> -> memref<1x1x80xi32, #tpu.memory_space<vmem>>
      %dma_start3A_324 = tpu.memref_squeeze %dma_start3A_323 : memref<1x1x80xi32, #tpu.memory_space<vmem>> -> memref<1x80xi32, #tpu.memory_space<vmem>>
      %dma_start3A_325 = arith.constant 0 : i32
      %dma_start3A_326 = arith.constant 0 : i32
      %dma_start3A_327 = tpu.memref_slice %arg5[%add3A, %add3A_301, %dma_start3A_325, %dma_start3A_326] : memref<32x125x1x80xi32, #tpu.memory_space<hbm>> -> memref<1x1x1x80xi32, #tpu.memory_space<hbm>>
      %dma_start3A_328 = tpu.memref_squeeze %dma_start3A_327 : memref<1x1x1x80xi32, #tpu.memory_space<hbm>> -> memref<1x80xi32, #tpu.memory_space<hbm>>
      %dma_start3A_329 = arith.constant 0 : i32
      %dma_start3A_330 = arith.constant 0 : i32
      %dma_start3A_331 = tpu.memref_slice %arg9[%dma_start3A_320, %dma_start3A_329, %dma_start3A_330] : memref<2x1x80xi32, #tpu.memory_space<vmem>> -> memref<1x1x80xi32, #tpu.memory_space<vmem>>
      %dma_start3A_332 = tpu.memref_squeeze %dma_start3A_331 : memref<1x1x80xi32, #tpu.memory_space<vmem>> -> memref<1x80xi32, #tpu.memory_space<vmem>>
      %dma_start3A_333 = arith.constant 0 : i32
      %dma_start3A_334 = arith.constant 0 : i32
      %dma_start3A_335 = tpu.memref_slice %arg5[%add3A, %add3A_301, %dma_start3A_333, %dma_start3A_334] : memref<32x125x1x80xi32, #tpu.memory_space<hbm>> -> memref<1x1x1x80xi32, #tpu.memory_space<hbm>>
      %dma_start3A_336 = tpu.memref_squeeze %dma_start3A_335 : memref<1x1x1x80xi32, #tpu.memory_space<hbm>> -> memref<1x80xi32, #tpu.memory_space<hbm>>
      tpu.enqueue_dma source(%dma_start3A_336 : memref<1x80xi32, #tpu.memory_space<hbm>>) target(%dma_start3A_332 : memref<1x80xi32, #tpu.memory_space<vmem>>) target_semaphore(%arg18 : memref<!tpu.dma_semaphore, #tpu.memory_space<semaphore_mem>>)
      %mul3A_337 = arith.constant 10000 : i32
      %mul3A_338 = arith.muli %add3A, %mul3A_337 : i32
      %mul3A_339 = arith.constant 80 : i32
      %mul3A_340 = arith.muli %add3A_301, %mul3A_339 : i32
      %add3A_341 = arith.addi %mul3A_338, %mul3A_340 : i32
      %dma_start3A_342 = arith.constant 0 : i32
      %dma_start3A_343 = arith.constant 0 : i32
      %dma_start3A_344 = tpu.memref_slice %arg11[%dma_start3A_342, %dma_start3A_343] : memref<160x128xf32, #tpu.memory_space<vmem>> -> memref<80x128xf32, #tpu.memory_space<vmem>>
      %dma_start3A_345 = arith.constant 0 : i32
      %dma_start3A_346 = tpu.memref_slice %arg3[%add3A_341, %dma_start3A_345] : memref<320000x128xf32, #tpu.memory_space<hbm>> -> memref<80x128xf32, #tpu.memory_space<hbm>>
      %dma_start3A_347 = arith.constant 0 : i32
      %dma_start3A_348 = arith.constant 0 : i32
      %dma_start3A_349 = tpu.memref_slice %arg11[%dma_start3A_347, %dma_start3A_348] : memref<160x128xf32, #tpu.memory_space<vmem>> -> memref<80x128xf32, #tpu.memory_space<vmem>>
      %dma_start3A_350 = arith.constant 0 : i32
      %dma_start3A_351 = tpu.memref_slice %arg3[%add3A_341, %dma_start3A_350] : memref<320000x128xf32, #tpu.memory_space<hbm>> -> memref<80x128xf32, #tpu.memory_space<hbm>>
      tpu.enqueue_dma source(%dma_start3A_351 : memref<80x128xf32, #tpu.memory_space<hbm>>) target(%dma_start3A_349 : memref<80x128xf32, #tpu.memory_space<vmem>>) target_semaphore(%arg14 : memref<!tpu.dma_semaphore, #tpu.memory_space<semaphore_mem>>)
      %dma_start3A_352 = arith.constant 0 : i32
      %dma_start3A_353 = arith.constant 0 : i32
      %dma_start3A_354 = arith.constant 0 : i32
      %dma_start3A_355 = arith.constant 0 : i32
      %dma_start3A_356 = tpu.memref_slice %arg10[%dma_start3A_354, %dma_start3A_355] : memref<160x128xf32, #tpu.memory_space<vmem>> -> memref<80x128xf32, #tpu.memory_space<vmem>>
      %dma_start3A_357 = arith.constant 0 : i32
      %dma_start3A_358 = tpu.memref_slice %arg8[%dma_start3A_352, %dma_start3A_353, %dma_start3A_357] : memref<2x1x80xi32, #tpu.memory_space<vmem>> -> memref<1x1x80xi32, #tpu.memory_space<vmem>>
      %dma_start3A_359 = tpu.memref_squeeze %dma_start3A_358 : memref<1x1x80xi32, #tpu.memory_space<vmem>> -> memref<80xi32, #tpu.memory_space<vmem>>
      %dma_start3A_360 = arith.constant 0 : i32
      %dma_start3A_361 = arith.constant 0 : i32
      %dma_start3A_362 = tpu.memref_slice %arg2[%dma_start3A_360, %dma_start3A_361] : memref<10000x128xf32, #tpu.memory_space<hbm>> -> memref<10000x128xf32, #tpu.memory_space<hbm>>
      tpu.enqueue_indirect_dma source(%dma_start3A_362 : memref<10000x128xf32, #tpu.memory_space<hbm>>) target(%dma_start3A_356 : memref<80x128xf32, #tpu.memory_space<vmem>>) offsets(%dma_start3A_359 : memref<80xi32, #tpu.memory_space<vmem>>) semaphore(%arg12 : memref<!tpu.dma_semaphore, #tpu.memory_space<semaphore_mem>>)
      %add3A_363 = arith.constant 1 : i32
      %add3A_364 = arith.addi %mul3A_168, %add3A_363 : i32
      %add3A_365 = arith.constant 3 : i32
      %add3A_366 = arith.addi %mul3A_168, %add3A_365 : i32
      %dma_wait3A_367 = arith.constant 80 : i32
      %dma_wait3A_368 = arith.constant 0 : i32
      %dma_wait3A_369 = tpu.memref_slice %arg11[%dma_wait3A_367, %dma_wait3A_368] : memref<160x128xf32, #tpu.memory_space<vmem>> -> memref<80x128xf32, #tpu.memory_space<vmem>>
      %dma_wait3A_370 = arith.constant 0 : i32
      %dma_wait3A_371 = arith.constant 0 : i32
      %dma_wait3A_372 = tpu.memref_slice %arg3[%dma_wait3A_370, %dma_wait3A_371] : memref<320000x128xf32, #tpu.memory_space<hbm>> -> memref<80x128xf32, #tpu.memory_space<hbm>>
      %dma_wait3A_373 = arith.constant 80 : i32
      %dma_wait3A_374 = arith.constant 0 : i32
      %dma_wait3A_375 = tpu.memref_slice %arg11[%dma_wait3A_373, %dma_wait3A_374] : memref<160x128xf32, #tpu.memory_space<vmem>> -> memref<80x128xf32, #tpu.memory_space<vmem>>
      %dma_wait3A_376 = arith.constant 0 : i32
      %dma_wait3A_377 = arith.constant 0 : i32
      %dma_wait3A_378 = tpu.memref_slice %arg3[%dma_wait3A_376, %dma_wait3A_377] : memref<320000x128xf32, #tpu.memory_space<hbm>> -> memref<80x128xf32, #tpu.memory_space<hbm>>
      tpu.wait_dma2 semaphore(%arg15 : memref<!tpu.dma_semaphore, #tpu.memory_space<semaphore_mem>>) src(%dma_wait3A_378 : memref<80x128xf32, #tpu.memory_space<hbm>>) dst(%dma_wait3A_375 : memref<80x128xf32, #tpu.memory_space<vmem>>)
      %dma_wait3A_379 = arith.constant 80 : i32
      %dma_wait3A_380 = arith.constant 0 : i32
      %dma_wait3A_381 = tpu.memref_slice %arg10[%dma_wait3A_379, %dma_wait3A_380] : memref<160x128xf32, #tpu.memory_space<vmem>> -> memref<80x128xf32, #tpu.memory_space<vmem>>
      %dma_wait3A_382 = arith.constant 0 : i32
      %dma_wait3A_383 = arith.constant 0 : i32
      %dma_wait3A_384 = tpu.memref_slice %arg2[%dma_wait3A_382, %dma_wait3A_383] : memref<10000x128xf32, #tpu.memory_space<hbm>> -> memref<80x128xf32, #tpu.memory_space<hbm>>
      %dma_wait3A_385 = arith.constant 80 : i32
      %dma_wait3A_386 = arith.constant 0 : i32
      %dma_wait3A_387 = tpu.memref_slice %arg10[%dma_wait3A_385, %dma_wait3A_386] : memref<160x128xf32, #tpu.memory_space<vmem>> -> memref<80x128xf32, #tpu.memory_space<vmem>>
      %dma_wait3A_388 = arith.constant 0 : i32
      %dma_wait3A_389 = arith.constant 0 : i32
      %dma_wait3A_390 = tpu.memref_slice %arg2[%dma_wait3A_388, %dma_wait3A_389] : memref<10000x128xf32, #tpu.memory_space<hbm>> -> memref<80x128xf32, #tpu.memory_space<hbm>>
      tpu.wait_dma2 semaphore(%arg13 : memref<!tpu.dma_semaphore, #tpu.memory_space<semaphore_mem>>) src(%dma_wait3A_390 : memref<80x128xf32, #tpu.memory_space<hbm>>) dst(%dma_wait3A_387 : memref<80x128xf32, #tpu.memory_space<vmem>>)
      %lt3A = arith.constant 125 : i32
      %lt3A_391 = arith.cmpi slt, %add3A_366, %lt3A : i32
      %convert_element_type3A = arith.extui %lt3A_391 : i1 to i32
      %cond3A = arith.constant 0 : i32
      %cond3A_392 = arith.cmpi ne, %convert_element_type3A, %cond3A : i32
      scf.if %cond3A_392 {
        %dma_start3A_418 = arith.constant 1 : i32
        %dma_start3A_419 = arith.constant 0 : i32
        %dma_start3A_420 = arith.constant 0 : i32
        %dma_start3A_421 = tpu.memref_slice %arg8[%dma_start3A_418, %dma_start3A_419, %dma_start3A_420] : memref<2x1x80xi32, #tpu.memory_space<vmem>> -> memref<1x1x80xi32, #tpu.memory_space<vmem>>
        %dma_start3A_422 = tpu.memref_squeeze %dma_start3A_421 : memref<1x1x80xi32, #tpu.memory_space<vmem>> -> memref<1x80xi32, #tpu.memory_space<vmem>>
        %dma_start3A_423 = arith.constant 0 : i32
        %dma_start3A_424 = arith.constant 0 : i32
        %dma_start3A_425 = tpu.memref_slice %arg4[%add3A, %add3A_366, %dma_start3A_423, %dma_start3A_424] : memref<32x125x1x80xi32, #tpu.memory_space<hbm>> -> memref<1x1x1x80xi32, #tpu.memory_space<hbm>>
        %dma_start3A_426 = tpu.memref_squeeze %dma_start3A_425 : memref<1x1x1x80xi32, #tpu.memory_space<hbm>> -> memref<1x80xi32, #tpu.memory_space<hbm>>
        %dma_start3A_427 = arith.constant 0 : i32
        %dma_start3A_428 = arith.constant 0 : i32
        %dma_start3A_429 = tpu.memref_slice %arg8[%dma_start3A_418, %dma_start3A_427, %dma_start3A_428] : memref<2x1x80xi32, #tpu.memory_space<vmem>> -> memref<1x1x80xi32, #tpu.memory_space<vmem>>
        %dma_start3A_430 = tpu.memref_squeeze %dma_start3A_429 : memref<1x1x80xi32, #tpu.memory_space<vmem>> -> memref<1x80xi32, #tpu.memory_space<vmem>>
        %dma_start3A_431 = arith.constant 0 : i32
        %dma_start3A_432 = arith.constant 0 : i32
        %dma_start3A_433 = tpu.memref_slice %arg4[%add3A, %add3A_366, %dma_start3A_431, %dma_start3A_432] : memref<32x125x1x80xi32, #tpu.memory_space<hbm>> -> memref<1x1x1x80xi32, #tpu.memory_space<hbm>>
        %dma_start3A_434 = tpu.memref_squeeze %dma_start3A_433 : memref<1x1x1x80xi32, #tpu.memory_space<hbm>> -> memref<1x80xi32, #tpu.memory_space<hbm>>
        tpu.enqueue_dma source(%dma_start3A_434 : memref<1x80xi32, #tpu.memory_space<hbm>>) target(%dma_start3A_430 : memref<1x80xi32, #tpu.memory_space<vmem>>) target_semaphore(%arg17 : memref<!tpu.dma_semaphore, #tpu.memory_space<semaphore_mem>>)
      } else {
      }
      %scan3A_393 = arith.constant 0 : i32
      %scan3A_394 = arith.constant 80 : i32
      %scan3A_395 = arith.addi %scan3A_393, %scan3A_394 : i32
      %scan3A_396 = arith.constant 1 : i32
      scf.for %scan3A_418 = %scan3A_393 to %scan3A_395 step %scan3A_396  : i32 {
        %add3A_419 = arith.constant 80 : i32
        %add3A_420 = arith.addi %add3A_419, %scan3A_418 : i32
        %get3A = arith.index_cast %add3A_420 : i32 to index
        %get3A_421 = arith.constant 0 : index
        %get3A_422 = tpu.vector_load %arg10[%get3A, %get3A_421] {strides = array<i32>} : memref<160x128xf32, #tpu.memory_space<vmem>>, vector<1x16xf32>,
        %get3A_423 = vector.shape_cast %get3A_422 : vector<1x16xf32> to vector<16xf32>
        %get3A_424 = arith.index_cast %add3A_420 : i32 to index
        %get3A_425 = arith.constant 0 : index
        %get3A_426 = tpu.vector_load %arg11[%get3A_424, %get3A_425] {strides = array<i32>} : memref<160x128xf32, #tpu.memory_space<vmem>>, vector<1x16xf32>,
        %get3A_427 = vector.shape_cast %get3A_426 : vector<1x16xf32> to vector<16xf32>
        %add3A_428 = arith.addf %get3A_423, %get3A_427 : vector<16xf32>
        %max3A = arith.constant 0.000000e+00 : f32
        %max3A_429 = vector.broadcast %max3A : f32 to vector<16xf32>
        %max3A_430 = arith.maximumf %add3A_428, %max3A_429 : vector<16xf32>
        %swap3A = arith.index_cast %add3A_420 : i32 to index
        %swap3A_431 = arith.constant 0 : index
        %swap3A_432 = tpu.vector_load %arg10[%swap3A, %swap3A_431] {strides = array<i32>} : memref<160x128xf32, #tpu.memory_space<vmem>>, vector<1x16xf32>,
        %swap3A_433 = vector.shape_cast %swap3A_432 : vector<1x16xf32> to vector<16xf32>
        %swap3A_434 = vector.shape_cast %max3A_430 : vector<16xf32> to vector<1x16xf32>
        tpu.vector_store %arg10[%swap3A, %swap3A_431], %swap3A_434 {strides = array<i32>} : memref<160x128xf32, #tpu.memory_space<vmem>>, vector<1x16xf32>,
        %get3A_435 = arith.index_cast %add3A_420 : i32 to index
        %get3A_436 = arith.constant 16 : index
        %get3A_437 = tpu.vector_load %arg10[%get3A_435, %get3A_436] {strides = array<i32>} : memref<160x128xf32, #tpu.memory_space<vmem>>, vector<1x16xf32>,
        %get3A_438 = vector.shape_cast %get3A_437 : vector<1x16xf32> to vector<16xf32>
        %get3A_439 = arith.index_cast %add3A_420 : i32 to index
        %get3A_440 = arith.constant 16 : index
        %get3A_441 = tpu.vector_load %arg11[%get3A_439, %get3A_440] {strides = array<i32>} : memref<160x128xf32, #tpu.memory_space<vmem>>, vector<1x16xf32>,
        %get3A_442 = vector.shape_cast %get3A_441 : vector<1x16xf32> to vector<16xf32>
        %add3A_443 = arith.addf %get3A_438, %get3A_442 : vector<16xf32>
        %max3A_444 = arith.constant 0.000000e+00 : f32
        %max3A_445 = vector.broadcast %max3A_444 : f32 to vector<16xf32>
        %max3A_446 = arith.maximumf %add3A_443, %max3A_445 : vector<16xf32>
        %swap3A_447 = arith.index_cast %add3A_420 : i32 to index
        %swap3A_448 = arith.constant 16 : index
        %swap3A_449 = tpu.vector_load %arg10[%swap3A_447, %swap3A_448] {strides = array<i32>} : memref<160x128xf32, #tpu.memory_space<vmem>>, vector<1x16xf32>,
        %swap3A_450 = vector.shape_cast %swap3A_449 : vector<1x16xf32> to vector<16xf32>
        %swap3A_451 = vector.shape_cast %max3A_446 : vector<16xf32> to vector<1x16xf32>
        tpu.vector_store %arg10[%swap3A_447, %swap3A_448], %swap3A_451 {strides = array<i32>} : memref<160x128xf32, #tpu.memory_space<vmem>>, vector<1x16xf32>,
        %get3A_452 = arith.index_cast %add3A_420 : i32 to index
        %get3A_453 = arith.constant 32 : index
        %get3A_454 = tpu.vector_load %arg10[%get3A_452, %get3A_453] {strides = array<i32>} : memref<160x128xf32, #tpu.memory_space<vmem>>, vector<1x16xf32>,
        %get3A_455 = vector.shape_cast %get3A_454 : vector<1x16xf32> to vector<16xf32>
        %get3A_456 = arith.index_cast %add3A_420 : i32 to index
        %get3A_457 = arith.constant 32 : index
        %get3A_458 = tpu.vector_load %arg11[%get3A_456, %get3A_457] {strides = array<i32>} : memref<160x128xf32, #tpu.memory_space<vmem>>, vector<1x16xf32>,
        %get3A_459 = vector.shape_cast %get3A_458 : vector<1x16xf32> to vector<16xf32>
        %add3A_460 = arith.addf %get3A_455, %get3A_459 : vector<16xf32>
        %max3A_461 = arith.constant 0.000000e+00 : f32
        %max3A_462 = vector.broadcast %max3A_461 : f32 to vector<16xf32>
        %max3A_463 = arith.maximumf %add3A_460, %max3A_462 : vector<16xf32>
        %swap3A_464 = arith.index_cast %add3A_420 : i32 to index
        %swap3A_465 = arith.constant 32 : index
        %swap3A_466 = tpu.vector_load %arg10[%swap3A_464, %swap3A_465] {strides = array<i32>} : memref<160x128xf32, #tpu.memory_space<vmem>>, vector<1x16xf32>,
        %swap3A_467 = vector.shape_cast %swap3A_466 : vector<1x16xf32> to vector<16xf32>
        %swap3A_468 = vector.shape_cast %max3A_463 : vector<16xf32> to vector<1x16xf32>
        tpu.vector_store %arg10[%swap3A_464, %swap3A_465], %swap3A_468 {strides = array<i32>} : memref<160x128xf32, #tpu.memory_space<vmem>>, vector<1x16xf32>,
        %get3A_469 = arith.index_cast %add3A_420 : i32 to index
        %get3A_470 = arith.constant 48 : index
        %get3A_471 = tpu.vector_load %arg10[%get3A_469, %get3A_470] {strides = array<i32>} : memref<160x128xf32, #tpu.memory_space<vmem>>, vector<1x16xf32>,
        %get3A_472 = vector.shape_cast %get3A_471 : vector<1x16xf32> to vector<16xf32>
        %get3A_473 = arith.index_cast %add3A_420 : i32 to index
        %get3A_474 = arith.constant 48 : index
        %get3A_475 = tpu.vector_load %arg11[%get3A_473, %get3A_474] {strides = array<i32>} : memref<160x128xf32, #tpu.memory_space<vmem>>, vector<1x16xf32>,
        %get3A_476 = vector.shape_cast %get3A_475 : vector<1x16xf32> to vector<16xf32>
        %add3A_477 = arith.addf %get3A_472, %get3A_476 : vector<16xf32>
        %max3A_478 = arith.constant 0.000000e+00 : f32
        %max3A_479 = vector.broadcast %max3A_478 : f32 to vector<16xf32>
        %max3A_480 = arith.maximumf %add3A_477, %max3A_479 : vector<16xf32>
        %swap3A_481 = arith.index_cast %add3A_420 : i32 to index
        %swap3A_482 = arith.constant 48 : index
        %swap3A_483 = tpu.vector_load %arg10[%swap3A_481, %swap3A_482] {strides = array<i32>} : memref<160x128xf32, #tpu.memory_space<vmem>>, vector<1x16xf32>,
        %swap3A_484 = vector.shape_cast %swap3A_483 : vector<1x16xf32> to vector<16xf32>
        %swap3A_485 = vector.shape_cast %max3A_480 : vector<16xf32> to vector<1x16xf32>
        tpu.vector_store %arg10[%swap3A_481, %swap3A_482], %swap3A_485 {strides = array<i32>} : memref<160x128xf32, #tpu.memory_space<vmem>>, vector<1x16xf32>,
        %get3A_486 = arith.index_cast %add3A_420 : i32 to index
        %get3A_487 = arith.constant 64 : index
        %get3A_488 = tpu.vector_load %arg10[%get3A_486, %get3A_487] {strides = array<i32>} : memref<160x128xf32, #tpu.memory_space<vmem>>, vector<1x16xf32>,
        %get3A_489 = vector.shape_cast %get3A_488 : vector<1x16xf32> to vector<16xf32>
        %get3A_490 = arith.index_cast %add3A_420 : i32 to index
        %get3A_491 = arith.constant 64 : index
        %get3A_492 = tpu.vector_load %arg11[%get3A_490, %get3A_491] {strides = array<i32>} : memref<160x128xf32, #tpu.memory_space<vmem>>, vector<1x16xf32>,
        %get3A_493 = vector.shape_cast %get3A_492 : vector<1x16xf32> to vector<16xf32>
        %add3A_494 = arith.addf %get3A_489, %get3A_493 : vector<16xf32>
        %max3A_495 = arith.constant 0.000000e+00 : f32
        %max3A_496 = vector.broadcast %max3A_495 : f32 to vector<16xf32>
        %max3A_497 = arith.maximumf %add3A_494, %max3A_496 : vector<16xf32>
        %swap3A_498 = arith.index_cast %add3A_420 : i32 to index
        %swap3A_499 = arith.constant 64 : index
        %swap3A_500 = tpu.vector_load %arg10[%swap3A_498, %swap3A_499] {strides = array<i32>} : memref<160x128xf32, #tpu.memory_space<vmem>>, vector<1x16xf32>,
        %swap3A_501 = vector.shape_cast %swap3A_500 : vector<1x16xf32> to vector<16xf32>
        %swap3A_502 = vector.shape_cast %max3A_497 : vector<16xf32> to vector<1x16xf32>
        tpu.vector_store %arg10[%swap3A_498, %swap3A_499], %swap3A_502 {strides = array<i32>} : memref<160x128xf32, #tpu.memory_space<vmem>>, vector<1x16xf32>,
        %get3A_503 = arith.index_cast %add3A_420 : i32 to index
        %get3A_504 = arith.constant 80 : index
        %get3A_505 = tpu.vector_load %arg10[%get3A_503, %get3A_504] {strides = array<i32>} : memref<160x128xf32, #tpu.memory_space<vmem>>, vector<1x16xf32>,
        %get3A_506 = vector.shape_cast %get3A_505 : vector<1x16xf32> to vector<16xf32>
        %get3A_507 = arith.index_cast %add3A_420 : i32 to index
        %get3A_508 = arith.constant 80 : index
        %get3A_509 = tpu.vector_load %arg11[%get3A_507, %get3A_508] {strides = array<i32>} : memref<160x128xf32, #tpu.memory_space<vmem>>, vector<1x16xf32>,
        %get3A_510 = vector.shape_cast %get3A_509 : vector<1x16xf32> to vector<16xf32>
        %add3A_511 = arith.addf %get3A_506, %get3A_510 : vector<16xf32>
        %max3A_512 = arith.constant 0.000000e+00 : f32
        %max3A_513 = vector.broadcast %max3A_512 : f32 to vector<16xf32>
        %max3A_514 = arith.maximumf %add3A_511, %max3A_513 : vector<16xf32>
        %swap3A_515 = arith.index_cast %add3A_420 : i32 to index
        %swap3A_516 = arith.constant 80 : index
        %swap3A_517 = tpu.vector_load %arg10[%swap3A_515, %swap3A_516] {strides = array<i32>} : memref<160x128xf32, #tpu.memory_space<vmem>>, vector<1x16xf32>,
        %swap3A_518 = vector.shape_cast %swap3A_517 : vector<1x16xf32> to vector<16xf32>
        %swap3A_519 = vector.shape_cast %max3A_514 : vector<16xf32> to vector<1x16xf32>
        tpu.vector_store %arg10[%swap3A_515, %swap3A_516], %swap3A_519 {strides = array<i32>} : memref<160x128xf32, #tpu.memory_space<vmem>>, vector<1x16xf32>,
        %get3A_520 = arith.index_cast %add3A_420 : i32 to index
        %get3A_521 = arith.constant 96 : index
        %get3A_522 = tpu.vector_load %arg10[%get3A_520, %get3A_521] {strides = array<i32>} : memref<160x128xf32, #tpu.memory_space<vmem>>, vector<1x16xf32>,
        %get3A_523 = vector.shape_cast %get3A_522 : vector<1x16xf32> to vector<16xf32>
        %get3A_524 = arith.index_cast %add3A_420 : i32 to index
        %get3A_525 = arith.constant 96 : index
        %get3A_526 = tpu.vector_load %arg11[%get3A_524, %get3A_525] {strides = array<i32>} : memref<160x128xf32, #tpu.memory_space<vmem>>, vector<1x16xf32>,
        %get3A_527 = vector.shape_cast %get3A_526 : vector<1x16xf32> to vector<16xf32>
        %add3A_528 = arith.addf %get3A_523, %get3A_527 : vector<16xf32>
        %max3A_529 = arith.constant 0.000000e+00 : f32
        %max3A_530 = vector.broadcast %max3A_529 : f32 to vector<16xf32>
        %max3A_531 = arith.maximumf %add3A_528, %max3A_530 : vector<16xf32>
        %swap3A_532 = arith.index_cast %add3A_420 : i32 to index
        %swap3A_533 = arith.constant 96 : index
        %swap3A_534 = tpu.vector_load %arg10[%swap3A_532, %swap3A_533] {strides = array<i32>} : memref<160x128xf32, #tpu.memory_space<vmem>>, vector<1x16xf32>,
        %swap3A_535 = vector.shape_cast %swap3A_534 : vector<1x16xf32> to vector<16xf32>
        %swap3A_536 = vector.shape_cast %max3A_531 : vector<16xf32> to vector<1x16xf32>
        tpu.vector_store %arg10[%swap3A_532, %swap3A_533], %swap3A_536 {strides = array<i32>} : memref<160x128xf32, #tpu.memory_space<vmem>>, vector<1x16xf32>,
        %get3A_537 = arith.index_cast %add3A_420 : i32 to index
        %get3A_538 = arith.constant 112 : index
        %get3A_539 = tpu.vector_load %arg10[%get3A_537, %get3A_538] {strides = array<i32>} : memref<160x128xf32, #tpu.memory_space<vmem>>, vector<1x16xf32>,
        %get3A_540 = vector.shape_cast %get3A_539 : vector<1x16xf32> to vector<16xf32>
        %get3A_541 = arith.index_cast %add3A_420 : i32 to index
        %get3A_542 = arith.constant 112 : index
        %get3A_543 = tpu.vector_load %arg11[%get3A_541, %get3A_542] {strides = array<i32>} : memref<160x128xf32, #tpu.memory_space<vmem>>, vector<1x16xf32>,
        %get3A_544 = vector.shape_cast %get3A_543 : vector<1x16xf32> to vector<16xf32>
        %add3A_545 = arith.addf %get3A_540, %get3A_544 : vector<16xf32>
        %max3A_546 = arith.constant 0.000000e+00 : f32
        %max3A_547 = vector.broadcast %max3A_546 : f32 to vector<16xf32>
        %max3A_548 = arith.maximumf %add3A_545, %max3A_547 : vector<16xf32>
        %swap3A_549 = arith.index_cast %add3A_420 : i32 to index
        %swap3A_550 = arith.constant 112 : index
        %swap3A_551 = tpu.vector_load %arg10[%swap3A_549, %swap3A_550] {strides = array<i32>} : memref<160x128xf32, #tpu.memory_space<vmem>>, vector<1x16xf32>,
        %swap3A_552 = vector.shape_cast %swap3A_551 : vector<1x16xf32> to vector<16xf32>
        %swap3A_553 = vector.shape_cast %max3A_548 : vector<16xf32> to vector<1x16xf32>
        tpu.vector_store %arg10[%swap3A_549, %swap3A_550], %swap3A_553 {strides = array<i32>} : memref<160x128xf32, #tpu.memory_space<vmem>>, vector<1x16xf32>,
      }
      %scan3A_397 = arith.constant 80 : i32
      %dma_wait3A_398 = arith.constant 0 : i32
      %dma_wait3A_399 = arith.constant 1 : i32
      %dma_wait3A_400 = arith.constant 0 : i32
      %dma_wait3A_401 = arith.constant 0 : i32
      %dma_wait3A_402 = tpu.memref_slice %arg9[%dma_wait3A_399, %dma_wait3A_400, %dma_wait3A_401] : memref<2x1x80xi32, #tpu.memory_space<vmem>> -> memref<1x1x80xi32, #tpu.memory_space<vmem>>
      %dma_wait3A_403 = tpu.memref_squeeze %dma_wait3A_402 : memref<1x1x80xi32, #tpu.memory_space<vmem>> -> memref<1x80xi32, #tpu.memory_space<vmem>>
      %dma_wait3A_404 = arith.constant 0 : i32
      %dma_wait3A_405 = arith.constant 0 : i32
      %dma_wait3A_406 = tpu.memref_slice %arg5[%add3A, %dma_wait3A_398, %dma_wait3A_404, %dma_wait3A_405] : memref<32x125x1x80xi32, #tpu.memory_space<hbm>> -> memref<1x1x1x80xi32, #tpu.memory_space<hbm>>
      %dma_wait3A_407 = tpu.memref_squeeze %dma_wait3A_406 : memref<1x1x1x80xi32, #tpu.memory_space<hbm>> -> memref<1x80xi32, #tpu.memory_space<hbm>>
      %dma_wait3A_408 = arith.constant 0 : i32
      %dma_wait3A_409 = arith.constant 0 : i32
      %dma_wait3A_410 = tpu.memref_slice %arg9[%dma_wait3A_399, %dma_wait3A_408, %dma_wait3A_409] : memref<2x1x80xi32, #tpu.memory_space<vmem>> -> memref<1x1x80xi32, #tpu.memory_space<vmem>>
      %dma_wait3A_411 = tpu.memref_squeeze %dma_wait3A_410 : memref<1x1x80xi32, #tpu.memory_space<vmem>> -> memref<1x80xi32, #tpu.memory_space<vmem>>
      %dma_wait3A_412 = arith.constant 0 : i32
      %dma_wait3A_413 = arith.constant 0 : i32
      %dma_wait3A_414 = tpu.memref_slice %arg5[%add3A, %dma_wait3A_398, %dma_wait3A_412, %dma_wait3A_413] : memref<32x125x1x80xi32, #tpu.memory_space<hbm>> -> memref<1x1x1x80xi32, #tpu.memory_space<hbm>>
      %dma_wait3A_415 = tpu.memref_squeeze %dma_wait3A_414 : memref<1x1x1x80xi32, #tpu.memory_space<hbm>> -> memref<1x80xi32, #tpu.memory_space<hbm>>
      tpu.wait_dma2 semaphore(%arg19 : memref<!tpu.dma_semaphore, #tpu.memory_space<semaphore_mem>>) src(%dma_wait3A_415 : memref<1x80xi32, #tpu.memory_space<hbm>>) dst(%dma_wait3A_411 : memref<1x80xi32, #tpu.memory_space<vmem>>)
      %run_scoped3A_416 = arith.constant 1 : i32
      %run_scoped3A_417 = arith.constant 0 : i32
      "tpu.region"() ({
        %run_scoped3A_418 = tpu.sem_alloc : memref<!tpu.dma_semaphore, #tpu.memory_space<semaphore_mem>>
        %dma_start3A_419 = arith.constant 80 : i32
        %dma_start3A_420 = arith.constant 0 : i32
        %dma_start3A_421 = tpu.memref_slice %arg10[%dma_start3A_419, %dma_start3A_420] : memref<160x128xf32, #tpu.memory_space<vmem>> -> memref<80x128xf32, #tpu.memory_space<vmem>>
        %dma_start3A_422 = arith.constant 0 : i32
        %dma_start3A_423 = tpu.memref_slice %arg9[%run_scoped3A_416, %run_scoped3A_417, %dma_start3A_422] : memref<2x1x80xi32, #tpu.memory_space<vmem>> -> memref<1x1x80xi32, #tpu.memory_space<vmem>>
        %dma_start3A_424 = tpu.memref_squeeze %dma_start3A_423 : memref<1x1x80xi32, #tpu.memory_space<vmem>> -> memref<80xi32, #tpu.memory_space<vmem>>
        %dma_start3A_425 = arith.constant 0 : i32
        %dma_start3A_426 = arith.constant 0 : i32
        %dma_start3A_427 = tpu.memref_slice %arg7[%dma_start3A_425, %dma_start3A_426] : memref<10000x128xf32, #tpu.memory_space<vmem_shared>> -> memref<10000x128xf32, #tpu.memory_space<vmem_shared>>
        tpu.enqueue_indirect_dma source(%dma_start3A_421 : memref<80x128xf32, #tpu.memory_space<vmem>>) target(%dma_start3A_427 : memref<10000x128xf32, #tpu.memory_space<vmem_shared>>) offsets(%dma_start3A_424 : memref<80xi32, #tpu.memory_space<vmem>>) semaphore(%run_scoped3A_418 : memref<!tpu.dma_semaphore, #tpu.memory_space<semaphore_mem>>) {add = true}
        %dma_wait3A_428 = arith.constant 80 : i32
        %dma_wait3A_429 = arith.constant 0 : i32
        %dma_wait3A_430 = tpu.memref_slice %arg10[%dma_wait3A_428, %dma_wait3A_429] : memref<160x128xf32, #tpu.memory_space<vmem>> -> memref<80x128xf32, #tpu.memory_space<vmem>>
        %dma_wait3A_431 = arith.constant 0 : i32
        %dma_wait3A_432 = tpu.memref_slice %arg9[%run_scoped3A_416, %run_scoped3A_417, %dma_wait3A_431] : memref<2x1x80xi32, #tpu.memory_space<vmem>> -> memref<1x1x80xi32, #tpu.memory_space<vmem>>
        %dma_wait3A_433 = tpu.memref_squeeze %dma_wait3A_432 : memref<1x1x80xi32, #tpu.memory_space<vmem>> -> memref<80xi32, #tpu.memory_space<vmem>>
        %dma_wait3A_434 = arith.constant 0 : i32
        %dma_wait3A_435 = arith.constant 0 : i32
        %dma_wait3A_436 = tpu.memref_slice %arg7[%dma_wait3A_434, %dma_wait3A_435] : memref<10000x128xf32, #tpu.memory_space<vmem_shared>> -> memref<10000x128xf32, #tpu.memory_space<vmem_shared>>
        tpu.wait_indirect_dma semaphore(%run_scoped3A_418 : memref<!tpu.dma_semaphore, #tpu.memory_space<semaphore_mem>>) src(%dma_wait3A_430 : memref<80x128xf32, #tpu.memory_space<vmem>>) dst(%dma_wait3A_436 : memref<10000x128xf32, #tpu.memory_space<vmem_shared>>)
        tpu.yield
      }) : () -> ()
    }
    %scan3A_114 = arith.constant 62 : i32
    %dma_wait3A_115 = arith.constant 0 : i32
    %dma_wait3A_116 = arith.constant 0 : i32
    %dma_wait3A_117 = tpu.memref_slice %arg11[%dma_wait3A_115, %dma_wait3A_116] : memref<160x128xf32, #tpu.memory_space<vmem>> -> memref<80x128xf32, #tpu.memory_space<vmem>>
    %dma_wait3A_118 = arith.constant 0 : i32
    %dma_wait3A_119 = arith.constant 0 : i32
    %dma_wait3A_120 = tpu.memref_slice %arg3[%dma_wait3A_118, %dma_wait3A_119] : memref<320000x128xf32, #tpu.memory_space<hbm>> -> memref<80x128xf32, #tpu.memory_space<hbm>>
    %dma_wait3A_121 = arith.constant 0 : i32
    %dma_wait3A_122 = arith.constant 0 : i32
    %dma_wait3A_123 = tpu.memref_slice %arg11[%dma_wait3A_121, %dma_wait3A_122] : memref<160x128xf32, #tpu.memory_space<vmem>> -> memref<80x128xf32, #tpu.memory_space<vmem>>
    %dma_wait3A_124 = arith.constant 0 : i32
    %dma_wait3A_125 = arith.constant 0 : i32
    %dma_wait3A_126 = tpu.memref_slice %arg3[%dma_wait3A_124, %dma_wait3A_125] : memref<320000x128xf32, #tpu.memory_space<hbm>> -> memref<80x128xf32, #tpu.memory_space<hbm>>
    tpu.wait_dma2 semaphore(%arg14 : memref<!tpu.dma_semaphore, #tpu.memory_space<semaphore_mem>>) src(%dma_wait3A_126 : memref<80x128xf32, #tpu.memory_space<hbm>>) dst(%dma_wait3A_123 : memref<80x128xf32, #tpu.memory_space<vmem>>)
    %dma_wait3A_127 = arith.constant 0 : i32
    %dma_wait3A_128 = arith.constant 0 : i32
    %dma_wait3A_129 = tpu.memref_slice %arg10[%dma_wait3A_127, %dma_wait3A_128] : memref<160x128xf32, #tpu.memory_space<vmem>> -> memref<80x128xf32, #tpu.memory_space<vmem>>
    %dma_wait3A_130 = arith.constant 0 : i32
    %dma_wait3A_131 = arith.constant 0 : i32
    %dma_wait3A_132 = tpu.memref_slice %arg2[%dma_wait3A_130, %dma_wait3A_131] : memref<10000x128xf32, #tpu.memory_space<hbm>> -> memref<80x128xf32, #tpu.memory_space<hbm>>
    %dma_wait3A_133 = arith.constant 0 : i32
    %dma_wait3A_134 = arith.constant 0 : i32
    %dma_wait3A_135 = tpu.memref_slice %arg10[%dma_wait3A_133, %dma_wait3A_134] : memref<160x128xf32, #tpu.memory_space<vmem>> -> memref<80x128xf32, #tpu.memory_space<vmem>>
    %dma_wait3A_136 = arith.constant 0 : i32
    %dma_wait3A_137 = arith.constant 0 : i32
    %dma_wait3A_138 = tpu.memref_slice %arg2[%dma_wait3A_136, %dma_wait3A_137] : memref<10000x128xf32, #tpu.memory_space<hbm>> -> memref<80x128xf32, #tpu.memory_space<hbm>>
    tpu.wait_dma2 semaphore(%arg12 : memref<!tpu.dma_semaphore, #tpu.memory_space<semaphore_mem>>) src(%dma_wait3A_138 : memref<80x128xf32, #tpu.memory_space<hbm>>) dst(%dma_wait3A_135 : memref<80x128xf32, #tpu.memory_space<vmem>>)
    %scan3A_139 = arith.constant 0 : i32
    %scan3A_140 = arith.constant 80 : i32
    %scan3A_141 = arith.addi %scan3A_139, %scan3A_140 : i32
    %scan3A_142 = arith.constant 1 : i32
    scf.for %scan3A_166 = %scan3A_139 to %scan3A_141 step %scan3A_142  : i32 {
      %add3A_167 = arith.constant 0 : i32
      %add3A_168 = arith.addi %add3A_167, %scan3A_166 : i32
      %get3A = arith.index_cast %add3A_168 : i32 to index
      %get3A_169 = arith.constant 0 : index
      %get3A_170 = tpu.vector_load %arg10[%get3A, %get3A_169] {strides = array<i32>} : memref<160x128xf32, #tpu.memory_space<vmem>>, vector<1x16xf32>,
      %get3A_171 = vector.shape_cast %get3A_170 : vector<1x16xf32> to vector<16xf32>
      %get3A_172 = arith.index_cast %add3A_168 : i32 to index
      %get3A_173 = arith.constant 0 : index
      %get3A_174 = tpu.vector_load %arg11[%get3A_172, %get3A_173] {strides = array<i32>} : memref<160x128xf32, #tpu.memory_space<vmem>>, vector<1x16xf32>,
      %get3A_175 = vector.shape_cast %get3A_174 : vector<1x16xf32> to vector<16xf32>
      %add3A_176 = arith.addf %get3A_171, %get3A_175 : vector<16xf32>
      %max3A = arith.constant 0.000000e+00 : f32
      %max3A_177 = vector.broadcast %max3A : f32 to vector<16xf32>
      %max3A_178 = arith.maximumf %add3A_176, %max3A_177 : vector<16xf32>
      %swap3A = arith.index_cast %add3A_168 : i32 to index
      %swap3A_179 = arith.constant 0 : index
      %swap3A_180 = tpu.vector_load %arg10[%swap3A, %swap3A_179] {strides = array<i32>} : memref<160x128xf32, #tpu.memory_space<vmem>>, vector<1x16xf32>,
      %swap3A_181 = vector.shape_cast %swap3A_180 : vector<1x16xf32> to vector<16xf32>
      %swap3A_182 = vector.shape_cast %max3A_178 : vector<16xf32> to vector<1x16xf32>
      tpu.vector_store %arg10[%swap3A, %swap3A_179], %swap3A_182 {strides = array<i32>} : memref<160x128xf32, #tpu.memory_space<vmem>>, vector<1x16xf32>,
      %get3A_183 = arith.index_cast %add3A_168 : i32 to index
      %get3A_184 = arith.constant 16 : index
      %get3A_185 = tpu.vector_load %arg10[%get3A_183, %get3A_184] {strides = array<i32>} : memref<160x128xf32, #tpu.memory_space<vmem>>, vector<1x16xf32>,
      %get3A_186 = vector.shape_cast %get3A_185 : vector<1x16xf32> to vector<16xf32>
      %get3A_187 = arith.index_cast %add3A_168 : i32 to index
      %get3A_188 = arith.constant 16 : index
      %get3A_189 = tpu.vector_load %arg11[%get3A_187, %get3A_188] {strides = array<i32>} : memref<160x128xf32, #tpu.memory_space<vmem>>, vector<1x16xf32>,
      %get3A_190 = vector.shape_cast %get3A_189 : vector<1x16xf32> to vector<16xf32>
      %add3A_191 = arith.addf %get3A_186, %get3A_190 : vector<16xf32>
      %max3A_192 = arith.constant 0.000000e+00 : f32
      %max3A_193 = vector.broadcast %max3A_192 : f32 to vector<16xf32>
      %max3A_194 = arith.maximumf %add3A_191, %max3A_193 : vector<16xf32>
      %swap3A_195 = arith.index_cast %add3A_168 : i32 to index
      %swap3A_196 = arith.constant 16 : index
      %swap3A_197 = tpu.vector_load %arg10[%swap3A_195, %swap3A_196] {strides = array<i32>} : memref<160x128xf32, #tpu.memory_space<vmem>>, vector<1x16xf32>,
      %swap3A_198 = vector.shape_cast %swap3A_197 : vector<1x16xf32> to vector<16xf32>
      %swap3A_199 = vector.shape_cast %max3A_194 : vector<16xf32> to vector<1x16xf32>
      tpu.vector_store %arg10[%swap3A_195, %swap3A_196], %swap3A_199 {strides = array<i32>} : memref<160x128xf32, #tpu.memory_space<vmem>>, vector<1x16xf32>,
      %get3A_200 = arith.index_cast %add3A_168 : i32 to index
      %get3A_201 = arith.constant 32 : index
      %get3A_202 = tpu.vector_load %arg10[%get3A_200, %get3A_201] {strides = array<i32>} : memref<160x128xf32, #tpu.memory_space<vmem>>, vector<1x16xf32>,
      %get3A_203 = vector.shape_cast %get3A_202 : vector<1x16xf32> to vector<16xf32>
      %get3A_204 = arith.index_cast %add3A_168 : i32 to index
      %get3A_205 = arith.constant 32 : index
      %get3A_206 = tpu.vector_load %arg11[%get3A_204, %get3A_205] {strides = array<i32>} : memref<160x128xf32, #tpu.memory_space<vmem>>, vector<1x16xf32>,
      %get3A_207 = vector.shape_cast %get3A_206 : vector<1x16xf32> to vector<16xf32>
      %add3A_208 = arith.addf %get3A_203, %get3A_207 : vector<16xf32>
      %max3A_209 = arith.constant 0.000000e+00 : f32
      %max3A_210 = vector.broadcast %max3A_209 : f32 to vector<16xf32>
      %max3A_211 = arith.maximumf %add3A_208, %max3A_210 : vector<16xf32>
      %swap3A_212 = arith.index_cast %add3A_168 : i32 to index
      %swap3A_213 = arith.constant 32 : index
      %swap3A_214 = tpu.vector_load %arg10[%swap3A_212, %swap3A_213] {strides = array<i32>} : memref<160x128xf32, #tpu.memory_space<vmem>>, vector<1x16xf32>,
      %swap3A_215 = vector.shape_cast %swap3A_214 : vector<1x16xf32> to vector<16xf32>
      %swap3A_216 = vector.shape_cast %max3A_211 : vector<16xf32> to vector<1x16xf32>
      tpu.vector_store %arg10[%swap3A_212, %swap3A_213], %swap3A_216 {strides = array<i32>} : memref<160x128xf32, #tpu.memory_space<vmem>>, vector<1x16xf32>,
      %get3A_217 = arith.index_cast %add3A_168 : i32 to index
      %get3A_218 = arith.constant 48 : index
      %get3A_219 = tpu.vector_load %arg10[%get3A_217, %get3A_218] {strides = array<i32>} : memref<160x128xf32, #tpu.memory_space<vmem>>, vector<1x16xf32>,
      %get3A_220 = vector.shape_cast %get3A_219 : vector<1x16xf32> to vector<16xf32>
      %get3A_221 = arith.index_cast %add3A_168 : i32 to index
      %get3A_222 = arith.constant 48 : index
      %get3A_223 = tpu.vector_load %arg11[%get3A_221, %get3A_222] {strides = array<i32>} : memref<160x128xf32, #tpu.memory_space<vmem>>, vector<1x16xf32>,
      %get3A_224 = vector.shape_cast %get3A_223 : vector<1x16xf32> to vector<16xf32>
      %add3A_225 = arith.addf %get3A_220, %get3A_224 : vector<16xf32>
      %max3A_226 = arith.constant 0.000000e+00 : f32
      %max3A_227 = vector.broadcast %max3A_226 : f32 to vector<16xf32>
      %max3A_228 = arith.maximumf %add3A_225, %max3A_227 : vector<16xf32>
      %swap3A_229 = arith.index_cast %add3A_168 : i32 to index
      %swap3A_230 = arith.constant 48 : index
      %swap3A_231 = tpu.vector_load %arg10[%swap3A_229, %swap3A_230] {strides = array<i32>} : memref<160x128xf32, #tpu.memory_space<vmem>>, vector<1x16xf32>,
      %swap3A_232 = vector.shape_cast %swap3A_231 : vector<1x16xf32> to vector<16xf32>
      %swap3A_233 = vector.shape_cast %max3A_228 : vector<16xf32> to vector<1x16xf32>
      tpu.vector_store %arg10[%swap3A_229, %swap3A_230], %swap3A_233 {strides = array<i32>} : memref<160x128xf32, #tpu.memory_space<vmem>>, vector<1x16xf32>,
      %get3A_234 = arith.index_cast %add3A_168 : i32 to index
      %get3A_235 = arith.constant 64 : index
      %get3A_236 = tpu.vector_load %arg10[%get3A_234, %get3A_235] {strides = array<i32>} : memref<160x128xf32, #tpu.memory_space<vmem>>, vector<1x16xf32>,
      %get3A_237 = vector.shape_cast %get3A_236 : vector<1x16xf32> to vector<16xf32>
      %get3A_238 = arith.index_cast %add3A_168 : i32 to index
      %get3A_239 = arith.constant 64 : index
      %get3A_240 = tpu.vector_load %arg11[%get3A_238, %get3A_239] {strides = array<i32>} : memref<160x128xf32, #tpu.memory_space<vmem>>, vector<1x16xf32>,
      %get3A_241 = vector.shape_cast %get3A_240 : vector<1x16xf32> to vector<16xf32>
      %add3A_242 = arith.addf %get3A_237, %get3A_241 : vector<16xf32>
      %max3A_243 = arith.constant 0.000000e+00 : f32
      %max3A_244 = vector.broadcast %max3A_243 : f32 to vector<16xf32>
      %max3A_245 = arith.maximumf %add3A_242, %max3A_244 : vector<16xf32>
      %swap3A_246 = arith.index_cast %add3A_168 : i32 to index
      %swap3A_247 = arith.constant 64 : index
      %swap3A_248 = tpu.vector_load %arg10[%swap3A_246, %swap3A_247] {strides = array<i32>} : memref<160x128xf32, #tpu.memory_space<vmem>>, vector<1x16xf32>,
      %swap3A_249 = vector.shape_cast %swap3A_248 : vector<1x16xf32> to vector<16xf32>
      %swap3A_250 = vector.shape_cast %max3A_245 : vector<16xf32> to vector<1x16xf32>
      tpu.vector_store %arg10[%swap3A_246, %swap3A_247], %swap3A_250 {strides = array<i32>} : memref<160x128xf32, #tpu.memory_space<vmem>>, vector<1x16xf32>,
      %get3A_251 = arith.index_cast %add3A_168 : i32 to index
      %get3A_252 = arith.constant 80 : index
      %get3A_253 = tpu.vector_load %arg10[%get3A_251, %get3A_252] {strides = array<i32>} : memref<160x128xf32, #tpu.memory_space<vmem>>, vector<1x16xf32>,
      %get3A_254 = vector.shape_cast %get3A_253 : vector<1x16xf32> to vector<16xf32>
      %get3A_255 = arith.index_cast %add3A_168 : i32 to index
      %get3A_256 = arith.constant 80 : index
      %get3A_257 = tpu.vector_load %arg11[%get3A_255, %get3A_256] {strides = array<i32>} : memref<160x128xf32, #tpu.memory_space<vmem>>, vector<1x16xf32>,
      %get3A_258 = vector.shape_cast %get3A_257 : vector<1x16xf32> to vector<16xf32>
      %add3A_259 = arith.addf %get3A_254, %get3A_258 : vector<16xf32>
      %max3A_260 = arith.constant 0.000000e+00 : f32
      %max3A_261 = vector.broadcast %max3A_260 : f32 to vector<16xf32>
      %max3A_262 = arith.maximumf %add3A_259, %max3A_261 : vector<16xf32>
      %swap3A_263 = arith.index_cast %add3A_168 : i32 to index
      %swap3A_264 = arith.constant 80 : index
      %swap3A_265 = tpu.vector_load %arg10[%swap3A_263, %swap3A_264] {strides = array<i32>} : memref<160x128xf32, #tpu.memory_space<vmem>>, vector<1x16xf32>,
      %swap3A_266 = vector.shape_cast %swap3A_265 : vector<1x16xf32> to vector<16xf32>
      %swap3A_267 = vector.shape_cast %max3A_262 : vector<16xf32> to vector<1x16xf32>
      tpu.vector_store %arg10[%swap3A_263, %swap3A_264], %swap3A_267 {strides = array<i32>} : memref<160x128xf32, #tpu.memory_space<vmem>>, vector<1x16xf32>,
      %get3A_268 = arith.index_cast %add3A_168 : i32 to index
      %get3A_269 = arith.constant 96 : index
      %get3A_270 = tpu.vector_load %arg10[%get3A_268, %get3A_269] {strides = array<i32>} : memref<160x128xf32, #tpu.memory_space<vmem>>, vector<1x16xf32>,
      %get3A_271 = vector.shape_cast %get3A_270 : vector<1x16xf32> to vector<16xf32>
      %get3A_272 = arith.index_cast %add3A_168 : i32 to index
      %get3A_273 = arith.constant 96 : index
      %get3A_274 = tpu.vector_load %arg11[%get3A_272, %get3A_273] {strides = array<i32>} : memref<160x128xf32, #tpu.memory_space<vmem>>, vector<1x16xf32>,
      %get3A_275 = vector.shape_cast %get3A_274 : vector<1x16xf32> to vector<16xf32>
      %add3A_276 = arith.addf %get3A_271, %get3A_275 : vector<16xf32>
      %max3A_277 = arith.constant 0.000000e+00 : f32
      %max3A_278 = vector.broadcast %max3A_277 : f32 to vector<16xf32>
      %max3A_279 = arith.maximumf %add3A_276, %max3A_278 : vector<16xf32>
      %swap3A_280 = arith.index_cast %add3A_168 : i32 to index
      %swap3A_281 = arith.constant 96 : index
      %swap3A_282 = tpu.vector_load %arg10[%swap3A_280, %swap3A_281] {strides = array<i32>} : memref<160x128xf32, #tpu.memory_space<vmem>>, vector<1x16xf32>,
      %swap3A_283 = vector.shape_cast %swap3A_282 : vector<1x16xf32> to vector<16xf32>
      %swap3A_284 = vector.shape_cast %max3A_279 : vector<16xf32> to vector<1x16xf32>
      tpu.vector_store %arg10[%swap3A_280, %swap3A_281], %swap3A_284 {strides = array<i32>} : memref<160x128xf32, #tpu.memory_space<vmem>>, vector<1x16xf32>,
      %get3A_285 = arith.index_cast %add3A_168 : i32 to index
      %get3A_286 = arith.constant 112 : index
      %get3A_287 = tpu.vector_load %arg10[%get3A_285, %get3A_286] {strides = array<i32>} : memref<160x128xf32, #tpu.memory_space<vmem>>, vector<1x16xf32>,
      %get3A_288 = vector.shape_cast %get3A_287 : vector<1x16xf32> to vector<16xf32>
      %get3A_289 = arith.index_cast %add3A_168 : i32 to index
      %get3A_290 = arith.constant 112 : index
      %get3A_291 = tpu.vector_load %arg11[%get3A_289, %get3A_290] {strides = array<i32>} : memref<160x128xf32, #tpu.memory_space<vmem>>, vector<1x16xf32>,
      %get3A_292 = vector.shape_cast %get3A_291 : vector<1x16xf32> to vector<16xf32>
      %add3A_293 = arith.addf %get3A_288, %get3A_292 : vector<16xf32>
      %max3A_294 = arith.constant 0.000000e+00 : f32
      %max3A_295 = vector.broadcast %max3A_294 : f32 to vector<16xf32>
      %max3A_296 = arith.maximumf %add3A_293, %max3A_295 : vector<16xf32>
      %swap3A_297 = arith.index_cast %add3A_168 : i32 to index
      %swap3A_298 = arith.constant 112 : index
      %swap3A_299 = tpu.vector_load %arg10[%swap3A_297, %swap3A_298] {strides = array<i32>} : memref<160x128xf32, #tpu.memory_space<vmem>>, vector<1x16xf32>,
      %swap3A_300 = vector.shape_cast %swap3A_299 : vector<1x16xf32> to vector<16xf32>
      %swap3A_301 = vector.shape_cast %max3A_296 : vector<16xf32> to vector<1x16xf32>
      tpu.vector_store %arg10[%swap3A_297, %swap3A_298], %swap3A_301 {strides = array<i32>} : memref<160x128xf32, #tpu.memory_space<vmem>>, vector<1x16xf32>,
    }
    %scan3A_143 = arith.constant 80 : i32
    %dma_wait3A_144 = arith.constant 0 : i32
    %dma_wait3A_145 = arith.constant 0 : i32
    %dma_wait3A_146 = arith.constant 0 : i32
    %dma_wait3A_147 = arith.constant 0 : i32
    %dma_wait3A_148 = tpu.memref_slice %arg9[%dma_wait3A_145, %dma_wait3A_146, %dma_wait3A_147] : memref<2x1x80xi32, #tpu.memory_space<vmem>> -> memref<1x1x80xi32, #tpu.memory_space<vmem>>
    %dma_wait3A_149 = tpu.memref_squeeze %dma_wait3A_148 : memref<1x1x80xi32, #tpu.memory_space<vmem>> -> memref<1x80xi32, #tpu.memory_space<vmem>>
    %dma_wait3A_150 = arith.constant 0 : i32
    %dma_wait3A_151 = arith.constant 0 : i32
    %dma_wait3A_152 = tpu.memref_slice %arg5[%add3A, %dma_wait3A_144, %dma_wait3A_150, %dma_wait3A_151] : memref<32x125x1x80xi32, #tpu.memory_space<hbm>> -> memref<1x1x1x80xi32, #tpu.memory_space<hbm>>
    %dma_wait3A_153 = tpu.memref_squeeze %dma_wait3A_152 : memref<1x1x1x80xi32, #tpu.memory_space<hbm>> -> memref<1x80xi32, #tpu.memory_space<hbm>>
    %dma_wait3A_154 = arith.constant 0 : i32
    %dma_wait3A_155 = arith.constant 0 : i32
    %dma_wait3A_156 = tpu.memref_slice %arg9[%dma_wait3A_145, %dma_wait3A_154, %dma_wait3A_155] : memref<2x1x80xi32, #tpu.memory_space<vmem>> -> memref<1x1x80xi32, #tpu.memory_space<vmem>>
    %dma_wait3A_157 = tpu.memref_squeeze %dma_wait3A_156 : memref<1x1x80xi32, #tpu.memory_space<vmem>> -> memref<1x80xi32, #tpu.memory_space<vmem>>
    %dma_wait3A_158 = arith.constant 0 : i32
    %dma_wait3A_159 = arith.constant 0 : i32
    %dma_wait3A_160 = tpu.memref_slice %arg5[%add3A, %dma_wait3A_144, %dma_wait3A_158, %dma_wait3A_159] : memref<32x125x1x80xi32, #tpu.memory_space<hbm>> -> memref<1x1x1x80xi32, #tpu.memory_space<hbm>>
    %dma_wait3A_161 = tpu.memref_squeeze %dma_wait3A_160 : memref<1x1x1x80xi32, #tpu.memory_space<hbm>> -> memref<1x80xi32, #tpu.memory_space<hbm>>
    tpu.wait_dma2 semaphore(%arg18 : memref<!tpu.dma_semaphore, #tpu.memory_space<semaphore_mem>>) src(%dma_wait3A_161 : memref<1x80xi32, #tpu.memory_space<hbm>>) dst(%dma_wait3A_157 : memref<1x80xi32, #tpu.memory_space<vmem>>)
    %run_scoped3A = arith.constant 0 : i32
    %run_scoped3A_162 = arith.constant 0 : i32
    "tpu.region"() ({
      %run_scoped3A_166 = tpu.sem_alloc : memref<!tpu.dma_semaphore, #tpu.memory_space<semaphore_mem>>
      %dma_start3A_167 = arith.constant 0 : i32
      %dma_start3A_168 = arith.constant 0 : i32
      %dma_start3A_169 = tpu.memref_slice %arg10[%dma_start3A_167, %dma_start3A_168] : memref<160x128xf32, #tpu.memory_space<vmem>> -> memref<80x128xf32, #tpu.memory_space<vmem>>
      %dma_start3A_170 = arith.constant 0 : i32
      %dma_start3A_171 = tpu.memref_slice %arg9[%run_scoped3A, %run_scoped3A_162, %dma_start3A_170] : memref<2x1x80xi32, #tpu.memory_space<vmem>> -> memref<1x1x80xi32, #tpu.memory_space<vmem>>
      %dma_start3A_172 = tpu.memref_squeeze %dma_start3A_171 : memref<1x1x80xi32, #tpu.memory_space<vmem>> -> memref<80xi32, #tpu.memory_space<vmem>>
      %dma_start3A_173 = arith.constant 0 : i32
      %dma_start3A_174 = arith.constant 0 : i32
      %dma_start3A_175 = tpu.memref_slice %arg7[%dma_start3A_173, %dma_start3A_174] : memref<10000x128xf32, #tpu.memory_space<vmem_shared>> -> memref<10000x128xf32, #tpu.memory_space<vmem_shared>>
      tpu.enqueue_indirect_dma source(%dma_start3A_169 : memref<80x128xf32, #tpu.memory_space<vmem>>) target(%dma_start3A_175 : memref<10000x128xf32, #tpu.memory_space<vmem_shared>>) offsets(%dma_start3A_172 : memref<80xi32, #tpu.memory_space<vmem>>) semaphore(%run_scoped3A_166 : memref<!tpu.dma_semaphore, #tpu.memory_space<semaphore_mem>>) {add = true}
      %dma_wait3A_176 = arith.constant 0 : i32
      %dma_wait3A_177 = arith.constant 0 : i32
      %dma_wait3A_178 = tpu.memref_slice %arg10[%dma_wait3A_176, %dma_wait3A_177] : memref<160x128xf32, #tpu.memory_space<vmem>> -> memref<80x128xf32, #tpu.memory_space<vmem>>
      %dma_wait3A_179 = arith.constant 0 : i32
      %dma_wait3A_180 = tpu.memref_slice %arg9[%run_scoped3A, %run_scoped3A_162, %dma_wait3A_179] : memref<2x1x80xi32, #tpu.memory_space<vmem>> -> memref<1x1x80xi32, #tpu.memory_space<vmem>>
      %dma_wait3A_181 = tpu.memref_squeeze %dma_wait3A_180 : memref<1x1x80xi32, #tpu.memory_space<vmem>> -> memref<80xi32, #tpu.memory_space<vmem>>
      %dma_wait3A_182 = arith.constant 0 : i32
      %dma_wait3A_183 = arith.constant 0 : i32
      %dma_wait3A_184 = tpu.memref_slice %arg7[%dma_wait3A_182, %dma_wait3A_183] : memref<10000x128xf32, #tpu.memory_space<vmem_shared>> -> memref<10000x128xf32, #tpu.memory_space<vmem_shared>>
      tpu.wait_indirect_dma semaphore(%run_scoped3A_166 : memref<!tpu.dma_semaphore, #tpu.memory_space<semaphore_mem>>) src(%dma_wait3A_178 : memref<80x128xf32, #tpu.memory_space<vmem>>) dst(%dma_wait3A_184 : memref<10000x128xf32, #tpu.memory_space<vmem_shared>>)
      tpu.yield
    }) : () -> ()
    %barrier3A_163 = arith.constant 0 : index
    tpu.barrier barrier_id(%barrier3A_163)
    %mul3A_164 = arith.constant 625 : i32
    %mul3A_165 = arith.muli %arg1, %mul3A_164 : i32
    "tpu.region"() ({
      %run_scoped3A_166 = tpu.sem_alloc : memref<!tpu.dma_semaphore, #tpu.memory_space<semaphore_mem>>
      %dma_start3A_167 = arith.constant 0 : i32
      %dma_start3A_168 = arith.constant 0 : i32
      %dma_start3A_169 = tpu.memref_slice %arg6[%arg0, %arg1, %dma_start3A_167, %dma_start3A_168] : memref<2x16x625x128xf32, #tpu.memory_space<hbm>> -> memref<1x1x625x128xf32, #tpu.memory_space<hbm>>
      %dma_start3A_170 = tpu.memref_squeeze %dma_start3A_169 : memref<1x1x625x128xf32, #tpu.memory_space<hbm>> -> memref<625x128xf32, #tpu.memory_space<hbm>>
      %dma_start3A_171 = arith.constant 0 : i32
      %dma_start3A_172 = tpu.memref_slice %arg7[%mul3A_165, %dma_start3A_171] : memref<10000x128xf32, #tpu.memory_space<vmem_shared>> -> memref<625x128xf32, #tpu.memory_space<vmem_shared>>
      tpu.enqueue_dma source(%dma_start3A_172 : memref<625x128xf32, #tpu.memory_space<vmem_shared>>) target(%dma_start3A_170 : memref<625x128xf32, #tpu.memory_space<hbm>>) target_semaphore(%run_scoped3A_166 : memref<!tpu.dma_semaphore, #tpu.memory_space<semaphore_mem>>)
      %dma_wait3A_173 = arith.constant 0 : i32
      %dma_wait3A_174 = arith.constant 0 : i32
      %dma_wait3A_175 = tpu.memref_slice %arg6[%arg0, %arg1, %dma_wait3A_173, %dma_wait3A_174] : memref<2x16x625x128xf32, #tpu.memory_space<hbm>> -> memref<1x1x625x128xf32, #tpu.memory_space<hbm>>
      %dma_wait3A_176 = tpu.memref_squeeze %dma_wait3A_175 : memref<1x1x625x128xf32, #tpu.memory_space<hbm>> -> memref<625x128xf32, #tpu.memory_space<hbm>>
      %dma_wait3A_177 = arith.constant 0 : i32
      %dma_wait3A_178 = tpu.memref_slice %arg7[%mul3A_165, %dma_wait3A_177] : memref<10000x128xf32, #tpu.memory_space<vmem_shared>> -> memref<625x128xf32, #tpu.memory_space<vmem_shared>>
      tpu.wait_dma2 semaphore(%run_scoped3A_166 : memref<!tpu.dma_semaphore, #tpu.memory_space<semaphore_mem>>) src(%dma_wait3A_178 : memref<625x128xf32, #tpu.memory_space<vmem_shared>>) dst(%dma_wait3A_176 : memref<625x128xf32, #tpu.memory_space<hbm>>)
      tpu.yield
    }) : () -> ()
    return
  }
}

#map = affine_map<(d0, d1) -> (0, 0)>
#map1 = affine_map<(d0, d1) -> (0, 0, 0, 0)>
module attributes {stable_mosaic.version = 14 : i64} {
  func.func @_sc_layer_body(%arg0: i32, %arg1: i32, %arg2: memref<10000x128xf32, #tpu.memory_space<hbm>>, %arg3: memref<320000x128xf32, #tpu.memory_space<hbm>>, %arg4: memref<32x125x1x80xi32, #tpu.memory_space<hbm>>, %arg5: memref<32x125x1x80xi32, #tpu.memory_space<hbm>>, %arg6: memref<2x16x625x128xf32, #tpu.memory_space<hbm>>, %arg7: memref<10000x128xf32, #tpu.memory_space<vmem_shared>>, %arg8: memref<2x1x80xi32, #tpu.memory_space<vmem>>, %arg9: memref<2x1x80xi32, #tpu.memory_space<vmem>>, %arg10: memref<160x128xf32, #tpu.memory_space<vmem>>, %arg11: memref<160x128xf32, #tpu.memory_space<vmem>>, %arg12: memref<!tpu.dma_semaphore, #tpu.memory_space<semaphore_mem>>, %arg13: memref<!tpu.dma_semaphore, #tpu.memory_space<semaphore_mem>>, %arg14: memref<!tpu.dma_semaphore, #tpu.memory_space<semaphore_mem>>, %arg15: memref<!tpu.dma_semaphore, #tpu.memory_space<semaphore_mem>>, %arg16: memref<!tpu.dma_semaphore, #tpu.memory_space<semaphore_mem>>, %arg17: memref<!tpu.dma_semaphore, #tpu.memory_space<semaphore_mem>>, %arg18: memref<!tpu.dma_semaphore, #tpu.memory_space<semaphore_mem>>, %arg19: memref<!tpu.dma_semaphore, #tpu.memory_space<semaphore_mem>>) attributes {dimension_semantics = [#tpu.dimension_semantics<core_parallel>, #tpu.dimension_semantics<subcore_parallel>], iteration_bounds = array<i64: 2, 16>, scalar_prefetch = 0 : i64, scratch_operands = 13 : i64, tpu.core_type = #tpu.core_type<sc_vector_subcore>, window_params = [{transform_indices = #map}, {transform_indices = #map}, {transform_indices = #map1}, {transform_indices = #map1}, {transform_indices = #map1}]} {
    %mul3A = arith.constant 16 : i32
    %mul3A_0 = arith.muli %arg0, %mul3A : i32
    %add3A = arith.addi %mul3A_0, %arg1 : i32
    %scan3A = arith.constant 0 : i32
    %scan3A_1 = arith.constant 160 : i32
    %scan3A_2 = arith.addi %scan3A, %scan3A_1 : i32
    %scan3A_3 = arith.constant 1 : i32
    scf.for %scan3A_166 = %scan3A to %scan3A_2 step %scan3A_3  : i32 {
      %broadcast_in_dim3A = arith.constant 0.000000e+00 : f32
      %broadcast_in_dim3A_167 = vector.broadcast %broadcast_in_dim3A : f32 to vector<16xf32>
      %swap3A = arith.index_cast %scan3A_166 : i32 to index
      %swap3A_168 = arith.constant 0 : index
      %swap3A_169 = tpu.vector_load %arg10[%swap3A, %swap3A_168] {strides = array<i32>} : memref<160x128xf32, #tpu.memory_space<vmem>>, vector<1x16xf32>,
      %swap3A_170 = vector.shape_cast %swap3A_169 : vector<1x16xf32> to vector<16xf32>
      %swap3A_171 = vector.shape_cast %broadcast_in_dim3A_167 : vector<16xf32> to vector<1x16xf32>
      tpu.vector_store %arg10[%swap3A, %swap3A_168], %swap3A_171 {strides = array<i32>} : memref<160x128xf32, #tpu.memory_space<vmem>>, vector<1x16xf32>,
      %broadcast_in_dim3A_172 = arith.constant 0.000000e+00 : f32
      %broadcast_in_dim3A_173 = vector.broadcast %broadcast_in_dim3A_172 : f32 to vector<16xf32>
      %swap3A_174 = arith.index_cast %scan3A_166 : i32 to index
      %swap3A_175 = arith.constant 16 : index
      %swap3A_176 = tpu.vector_load %arg10[%swap3A_174, %swap3A_175] {strides = array<i32>} : memref<160x128xf32, #tpu.memory_space<vmem>>, vector<1x16xf32>,
      %swap3A_177 = vector.shape_cast %swap3A_176 : vector<1x16xf32> to vector<16xf32>
      %swap3A_178 = vector.shape_cast %broadcast_in_dim3A_173 : vector<16xf32> to vector<1x16xf32>
      tpu.vector_store %arg10[%swap3A_174, %swap3A_175], %swap3A_178 {strides = array<i32>} : memref<160x128xf32, #tpu.memory_space<vmem>>, vector<1x16xf32>,
      %broadcast_in_dim3A_179 = arith.constant 0.000000e+00 : f32
      %broadcast_in_dim3A_180 = vector.broadcast %broadcast_in_dim3A_179 : f32 to vector<16xf32>
      %swap3A_181 = arith.index_cast %scan3A_166 : i32 to index
      %swap3A_182 = arith.constant 32 : index
      %swap3A_183 = tpu.vector_load %arg10[%swap3A_181, %swap3A_182] {strides = array<i32>} : memref<160x128xf32, #tpu.memory_space<vmem>>, vector<1x16xf32>,
      %swap3A_184 = vector.shape_cast %swap3A_183 : vector<1x16xf32> to vector<16xf32>
      %swap3A_185 = vector.shape_cast %broadcast_in_dim3A_180 : vector<16xf32> to vector<1x16xf32>
      tpu.vector_store %arg10[%swap3A_181, %swap3A_182], %swap3A_185 {strides = array<i32>} : memref<160x128xf32, #tpu.memory_space<vmem>>, vector<1x16xf32>,
      %broadcast_in_dim3A_186 = arith.constant 0.000000e+00 : f32
      %broadcast_in_dim3A_187 = vector.broadcast %broadcast_in_dim3A_186 : f32 to vector<16xf32>
      %swap3A_188 = arith.index_cast %scan3A_166 : i32 to index
      %swap3A_189 = arith.constant 48 : index
      %swap3A_190 = tpu.vector_load %arg10[%swap3A_188, %swap3A_189] {strides = array<i32>} : memref<160x128xf32, #tpu.memory_space<vmem>>, vector<1x16xf32>,
      %swap3A_191 = vector.shape_cast %swap3A_190 : vector<1x16xf32> to vector<16xf32>
      %swap3A_192 = vector.shape_cast %broadcast_in_dim3A_187 : vector<16xf32> to vector<1x16xf32>
      tpu.vector_store %arg10[%swap3A_188, %swap3A_189], %swap3A_192 {strides = array<i32>} : memref<160x128xf32, #tpu.memory_space<vmem>>, vector<1x16xf32>,
      %broadcast_in_dim3A_193 = arith.constant 0.000000e+00 : f32
      %broadcast_in_dim3A_194 = vector.broadcast %broadcast_in_dim3A_193 : f32 to vector<16xf32>
      %swap3A_195 = arith.index_cast %scan3A_166 : i32 to index
      %swap3A_196 = arith.constant 64 : index
      %swap3A_197 = tpu.vector_load %arg10[%swap3A_195, %swap3A_196] {strides = array<i32>} : memref<160x128xf32, #tpu.memory_space<vmem>>, vector<1x16xf32>,
      %swap3A_198 = vector.shape_cast %swap3A_197 : vector<1x16xf32> to vector<16xf32>
      %swap3A_199 = vector.shape_cast %broadcast_in_dim3A_194 : vector<16xf32> to vector<1x16xf32>
      tpu.vector_store %arg10[%swap3A_195, %swap3A_196], %swap3A_199 {strides = array<i32>} : memref<160x128xf32, #tpu.memory_space<vmem>>, vector<1x16xf32>,
      %broadcast_in_dim3A_200 = arith.constant 0.000000e+00 : f32
      %broadcast_in_dim3A_201 = vector.broadcast %broadcast_in_dim3A_200 : f32 to vector<16xf32>
      %swap3A_202 = arith.index_cast %scan3A_166 : i32 to index
      %swap3A_203 = arith.constant 80 : index
      %swap3A_204 = tpu.vector_load %arg10[%swap3A_202, %swap3A_203] {strides = array<i32>} : memref<160x128xf32, #tpu.memory_space<vmem>>, vector<1x16xf32>,
      %swap3A_205 = vector.shape_cast %swap3A_204 : vector<1x16xf32> to vector<16xf32>
      %swap3A_206 = vector.shape_cast %broadcast_in_dim3A_201 : vector<16xf32> to vector<1x16xf32>
      tpu.vector_store %arg10[%swap3A_202, %swap3A_203], %swap3A_206 {strides = array<i32>} : memref<160x128xf32, #tpu.memory_space<vmem>>, vector<1x16xf32>,
      %broadcast_in_dim3A_207 = arith.constant 0.000000e+00 : f32
      %broadcast_in_dim3A_208 = vector.broadcast %broadcast_in_dim3A_207 : f32 to vector<16xf32>
      %swap3A_209 = arith.index_cast %scan3A_166 : i32 to index
      %swap3A_210 = arith.constant 96 : index
      %swap3A_211 = tpu.vector_load %arg10[%swap3A_209, %swap3A_210] {strides = array<i32>} : memref<160x128xf32, #tpu.memory_space<vmem>>, vector<1x16xf32>,
      %swap3A_212 = vector.shape_cast %swap3A_211 : vector<1x16xf32> to vector<16xf32>
      %swap3A_213 = vector.shape_cast %broadcast_in_dim3A_208 : vector<16xf32> to vector<1x16xf32>
      tpu.vector_store %arg10[%swap3A_209, %swap3A_210], %swap3A_213 {strides = array<i32>} : memref<160x128xf32, #tpu.memory_space<vmem>>, vector<1x16xf32>,
      %broadcast_in_dim3A_214 = arith.constant 0.000000e+00 : f32
      %broadcast_in_dim3A_215 = vector.broadcast %broadcast_in_dim3A_214 : f32 to vector<16xf32>
      %swap3A_216 = arith.index_cast %scan3A_166 : i32 to index
      %swap3A_217 = arith.constant 112 : index
      %swap3A_218 = tpu.vector_load %arg10[%swap3A_216, %swap3A_217] {strides = array<i32>} : memref<160x128xf32, #tpu.memory_space<vmem>>, vector<1x16xf32>,
      %swap3A_219 = vector.shape_cast %swap3A_218 : vector<1x16xf32> to vector<16xf32>
      %swap3A_220 = vector.shape_cast %broadcast_in_dim3A_215 : vector<16xf32> to vector<1x16xf32>
      tpu.vector_store %arg10[%swap3A_216, %swap3A_217], %swap3A_220 {strides = array<i32>} : memref<160x128xf32, #tpu.memory_space<vmem>>, vector<1x16xf32>,
    }
    %scan3A_4 = arith.constant 160 : i32
    %mul3A_5 = arith.constant 625 : i32
    %mul3A_6 = arith.muli %arg1, %mul3A_5 : i32
    "tpu.region"() ({
      %run_scoped3A_166 = tpu.sem_alloc : memref<!tpu.dma_semaphore, #tpu.memory_space<semaphore_mem>>
      %dma_start3A_167 = arith.constant 0 : i32
      %dma_start3A_168 = arith.constant 0 : i32
      %dma_start3A_169 = tpu.memref_slice %arg10[%dma_start3A_167, %dma_start3A_168] : memref<160x128xf32, #tpu.memory_space<vmem>> -> memref<160x128xf32, #tpu.memory_space<vmem>>
      %dma_start3A_170 = arith.constant 0 : i32
      %dma_start3A_171 = tpu.memref_slice %arg7[%mul3A_6, %dma_start3A_170] : memref<10000x128xf32, #tpu.memory_space<vmem_shared>> -> memref<160x128xf32, #tpu.memory_space<vmem_shared>>
      %dma_start3A_172 = arith.constant 0 : i32
      %dma_start3A_173 = tpu.memref_slice %arg7[%mul3A_6, %dma_start3A_172] : memref<10000x128xf32, #tpu.memory_space<vmem_shared>> -> memref<160x128xf32, #tpu.memory_space<vmem_shared>>
      %dma_start3A_174 = arith.constant 0 : i32
      %dma_start3A_175 = arith.constant 0 : i32
      %dma_start3A_176 = tpu.memref_slice %arg10[%dma_start3A_174, %dma_start3A_175] : memref<160x128xf32, #tpu.memory_space<vmem>> -> memref<160x128xf32, #tpu.memory_space<vmem>>
      tpu.enqueue_dma source(%dma_start3A_176 : memref<160x128xf32, #tpu.memory_space<vmem>>) target(%dma_start3A_173 : memref<160x128xf32, #tpu.memory_space<vmem_shared>>) target_semaphore(%run_scoped3A_166 : memref<!tpu.dma_semaphore, #tpu.memory_space<semaphore_mem>>)
      %dma_wait3A_177 = arith.constant 0 : i32
      %dma_wait3A_178 = arith.constant 0 : i32
      %dma_wait3A_179 = tpu.memref_slice %arg10[%dma_wait3A_177, %dma_wait3A_178] : memref<160x128xf32, #tpu.memory_space<vmem>> -> memref<160x128xf32, #tpu.memory_space<vmem>>
      %dma_wait3A_180 = arith.constant 0 : i32
      %dma_wait3A_181 = tpu.memref_slice %arg7[%mul3A_6, %dma_wait3A_180] : memref<10000x128xf32, #tpu.memory_space<vmem_shared>> -> memref<160x128xf32, #tpu.memory_space<vmem_shared>>
      %dma_wait3A_182 = arith.constant 0 : i32
      %dma_wait3A_183 = tpu.memref_slice %arg7[%mul3A_6, %dma_wait3A_182] : memref<10000x128xf32, #tpu.memory_space<vmem_shared>> -> memref<160x128xf32, #tpu.memory_space<vmem_shared>>
      %dma_wait3A_184 = arith.constant 0 : i32
      %dma_wait3A_185 = arith.constant 0 : i32
      %dma_wait3A_186 = tpu.memref_slice %arg10[%dma_wait3A_184, %dma_wait3A_185] : memref<160x128xf32, #tpu.memory_space<vmem>> -> memref<160x128xf32, #tpu.memory_space<vmem>>
      tpu.wait_dma2 semaphore(%run_scoped3A_166 : memref<!tpu.dma_semaphore, #tpu.memory_space<semaphore_mem>>) src(%dma_wait3A_186 : memref<160x128xf32, #tpu.memory_space<vmem>>) dst(%dma_wait3A_183 : memref<160x128xf32, #tpu.memory_space<vmem_shared>>)
      tpu.yield
    }) : () -> ()
    %add3A_7 = arith.constant 160 : i32
    %add3A_8 = arith.addi %mul3A_6, %add3A_7 : i32
    "tpu.region"() ({
      %run_scoped3A_166 = tpu.sem_alloc : memref<!tpu.dma_semaphore, #tpu.memory_space<semaphore_mem>>
      %dma_start3A_167 = arith.constant 0 : i32
      %dma_start3A_168 = arith.constant 0 : i32
      %dma_start3A_169 = tpu.memref_slice %arg10[%dma_start3A_167, %dma_start3A_168] : memref<160x128xf32, #tpu.memory_space<vmem>> -> memref<160x128xf32, #tpu.memory_space<vmem>>
      %dma_start3A_170 = arith.constant 0 : i32
      %dma_start3A_171 = tpu.memref_slice %arg7[%add3A_8, %dma_start3A_170] : memref<10000x128xf32, #tpu.memory_space<vmem_shared>> -> memref<160x128xf32, #tpu.memory_space<vmem_shared>>
      %dma_start3A_172 = arith.constant 0 : i32
      %dma_start3A_173 = tpu.memref_slice %arg7[%add3A_8, %dma_start3A_172] : memref<10000x128xf32, #tpu.memory_space<vmem_shared>> -> memref<160x128xf32, #tpu.memory_space<vmem_shared>>
      %dma_start3A_174 = arith.constant 0 : i32
      %dma_start3A_175 = arith.constant 0 : i32
      %dma_start3A_176 = tpu.memref_slice %arg10[%dma_start3A_174, %dma_start3A_175] : memref<160x128xf32, #tpu.memory_space<vmem>> -> memref<160x128xf32, #tpu.memory_space<vmem>>
      tpu.enqueue_dma source(%dma_start3A_176 : memref<160x128xf32, #tpu.memory_space<vmem>>) target(%dma_start3A_173 : memref<160x128xf32, #tpu.memory_space<vmem_shared>>) target_semaphore(%run_scoped3A_166 : memref<!tpu.dma_semaphore, #tpu.memory_space<semaphore_mem>>)
      %dma_wait3A_177 = arith.constant 0 : i32
      %dma_wait3A_178 = arith.constant 0 : i32
      %dma_wait3A_179 = tpu.memref_slice %arg10[%dma_wait3A_177, %dma_wait3A_178] : memref<160x128xf32, #tpu.memory_space<vmem>> -> memref<160x128xf32, #tpu.memory_space<vmem>>
      %dma_wait3A_180 = arith.constant 0 : i32
      %dma_wait3A_181 = tpu.memref_slice %arg7[%add3A_8, %dma_wait3A_180] : memref<10000x128xf32, #tpu.memory_space<vmem_shared>> -> memref<160x128xf32, #tpu.memory_space<vmem_shared>>
      %dma_wait3A_182 = arith.constant 0 : i32
      %dma_wait3A_183 = tpu.memref_slice %arg7[%add3A_8, %dma_wait3A_182] : memref<10000x128xf32, #tpu.memory_space<vmem_shared>> -> memref<160x128xf32, #tpu.memory_space<vmem_shared>>
      %dma_wait3A_184 = arith.constant 0 : i32
      %dma_wait3A_185 = arith.constant 0 : i32
      %dma_wait3A_186 = tpu.memref_slice %arg10[%dma_wait3A_184, %dma_wait3A_185] : memref<160x128xf32, #tpu.memory_space<vmem>> -> memref<160x128xf32, #tpu.memory_space<vmem>>
      tpu.wait_dma2 semaphore(%run_scoped3A_166 : memref<!tpu.dma_semaphore, #tpu.memory_space<semaphore_mem>>) src(%dma_wait3A_186 : memref<160x128xf32, #tpu.memory_space<vmem>>) dst(%dma_wait3A_183 : memref<160x128xf32, #tpu.memory_space<vmem_shared>>)
      tpu.yield
    }) : () -> ()
    %add3A_9 = arith.constant 160 : i32
    %add3A_10 = arith.addi %add3A_8, %add3A_9 : i32
    "tpu.region"() ({
      %run_scoped3A_166 = tpu.sem_alloc : memref<!tpu.dma_semaphore, #tpu.memory_space<semaphore_mem>>
      %dma_start3A_167 = arith.constant 0 : i32
      %dma_start3A_168 = arith.constant 0 : i32
      %dma_start3A_169 = tpu.memref_slice %arg10[%dma_start3A_167, %dma_start3A_168] : memref<160x128xf32, #tpu.memory_space<vmem>> -> memref<160x128xf32, #tpu.memory_space<vmem>>
      %dma_start3A_170 = arith.constant 0 : i32
      %dma_start3A_171 = tpu.memref_slice %arg7[%add3A_10, %dma_start3A_170] : memref<10000x128xf32, #tpu.memory_space<vmem_shared>> -> memref<160x128xf32, #tpu.memory_space<vmem_shared>>
      %dma_start3A_172 = arith.constant 0 : i32
      %dma_start3A_173 = tpu.memref_slice %arg7[%add3A_10, %dma_start3A_172] : memref<10000x128xf32, #tpu.memory_space<vmem_shared>> -> memref<160x128xf32, #tpu.memory_space<vmem_shared>>
      %dma_start3A_174 = arith.constant 0 : i32
      %dma_start3A_175 = arith.constant 0 : i32
      %dma_start3A_176 = tpu.memref_slice %arg10[%dma_start3A_174, %dma_start3A_175] : memref<160x128xf32, #tpu.memory_space<vmem>> -> memref<160x128xf32, #tpu.memory_space<vmem>>
      tpu.enqueue_dma source(%dma_start3A_176 : memref<160x128xf32, #tpu.memory_space<vmem>>) target(%dma_start3A_173 : memref<160x128xf32, #tpu.memory_space<vmem_shared>>) target_semaphore(%run_scoped3A_166 : memref<!tpu.dma_semaphore, #tpu.memory_space<semaphore_mem>>)
      %dma_wait3A_177 = arith.constant 0 : i32
      %dma_wait3A_178 = arith.constant 0 : i32
      %dma_wait3A_179 = tpu.memref_slice %arg10[%dma_wait3A_177, %dma_wait3A_178] : memref<160x128xf32, #tpu.memory_space<vmem>> -> memref<160x128xf32, #tpu.memory_space<vmem>>
      %dma_wait3A_180 = arith.constant 0 : i32
      %dma_wait3A_181 = tpu.memref_slice %arg7[%add3A_10, %dma_wait3A_180] : memref<10000x128xf32, #tpu.memory_space<vmem_shared>> -> memref<160x128xf32, #tpu.memory_space<vmem_shared>>
      %dma_wait3A_182 = arith.constant 0 : i32
      %dma_wait3A_183 = tpu.memref_slice %arg7[%add3A_10, %dma_wait3A_182] : memref<10000x128xf32, #tpu.memory_space<vmem_shared>> -> memref<160x128xf32, #tpu.memory_space<vmem_shared>>
      %dma_wait3A_184 = arith.constant 0 : i32
      %dma_wait3A_185 = arith.constant 0 : i32
      %dma_wait3A_186 = tpu.memref_slice %arg10[%dma_wait3A_184, %dma_wait3A_185] : memref<160x128xf32, #tpu.memory_space<vmem>> -> memref<160x128xf32, #tpu.memory_space<vmem>>
      tpu.wait_dma2 semaphore(%run_scoped3A_166 : memref<!tpu.dma_semaphore, #tpu.memory_space<semaphore_mem>>) src(%dma_wait3A_186 : memref<160x128xf32, #tpu.memory_space<vmem>>) dst(%dma_wait3A_183 : memref<160x128xf32, #tpu.memory_space<vmem_shared>>)
      tpu.yield
    }) : () -> ()
    %add3A_11 = arith.constant 160 : i32
    %add3A_12 = arith.addi %add3A_10, %add3A_11 : i32
    "tpu.region"() ({
      %run_scoped3A_166 = tpu.sem_alloc : memref<!tpu.dma_semaphore, #tpu.memory_space<semaphore_mem>>
      %dma_start3A_167 = arith.constant 0 : i32
      %dma_start3A_168 = arith.constant 0 : i32
      %dma_start3A_169 = tpu.memref_slice %arg10[%dma_start3A_167, %dma_start3A_168] : memref<160x128xf32, #tpu.memory_space<vmem>> -> memref<145x128xf32, #tpu.memory_space<vmem>>
      %dma_start3A_170 = arith.constant 0 : i32
      %dma_start3A_171 = tpu.memref_slice %arg7[%add3A_12, %dma_start3A_170] : memref<10000x128xf32, #tpu.memory_space<vmem_shared>> -> memref<145x128xf32, #tpu.memory_space<vmem_shared>>
      %dma_start3A_172 = arith.constant 0 : i32
      %dma_start3A_173 = tpu.memref_slice %arg7[%add3A_12, %dma_start3A_172] : memref<10000x128xf32, #tpu.memory_space<vmem_shared>> -> memref<145x128xf32, #tpu.memory_space<vmem_shared>>
      %dma_start3A_174 = arith.constant 0 : i32
      %dma_start3A_175 = arith.constant 0 : i32
      %dma_start3A_176 = tpu.memref_slice %arg10[%dma_start3A_174, %dma_start3A_175] : memref<160x128xf32, #tpu.memory_space<vmem>> -> memref<145x128xf32, #tpu.memory_space<vmem>>
      tpu.enqueue_dma source(%dma_start3A_176 : memref<145x128xf32, #tpu.memory_space<vmem>>) target(%dma_start3A_173 : memref<145x128xf32, #tpu.memory_space<vmem_shared>>) target_semaphore(%run_scoped3A_166 : memref<!tpu.dma_semaphore, #tpu.memory_space<semaphore_mem>>)
      %dma_wait3A_177 = arith.constant 0 : i32
      %dma_wait3A_178 = arith.constant 0 : i32
      %dma_wait3A_179 = tpu.memref_slice %arg10[%dma_wait3A_177, %dma_wait3A_178] : memref<160x128xf32, #tpu.memory_space<vmem>> -> memref<145x128xf32, #tpu.memory_space<vmem>>
      %dma_wait3A_180 = arith.constant 0 : i32
      %dma_wait3A_181 = tpu.memref_slice %arg7[%add3A_12, %dma_wait3A_180] : memref<10000x128xf32, #tpu.memory_space<vmem_shared>> -> memref<145x128xf32, #tpu.memory_space<vmem_shared>>
      %dma_wait3A_182 = arith.constant 0 : i32
      %dma_wait3A_183 = tpu.memref_slice %arg7[%add3A_12, %dma_wait3A_182] : memref<10000x128xf32, #tpu.memory_space<vmem_shared>> -> memref<145x128xf32, #tpu.memory_space<vmem_shared>>
      %dma_wait3A_184 = arith.constant 0 : i32
      %dma_wait3A_185 = arith.constant 0 : i32
      %dma_wait3A_186 = tpu.memref_slice %arg10[%dma_wait3A_184, %dma_wait3A_185] : memref<160x128xf32, #tpu.memory_space<vmem>> -> memref<145x128xf32, #tpu.memory_space<vmem>>
      tpu.wait_dma2 semaphore(%run_scoped3A_166 : memref<!tpu.dma_semaphore, #tpu.memory_space<semaphore_mem>>) src(%dma_wait3A_186 : memref<145x128xf32, #tpu.memory_space<vmem>>) dst(%dma_wait3A_183 : memref<145x128xf32, #tpu.memory_space<vmem_shared>>)
      tpu.yield
    }) : () -> ()
    %add3A_13 = arith.constant 145 : i32
    %add3A_14 = arith.addi %add3A_12, %add3A_13 : i32
    %barrier3A = arith.constant 0 : index
    tpu.barrier barrier_id(%barrier3A)
    %dma_start3A = arith.constant 0 : i32
    %dma_start3A_15 = arith.constant 0 : i32
    %dma_start3A_16 = arith.constant 0 : i32
    %dma_start3A_17 = arith.constant 0 : i32
    %dma_start3A_18 = tpu.memref_slice %arg8[%dma_start3A_15, %dma_start3A_16, %dma_start3A_17] : memref<2x1x80xi32, #tpu.memory_space<vmem>> -> memref<1x1x80xi32, #tpu.memory_space<vmem>>
    %dma_start3A_19 = tpu.memref_squeeze %dma_start3A_18 : memref<1x1x80xi32, #tpu.memory_space<vmem>> -> memref<1x80xi32, #tpu.memory_space<vmem>>
    %dma_start3A_20 = arith.constant 0 : i32
    %dma_start3A_21 = arith.constant 0 : i32
    %dma_start3A_22 = tpu.memref_slice %arg4[%add3A, %dma_start3A, %dma_start3A_20, %dma_start3A_21] : memref<32x125x1x80xi32, #tpu.memory_space<hbm>> -> memref<1x1x1x80xi32, #tpu.memory_space<hbm>>
    %dma_start3A_23 = tpu.memref_squeeze %dma_start3A_22 : memref<1x1x1x80xi32, #tpu.memory_space<hbm>> -> memref<1x80xi32, #tpu.memory_space<hbm>>
    %dma_start3A_24 = arith.constant 0 : i32
    %dma_start3A_25 = arith.constant 0 : i32
    %dma_start3A_26 = tpu.memref_slice %arg8[%dma_start3A_15, %dma_start3A_24, %dma_start3A_25] : memref<2x1x80xi32, #tpu.memory_space<vmem>> -> memref<1x1x80xi32, #tpu.memory_space<vmem>>
    %dma_start3A_27 = tpu.memref_squeeze %dma_start3A_26 : memref<1x1x80xi32, #tpu.memory_space<vmem>> -> memref<1x80xi32, #tpu.memory_space<vmem>>
    %dma_start3A_28 = arith.constant 0 : i32
    %dma_start3A_29 = arith.constant 0 : i32
    %dma_start3A_30 = tpu.memref_slice %arg4[%add3A, %dma_start3A, %dma_start3A_28, %dma_start3A_29] : memref<32x125x1x80xi32, #tpu.memory_space<hbm>> -> memref<1x1x1x80xi32, #tpu.memory_space<hbm>>
    %dma_start3A_31 = tpu.memref_squeeze %dma_start3A_30 : memref<1x1x1x80xi32, #tpu.memory_space<hbm>> -> memref<1x80xi32, #tpu.memory_space<hbm>>
    tpu.enqueue_dma source(%dma_start3A_31 : memref<1x80xi32, #tpu.memory_space<hbm>>) target(%dma_start3A_27 : memref<1x80xi32, #tpu.memory_space<vmem>>) target_semaphore(%arg16 : memref<!tpu.dma_semaphore, #tpu.memory_space<semaphore_mem>>)
    %dma_start3A_32 = arith.constant 1 : i32
    %dma_start3A_33 = arith.constant 1 : i32
    %dma_start3A_34 = arith.constant 0 : i32
    %dma_start3A_35 = arith.constant 0 : i32
    %dma_start3A_36 = tpu.memref_slice %arg8[%dma_start3A_33, %dma_start3A_34, %dma_start3A_35] : memref<2x1x80xi32, #tpu.memory_space<vmem>> -> memref<1x1x80xi32, #tpu.memory_space<vmem>>
    %dma_start3A_37 = tpu.memref_squeeze %dma_start3A_36 : memref<1x1x80xi32, #tpu.memory_space<vmem>> -> memref<1x80xi32, #tpu.memory_space<vmem>>
    %dma_start3A_38 = arith.constant 0 : i32
    %dma_start3A_39 = arith.constant 0 : i32
    %dma_start3A_40 = tpu.memref_slice %arg4[%add3A, %dma_start3A_32, %dma_start3A_38, %dma_start3A_39] : memref<32x125x1x80xi32, #tpu.memory_space<hbm>> -> memref<1x1x1x80xi32, #tpu.memory_space<hbm>>
    %dma_start3A_41 = tpu.memref_squeeze %dma_start3A_40 : memref<1x1x1x80xi32, #tpu.memory_space<hbm>> -> memref<1x80xi32, #tpu.memory_space<hbm>>
    %dma_start3A_42 = arith.constant 0 : i32
    %dma_start3A_43 = arith.constant 0 : i32
    %dma_start3A_44 = tpu.memref_slice %arg8[%dma_start3A_33, %dma_start3A_42, %dma_start3A_43] : memref<2x1x80xi32, #tpu.memory_space<vmem>> -> memref<1x1x80xi32, #tpu.memory_space<vmem>>
    %dma_start3A_45 = tpu.memref_squeeze %dma_start3A_44 : memref<1x1x80xi32, #tpu.memory_space<vmem>> -> memref<1x80xi32, #tpu.memory_space<vmem>>
    %dma_start3A_46 = arith.constant 0 : i32
    %dma_start3A_47 = arith.constant 0 : i32
    %dma_start3A_48 = tpu.memref_slice %arg4[%add3A, %dma_start3A_32, %dma_start3A_46, %dma_start3A_47] : memref<32x125x1x80xi32, #tpu.memory_space<hbm>> -> memref<1x1x1x80xi32, #tpu.memory_space<hbm>>
    %dma_start3A_49 = tpu.memref_squeeze %dma_start3A_48 : memref<1x1x1x80xi32, #tpu.memory_space<hbm>> -> memref<1x80xi32, #tpu.memory_space<hbm>>
    tpu.enqueue_dma source(%dma_start3A_49 : memref<1x80xi32, #tpu.memory_space<hbm>>) target(%dma_start3A_45 : memref<1x80xi32, #tpu.memory_space<vmem>>) target_semaphore(%arg17 : memref<!tpu.dma_semaphore, #tpu.memory_space<semaphore_mem>>)
    %dma_wait3A = arith.constant 0 : i32
    %dma_wait3A_50 = arith.constant 0 : i32
    %dma_wait3A_51 = arith.constant 0 : i32
    %dma_wait3A_52 = arith.constant 0 : i32
    %dma_wait3A_53 = tpu.memref_slice %arg8[%dma_wait3A_50, %dma_wait3A_51, %dma_wait3A_52] : memref<2x1x80xi32, #tpu.memory_space<vmem>> -> memref<1x1x80xi32, #tpu.memory_space<vmem>>
    %dma_wait3A_54 = tpu.memref_squeeze %dma_wait3A_53 : memref<1x1x80xi32, #tpu.memory_space<vmem>> -> memref<1x80xi32, #tpu.memory_space<vmem>>
    %dma_wait3A_55 = arith.constant 0 : i32
    %dma_wait3A_56 = arith.constant 0 : i32
    %dma_wait3A_57 = tpu.memref_slice %arg4[%add3A, %dma_wait3A, %dma_wait3A_55, %dma_wait3A_56] : memref<32x125x1x80xi32, #tpu.memory_space<hbm>> -> memref<1x1x1x80xi32, #tpu.memory_space<hbm>>
    %dma_wait3A_58 = tpu.memref_squeeze %dma_wait3A_57 : memref<1x1x1x80xi32, #tpu.memory_space<hbm>> -> memref<1x80xi32, #tpu.memory_space<hbm>>
    %dma_wait3A_59 = arith.constant 0 : i32
    %dma_wait3A_60 = arith.constant 0 : i32
    %dma_wait3A_61 = tpu.memref_slice %arg8[%dma_wait3A_50, %dma_wait3A_59, %dma_wait3A_60] : memref<2x1x80xi32, #tpu.memory_space<vmem>> -> memref<1x1x80xi32, #tpu.memory_space<vmem>>
    %dma_wait3A_62 = tpu.memref_squeeze %dma_wait3A_61 : memref<1x1x80xi32, #tpu.memory_space<vmem>> -> memref<1x80xi32, #tpu.memory_space<vmem>>
    %dma_wait3A_63 = arith.constant 0 : i32
    %dma_wait3A_64 = arith.constant 0 : i32
    %dma_wait3A_65 = tpu.memref_slice %arg4[%add3A, %dma_wait3A, %dma_wait3A_63, %dma_wait3A_64] : memref<32x125x1x80xi32, #tpu.memory_space<hbm>> -> memref<1x1x1x80xi32, #tpu.memory_space<hbm>>
    %dma_wait3A_66 = tpu.memref_squeeze %dma_wait3A_65 : memref<1x1x1x80xi32, #tpu.memory_space<hbm>> -> memref<1x80xi32, #tpu.memory_space<hbm>>
    tpu.wait_dma2 semaphore(%arg16 : memref<!tpu.dma_semaphore, #tpu.memory_space<semaphore_mem>>) src(%dma_wait3A_66 : memref<1x80xi32, #tpu.memory_space<hbm>>) dst(%dma_wait3A_62 : memref<1x80xi32, #tpu.memory_space<vmem>>)
    %dma_start3A_67 = arith.constant 0 : i32
    %dma_start3A_68 = arith.constant 0 : i32
    %dma_start3A_69 = arith.constant 0 : i32
    %dma_start3A_70 = arith.constant 0 : i32
    %dma_start3A_71 = tpu.memref_slice %arg9[%dma_start3A_68, %dma_start3A_69, %dma_start3A_70] : memref<2x1x80xi32, #tpu.memory_space<vmem>> -> memref<1x1x80xi32, #tpu.memory_space<vmem>>
    %dma_start3A_72 = tpu.memref_squeeze %dma_start3A_71 : memref<1x1x80xi32, #tpu.memory_space<vmem>> -> memref<1x80xi32, #tpu.memory_space<vmem>>
    %dma_start3A_73 = arith.constant 0 : i32
    %dma_start3A_74 = arith.constant 0 : i32
    %dma_start3A_75 = tpu.memref_slice %arg5[%add3A, %dma_start3A_67, %dma_start3A_73, %dma_start3A_74] : memref<32x125x1x80xi32, #tpu.memory_space<hbm>> -> memref<1x1x1x80xi32, #tpu.memory_space<hbm>>
    %dma_start3A_76 = tpu.memref_squeeze %dma_start3A_75 : memref<1x1x1x80xi32, #tpu.memory_space<hbm>> -> memref<1x80xi32, #tpu.memory_space<hbm>>
    %dma_start3A_77 = arith.constant 0 : i32
    %dma_start3A_78 = arith.constant 0 : i32
    %dma_start3A_79 = tpu.memref_slice %arg9[%dma_start3A_68, %dma_start3A_77, %dma_start3A_78] : memref<2x1x80xi32, #tpu.memory_space<vmem>> -> memref<1x1x80xi32, #tpu.memory_space<vmem>>
    %dma_start3A_80 = tpu.memref_squeeze %dma_start3A_79 : memref<1x1x80xi32, #tpu.memory_space<vmem>> -> memref<1x80xi32, #tpu.memory_space<vmem>>
    %dma_start3A_81 = arith.constant 0 : i32
    %dma_start3A_82 = arith.constant 0 : i32
    %dma_start3A_83 = tpu.memref_slice %arg5[%add3A, %dma_start3A_67, %dma_start3A_81, %dma_start3A_82] : memref<32x125x1x80xi32, #tpu.memory_space<hbm>> -> memref<1x1x1x80xi32, #tpu.memory_space<hbm>>
    %dma_start3A_84 = tpu.memref_squeeze %dma_start3A_83 : memref<1x1x1x80xi32, #tpu.memory_space<hbm>> -> memref<1x80xi32, #tpu.memory_space<hbm>>
    tpu.enqueue_dma source(%dma_start3A_84 : memref<1x80xi32, #tpu.memory_space<hbm>>) target(%dma_start3A_80 : memref<1x80xi32, #tpu.memory_space<vmem>>) target_semaphore(%arg18 : memref<!tpu.dma_semaphore, #tpu.memory_space<semaphore_mem>>)
    %mul3A_85 = arith.constant 10000 : i32
    %mul3A_86 = arith.muli %add3A, %mul3A_85 : i32
    %add3A_87 = arith.constant 0 : i32
    %add3A_88 = arith.addi %mul3A_86, %add3A_87 : i32
    %dma_start3A_89 = arith.constant 0 : i32
    %dma_start3A_90 = arith.constant 0 : i32
    %dma_start3A_91 = tpu.memref_slice %arg11[%dma_start3A_89, %dma_start3A_90] : memref<160x128xf32, #tpu.memory_space<vmem>> -> memref<80x128xf32, #tpu.memory_space<vmem>>
    %dma_start3A_92 = arith.constant 0 : i32
    %dma_start3A_93 = tpu.memref_slice %arg3[%add3A_88, %dma_start3A_92] : memref<320000x128xf32, #tpu.memory_space<hbm>> -> memref<80x128xf32, #tpu.memory_space<hbm>>
    %dma_start3A_94 = arith.constant 0 : i32
    %dma_start3A_95 = arith.constant 0 : i32
    %dma_start3A_96 = tpu.memref_slice %arg11[%dma_start3A_94, %dma_start3A_95] : memref<160x128xf32, #tpu.memory_space<vmem>> -> memref<80x128xf32, #tpu.memory_space<vmem>>
    %dma_start3A_97 = arith.constant 0 : i32
    %dma_start3A_98 = tpu.memref_slice %arg3[%add3A_88, %dma_start3A_97] : memref<320000x128xf32, #tpu.memory_space<hbm>> -> memref<80x128xf32, #tpu.memory_space<hbm>>
    tpu.enqueue_dma source(%dma_start3A_98 : memref<80x128xf32, #tpu.memory_space<hbm>>) target(%dma_start3A_96 : memref<80x128xf32, #tpu.memory_space<vmem>>) target_semaphore(%arg14 : memref<!tpu.dma_semaphore, #tpu.memory_space<semaphore_mem>>)
    %dma_start3A_99 = arith.constant 0 : i32
    %dma_start3A_100 = arith.constant 0 : i32
    %dma_start3A_101 = arith.constant 0 : i32
    %dma_start3A_102 = arith.constant 0 : i32
    %dma_start3A_103 = tpu.memref_slice %arg10[%dma_start3A_101, %dma_start3A_102] : memref<160x128xf32, #tpu.memory_space<vmem>> -> memref<80x128xf32, #tpu.memory_space<vmem>>
    %dma_start3A_104 = arith.constant 0 : i32
    %dma_start3A_105 = tpu.memref_slice %arg8[%dma_start3A_99, %dma_start3A_100, %dma_start3A_104] : memref<2x1x80xi32, #tpu.memory_space<vmem>> -> memref<1x1x80xi32, #tpu.memory_space<vmem>>
    %dma_start3A_106 = tpu.memref_squeeze %dma_start3A_105 : memref<1x1x80xi32, #tpu.memory_space<vmem>> -> memref<80xi32, #tpu.memory_space<vmem>>
    %dma_start3A_107 = arith.constant 0 : i32
    %dma_start3A_108 = arith.constant 0 : i32
    %dma_start3A_109 = tpu.memref_slice %arg2[%dma_start3A_107, %dma_start3A_108] : memref<10000x128xf32, #tpu.memory_space<hbm>> -> memref<10000x128xf32, #tpu.memory_space<hbm>>
    tpu.enqueue_indirect_dma source(%dma_start3A_109 : memref<10000x128xf32, #tpu.memory_space<hbm>>) target(%dma_start3A_103 : memref<80x128xf32, #tpu.memory_space<vmem>>) offsets(%dma_start3A_106 : memref<80xi32, #tpu.memory_space<vmem>>) semaphore(%arg12 : memref<!tpu.dma_semaphore, #tpu.memory_space<semaphore_mem>>)
    %scan3A_110 = arith.constant 0 : i32
    %scan3A_111 = arith.constant 62 : i32
    %scan3A_112 = arith.addi %scan3A_110, %scan3A_111 : i32
    %scan3A_113 = arith.constant 1 : i32
    scf.for %scan3A_166 = %scan3A_110 to %scan3A_112 step %scan3A_113  : i32 {
      %mul3A_167 = arith.constant 2 : i32
      %mul3A_168 = arith.muli %mul3A_167, %scan3A_166 : i32
      %add3A_169 = arith.constant 1 : i32
      %add3A_170 = arith.addi %mul3A_168, %add3A_169 : i32
      %dma_wait3A_171 = arith.constant 0 : i32
      %dma_wait3A_172 = arith.constant 1 : i32
      %dma_wait3A_173 = arith.constant 0 : i32
      %dma_wait3A_174 = arith.constant 0 : i32
      %dma_wait3A_175 = tpu.memref_slice %arg8[%dma_wait3A_172, %dma_wait3A_173, %dma_wait3A_174] : memref<2x1x80xi32, #tpu.memory_space<vmem>> -> memref<1x1x80xi32, #tpu.memory_space<vmem>>
      %dma_wait3A_176 = tpu.memref_squeeze %dma_wait3A_175 : memref<1x1x80xi32, #tpu.memory_space<vmem>> -> memref<1x80xi32, #tpu.memory_space<vmem>>
      %dma_wait3A_177 = arith.constant 0 : i32
      %dma_wait3A_178 = arith.constant 0 : i32
      %dma_wait3A_179 = tpu.memref_slice %arg4[%add3A, %dma_wait3A_171, %dma_wait3A_177, %dma_wait3A_178] : memref<32x125x1x80xi32, #tpu.memory_space<hbm>> -> memref<1x1x1x80xi32, #tpu.memory_space<hbm>>
      %dma_wait3A_180 = tpu.memref_squeeze %dma_wait3A_179 : memref<1x1x1x80xi32, #tpu.memory_space<hbm>> -> memref<1x80xi32, #tpu.memory_space<hbm>>
      %dma_wait3A_181 = arith.constant 0 : i32
      %dma_wait3A_182 = arith.constant 0 : i32
      %dma_wait3A_183 = tpu.memref_slice %arg8[%dma_wait3A_172, %dma_wait3A_181, %dma_wait3A_182] : memref<2x1x80xi32, #tpu.memory_space<vmem>> -> memref<1x1x80xi32, #tpu.memory_space<vmem>>
      %dma_wait3A_184 = tpu.memref_squeeze %dma_wait3A_183 : memref<1x1x80xi32, #tpu.memory_space<vmem>> -> memref<1x80xi32, #tpu.memory_space<vmem>>
      %dma_wait3A_185 = arith.constant 0 : i32
      %dma_wait3A_186 = arith.constant 0 : i32
      %dma_wait3A_187 = tpu.memref_slice %arg4[%add3A, %dma_wait3A_171, %dma_wait3A_185, %dma_wait3A_186] : memref<32x125x1x80xi32, #tpu.memory_space<hbm>> -> memref<1x1x1x80xi32, #tpu.memory_space<hbm>>
      %dma_wait3A_188 = tpu.memref_squeeze %dma_wait3A_187 : memref<1x1x1x80xi32, #tpu.memory_space<hbm>> -> memref<1x80xi32, #tpu.memory_space<hbm>>
      tpu.wait_dma2 semaphore(%arg17 : memref<!tpu.dma_semaphore, #tpu.memory_space<semaphore_mem>>) src(%dma_wait3A_188 : memref<1x80xi32, #tpu.memory_space<hbm>>) dst(%dma_wait3A_184 : memref<1x80xi32, #tpu.memory_space<vmem>>)
      %dma_start3A_189 = arith.constant 1 : i32
      %dma_start3A_190 = arith.constant 0 : i32
      %dma_start3A_191 = arith.constant 0 : i32
      %dma_start3A_192 = tpu.memref_slice %arg9[%dma_start3A_189, %dma_start3A_190, %dma_start3A_191] : memref<2x1x80xi32, #tpu.memory_space<vmem>> -> memref<1x1x80xi32, #tpu.memory_space<vmem>>
      %dma_start3A_193 = tpu.memref_squeeze %dma_start3A_192 : memref<1x1x80xi32, #tpu.memory_space<vmem>> -> memref<1x80xi32, #tpu.memory_space<vmem>>
      %dma_start3A_194 = arith.constant 0 : i32
      %dma_start3A_195 = arith.constant 0 : i32
      %dma_start3A_196 = tpu.memref_slice %arg5[%add3A, %add3A_170, %dma_start3A_194, %dma_start3A_195] : memref<32x125x1x80xi32, #tpu.memory_space<hbm>> -> memref<1x1x1x80xi32, #tpu.memory_space<hbm>>
      %dma_start3A_197 = tpu.memref_squeeze %dma_start3A_196 : memref<1x1x1x80xi32, #tpu.memory_space<hbm>> -> memref<1x80xi32, #tpu.memory_space<hbm>>
      %dma_start3A_198 = arith.constant 0 : i32
      %dma_start3A_199 = arith.constant 0 : i32
      %dma_start3A_200 = tpu.memref_slice %arg9[%dma_start3A_189, %dma_start3A_198, %dma_start3A_199] : memref<2x1x80xi32, #tpu.memory_space<vmem>> -> memref<1x1x80xi32, #tpu.memory_space<vmem>>
      %dma_start3A_201 = tpu.memref_squeeze %dma_start3A_200 : memref<1x1x80xi32, #tpu.memory_space<vmem>> -> memref<1x80xi32, #tpu.memory_space<vmem>>
      %dma_start3A_202 = arith.constant 0 : i32
      %dma_start3A_203 = arith.constant 0 : i32
      %dma_start3A_204 = tpu.memref_slice %arg5[%add3A, %add3A_170, %dma_start3A_202, %dma_start3A_203] : memref<32x125x1x80xi32, #tpu.memory_space<hbm>> -> memref<1x1x1x80xi32, #tpu.memory_space<hbm>>
      %dma_start3A_205 = tpu.memref_squeeze %dma_start3A_204 : memref<1x1x1x80xi32, #tpu.memory_space<hbm>> -> memref<1x80xi32, #tpu.memory_space<hbm>>
      tpu.enqueue_dma source(%dma_start3A_205 : memref<1x80xi32, #tpu.memory_space<hbm>>) target(%dma_start3A_201 : memref<1x80xi32, #tpu.memory_space<vmem>>) target_semaphore(%arg19 : memref<!tpu.dma_semaphore, #tpu.memory_space<semaphore_mem>>)
      %mul3A_206 = arith.constant 10000 : i32
      %mul3A_207 = arith.muli %add3A, %mul3A_206 : i32
      %mul3A_208 = arith.constant 80 : i32
      %mul3A_209 = arith.muli %add3A_170, %mul3A_208 : i32
      %add3A_210 = arith.addi %mul3A_207, %mul3A_209 : i32
      %dma_start3A_211 = arith.constant 80 : i32
      %dma_start3A_212 = arith.constant 0 : i32
      %dma_start3A_213 = tpu.memref_slice %arg11[%dma_start3A_211, %dma_start3A_212] : memref<160x128xf32, #tpu.memory_space<vmem>> -> memref<80x128xf32, #tpu.memory_space<vmem>>
      %dma_start3A_214 = arith.constant 0 : i32
      %dma_start3A_215 = tpu.memref_slice %arg3[%add3A_210, %dma_start3A_214] : memref<320000x128xf32, #tpu.memory_space<hbm>> -> memref<80x128xf32, #tpu.memory_space<hbm>>
      %dma_start3A_216 = arith.constant 80 : i32
      %dma_start3A_217 = arith.constant 0 : i32
      %dma_start3A_218 = tpu.memref_slice %arg11[%dma_start3A_216, %dma_start3A_217] : memref<160x128xf32, #tpu.memory_space<vmem>> -> memref<80x128xf32, #tpu.memory_space<vmem>>
      %dma_start3A_219 = arith.constant 0 : i32
      %dma_start3A_220 = tpu.memref_slice %arg3[%add3A_210, %dma_start3A_219] : memref<320000x128xf32, #tpu.memory_space<hbm>> -> memref<80x128xf32, #tpu.memory_space<hbm>>
      tpu.enqueue_dma source(%dma_start3A_220 : memref<80x128xf32, #tpu.memory_space<hbm>>) target(%dma_start3A_218 : memref<80x128xf32, #tpu.memory_space<vmem>>) target_semaphore(%arg15 : memref<!tpu.dma_semaphore, #tpu.memory_space<semaphore_mem>>)
      %dma_start3A_221 = arith.constant 1 : i32
      %dma_start3A_222 = arith.constant 0 : i32
      %dma_start3A_223 = arith.constant 80 : i32
      %dma_start3A_224 = arith.constant 0 : i32
      %dma_start3A_225 = tpu.memref_slice %arg10[%dma_start3A_223, %dma_start3A_224] : memref<160x128xf32, #tpu.memory_space<vmem>> -> memref<80x128xf32, #tpu.memory_space<vmem>>
      %dma_start3A_226 = arith.constant 0 : i32
      %dma_start3A_227 = tpu.memref_slice %arg8[%dma_start3A_221, %dma_start3A_222, %dma_start3A_226] : memref<2x1x80xi32, #tpu.memory_space<vmem>> -> memref<1x1x80xi32, #tpu.memory_space<vmem>>
      %dma_start3A_228 = tpu.memref_squeeze %dma_start3A_227 : memref<1x1x80xi32, #tpu.memory_space<vmem>> -> memref<80xi32, #tpu.memory_space<vmem>>
      %dma_start3A_229 = arith.constant 0 : i32
      %dma_start3A_230 = arith.constant 0 : i32
      %dma_start3A_231 = tpu.memref_slice %arg2[%dma_start3A_229, %dma_start3A_230] : memref<10000x128xf32, #tpu.memory_space<hbm>> -> memref<10000x128xf32, #tpu.memory_space<hbm>>
      tpu.enqueue_indirect_dma source(%dma_start3A_231 : memref<10000x128xf32, #tpu.memory_space<hbm>>) target(%dma_start3A_225 : memref<80x128xf32, #tpu.memory_space<vmem>>) offsets(%dma_start3A_228 : memref<80xi32, #tpu.memory_space<vmem>>) semaphore(%arg13 : memref<!tpu.dma_semaphore, #tpu.memory_space<semaphore_mem>>)
      %add3A_232 = arith.constant 2 : i32
      %add3A_233 = arith.addi %mul3A_168, %add3A_232 : i32
      %dma_wait3A_234 = arith.constant 0 : i32
      %dma_wait3A_235 = arith.constant 0 : i32
      %dma_wait3A_236 = tpu.memref_slice %arg11[%dma_wait3A_234, %dma_wait3A_235] : memref<160x128xf32, #tpu.memory_space<vmem>> -> memref<80x128xf32, #tpu.memory_space<vmem>>
      %dma_wait3A_237 = arith.constant 0 : i32
      %dma_wait3A_238 = arith.constant 0 : i32
      %dma_wait3A_239 = tpu.memref_slice %arg3[%dma_wait3A_237, %dma_wait3A_238] : memref<320000x128xf32, #tpu.memory_space<hbm>> -> memref<80x128xf32, #tpu.memory_space<hbm>>
      %dma_wait3A_240 = arith.constant 0 : i32
      %dma_wait3A_241 = arith.constant 0 : i32
      %dma_wait3A_242 = tpu.memref_slice %arg11[%dma_wait3A_240, %dma_wait3A_241] : memref<160x128xf32, #tpu.memory_space<vmem>> -> memref<80x128xf32, #tpu.memory_space<vmem>>
      %dma_wait3A_243 = arith.constant 0 : i32
      %dma_wait3A_244 = arith.constant 0 : i32
      %dma_wait3A_245 = tpu.memref_slice %arg3[%dma_wait3A_243, %dma_wait3A_244] : memref<320000x128xf32, #tpu.memory_space<hbm>> -> memref<80x128xf32, #tpu.memory_space<hbm>>
      tpu.wait_dma2 semaphore(%arg14 : memref<!tpu.dma_semaphore, #tpu.memory_space<semaphore_mem>>) src(%dma_wait3A_245 : memref<80x128xf32, #tpu.memory_space<hbm>>) dst(%dma_wait3A_242 : memref<80x128xf32, #tpu.memory_space<vmem>>)
      %dma_wait3A_246 = arith.constant 0 : i32
      %dma_wait3A_247 = arith.constant 0 : i32
      %dma_wait3A_248 = tpu.memref_slice %arg10[%dma_wait3A_246, %dma_wait3A_247] : memref<160x128xf32, #tpu.memory_space<vmem>> -> memref<80x128xf32, #tpu.memory_space<vmem>>
      %dma_wait3A_249 = arith.constant 0 : i32
      %dma_wait3A_250 = arith.constant 0 : i32
      %dma_wait3A_251 = tpu.memref_slice %arg2[%dma_wait3A_249, %dma_wait3A_250] : memref<10000x128xf32, #tpu.memory_space<hbm>> -> memref<80x128xf32, #tpu.memory_space<hbm>>
      %dma_wait3A_252 = arith.constant 0 : i32
      %dma_wait3A_253 = arith.constant 0 : i32
      %dma_wait3A_254 = tpu.memref_slice %arg10[%dma_wait3A_252, %dma_wait3A_253] : memref<160x128xf32, #tpu.memory_space<vmem>> -> memref<80x128xf32, #tpu.memory_space<vmem>>
      %dma_wait3A_255 = arith.constant 0 : i32
      %dma_wait3A_256 = arith.constant 0 : i32
      %dma_wait3A_257 = tpu.memref_slice %arg2[%dma_wait3A_255, %dma_wait3A_256] : memref<10000x128xf32, #tpu.memory_space<hbm>> -> memref<80x128xf32, #tpu.memory_space<hbm>>
      tpu.wait_dma2 semaphore(%arg12 : memref<!tpu.dma_semaphore, #tpu.memory_space<semaphore_mem>>) src(%dma_wait3A_257 : memref<80x128xf32, #tpu.memory_space<hbm>>) dst(%dma_wait3A_254 : memref<80x128xf32, #tpu.memory_space<vmem>>)
      %dma_start3A_258 = arith.constant 0 : i32
      %dma_start3A_259 = arith.constant 0 : i32
      %dma_start3A_260 = arith.constant 0 : i32
      %dma_start3A_261 = tpu.memref_slice %arg8[%dma_start3A_258, %dma_start3A_259, %dma_start3A_260] : memref<2x1x80xi32, #tpu.memory_space<vmem>> -> memref<1x1x80xi32, #tpu.memory_space<vmem>>
      %dma_start3A_262 = tpu.memref_squeeze %dma_start3A_261 : memref<1x1x80xi32, #tpu.memory_space<vmem>> -> memref<1x80xi32, #tpu.memory_space<vmem>>
      %dma_start3A_263 = arith.constant 0 : i32
      %dma_start3A_264 = arith.constant 0 : i32
      %dma_start3A_265 = tpu.memref_slice %arg4[%add3A, %add3A_233, %dma_start3A_263, %dma_start3A_264] : memref<32x125x1x80xi32, #tpu.memory_space<hbm>> -> memref<1x1x1x80xi32, #tpu.memory_space<hbm>>
      %dma_start3A_266 = tpu.memref_squeeze %dma_start3A_265 : memref<1x1x1x80xi32, #tpu.memory_space<hbm>> -> memref<1x80xi32, #tpu.memory_space<hbm>>
      %dma_start3A_267 = arith.constant 0 : i32
      %dma_start3A_268 = arith.constant 0 : i32
      %dma_start3A_269 = tpu.memref_slice %arg8[%dma_start3A_258, %dma_start3A_267, %dma_start3A_268] : memref<2x1x80xi32, #tpu.memory_space<vmem>> -> memref<1x1x80xi32, #tpu.memory_space<vmem>>
      %dma_start3A_270 = tpu.memref_squeeze %dma_start3A_269 : memref<1x1x80xi32, #tpu.memory_space<vmem>> -> memref<1x80xi32, #tpu.memory_space<vmem>>
      %dma_start3A_271 = arith.constant 0 : i32
      %dma_start3A_272 = arith.constant 0 : i32
      %dma_start3A_273 = tpu.memref_slice %arg4[%add3A, %add3A_233, %dma_start3A_271, %dma_start3A_272] : memref<32x125x1x80xi32, #tpu.memory_space<hbm>> -> memref<1x1x1x80xi32, #tpu.memory_space<hbm>>
      %dma_start3A_274 = tpu.memref_squeeze %dma_start3A_273 : memref<1x1x1x80xi32, #tpu.memory_space<hbm>> -> memref<1x80xi32, #tpu.memory_space<hbm>>
      tpu.enqueue_dma source(%dma_start3A_274 : memref<1x80xi32, #tpu.memory_space<hbm>>) target(%dma_start3A_270 : memref<1x80xi32, #tpu.memory_space<vmem>>) target_semaphore(%arg16 : memref<!tpu.dma_semaphore, #tpu.memory_space<semaphore_mem>>)
      %scan3A_275 = arith.constant 0 : i32
      %scan3A_276 = arith.constant 80 : i32
      %scan3A_277 = arith.addi %scan3A_275, %scan3A_276 : i32
      %scan3A_278 = arith.constant 1 : i32
      scf.for %scan3A_418 = %scan3A_275 to %scan3A_277 step %scan3A_278  : i32 {
        %add3A_419 = arith.constant 0 : i32
        %add3A_420 = arith.addi %add3A_419, %scan3A_418 : i32
        %get3A = arith.index_cast %add3A_420 : i32 to index
        %get3A_421 = arith.constant 0 : index
        %get3A_422 = tpu.vector_load %arg10[%get3A, %get3A_421] {strides = array<i32>} : memref<160x128xf32, #tpu.memory_space<vmem>>, vector<1x16xf32>,
        %get3A_423 = vector.shape_cast %get3A_422 : vector<1x16xf32> to vector<16xf32>
        %get3A_424 = arith.index_cast %add3A_420 : i32 to index
        %get3A_425 = arith.constant 0 : index
        %get3A_426 = tpu.vector_load %arg11[%get3A_424, %get3A_425] {strides = array<i32>} : memref<160x128xf32, #tpu.memory_space<vmem>>, vector<1x16xf32>,
        %get3A_427 = vector.shape_cast %get3A_426 : vector<1x16xf32> to vector<16xf32>
        %add3A_428 = arith.addf %get3A_423, %get3A_427 : vector<16xf32>
        %max3A = arith.constant 0.000000e+00 : f32
        %max3A_429 = vector.broadcast %max3A : f32 to vector<16xf32>
        %max3A_430 = arith.maximumf %add3A_428, %max3A_429 : vector<16xf32>
        %swap3A = arith.index_cast %add3A_420 : i32 to index
        %swap3A_431 = arith.constant 0 : index
        %swap3A_432 = tpu.vector_load %arg10[%swap3A, %swap3A_431] {strides = array<i32>} : memref<160x128xf32, #tpu.memory_space<vmem>>, vector<1x16xf32>,
        %swap3A_433 = vector.shape_cast %swap3A_432 : vector<1x16xf32> to vector<16xf32>
        %swap3A_434 = vector.shape_cast %max3A_430 : vector<16xf32> to vector<1x16xf32>
        tpu.vector_store %arg10[%swap3A, %swap3A_431], %swap3A_434 {strides = array<i32>} : memref<160x128xf32, #tpu.memory_space<vmem>>, vector<1x16xf32>,
        %get3A_435 = arith.index_cast %add3A_420 : i32 to index
        %get3A_436 = arith.constant 16 : index
        %get3A_437 = tpu.vector_load %arg10[%get3A_435, %get3A_436] {strides = array<i32>} : memref<160x128xf32, #tpu.memory_space<vmem>>, vector<1x16xf32>,
        %get3A_438 = vector.shape_cast %get3A_437 : vector<1x16xf32> to vector<16xf32>
        %get3A_439 = arith.index_cast %add3A_420 : i32 to index
        %get3A_440 = arith.constant 16 : index
        %get3A_441 = tpu.vector_load %arg11[%get3A_439, %get3A_440] {strides = array<i32>} : memref<160x128xf32, #tpu.memory_space<vmem>>, vector<1x16xf32>,
        %get3A_442 = vector.shape_cast %get3A_441 : vector<1x16xf32> to vector<16xf32>
        %add3A_443 = arith.addf %get3A_438, %get3A_442 : vector<16xf32>
        %max3A_444 = arith.constant 0.000000e+00 : f32
        %max3A_445 = vector.broadcast %max3A_444 : f32 to vector<16xf32>
        %max3A_446 = arith.maximumf %add3A_443, %max3A_445 : vector<16xf32>
        %swap3A_447 = arith.index_cast %add3A_420 : i32 to index
        %swap3A_448 = arith.constant 16 : index
        %swap3A_449 = tpu.vector_load %arg10[%swap3A_447, %swap3A_448] {strides = array<i32>} : memref<160x128xf32, #tpu.memory_space<vmem>>, vector<1x16xf32>,
        %swap3A_450 = vector.shape_cast %swap3A_449 : vector<1x16xf32> to vector<16xf32>
        %swap3A_451 = vector.shape_cast %max3A_446 : vector<16xf32> to vector<1x16xf32>
        tpu.vector_store %arg10[%swap3A_447, %swap3A_448], %swap3A_451 {strides = array<i32>} : memref<160x128xf32, #tpu.memory_space<vmem>>, vector<1x16xf32>,
        %get3A_452 = arith.index_cast %add3A_420 : i32 to index
        %get3A_453 = arith.constant 32 : index
        %get3A_454 = tpu.vector_load %arg10[%get3A_452, %get3A_453] {strides = array<i32>} : memref<160x128xf32, #tpu.memory_space<vmem>>, vector<1x16xf32>,
        %get3A_455 = vector.shape_cast %get3A_454 : vector<1x16xf32> to vector<16xf32>
        %get3A_456 = arith.index_cast %add3A_420 : i32 to index
        %get3A_457 = arith.constant 32 : index
        %get3A_458 = tpu.vector_load %arg11[%get3A_456, %get3A_457] {strides = array<i32>} : memref<160x128xf32, #tpu.memory_space<vmem>>, vector<1x16xf32>,
        %get3A_459 = vector.shape_cast %get3A_458 : vector<1x16xf32> to vector<16xf32>
        %add3A_460 = arith.addf %get3A_455, %get3A_459 : vector<16xf32>
        %max3A_461 = arith.constant 0.000000e+00 : f32
        %max3A_462 = vector.broadcast %max3A_461 : f32 to vector<16xf32>
        %max3A_463 = arith.maximumf %add3A_460, %max3A_462 : vector<16xf32>
        %swap3A_464 = arith.index_cast %add3A_420 : i32 to index
        %swap3A_465 = arith.constant 32 : index
        %swap3A_466 = tpu.vector_load %arg10[%swap3A_464, %swap3A_465] {strides = array<i32>} : memref<160x128xf32, #tpu.memory_space<vmem>>, vector<1x16xf32>,
        %swap3A_467 = vector.shape_cast %swap3A_466 : vector<1x16xf32> to vector<16xf32>
        %swap3A_468 = vector.shape_cast %max3A_463 : vector<16xf32> to vector<1x16xf32>
        tpu.vector_store %arg10[%swap3A_464, %swap3A_465], %swap3A_468 {strides = array<i32>} : memref<160x128xf32, #tpu.memory_space<vmem>>, vector<1x16xf32>,
        %get3A_469 = arith.index_cast %add3A_420 : i32 to index
        %get3A_470 = arith.constant 48 : index
        %get3A_471 = tpu.vector_load %arg10[%get3A_469, %get3A_470] {strides = array<i32>} : memref<160x128xf32, #tpu.memory_space<vmem>>, vector<1x16xf32>,
        %get3A_472 = vector.shape_cast %get3A_471 : vector<1x16xf32> to vector<16xf32>
        %get3A_473 = arith.index_cast %add3A_420 : i32 to index
        %get3A_474 = arith.constant 48 : index
        %get3A_475 = tpu.vector_load %arg11[%get3A_473, %get3A_474] {strides = array<i32>} : memref<160x128xf32, #tpu.memory_space<vmem>>, vector<1x16xf32>,
        %get3A_476 = vector.shape_cast %get3A_475 : vector<1x16xf32> to vector<16xf32>
        %add3A_477 = arith.addf %get3A_472, %get3A_476 : vector<16xf32>
        %max3A_478 = arith.constant 0.000000e+00 : f32
        %max3A_479 = vector.broadcast %max3A_478 : f32 to vector<16xf32>
        %max3A_480 = arith.maximumf %add3A_477, %max3A_479 : vector<16xf32>
        %swap3A_481 = arith.index_cast %add3A_420 : i32 to index
        %swap3A_482 = arith.constant 48 : index
        %swap3A_483 = tpu.vector_load %arg10[%swap3A_481, %swap3A_482] {strides = array<i32>} : memref<160x128xf32, #tpu.memory_space<vmem>>, vector<1x16xf32>,
        %swap3A_484 = vector.shape_cast %swap3A_483 : vector<1x16xf32> to vector<16xf32>
        %swap3A_485 = vector.shape_cast %max3A_480 : vector<16xf32> to vector<1x16xf32>
        tpu.vector_store %arg10[%swap3A_481, %swap3A_482], %swap3A_485 {strides = array<i32>} : memref<160x128xf32, #tpu.memory_space<vmem>>, vector<1x16xf32>,
        %get3A_486 = arith.index_cast %add3A_420 : i32 to index
        %get3A_487 = arith.constant 64 : index
        %get3A_488 = tpu.vector_load %arg10[%get3A_486, %get3A_487] {strides = array<i32>} : memref<160x128xf32, #tpu.memory_space<vmem>>, vector<1x16xf32>,
        %get3A_489 = vector.shape_cast %get3A_488 : vector<1x16xf32> to vector<16xf32>
        %get3A_490 = arith.index_cast %add3A_420 : i32 to index
        %get3A_491 = arith.constant 64 : index
        %get3A_492 = tpu.vector_load %arg11[%get3A_490, %get3A_491] {strides = array<i32>} : memref<160x128xf32, #tpu.memory_space<vmem>>, vector<1x16xf32>,
        %get3A_493 = vector.shape_cast %get3A_492 : vector<1x16xf32> to vector<16xf32>
        %add3A_494 = arith.addf %get3A_489, %get3A_493 : vector<16xf32>
        %max3A_495 = arith.constant 0.000000e+00 : f32
        %max3A_496 = vector.broadcast %max3A_495 : f32 to vector<16xf32>
        %max3A_497 = arith.maximumf %add3A_494, %max3A_496 : vector<16xf32>
        %swap3A_498 = arith.index_cast %add3A_420 : i32 to index
        %swap3A_499 = arith.constant 64 : index
        %swap3A_500 = tpu.vector_load %arg10[%swap3A_498, %swap3A_499] {strides = array<i32>} : memref<160x128xf32, #tpu.memory_space<vmem>>, vector<1x16xf32>,
        %swap3A_501 = vector.shape_cast %swap3A_500 : vector<1x16xf32> to vector<16xf32>
        %swap3A_502 = vector.shape_cast %max3A_497 : vector<16xf32> to vector<1x16xf32>
        tpu.vector_store %arg10[%swap3A_498, %swap3A_499], %swap3A_502 {strides = array<i32>} : memref<160x128xf32, #tpu.memory_space<vmem>>, vector<1x16xf32>,
        %get3A_503 = arith.index_cast %add3A_420 : i32 to index
        %get3A_504 = arith.constant 80 : index
        %get3A_505 = tpu.vector_load %arg10[%get3A_503, %get3A_504] {strides = array<i32>} : memref<160x128xf32, #tpu.memory_space<vmem>>, vector<1x16xf32>,
        %get3A_506 = vector.shape_cast %get3A_505 : vector<1x16xf32> to vector<16xf32>
        %get3A_507 = arith.index_cast %add3A_420 : i32 to index
        %get3A_508 = arith.constant 80 : index
        %get3A_509 = tpu.vector_load %arg11[%get3A_507, %get3A_508] {strides = array<i32>} : memref<160x128xf32, #tpu.memory_space<vmem>>, vector<1x16xf32>,
        %get3A_510 = vector.shape_cast %get3A_509 : vector<1x16xf32> to vector<16xf32>
        %add3A_511 = arith.addf %get3A_506, %get3A_510 : vector<16xf32>
        %max3A_512 = arith.constant 0.000000e+00 : f32
        %max3A_513 = vector.broadcast %max3A_512 : f32 to vector<16xf32>
        %max3A_514 = arith.maximumf %add3A_511, %max3A_513 : vector<16xf32>
        %swap3A_515 = arith.index_cast %add3A_420 : i32 to index
        %swap3A_516 = arith.constant 80 : index
        %swap3A_517 = tpu.vector_load %arg10[%swap3A_515, %swap3A_516] {strides = array<i32>} : memref<160x128xf32, #tpu.memory_space<vmem>>, vector<1x16xf32>,
        %swap3A_518 = vector.shape_cast %swap3A_517 : vector<1x16xf32> to vector<16xf32>
        %swap3A_519 = vector.shape_cast %max3A_514 : vector<16xf32> to vector<1x16xf32>
        tpu.vector_store %arg10[%swap3A_515, %swap3A_516], %swap3A_519 {strides = array<i32>} : memref<160x128xf32, #tpu.memory_space<vmem>>, vector<1x16xf32>,
        %get3A_520 = arith.index_cast %add3A_420 : i32 to index
        %get3A_521 = arith.constant 96 : index
        %get3A_522 = tpu.vector_load %arg10[%get3A_520, %get3A_521] {strides = array<i32>} : memref<160x128xf32, #tpu.memory_space<vmem>>, vector<1x16xf32>,
        %get3A_523 = vector.shape_cast %get3A_522 : vector<1x16xf32> to vector<16xf32>
        %get3A_524 = arith.index_cast %add3A_420 : i32 to index
        %get3A_525 = arith.constant 96 : index
        %get3A_526 = tpu.vector_load %arg11[%get3A_524, %get3A_525] {strides = array<i32>} : memref<160x128xf32, #tpu.memory_space<vmem>>, vector<1x16xf32>,
        %get3A_527 = vector.shape_cast %get3A_526 : vector<1x16xf32> to vector<16xf32>
        %add3A_528 = arith.addf %get3A_523, %get3A_527 : vector<16xf32>
        %max3A_529 = arith.constant 0.000000e+00 : f32
        %max3A_530 = vector.broadcast %max3A_529 : f32 to vector<16xf32>
        %max3A_531 = arith.maximumf %add3A_528, %max3A_530 : vector<16xf32>
        %swap3A_532 = arith.index_cast %add3A_420 : i32 to index
        %swap3A_533 = arith.constant 96 : index
        %swap3A_534 = tpu.vector_load %arg10[%swap3A_532, %swap3A_533] {strides = array<i32>} : memref<160x128xf32, #tpu.memory_space<vmem>>, vector<1x16xf32>,
        %swap3A_535 = vector.shape_cast %swap3A_534 : vector<1x16xf32> to vector<16xf32>
        %swap3A_536 = vector.shape_cast %max3A_531 : vector<16xf32> to vector<1x16xf32>
        tpu.vector_store %arg10[%swap3A_532, %swap3A_533], %swap3A_536 {strides = array<i32>} : memref<160x128xf32, #tpu.memory_space<vmem>>, vector<1x16xf32>,
        %get3A_537 = arith.index_cast %add3A_420 : i32 to index
        %get3A_538 = arith.constant 112 : index
        %get3A_539 = tpu.vector_load %arg10[%get3A_537, %get3A_538] {strides = array<i32>} : memref<160x128xf32, #tpu.memory_space<vmem>>, vector<1x16xf32>,
        %get3A_540 = vector.shape_cast %get3A_539 : vector<1x16xf32> to vector<16xf32>
        %get3A_541 = arith.index_cast %add3A_420 : i32 to index
        %get3A_542 = arith.constant 112 : index
        %get3A_543 = tpu.vector_load %arg11[%get3A_541, %get3A_542] {strides = array<i32>} : memref<160x128xf32, #tpu.memory_space<vmem>>, vector<1x16xf32>,
        %get3A_544 = vector.shape_cast %get3A_543 : vector<1x16xf32> to vector<16xf32>
        %add3A_545 = arith.addf %get3A_540, %get3A_544 : vector<16xf32>
        %max3A_546 = arith.constant 0.000000e+00 : f32
        %max3A_547 = vector.broadcast %max3A_546 : f32 to vector<16xf32>
        %max3A_548 = arith.maximumf %add3A_545, %max3A_547 : vector<16xf32>
        %swap3A_549 = arith.index_cast %add3A_420 : i32 to index
        %swap3A_550 = arith.constant 112 : index
        %swap3A_551 = tpu.vector_load %arg10[%swap3A_549, %swap3A_550] {strides = array<i32>} : memref<160x128xf32, #tpu.memory_space<vmem>>, vector<1x16xf32>,
        %swap3A_552 = vector.shape_cast %swap3A_551 : vector<1x16xf32> to vector<16xf32>
        %swap3A_553 = vector.shape_cast %max3A_548 : vector<16xf32> to vector<1x16xf32>
        tpu.vector_store %arg10[%swap3A_549, %swap3A_550], %swap3A_553 {strides = array<i32>} : memref<160x128xf32, #tpu.memory_space<vmem>>, vector<1x16xf32>,
      }
      %scan3A_279 = arith.constant 80 : i32
      %dma_wait3A_280 = arith.constant 0 : i32
      %dma_wait3A_281 = arith.constant 0 : i32
      %dma_wait3A_282 = arith.constant 0 : i32
      %dma_wait3A_283 = arith.constant 0 : i32
      %dma_wait3A_284 = tpu.memref_slice %arg9[%dma_wait3A_281, %dma_wait3A_282, %dma_wait3A_283] : memref<2x1x80xi32, #tpu.memory_space<vmem>> -> memref<1x1x80xi32, #tpu.memory_space<vmem>>
      %dma_wait3A_285 = tpu.memref_squeeze %dma_wait3A_284 : memref<1x1x80xi32, #tpu.memory_space<vmem>> -> memref<1x80xi32, #tpu.memory_space<vmem>>
      %dma_wait3A_286 = arith.constant 0 : i32
      %dma_wait3A_287 = arith.constant 0 : i32
      %dma_wait3A_288 = tpu.memref_slice %arg5[%add3A, %dma_wait3A_280, %dma_wait3A_286, %dma_wait3A_287] : memref<32x125x1x80xi32, #tpu.memory_space<hbm>> -> memref<1x1x1x80xi32, #tpu.memory_space<hbm>>
      %dma_wait3A_289 = tpu.memref_squeeze %dma_wait3A_288 : memref<1x1x1x80xi32, #tpu.memory_space<hbm>> -> memref<1x80xi32, #tpu.memory_space<hbm>>
      %dma_wait3A_290 = arith.constant 0 : i32
      %dma_wait3A_291 = arith.constant 0 : i32
      %dma_wait3A_292 = tpu.memref_slice %arg9[%dma_wait3A_281, %dma_wait3A_290, %dma_wait3A_291] : memref<2x1x80xi32, #tpu.memory_space<vmem>> -> memref<1x1x80xi32, #tpu.memory_space<vmem>>
      %dma_wait3A_293 = tpu.memref_squeeze %dma_wait3A_292 : memref<1x1x80xi32, #tpu.memory_space<vmem>> -> memref<1x80xi32, #tpu.memory_space<vmem>>
      %dma_wait3A_294 = arith.constant 0 : i32
      %dma_wait3A_295 = arith.constant 0 : i32
      %dma_wait3A_296 = tpu.memref_slice %arg5[%add3A, %dma_wait3A_280, %dma_wait3A_294, %dma_wait3A_295] : memref<32x125x1x80xi32, #tpu.memory_space<hbm>> -> memref<1x1x1x80xi32, #tpu.memory_space<hbm>>
      %dma_wait3A_297 = tpu.memref_squeeze %dma_wait3A_296 : memref<1x1x1x80xi32, #tpu.memory_space<hbm>> -> memref<1x80xi32, #tpu.memory_space<hbm>>
      tpu.wait_dma2 semaphore(%arg18 : memref<!tpu.dma_semaphore, #tpu.memory_space<semaphore_mem>>) src(%dma_wait3A_297 : memref<1x80xi32, #tpu.memory_space<hbm>>) dst(%dma_wait3A_293 : memref<1x80xi32, #tpu.memory_space<vmem>>)
      %run_scoped3A_298 = arith.constant 0 : i32
      %run_scoped3A_299 = arith.constant 0 : i32
      "tpu.region"() ({
        %run_scoped3A_418 = tpu.sem_alloc : memref<!tpu.dma_semaphore, #tpu.memory_space<semaphore_mem>>
        %dma_start3A_419 = arith.constant 0 : i32
        %dma_start3A_420 = arith.constant 0 : i32
        %dma_start3A_421 = tpu.memref_slice %arg10[%dma_start3A_419, %dma_start3A_420] : memref<160x128xf32, #tpu.memory_space<vmem>> -> memref<80x128xf32, #tpu.memory_space<vmem>>
        %dma_start3A_422 = arith.constant 0 : i32
        %dma_start3A_423 = tpu.memref_slice %arg9[%run_scoped3A_298, %run_scoped3A_299, %dma_start3A_422] : memref<2x1x80xi32, #tpu.memory_space<vmem>> -> memref<1x1x80xi32, #tpu.memory_space<vmem>>
        %dma_start3A_424 = tpu.memref_squeeze %dma_start3A_423 : memref<1x1x80xi32, #tpu.memory_space<vmem>> -> memref<80xi32, #tpu.memory_space<vmem>>
        %dma_start3A_425 = arith.constant 0 : i32
        %dma_start3A_426 = arith.constant 0 : i32
        %dma_start3A_427 = tpu.memref_slice %arg7[%dma_start3A_425, %dma_start3A_426] : memref<10000x128xf32, #tpu.memory_space<vmem_shared>> -> memref<10000x128xf32, #tpu.memory_space<vmem_shared>>
        tpu.enqueue_indirect_dma source(%dma_start3A_421 : memref<80x128xf32, #tpu.memory_space<vmem>>) target(%dma_start3A_427 : memref<10000x128xf32, #tpu.memory_space<vmem_shared>>) offsets(%dma_start3A_424 : memref<80xi32, #tpu.memory_space<vmem>>) semaphore(%run_scoped3A_418 : memref<!tpu.dma_semaphore, #tpu.memory_space<semaphore_mem>>) {add = true}
        %dma_wait3A_428 = arith.constant 0 : i32
        %dma_wait3A_429 = arith.constant 0 : i32
        %dma_wait3A_430 = tpu.memref_slice %arg10[%dma_wait3A_428, %dma_wait3A_429] : memref<160x128xf32, #tpu.memory_space<vmem>> -> memref<80x128xf32, #tpu.memory_space<vmem>>
        %dma_wait3A_431 = arith.constant 0 : i32
        %dma_wait3A_432 = tpu.memref_slice %arg9[%run_scoped3A_298, %run_scoped3A_299, %dma_wait3A_431] : memref<2x1x80xi32, #tpu.memory_space<vmem>> -> memref<1x1x80xi32, #tpu.memory_space<vmem>>
        %dma_wait3A_433 = tpu.memref_squeeze %dma_wait3A_432 : memref<1x1x80xi32, #tpu.memory_space<vmem>> -> memref<80xi32, #tpu.memory_space<vmem>>
        %dma_wait3A_434 = arith.constant 0 : i32
        %dma_wait3A_435 = arith.constant 0 : i32
        %dma_wait3A_436 = tpu.memref_slice %arg7[%dma_wait3A_434, %dma_wait3A_435] : memref<10000x128xf32, #tpu.memory_space<vmem_shared>> -> memref<10000x128xf32, #tpu.memory_space<vmem_shared>>
        tpu.wait_indirect_dma semaphore(%run_scoped3A_418 : memref<!tpu.dma_semaphore, #tpu.memory_space<semaphore_mem>>) src(%dma_wait3A_430 : memref<80x128xf32, #tpu.memory_space<vmem>>) dst(%dma_wait3A_436 : memref<10000x128xf32, #tpu.memory_space<vmem_shared>>)
        tpu.yield
      }) : () -> ()
      %add3A_300 = arith.constant 2 : i32
      %add3A_301 = arith.addi %mul3A_168, %add3A_300 : i32
      %dma_wait3A_302 = arith.constant 0 : i32
      %dma_wait3A_303 = arith.constant 0 : i32
      %dma_wait3A_304 = arith.constant 0 : i32
      %dma_wait3A_305 = arith.constant 0 : i32
      %dma_wait3A_306 = tpu.memref_slice %arg8[%dma_wait3A_303, %dma_wait3A_304, %dma_wait3A_305] : memref<2x1x80xi32, #tpu.memory_space<vmem>> -> memref<1x1x80xi32, #tpu.memory_space<vmem>>
      %dma_wait3A_307 = tpu.memref_squeeze %dma_wait3A_306 : memref<1x1x80xi32, #tpu.memory_space<vmem>> -> memref<1x80xi32, #tpu.memory_space<vmem>>
      %dma_wait3A_308 = arith.constant 0 : i32
      %dma_wait3A_309 = arith.constant 0 : i32
      %dma_wait3A_310 = tpu.memref_slice %arg4[%add3A, %dma_wait3A_302, %dma_wait3A_308, %dma_wait3A_309] : memref<32x125x1x80xi32, #tpu.memory_space<hbm>> -> memref<1x1x1x80xi32, #tpu.memory_space<hbm>>
      %dma_wait3A_311 = tpu.memref_squeeze %dma_wait3A_310 : memref<1x1x1x80xi32, #tpu.memory_space<hbm>> -> memref<1x80xi32, #tpu.memory_space<hbm>>
      %dma_wait3A_312 = arith.constant 0 : i32
      %dma_wait3A_313 = arith.constant 0 : i32
      %dma_wait3A_314 = tpu.memref_slice %arg8[%dma_wait3A_303, %dma_wait3A_312, %dma_wait3A_313] : memref<2x1x80xi32, #tpu.memory_space<vmem>> -> memref<1x1x80xi32, #tpu.memory_space<vmem>>
      %dma_wait3A_315 = tpu.memref_squeeze %dma_wait3A_314 : memref<1x1x80xi32, #tpu.memory_space<vmem>> -> memref<1x80xi32, #tpu.memory_space<vmem>>
      %dma_wait3A_316 = arith.constant 0 : i32
      %dma_wait3A_317 = arith.constant 0 : i32
      %dma_wait3A_318 = tpu.memref_slice %arg4[%add3A, %dma_wait3A_302, %dma_wait3A_316, %dma_wait3A_317] : memref<32x125x1x80xi32, #tpu.memory_space<hbm>> -> memref<1x1x1x80xi32, #tpu.memory_space<hbm>>
      %dma_wait3A_319 = tpu.memref_squeeze %dma_wait3A_318 : memref<1x1x1x80xi32, #tpu.memory_space<hbm>> -> memref<1x80xi32, #tpu.memory_space<hbm>>
      tpu.wait_dma2 semaphore(%arg16 : memref<!tpu.dma_semaphore, #tpu.memory_space<semaphore_mem>>) src(%dma_wait3A_319 : memref<1x80xi32, #tpu.memory_space<hbm>>) dst(%dma_wait3A_315 : memref<1x80xi32, #tpu.memory_space<vmem>>)
      %dma_start3A_320 = arith.constant 0 : i32
      %dma_start3A_321 = arith.constant 0 : i32
      %dma_start3A_322 = arith.constant 0 : i32
      %dma_start3A_323 = tpu.memref_slice %arg9[%dma_start3A_320, %dma_start3A_321, %dma_start3A_322] : memref<2x1x80xi32, #tpu.memory_space<vmem>> -> memref<1x1x80xi32, #tpu.memory_space<vmem>>
      %dma_start3A_324 = tpu.memref_squeeze %dma_start3A_323 : memref<1x1x80xi32, #tpu.memory_space<vmem>> -> memref<1x80xi32, #tpu.memory_space<vmem>>
      %dma_start3A_325 = arith.constant 0 : i32
      %dma_start3A_326 = arith.constant 0 : i32
      %dma_start3A_327 = tpu.memref_slice %arg5[%add3A, %add3A_301, %dma_start3A_325, %dma_start3A_326] : memref<32x125x1x80xi32, #tpu.memory_space<hbm>> -> memref<1x1x1x80xi32, #tpu.memory_space<hbm>>
      %dma_start3A_328 = tpu.memref_squeeze %dma_start3A_327 : memref<1x1x1x80xi32, #tpu.memory_space<hbm>> -> memref<1x80xi32, #tpu.memory_space<hbm>>
      %dma_start3A_329 = arith.constant 0 : i32
      %dma_start3A_330 = arith.constant 0 : i32
      %dma_start3A_331 = tpu.memref_slice %arg9[%dma_start3A_320, %dma_start3A_329, %dma_start3A_330] : memref<2x1x80xi32, #tpu.memory_space<vmem>> -> memref<1x1x80xi32, #tpu.memory_space<vmem>>
      %dma_start3A_332 = tpu.memref_squeeze %dma_start3A_331 : memref<1x1x80xi32, #tpu.memory_space<vmem>> -> memref<1x80xi32, #tpu.memory_space<vmem>>
      %dma_start3A_333 = arith.constant 0 : i32
      %dma_start3A_334 = arith.constant 0 : i32
      %dma_start3A_335 = tpu.memref_slice %arg5[%add3A, %add3A_301, %dma_start3A_333, %dma_start3A_334] : memref<32x125x1x80xi32, #tpu.memory_space<hbm>> -> memref<1x1x1x80xi32, #tpu.memory_space<hbm>>
      %dma_start3A_336 = tpu.memref_squeeze %dma_start3A_335 : memref<1x1x1x80xi32, #tpu.memory_space<hbm>> -> memref<1x80xi32, #tpu.memory_space<hbm>>
      tpu.enqueue_dma source(%dma_start3A_336 : memref<1x80xi32, #tpu.memory_space<hbm>>) target(%dma_start3A_332 : memref<1x80xi32, #tpu.memory_space<vmem>>) target_semaphore(%arg18 : memref<!tpu.dma_semaphore, #tpu.memory_space<semaphore_mem>>)
      %mul3A_337 = arith.constant 10000 : i32
      %mul3A_338 = arith.muli %add3A, %mul3A_337 : i32
      %mul3A_339 = arith.constant 80 : i32
      %mul3A_340 = arith.muli %add3A_301, %mul3A_339 : i32
      %add3A_341 = arith.addi %mul3A_338, %mul3A_340 : i32
      %dma_start3A_342 = arith.constant 0 : i32
      %dma_start3A_343 = arith.constant 0 : i32
      %dma_start3A_344 = tpu.memref_slice %arg11[%dma_start3A_342, %dma_start3A_343] : memref<160x128xf32, #tpu.memory_space<vmem>> -> memref<80x128xf32, #tpu.memory_space<vmem>>
      %dma_start3A_345 = arith.constant 0 : i32
      %dma_start3A_346 = tpu.memref_slice %arg3[%add3A_341, %dma_start3A_345] : memref<320000x128xf32, #tpu.memory_space<hbm>> -> memref<80x128xf32, #tpu.memory_space<hbm>>
      %dma_start3A_347 = arith.constant 0 : i32
      %dma_start3A_348 = arith.constant 0 : i32
      %dma_start3A_349 = tpu.memref_slice %arg11[%dma_start3A_347, %dma_start3A_348] : memref<160x128xf32, #tpu.memory_space<vmem>> -> memref<80x128xf32, #tpu.memory_space<vmem>>
      %dma_start3A_350 = arith.constant 0 : i32
      %dma_start3A_351 = tpu.memref_slice %arg3[%add3A_341, %dma_start3A_350] : memref<320000x128xf32, #tpu.memory_space<hbm>> -> memref<80x128xf32, #tpu.memory_space<hbm>>
      tpu.enqueue_dma source(%dma_start3A_351 : memref<80x128xf32, #tpu.memory_space<hbm>>) target(%dma_start3A_349 : memref<80x128xf32, #tpu.memory_space<vmem>>) target_semaphore(%arg14 : memref<!tpu.dma_semaphore, #tpu.memory_space<semaphore_mem>>)
      %dma_start3A_352 = arith.constant 0 : i32
      %dma_start3A_353 = arith.constant 0 : i32
      %dma_start3A_354 = arith.constant 0 : i32
      %dma_start3A_355 = arith.constant 0 : i32
      %dma_start3A_356 = tpu.memref_slice %arg10[%dma_start3A_354, %dma_start3A_355] : memref<160x128xf32, #tpu.memory_space<vmem>> -> memref<80x128xf32, #tpu.memory_space<vmem>>
      %dma_start3A_357 = arith.constant 0 : i32
      %dma_start3A_358 = tpu.memref_slice %arg8[%dma_start3A_352, %dma_start3A_353, %dma_start3A_357] : memref<2x1x80xi32, #tpu.memory_space<vmem>> -> memref<1x1x80xi32, #tpu.memory_space<vmem>>
      %dma_start3A_359 = tpu.memref_squeeze %dma_start3A_358 : memref<1x1x80xi32, #tpu.memory_space<vmem>> -> memref<80xi32, #tpu.memory_space<vmem>>
      %dma_start3A_360 = arith.constant 0 : i32
      %dma_start3A_361 = arith.constant 0 : i32
      %dma_start3A_362 = tpu.memref_slice %arg2[%dma_start3A_360, %dma_start3A_361] : memref<10000x128xf32, #tpu.memory_space<hbm>> -> memref<10000x128xf32, #tpu.memory_space<hbm>>
      tpu.enqueue_indirect_dma source(%dma_start3A_362 : memref<10000x128xf32, #tpu.memory_space<hbm>>) target(%dma_start3A_356 : memref<80x128xf32, #tpu.memory_space<vmem>>) offsets(%dma_start3A_359 : memref<80xi32, #tpu.memory_space<vmem>>) semaphore(%arg12 : memref<!tpu.dma_semaphore, #tpu.memory_space<semaphore_mem>>)
      %add3A_363 = arith.constant 1 : i32
      %add3A_364 = arith.addi %mul3A_168, %add3A_363 : i32
      %add3A_365 = arith.constant 3 : i32
      %add3A_366 = arith.addi %mul3A_168, %add3A_365 : i32
      %dma_wait3A_367 = arith.constant 80 : i32
      %dma_wait3A_368 = arith.constant 0 : i32
      %dma_wait3A_369 = tpu.memref_slice %arg11[%dma_wait3A_367, %dma_wait3A_368] : memref<160x128xf32, #tpu.memory_space<vmem>> -> memref<80x128xf32, #tpu.memory_space<vmem>>
      %dma_wait3A_370 = arith.constant 0 : i32
      %dma_wait3A_371 = arith.constant 0 : i32
      %dma_wait3A_372 = tpu.memref_slice %arg3[%dma_wait3A_370, %dma_wait3A_371] : memref<320000x128xf32, #tpu.memory_space<hbm>> -> memref<80x128xf32, #tpu.memory_space<hbm>>
      %dma_wait3A_373 = arith.constant 80 : i32
      %dma_wait3A_374 = arith.constant 0 : i32
      %dma_wait3A_375 = tpu.memref_slice %arg11[%dma_wait3A_373, %dma_wait3A_374] : memref<160x128xf32, #tpu.memory_space<vmem>> -> memref<80x128xf32, #tpu.memory_space<vmem>>
      %dma_wait3A_376 = arith.constant 0 : i32
      %dma_wait3A_377 = arith.constant 0 : i32
      %dma_wait3A_378 = tpu.memref_slice %arg3[%dma_wait3A_376, %dma_wait3A_377] : memref<320000x128xf32, #tpu.memory_space<hbm>> -> memref<80x128xf32, #tpu.memory_space<hbm>>
      tpu.wait_dma2 semaphore(%arg15 : memref<!tpu.dma_semaphore, #tpu.memory_space<semaphore_mem>>) src(%dma_wait3A_378 : memref<80x128xf32, #tpu.memory_space<hbm>>) dst(%dma_wait3A_375 : memref<80x128xf32, #tpu.memory_space<vmem>>)
      %dma_wait3A_379 = arith.constant 80 : i32
      %dma_wait3A_380 = arith.constant 0 : i32
      %dma_wait3A_381 = tpu.memref_slice %arg10[%dma_wait3A_379, %dma_wait3A_380] : memref<160x128xf32, #tpu.memory_space<vmem>> -> memref<80x128xf32, #tpu.memory_space<vmem>>
      %dma_wait3A_382 = arith.constant 0 : i32
      %dma_wait3A_383 = arith.constant 0 : i32
      %dma_wait3A_384 = tpu.memref_slice %arg2[%dma_wait3A_382, %dma_wait3A_383] : memref<10000x128xf32, #tpu.memory_space<hbm>> -> memref<80x128xf32, #tpu.memory_space<hbm>>
      %dma_wait3A_385 = arith.constant 80 : i32
      %dma_wait3A_386 = arith.constant 0 : i32
      %dma_wait3A_387 = tpu.memref_slice %arg10[%dma_wait3A_385, %dma_wait3A_386] : memref<160x128xf32, #tpu.memory_space<vmem>> -> memref<80x128xf32, #tpu.memory_space<vmem>>
      %dma_wait3A_388 = arith.constant 0 : i32
      %dma_wait3A_389 = arith.constant 0 : i32
      %dma_wait3A_390 = tpu.memref_slice %arg2[%dma_wait3A_388, %dma_wait3A_389] : memref<10000x128xf32, #tpu.memory_space<hbm>> -> memref<80x128xf32, #tpu.memory_space<hbm>>
      tpu.wait_dma2 semaphore(%arg13 : memref<!tpu.dma_semaphore, #tpu.memory_space<semaphore_mem>>) src(%dma_wait3A_390 : memref<80x128xf32, #tpu.memory_space<hbm>>) dst(%dma_wait3A_387 : memref<80x128xf32, #tpu.memory_space<vmem>>)
      %lt3A = arith.constant 125 : i32
      %lt3A_391 = arith.cmpi slt, %add3A_366, %lt3A : i32
      %convert_element_type3A = arith.extui %lt3A_391 : i1 to i32
      %cond3A = arith.constant 0 : i32
      %cond3A_392 = arith.cmpi ne, %convert_element_type3A, %cond3A : i32
      scf.if %cond3A_392 {
        %dma_start3A_418 = arith.constant 1 : i32
        %dma_start3A_419 = arith.constant 0 : i32
        %dma_start3A_420 = arith.constant 0 : i32
        %dma_start3A_421 = tpu.memref_slice %arg8[%dma_start3A_418, %dma_start3A_419, %dma_start3A_420] : memref<2x1x80xi32, #tpu.memory_space<vmem>> -> memref<1x1x80xi32, #tpu.memory_space<vmem>>
        %dma_start3A_422 = tpu.memref_squeeze %dma_start3A_421 : memref<1x1x80xi32, #tpu.memory_space<vmem>> -> memref<1x80xi32, #tpu.memory_space<vmem>>
        %dma_start3A_423 = arith.constant 0 : i32
        %dma_start3A_424 = arith.constant 0 : i32
        %dma_start3A_425 = tpu.memref_slice %arg4[%add3A, %add3A_366, %dma_start3A_423, %dma_start3A_424] : memref<32x125x1x80xi32, #tpu.memory_space<hbm>> -> memref<1x1x1x80xi32, #tpu.memory_space<hbm>>
        %dma_start3A_426 = tpu.memref_squeeze %dma_start3A_425 : memref<1x1x1x80xi32, #tpu.memory_space<hbm>> -> memref<1x80xi32, #tpu.memory_space<hbm>>
        %dma_start3A_427 = arith.constant 0 : i32
        %dma_start3A_428 = arith.constant 0 : i32
        %dma_start3A_429 = tpu.memref_slice %arg8[%dma_start3A_418, %dma_start3A_427, %dma_start3A_428] : memref<2x1x80xi32, #tpu.memory_space<vmem>> -> memref<1x1x80xi32, #tpu.memory_space<vmem>>
        %dma_start3A_430 = tpu.memref_squeeze %dma_start3A_429 : memref<1x1x80xi32, #tpu.memory_space<vmem>> -> memref<1x80xi32, #tpu.memory_space<vmem>>
        %dma_start3A_431 = arith.constant 0 : i32
        %dma_start3A_432 = arith.constant 0 : i32
        %dma_start3A_433 = tpu.memref_slice %arg4[%add3A, %add3A_366, %dma_start3A_431, %dma_start3A_432] : memref<32x125x1x80xi32, #tpu.memory_space<hbm>> -> memref<1x1x1x80xi32, #tpu.memory_space<hbm>>
        %dma_start3A_434 = tpu.memref_squeeze %dma_start3A_433 : memref<1x1x1x80xi32, #tpu.memory_space<hbm>> -> memref<1x80xi32, #tpu.memory_space<hbm>>
        tpu.enqueue_dma source(%dma_start3A_434 : memref<1x80xi32, #tpu.memory_space<hbm>>) target(%dma_start3A_430 : memref<1x80xi32, #tpu.memory_space<vmem>>) target_semaphore(%arg17 : memref<!tpu.dma_semaphore, #tpu.memory_space<semaphore_mem>>)
      } else {
      }
      %scan3A_393 = arith.constant 0 : i32
      %scan3A_394 = arith.constant 80 : i32
      %scan3A_395 = arith.addi %scan3A_393, %scan3A_394 : i32
      %scan3A_396 = arith.constant 1 : i32
      scf.for %scan3A_418 = %scan3A_393 to %scan3A_395 step %scan3A_396  : i32 {
        %add3A_419 = arith.constant 80 : i32
        %add3A_420 = arith.addi %add3A_419, %scan3A_418 : i32
        %get3A = arith.index_cast %add3A_420 : i32 to index
        %get3A_421 = arith.constant 0 : index
        %get3A_422 = tpu.vector_load %arg10[%get3A, %get3A_421] {strides = array<i32>} : memref<160x128xf32, #tpu.memory_space<vmem>>, vector<1x16xf32>,
        %get3A_423 = vector.shape_cast %get3A_422 : vector<1x16xf32> to vector<16xf32>
        %get3A_424 = arith.index_cast %add3A_420 : i32 to index
        %get3A_425 = arith.constant 0 : index
        %get3A_426 = tpu.vector_load %arg11[%get3A_424, %get3A_425] {strides = array<i32>} : memref<160x128xf32, #tpu.memory_space<vmem>>, vector<1x16xf32>,
        %get3A_427 = vector.shape_cast %get3A_426 : vector<1x16xf32> to vector<16xf32>
        %add3A_428 = arith.addf %get3A_423, %get3A_427 : vector<16xf32>
        %max3A = arith.constant 0.000000e+00 : f32
        %max3A_429 = vector.broadcast %max3A : f32 to vector<16xf32>
        %max3A_430 = arith.maximumf %add3A_428, %max3A_429 : vector<16xf32>
        %swap3A = arith.index_cast %add3A_420 : i32 to index
        %swap3A_431 = arith.constant 0 : index
        %swap3A_432 = tpu.vector_load %arg10[%swap3A, %swap3A_431] {strides = array<i32>} : memref<160x128xf32, #tpu.memory_space<vmem>>, vector<1x16xf32>,
        %swap3A_433 = vector.shape_cast %swap3A_432 : vector<1x16xf32> to vector<16xf32>
        %swap3A_434 = vector.shape_cast %max3A_430 : vector<16xf32> to vector<1x16xf32>
        tpu.vector_store %arg10[%swap3A, %swap3A_431], %swap3A_434 {strides = array<i32>} : memref<160x128xf32, #tpu.memory_space<vmem>>, vector<1x16xf32>,
        %get3A_435 = arith.index_cast %add3A_420 : i32 to index
        %get3A_436 = arith.constant 16 : index
        %get3A_437 = tpu.vector_load %arg10[%get3A_435, %get3A_436] {strides = array<i32>} : memref<160x128xf32, #tpu.memory_space<vmem>>, vector<1x16xf32>,
        %get3A_438 = vector.shape_cast %get3A_437 : vector<1x16xf32> to vector<16xf32>
        %get3A_439 = arith.index_cast %add3A_420 : i32 to index
        %get3A_440 = arith.constant 16 : index
        %get3A_441 = tpu.vector_load %arg11[%get3A_439, %get3A_440] {strides = array<i32>} : memref<160x128xf32, #tpu.memory_space<vmem>>, vector<1x16xf32>,
        %get3A_442 = vector.shape_cast %get3A_441 : vector<1x16xf32> to vector<16xf32>
        %add3A_443 = arith.addf %get3A_438, %get3A_442 : vector<16xf32>
        %max3A_444 = arith.constant 0.000000e+00 : f32
        %max3A_445 = vector.broadcast %max3A_444 : f32 to vector<16xf32>
        %max3A_446 = arith.maximumf %add3A_443, %max3A_445 : vector<16xf32>
        %swap3A_447 = arith.index_cast %add3A_420 : i32 to index
        %swap3A_448 = arith.constant 16 : index
        %swap3A_449 = tpu.vector_load %arg10[%swap3A_447, %swap3A_448] {strides = array<i32>} : memref<160x128xf32, #tpu.memory_space<vmem>>, vector<1x16xf32>,
        %swap3A_450 = vector.shape_cast %swap3A_449 : vector<1x16xf32> to vector<16xf32>
        %swap3A_451 = vector.shape_cast %max3A_446 : vector<16xf32> to vector<1x16xf32>
        tpu.vector_store %arg10[%swap3A_447, %swap3A_448], %swap3A_451 {strides = array<i32>} : memref<160x128xf32, #tpu.memory_space<vmem>>, vector<1x16xf32>,
        %get3A_452 = arith.index_cast %add3A_420 : i32 to index
        %get3A_453 = arith.constant 32 : index
        %get3A_454 = tpu.vector_load %arg10[%get3A_452, %get3A_453] {strides = array<i32>} : memref<160x128xf32, #tpu.memory_space<vmem>>, vector<1x16xf32>,
        %get3A_455 = vector.shape_cast %get3A_454 : vector<1x16xf32> to vector<16xf32>
        %get3A_456 = arith.index_cast %add3A_420 : i32 to index
        %get3A_457 = arith.constant 32 : index
        %get3A_458 = tpu.vector_load %arg11[%get3A_456, %get3A_457] {strides = array<i32>} : memref<160x128xf32, #tpu.memory_space<vmem>>, vector<1x16xf32>,
        %get3A_459 = vector.shape_cast %get3A_458 : vector<1x16xf32> to vector<16xf32>
        %add3A_460 = arith.addf %get3A_455, %get3A_459 : vector<16xf32>
        %max3A_461 = arith.constant 0.000000e+00 : f32
        %max3A_462 = vector.broadcast %max3A_461 : f32 to vector<16xf32>
        %max3A_463 = arith.maximumf %add3A_460, %max3A_462 : vector<16xf32>
        %swap3A_464 = arith.index_cast %add3A_420 : i32 to index
        %swap3A_465 = arith.constant 32 : index
        %swap3A_466 = tpu.vector_load %arg10[%swap3A_464, %swap3A_465] {strides = array<i32>} : memref<160x128xf32, #tpu.memory_space<vmem>>, vector<1x16xf32>,
        %swap3A_467 = vector.shape_cast %swap3A_466 : vector<1x16xf32> to vector<16xf32>
        %swap3A_468 = vector.shape_cast %max3A_463 : vector<16xf32> to vector<1x16xf32>
        tpu.vector_store %arg10[%swap3A_464, %swap3A_465], %swap3A_468 {strides = array<i32>} : memref<160x128xf32, #tpu.memory_space<vmem>>, vector<1x16xf32>,
        %get3A_469 = arith.index_cast %add3A_420 : i32 to index
        %get3A_470 = arith.constant 48 : index
        %get3A_471 = tpu.vector_load %arg10[%get3A_469, %get3A_470] {strides = array<i32>} : memref<160x128xf32, #tpu.memory_space<vmem>>, vector<1x16xf32>,
        %get3A_472 = vector.shape_cast %get3A_471 : vector<1x16xf32> to vector<16xf32>
        %get3A_473 = arith.index_cast %add3A_420 : i32 to index
        %get3A_474 = arith.constant 48 : index
        %get3A_475 = tpu.vector_load %arg11[%get3A_473, %get3A_474] {strides = array<i32>} : memref<160x128xf32, #tpu.memory_space<vmem>>, vector<1x16xf32>,
        %get3A_476 = vector.shape_cast %get3A_475 : vector<1x16xf32> to vector<16xf32>
        %add3A_477 = arith.addf %get3A_472, %get3A_476 : vector<16xf32>
        %max3A_478 = arith.constant 0.000000e+00 : f32
        %max3A_479 = vector.broadcast %max3A_478 : f32 to vector<16xf32>
        %max3A_480 = arith.maximumf %add3A_477, %max3A_479 : vector<16xf32>
        %swap3A_481 = arith.index_cast %add3A_420 : i32 to index
        %swap3A_482 = arith.constant 48 : index
        %swap3A_483 = tpu.vector_load %arg10[%swap3A_481, %swap3A_482] {strides = array<i32>} : memref<160x128xf32, #tpu.memory_space<vmem>>, vector<1x16xf32>,
        %swap3A_484 = vector.shape_cast %swap3A_483 : vector<1x16xf32> to vector<16xf32>
        %swap3A_485 = vector.shape_cast %max3A_480 : vector<16xf32> to vector<1x16xf32>
        tpu.vector_store %arg10[%swap3A_481, %swap3A_482], %swap3A_485 {strides = array<i32>} : memref<160x128xf32, #tpu.memory_space<vmem>>, vector<1x16xf32>,
        %get3A_486 = arith.index_cast %add3A_420 : i32 to index
        %get3A_487 = arith.constant 64 : index
        %get3A_488 = tpu.vector_load %arg10[%get3A_486, %get3A_487] {strides = array<i32>} : memref<160x128xf32, #tpu.memory_space<vmem>>, vector<1x16xf32>,
        %get3A_489 = vector.shape_cast %get3A_488 : vector<1x16xf32> to vector<16xf32>
        %get3A_490 = arith.index_cast %add3A_420 : i32 to index
        %get3A_491 = arith.constant 64 : index
        %get3A_492 = tpu.vector_load %arg11[%get3A_490, %get3A_491] {strides = array<i32>} : memref<160x128xf32, #tpu.memory_space<vmem>>, vector<1x16xf32>,
        %get3A_493 = vector.shape_cast %get3A_492 : vector<1x16xf32> to vector<16xf32>
        %add3A_494 = arith.addf %get3A_489, %get3A_493 : vector<16xf32>
        %max3A_495 = arith.constant 0.000000e+00 : f32
        %max3A_496 = vector.broadcast %max3A_495 : f32 to vector<16xf32>
        %max3A_497 = arith.maximumf %add3A_494, %max3A_496 : vector<16xf32>
        %swap3A_498 = arith.index_cast %add3A_420 : i32 to index
        %swap3A_499 = arith.constant 64 : index
        %swap3A_500 = tpu.vector_load %arg10[%swap3A_498, %swap3A_499] {strides = array<i32>} : memref<160x128xf32, #tpu.memory_space<vmem>>, vector<1x16xf32>,
        %swap3A_501 = vector.shape_cast %swap3A_500 : vector<1x16xf32> to vector<16xf32>
        %swap3A_502 = vector.shape_cast %max3A_497 : vector<16xf32> to vector<1x16xf32>
        tpu.vector_store %arg10[%swap3A_498, %swap3A_499], %swap3A_502 {strides = array<i32>} : memref<160x128xf32, #tpu.memory_space<vmem>>, vector<1x16xf32>,
        %get3A_503 = arith.index_cast %add3A_420 : i32 to index
        %get3A_504 = arith.constant 80 : index
        %get3A_505 = tpu.vector_load %arg10[%get3A_503, %get3A_504] {strides = array<i32>} : memref<160x128xf32, #tpu.memory_space<vmem>>, vector<1x16xf32>,
        %get3A_506 = vector.shape_cast %get3A_505 : vector<1x16xf32> to vector<16xf32>
        %get3A_507 = arith.index_cast %add3A_420 : i32 to index
        %get3A_508 = arith.constant 80 : index
        %get3A_509 = tpu.vector_load %arg11[%get3A_507, %get3A_508] {strides = array<i32>} : memref<160x128xf32, #tpu.memory_space<vmem>>, vector<1x16xf32>,
        %get3A_510 = vector.shape_cast %get3A_509 : vector<1x16xf32> to vector<16xf32>
        %add3A_511 = arith.addf %get3A_506, %get3A_510 : vector<16xf32>
        %max3A_512 = arith.constant 0.000000e+00 : f32
        %max3A_513 = vector.broadcast %max3A_512 : f32 to vector<16xf32>
        %max3A_514 = arith.maximumf %add3A_511, %max3A_513 : vector<16xf32>
        %swap3A_515 = arith.index_cast %add3A_420 : i32 to index
        %swap3A_516 = arith.constant 80 : index
        %swap3A_517 = tpu.vector_load %arg10[%swap3A_515, %swap3A_516] {strides = array<i32>} : memref<160x128xf32, #tpu.memory_space<vmem>>, vector<1x16xf32>,
        %swap3A_518 = vector.shape_cast %swap3A_517 : vector<1x16xf32> to vector<16xf32>
        %swap3A_519 = vector.shape_cast %max3A_514 : vector<16xf32> to vector<1x16xf32>
        tpu.vector_store %arg10[%swap3A_515, %swap3A_516], %swap3A_519 {strides = array<i32>} : memref<160x128xf32, #tpu.memory_space<vmem>>, vector<1x16xf32>,
        %get3A_520 = arith.index_cast %add3A_420 : i32 to index
        %get3A_521 = arith.constant 96 : index
        %get3A_522 = tpu.vector_load %arg10[%get3A_520, %get3A_521] {strides = array<i32>} : memref<160x128xf32, #tpu.memory_space<vmem>>, vector<1x16xf32>,
        %get3A_523 = vector.shape_cast %get3A_522 : vector<1x16xf32> to vector<16xf32>
        %get3A_524 = arith.index_cast %add3A_420 : i32 to index
        %get3A_525 = arith.constant 96 : index
        %get3A_526 = tpu.vector_load %arg11[%get3A_524, %get3A_525] {strides = array<i32>} : memref<160x128xf32, #tpu.memory_space<vmem>>, vector<1x16xf32>,
        %get3A_527 = vector.shape_cast %get3A_526 : vector<1x16xf32> to vector<16xf32>
        %add3A_528 = arith.addf %get3A_523, %get3A_527 : vector<16xf32>
        %max3A_529 = arith.constant 0.000000e+00 : f32
        %max3A_530 = vector.broadcast %max3A_529 : f32 to vector<16xf32>
        %max3A_531 = arith.maximumf %add3A_528, %max3A_530 : vector<16xf32>
        %swap3A_532 = arith.index_cast %add3A_420 : i32 to index
        %swap3A_533 = arith.constant 96 : index
        %swap3A_534 = tpu.vector_load %arg10[%swap3A_532, %swap3A_533] {strides = array<i32>} : memref<160x128xf32, #tpu.memory_space<vmem>>, vector<1x16xf32>,
        %swap3A_535 = vector.shape_cast %swap3A_534 : vector<1x16xf32> to vector<16xf32>
        %swap3A_536 = vector.shape_cast %max3A_531 : vector<16xf32> to vector<1x16xf32>
        tpu.vector_store %arg10[%swap3A_532, %swap3A_533], %swap3A_536 {strides = array<i32>} : memref<160x128xf32, #tpu.memory_space<vmem>>, vector<1x16xf32>,
        %get3A_537 = arith.index_cast %add3A_420 : i32 to index
        %get3A_538 = arith.constant 112 : index
        %get3A_539 = tpu.vector_load %arg10[%get3A_537, %get3A_538] {strides = array<i32>} : memref<160x128xf32, #tpu.memory_space<vmem>>, vector<1x16xf32>,
        %get3A_540 = vector.shape_cast %get3A_539 : vector<1x16xf32> to vector<16xf32>
        %get3A_541 = arith.index_cast %add3A_420 : i32 to index
        %get3A_542 = arith.constant 112 : index
        %get3A_543 = tpu.vector_load %arg11[%get3A_541, %get3A_542] {strides = array<i32>} : memref<160x128xf32, #tpu.memory_space<vmem>>, vector<1x16xf32>,
        %get3A_544 = vector.shape_cast %get3A_543 : vector<1x16xf32> to vector<16xf32>
        %add3A_545 = arith.addf %get3A_540, %get3A_544 : vector<16xf32>
        %max3A_546 = arith.constant 0.000000e+00 : f32
        %max3A_547 = vector.broadcast %max3A_546 : f32 to vector<16xf32>
        %max3A_548 = arith.maximumf %add3A_545, %max3A_547 : vector<16xf32>
        %swap3A_549 = arith.index_cast %add3A_420 : i32 to index
        %swap3A_550 = arith.constant 112 : index
        %swap3A_551 = tpu.vector_load %arg10[%swap3A_549, %swap3A_550] {strides = array<i32>} : memref<160x128xf32, #tpu.memory_space<vmem>>, vector<1x16xf32>,
        %swap3A_552 = vector.shape_cast %swap3A_551 : vector<1x16xf32> to vector<16xf32>
        %swap3A_553 = vector.shape_cast %max3A_548 : vector<16xf32> to vector<1x16xf32>
        tpu.vector_store %arg10[%swap3A_549, %swap3A_550], %swap3A_553 {strides = array<i32>} : memref<160x128xf32, #tpu.memory_space<vmem>>, vector<1x16xf32>,
      }
      %scan3A_397 = arith.constant 80 : i32
      %dma_wait3A_398 = arith.constant 0 : i32
      %dma_wait3A_399 = arith.constant 1 : i32
      %dma_wait3A_400 = arith.constant 0 : i32
      %dma_wait3A_401 = arith.constant 0 : i32
      %dma_wait3A_402 = tpu.memref_slice %arg9[%dma_wait3A_399, %dma_wait3A_400, %dma_wait3A_401] : memref<2x1x80xi32, #tpu.memory_space<vmem>> -> memref<1x1x80xi32, #tpu.memory_space<vmem>>
      %dma_wait3A_403 = tpu.memref_squeeze %dma_wait3A_402 : memref<1x1x80xi32, #tpu.memory_space<vmem>> -> memref<1x80xi32, #tpu.memory_space<vmem>>
      %dma_wait3A_404 = arith.constant 0 : i32
      %dma_wait3A_405 = arith.constant 0 : i32
      %dma_wait3A_406 = tpu.memref_slice %arg5[%add3A, %dma_wait3A_398, %dma_wait3A_404, %dma_wait3A_405] : memref<32x125x1x80xi32, #tpu.memory_space<hbm>> -> memref<1x1x1x80xi32, #tpu.memory_space<hbm>>
      %dma_wait3A_407 = tpu.memref_squeeze %dma_wait3A_406 : memref<1x1x1x80xi32, #tpu.memory_space<hbm>> -> memref<1x80xi32, #tpu.memory_space<hbm>>
      %dma_wait3A_408 = arith.constant 0 : i32
      %dma_wait3A_409 = arith.constant 0 : i32
      %dma_wait3A_410 = tpu.memref_slice %arg9[%dma_wait3A_399, %dma_wait3A_408, %dma_wait3A_409] : memref<2x1x80xi32, #tpu.memory_space<vmem>> -> memref<1x1x80xi32, #tpu.memory_space<vmem>>
      %dma_wait3A_411 = tpu.memref_squeeze %dma_wait3A_410 : memref<1x1x80xi32, #tpu.memory_space<vmem>> -> memref<1x80xi32, #tpu.memory_space<vmem>>
      %dma_wait3A_412 = arith.constant 0 : i32
      %dma_wait3A_413 = arith.constant 0 : i32
      %dma_wait3A_414 = tpu.memref_slice %arg5[%add3A, %dma_wait3A_398, %dma_wait3A_412, %dma_wait3A_413] : memref<32x125x1x80xi32, #tpu.memory_space<hbm>> -> memref<1x1x1x80xi32, #tpu.memory_space<hbm>>
      %dma_wait3A_415 = tpu.memref_squeeze %dma_wait3A_414 : memref<1x1x1x80xi32, #tpu.memory_space<hbm>> -> memref<1x80xi32, #tpu.memory_space<hbm>>
      tpu.wait_dma2 semaphore(%arg19 : memref<!tpu.dma_semaphore, #tpu.memory_space<semaphore_mem>>) src(%dma_wait3A_415 : memref<1x80xi32, #tpu.memory_space<hbm>>) dst(%dma_wait3A_411 : memref<1x80xi32, #tpu.memory_space<vmem>>)
      %run_scoped3A_416 = arith.constant 1 : i32
      %run_scoped3A_417 = arith.constant 0 : i32
      "tpu.region"() ({
        %run_scoped3A_418 = tpu.sem_alloc : memref<!tpu.dma_semaphore, #tpu.memory_space<semaphore_mem>>
        %dma_start3A_419 = arith.constant 80 : i32
        %dma_start3A_420 = arith.constant 0 : i32
        %dma_start3A_421 = tpu.memref_slice %arg10[%dma_start3A_419, %dma_start3A_420] : memref<160x128xf32, #tpu.memory_space<vmem>> -> memref<80x128xf32, #tpu.memory_space<vmem>>
        %dma_start3A_422 = arith.constant 0 : i32
        %dma_start3A_423 = tpu.memref_slice %arg9[%run_scoped3A_416, %run_scoped3A_417, %dma_start3A_422] : memref<2x1x80xi32, #tpu.memory_space<vmem>> -> memref<1x1x80xi32, #tpu.memory_space<vmem>>
        %dma_start3A_424 = tpu.memref_squeeze %dma_start3A_423 : memref<1x1x80xi32, #tpu.memory_space<vmem>> -> memref<80xi32, #tpu.memory_space<vmem>>
        %dma_start3A_425 = arith.constant 0 : i32
        %dma_start3A_426 = arith.constant 0 : i32
        %dma_start3A_427 = tpu.memref_slice %arg7[%dma_start3A_425, %dma_start3A_426] : memref<10000x128xf32, #tpu.memory_space<vmem_shared>> -> memref<10000x128xf32, #tpu.memory_space<vmem_shared>>
        tpu.enqueue_indirect_dma source(%dma_start3A_421 : memref<80x128xf32, #tpu.memory_space<vmem>>) target(%dma_start3A_427 : memref<10000x128xf32, #tpu.memory_space<vmem_shared>>) offsets(%dma_start3A_424 : memref<80xi32, #tpu.memory_space<vmem>>) semaphore(%run_scoped3A_418 : memref<!tpu.dma_semaphore, #tpu.memory_space<semaphore_mem>>) {add = true}
        %dma_wait3A_428 = arith.constant 80 : i32
        %dma_wait3A_429 = arith.constant 0 : i32
        %dma_wait3A_430 = tpu.memref_slice %arg10[%dma_wait3A_428, %dma_wait3A_429] : memref<160x128xf32, #tpu.memory_space<vmem>> -> memref<80x128xf32, #tpu.memory_space<vmem>>
        %dma_wait3A_431 = arith.constant 0 : i32
        %dma_wait3A_432 = tpu.memref_slice %arg9[%run_scoped3A_416, %run_scoped3A_417, %dma_wait3A_431] : memref<2x1x80xi32, #tpu.memory_space<vmem>> -> memref<1x1x80xi32, #tpu.memory_space<vmem>>
        %dma_wait3A_433 = tpu.memref_squeeze %dma_wait3A_432 : memref<1x1x80xi32, #tpu.memory_space<vmem>> -> memref<80xi32, #tpu.memory_space<vmem>>
        %dma_wait3A_434 = arith.constant 0 : i32
        %dma_wait3A_435 = arith.constant 0 : i32
        %dma_wait3A_436 = tpu.memref_slice %arg7[%dma_wait3A_434, %dma_wait3A_435] : memref<10000x128xf32, #tpu.memory_space<vmem_shared>> -> memref<10000x128xf32, #tpu.memory_space<vmem_shared>>
        tpu.wait_indirect_dma semaphore(%run_scoped3A_418 : memref<!tpu.dma_semaphore, #tpu.memory_space<semaphore_mem>>) src(%dma_wait3A_430 : memref<80x128xf32, #tpu.memory_space<vmem>>) dst(%dma_wait3A_436 : memref<10000x128xf32, #tpu.memory_space<vmem_shared>>)
        tpu.yield
      }) : () -> ()
    }
    %scan3A_114 = arith.constant 62 : i32
    %dma_wait3A_115 = arith.constant 0 : i32
    %dma_wait3A_116 = arith.constant 0 : i32
    %dma_wait3A_117 = tpu.memref_slice %arg11[%dma_wait3A_115, %dma_wait3A_116] : memref<160x128xf32, #tpu.memory_space<vmem>> -> memref<80x128xf32, #tpu.memory_space<vmem>>
    %dma_wait3A_118 = arith.constant 0 : i32
    %dma_wait3A_119 = arith.constant 0 : i32
    %dma_wait3A_120 = tpu.memref_slice %arg3[%dma_wait3A_118, %dma_wait3A_119] : memref<320000x128xf32, #tpu.memory_space<hbm>> -> memref<80x128xf32, #tpu.memory_space<hbm>>
    %dma_wait3A_121 = arith.constant 0 : i32
    %dma_wait3A_122 = arith.constant 0 : i32
    %dma_wait3A_123 = tpu.memref_slice %arg11[%dma_wait3A_121, %dma_wait3A_122] : memref<160x128xf32, #tpu.memory_space<vmem>> -> memref<80x128xf32, #tpu.memory_space<vmem>>
    %dma_wait3A_124 = arith.constant 0 : i32
    %dma_wait3A_125 = arith.constant 0 : i32
    %dma_wait3A_126 = tpu.memref_slice %arg3[%dma_wait3A_124, %dma_wait3A_125] : memref<320000x128xf32, #tpu.memory_space<hbm>> -> memref<80x128xf32, #tpu.memory_space<hbm>>
    tpu.wait_dma2 semaphore(%arg14 : memref<!tpu.dma_semaphore, #tpu.memory_space<semaphore_mem>>) src(%dma_wait3A_126 : memref<80x128xf32, #tpu.memory_space<hbm>>) dst(%dma_wait3A_123 : memref<80x128xf32, #tpu.memory_space<vmem>>)
    %dma_wait3A_127 = arith.constant 0 : i32
    %dma_wait3A_128 = arith.constant 0 : i32
    %dma_wait3A_129 = tpu.memref_slice %arg10[%dma_wait3A_127, %dma_wait3A_128] : memref<160x128xf32, #tpu.memory_space<vmem>> -> memref<80x128xf32, #tpu.memory_space<vmem>>
    %dma_wait3A_130 = arith.constant 0 : i32
    %dma_wait3A_131 = arith.constant 0 : i32
    %dma_wait3A_132 = tpu.memref_slice %arg2[%dma_wait3A_130, %dma_wait3A_131] : memref<10000x128xf32, #tpu.memory_space<hbm>> -> memref<80x128xf32, #tpu.memory_space<hbm>>
    %dma_wait3A_133 = arith.constant 0 : i32
    %dma_wait3A_134 = arith.constant 0 : i32
    %dma_wait3A_135 = tpu.memref_slice %arg10[%dma_wait3A_133, %dma_wait3A_134] : memref<160x128xf32, #tpu.memory_space<vmem>> -> memref<80x128xf32, #tpu.memory_space<vmem>>
    %dma_wait3A_136 = arith.constant 0 : i32
    %dma_wait3A_137 = arith.constant 0 : i32
    %dma_wait3A_138 = tpu.memref_slice %arg2[%dma_wait3A_136, %dma_wait3A_137] : memref<10000x128xf32, #tpu.memory_space<hbm>> -> memref<80x128xf32, #tpu.memory_space<hbm>>
    tpu.wait_dma2 semaphore(%arg12 : memref<!tpu.dma_semaphore, #tpu.memory_space<semaphore_mem>>) src(%dma_wait3A_138 : memref<80x128xf32, #tpu.memory_space<hbm>>) dst(%dma_wait3A_135 : memref<80x128xf32, #tpu.memory_space<vmem>>)
    %scan3A_139 = arith.constant 0 : i32
    %scan3A_140 = arith.constant 80 : i32
    %scan3A_141 = arith.addi %scan3A_139, %scan3A_140 : i32
    %scan3A_142 = arith.constant 1 : i32
    scf.for %scan3A_166 = %scan3A_139 to %scan3A_141 step %scan3A_142  : i32 {
      %add3A_167 = arith.constant 0 : i32
      %add3A_168 = arith.addi %add3A_167, %scan3A_166 : i32
      %get3A = arith.index_cast %add3A_168 : i32 to index
      %get3A_169 = arith.constant 0 : index
      %get3A_170 = tpu.vector_load %arg10[%get3A, %get3A_169] {strides = array<i32>} : memref<160x128xf32, #tpu.memory_space<vmem>>, vector<1x16xf32>,
      %get3A_171 = vector.shape_cast %get3A_170 : vector<1x16xf32> to vector<16xf32>
      %get3A_172 = arith.index_cast %add3A_168 : i32 to index
      %get3A_173 = arith.constant 0 : index
      %get3A_174 = tpu.vector_load %arg11[%get3A_172, %get3A_173] {strides = array<i32>} : memref<160x128xf32, #tpu.memory_space<vmem>>, vector<1x16xf32>,
      %get3A_175 = vector.shape_cast %get3A_174 : vector<1x16xf32> to vector<16xf32>
      %add3A_176 = arith.addf %get3A_171, %get3A_175 : vector<16xf32>
      %max3A = arith.constant 0.000000e+00 : f32
      %max3A_177 = vector.broadcast %max3A : f32 to vector<16xf32>
      %max3A_178 = arith.maximumf %add3A_176, %max3A_177 : vector<16xf32>
      %swap3A = arith.index_cast %add3A_168 : i32 to index
      %swap3A_179 = arith.constant 0 : index
      %swap3A_180 = tpu.vector_load %arg10[%swap3A, %swap3A_179] {strides = array<i32>} : memref<160x128xf32, #tpu.memory_space<vmem>>, vector<1x16xf32>,
      %swap3A_181 = vector.shape_cast %swap3A_180 : vector<1x16xf32> to vector<16xf32>
      %swap3A_182 = vector.shape_cast %max3A_178 : vector<16xf32> to vector<1x16xf32>
      tpu.vector_store %arg10[%swap3A, %swap3A_179], %swap3A_182 {strides = array<i32>} : memref<160x128xf32, #tpu.memory_space<vmem>>, vector<1x16xf32>,
      %get3A_183 = arith.index_cast %add3A_168 : i32 to index
      %get3A_184 = arith.constant 16 : index
      %get3A_185 = tpu.vector_load %arg10[%get3A_183, %get3A_184] {strides = array<i32>} : memref<160x128xf32, #tpu.memory_space<vmem>>, vector<1x16xf32>,
      %get3A_186 = vector.shape_cast %get3A_185 : vector<1x16xf32> to vector<16xf32>
      %get3A_187 = arith.index_cast %add3A_168 : i32 to index
      %get3A_188 = arith.constant 16 : index
      %get3A_189 = tpu.vector_load %arg11[%get3A_187, %get3A_188] {strides = array<i32>} : memref<160x128xf32, #tpu.memory_space<vmem>>, vector<1x16xf32>,
      %get3A_190 = vector.shape_cast %get3A_189 : vector<1x16xf32> to vector<16xf32>
      %add3A_191 = arith.addf %get3A_186, %get3A_190 : vector<16xf32>
      %max3A_192 = arith.constant 0.000000e+00 : f32
      %max3A_193 = vector.broadcast %max3A_192 : f32 to vector<16xf32>
      %max3A_194 = arith.maximumf %add3A_191, %max3A_193 : vector<16xf32>
      %swap3A_195 = arith.index_cast %add3A_168 : i32 to index
      %swap3A_196 = arith.constant 16 : index
      %swap3A_197 = tpu.vector_load %arg10[%swap3A_195, %swap3A_196] {strides = array<i32>} : memref<160x128xf32, #tpu.memory_space<vmem>>, vector<1x16xf32>,
      %swap3A_198 = vector.shape_cast %swap3A_197 : vector<1x16xf32> to vector<16xf32>
      %swap3A_199 = vector.shape_cast %max3A_194 : vector<16xf32> to vector<1x16xf32>
      tpu.vector_store %arg10[%swap3A_195, %swap3A_196], %swap3A_199 {strides = array<i32>} : memref<160x128xf32, #tpu.memory_space<vmem>>, vector<1x16xf32>,
      %get3A_200 = arith.index_cast %add3A_168 : i32 to index
      %get3A_201 = arith.constant 32 : index
      %get3A_202 = tpu.vector_load %arg10[%get3A_200, %get3A_201] {strides = array<i32>} : memref<160x128xf32, #tpu.memory_space<vmem>>, vector<1x16xf32>,
      %get3A_203 = vector.shape_cast %get3A_202 : vector<1x16xf32> to vector<16xf32>
      %get3A_204 = arith.index_cast %add3A_168 : i32 to index
      %get3A_205 = arith.constant 32 : index
      %get3A_206 = tpu.vector_load %arg11[%get3A_204, %get3A_205] {strides = array<i32>} : memref<160x128xf32, #tpu.memory_space<vmem>>, vector<1x16xf32>,
      %get3A_207 = vector.shape_cast %get3A_206 : vector<1x16xf32> to vector<16xf32>
      %add3A_208 = arith.addf %get3A_203, %get3A_207 : vector<16xf32>
      %max3A_209 = arith.constant 0.000000e+00 : f32
      %max3A_210 = vector.broadcast %max3A_209 : f32 to vector<16xf32>
      %max3A_211 = arith.maximumf %add3A_208, %max3A_210 : vector<16xf32>
      %swap3A_212 = arith.index_cast %add3A_168 : i32 to index
      %swap3A_213 = arith.constant 32 : index
      %swap3A_214 = tpu.vector_load %arg10[%swap3A_212, %swap3A_213] {strides = array<i32>} : memref<160x128xf32, #tpu.memory_space<vmem>>, vector<1x16xf32>,
      %swap3A_215 = vector.shape_cast %swap3A_214 : vector<1x16xf32> to vector<16xf32>
      %swap3A_216 = vector.shape_cast %max3A_211 : vector<16xf32> to vector<1x16xf32>
      tpu.vector_store %arg10[%swap3A_212, %swap3A_213], %swap3A_216 {strides = array<i32>} : memref<160x128xf32, #tpu.memory_space<vmem>>, vector<1x16xf32>,
      %get3A_217 = arith.index_cast %add3A_168 : i32 to index
      %get3A_218 = arith.constant 48 : index
      %get3A_219 = tpu.vector_load %arg10[%get3A_217, %get3A_218] {strides = array<i32>} : memref<160x128xf32, #tpu.memory_space<vmem>>, vector<1x16xf32>,
      %get3A_220 = vector.shape_cast %get3A_219 : vector<1x16xf32> to vector<16xf32>
      %get3A_221 = arith.index_cast %add3A_168 : i32 to index
      %get3A_222 = arith.constant 48 : index
      %get3A_223 = tpu.vector_load %arg11[%get3A_221, %get3A_222] {strides = array<i32>} : memref<160x128xf32, #tpu.memory_space<vmem>>, vector<1x16xf32>,
      %get3A_224 = vector.shape_cast %get3A_223 : vector<1x16xf32> to vector<16xf32>
      %add3A_225 = arith.addf %get3A_220, %get3A_224 : vector<16xf32>
      %max3A_226 = arith.constant 0.000000e+00 : f32
      %max3A_227 = vector.broadcast %max3A_226 : f32 to vector<16xf32>
      %max3A_228 = arith.maximumf %add3A_225, %max3A_227 : vector<16xf32>
      %swap3A_229 = arith.index_cast %add3A_168 : i32 to index
      %swap3A_230 = arith.constant 48 : index
      %swap3A_231 = tpu.vector_load %arg10[%swap3A_229, %swap3A_230] {strides = array<i32>} : memref<160x128xf32, #tpu.memory_space<vmem>>, vector<1x16xf32>,
      %swap3A_232 = vector.shape_cast %swap3A_231 : vector<1x16xf32> to vector<16xf32>
      %swap3A_233 = vector.shape_cast %max3A_228 : vector<16xf32> to vector<1x16xf32>
      tpu.vector_store %arg10[%swap3A_229, %swap3A_230], %swap3A_233 {strides = array<i32>} : memref<160x128xf32, #tpu.memory_space<vmem>>, vector<1x16xf32>,
      %get3A_234 = arith.index_cast %add3A_168 : i32 to index
      %get3A_235 = arith.constant 64 : index
      %get3A_236 = tpu.vector_load %arg10[%get3A_234, %get3A_235] {strides = array<i32>} : memref<160x128xf32, #tpu.memory_space<vmem>>, vector<1x16xf32>,
      %get3A_237 = vector.shape_cast %get3A_236 : vector<1x16xf32> to vector<16xf32>
      %get3A_238 = arith.index_cast %add3A_168 : i32 to index
      %get3A_239 = arith.constant 64 : index
      %get3A_240 = tpu.vector_load %arg11[%get3A_238, %get3A_239] {strides = array<i32>} : memref<160x128xf32, #tpu.memory_space<vmem>>, vector<1x16xf32>,
      %get3A_241 = vector.shape_cast %get3A_240 : vector<1x16xf32> to vector<16xf32>
      %add3A_242 = arith.addf %get3A_237, %get3A_241 : vector<16xf32>
      %max3A_243 = arith.constant 0.000000e+00 : f32
      %max3A_244 = vector.broadcast %max3A_243 : f32 to vector<16xf32>
      %max3A_245 = arith.maximumf %add3A_242, %max3A_244 : vector<16xf32>
      %swap3A_246 = arith.index_cast %add3A_168 : i32 to index
      %swap3A_247 = arith.constant 64 : index
      %swap3A_248 = tpu.vector_load %arg10[%swap3A_246, %swap3A_247] {strides = array<i32>} : memref<160x128xf32, #tpu.memory_space<vmem>>, vector<1x16xf32>,
      %swap3A_249 = vector.shape_cast %swap3A_248 : vector<1x16xf32> to vector<16xf32>
      %swap3A_250 = vector.shape_cast %max3A_245 : vector<16xf32> to vector<1x16xf32>
      tpu.vector_store %arg10[%swap3A_246, %swap3A_247], %swap3A_250 {strides = array<i32>} : memref<160x128xf32, #tpu.memory_space<vmem>>, vector<1x16xf32>,
      %get3A_251 = arith.index_cast %add3A_168 : i32 to index
      %get3A_252 = arith.constant 80 : index
      %get3A_253 = tpu.vector_load %arg10[%get3A_251, %get3A_252] {strides = array<i32>} : memref<160x128xf32, #tpu.memory_space<vmem>>, vector<1x16xf32>,
      %get3A_254 = vector.shape_cast %get3A_253 : vector<1x16xf32> to vector<16xf32>
      %get3A_255 = arith.index_cast %add3A_168 : i32 to index
      %get3A_256 = arith.constant 80 : index
      %get3A_257 = tpu.vector_load %arg11[%get3A_255, %get3A_256] {strides = array<i32>} : memref<160x128xf32, #tpu.memory_space<vmem>>, vector<1x16xf32>,
      %get3A_258 = vector.shape_cast %get3A_257 : vector<1x16xf32> to vector<16xf32>
      %add3A_259 = arith.addf %get3A_254, %get3A_258 : vector<16xf32>
      %max3A_260 = arith.constant 0.000000e+00 : f32
      %max3A_261 = vector.broadcast %max3A_260 : f32 to vector<16xf32>
      %max3A_262 = arith.maximumf %add3A_259, %max3A_261 : vector<16xf32>
      %swap3A_263 = arith.index_cast %add3A_168 : i32 to index
      %swap3A_264 = arith.constant 80 : index
      %swap3A_265 = tpu.vector_load %arg10[%swap3A_263, %swap3A_264] {strides = array<i32>} : memref<160x128xf32, #tpu.memory_space<vmem>>, vector<1x16xf32>,
      %swap3A_266 = vector.shape_cast %swap3A_265 : vector<1x16xf32> to vector<16xf32>
      %swap3A_267 = vector.shape_cast %max3A_262 : vector<16xf32> to vector<1x16xf32>
      tpu.vector_store %arg10[%swap3A_263, %swap3A_264], %swap3A_267 {strides = array<i32>} : memref<160x128xf32, #tpu.memory_space<vmem>>, vector<1x16xf32>,
      %get3A_268 = arith.index_cast %add3A_168 : i32 to index
      %get3A_269 = arith.constant 96 : index
      %get3A_270 = tpu.vector_load %arg10[%get3A_268, %get3A_269] {strides = array<i32>} : memref<160x128xf32, #tpu.memory_space<vmem>>, vector<1x16xf32>,
      %get3A_271 = vector.shape_cast %get3A_270 : vector<1x16xf32> to vector<16xf32>
      %get3A_272 = arith.index_cast %add3A_168 : i32 to index
      %get3A_273 = arith.constant 96 : index
      %get3A_274 = tpu.vector_load %arg11[%get3A_272, %get3A_273] {strides = array<i32>} : memref<160x128xf32, #tpu.memory_space<vmem>>, vector<1x16xf32>,
      %get3A_275 = vector.shape_cast %get3A_274 : vector<1x16xf32> to vector<16xf32>
      %add3A_276 = arith.addf %get3A_271, %get3A_275 : vector<16xf32>
      %max3A_277 = arith.constant 0.000000e+00 : f32
      %max3A_278 = vector.broadcast %max3A_277 : f32 to vector<16xf32>
      %max3A_279 = arith.maximumf %add3A_276, %max3A_278 : vector<16xf32>
      %swap3A_280 = arith.index_cast %add3A_168 : i32 to index
      %swap3A_281 = arith.constant 96 : index
      %swap3A_282 = tpu.vector_load %arg10[%swap3A_280, %swap3A_281] {strides = array<i32>} : memref<160x128xf32, #tpu.memory_space<vmem>>, vector<1x16xf32>,
      %swap3A_283 = vector.shape_cast %swap3A_282 : vector<1x16xf32> to vector<16xf32>
      %swap3A_284 = vector.shape_cast %max3A_279 : vector<16xf32> to vector<1x16xf32>
      tpu.vector_store %arg10[%swap3A_280, %swap3A_281], %swap3A_284 {strides = array<i32>} : memref<160x128xf32, #tpu.memory_space<vmem>>, vector<1x16xf32>,
      %get3A_285 = arith.index_cast %add3A_168 : i32 to index
      %get3A_286 = arith.constant 112 : index
      %get3A_287 = tpu.vector_load %arg10[%get3A_285, %get3A_286] {strides = array<i32>} : memref<160x128xf32, #tpu.memory_space<vmem>>, vector<1x16xf32>,
      %get3A_288 = vector.shape_cast %get3A_287 : vector<1x16xf32> to vector<16xf32>
      %get3A_289 = arith.index_cast %add3A_168 : i32 to index
      %get3A_290 = arith.constant 112 : index
      %get3A_291 = tpu.vector_load %arg11[%get3A_289, %get3A_290] {strides = array<i32>} : memref<160x128xf32, #tpu.memory_space<vmem>>, vector<1x16xf32>,
      %get3A_292 = vector.shape_cast %get3A_291 : vector<1x16xf32> to vector<16xf32>
      %add3A_293 = arith.addf %get3A_288, %get3A_292 : vector<16xf32>
      %max3A_294 = arith.constant 0.000000e+00 : f32
      %max3A_295 = vector.broadcast %max3A_294 : f32 to vector<16xf32>
      %max3A_296 = arith.maximumf %add3A_293, %max3A_295 : vector<16xf32>
      %swap3A_297 = arith.index_cast %add3A_168 : i32 to index
      %swap3A_298 = arith.constant 112 : index
      %swap3A_299 = tpu.vector_load %arg10[%swap3A_297, %swap3A_298] {strides = array<i32>} : memref<160x128xf32, #tpu.memory_space<vmem>>, vector<1x16xf32>,
      %swap3A_300 = vector.shape_cast %swap3A_299 : vector<1x16xf32> to vector<16xf32>
      %swap3A_301 = vector.shape_cast %max3A_296 : vector<16xf32> to vector<1x16xf32>
      tpu.vector_store %arg10[%swap3A_297, %swap3A_298], %swap3A_301 {strides = array<i32>} : memref<160x128xf32, #tpu.memory_space<vmem>>, vector<1x16xf32>,
    }
    %scan3A_143 = arith.constant 80 : i32
    %dma_wait3A_144 = arith.constant 0 : i32
    %dma_wait3A_145 = arith.constant 0 : i32
    %dma_wait3A_146 = arith.constant 0 : i32
    %dma_wait3A_147 = arith.constant 0 : i32
    %dma_wait3A_148 = tpu.memref_slice %arg9[%dma_wait3A_145, %dma_wait3A_146, %dma_wait3A_147] : memref<2x1x80xi32, #tpu.memory_space<vmem>> -> memref<1x1x80xi32, #tpu.memory_space<vmem>>
    %dma_wait3A_149 = tpu.memref_squeeze %dma_wait3A_148 : memref<1x1x80xi32, #tpu.memory_space<vmem>> -> memref<1x80xi32, #tpu.memory_space<vmem>>
    %dma_wait3A_150 = arith.constant 0 : i32
    %dma_wait3A_151 = arith.constant 0 : i32
    %dma_wait3A_152 = tpu.memref_slice %arg5[%add3A, %dma_wait3A_144, %dma_wait3A_150, %dma_wait3A_151] : memref<32x125x1x80xi32, #tpu.memory_space<hbm>> -> memref<1x1x1x80xi32, #tpu.memory_space<hbm>>
    %dma_wait3A_153 = tpu.memref_squeeze %dma_wait3A_152 : memref<1x1x1x80xi32, #tpu.memory_space<hbm>> -> memref<1x80xi32, #tpu.memory_space<hbm>>
    %dma_wait3A_154 = arith.constant 0 : i32
    %dma_wait3A_155 = arith.constant 0 : i32
    %dma_wait3A_156 = tpu.memref_slice %arg9[%dma_wait3A_145, %dma_wait3A_154, %dma_wait3A_155] : memref<2x1x80xi32, #tpu.memory_space<vmem>> -> memref<1x1x80xi32, #tpu.memory_space<vmem>>
    %dma_wait3A_157 = tpu.memref_squeeze %dma_wait3A_156 : memref<1x1x80xi32, #tpu.memory_space<vmem>> -> memref<1x80xi32, #tpu.memory_space<vmem>>
    %dma_wait3A_158 = arith.constant 0 : i32
    %dma_wait3A_159 = arith.constant 0 : i32
    %dma_wait3A_160 = tpu.memref_slice %arg5[%add3A, %dma_wait3A_144, %dma_wait3A_158, %dma_wait3A_159] : memref<32x125x1x80xi32, #tpu.memory_space<hbm>> -> memref<1x1x1x80xi32, #tpu.memory_space<hbm>>
    %dma_wait3A_161 = tpu.memref_squeeze %dma_wait3A_160 : memref<1x1x1x80xi32, #tpu.memory_space<hbm>> -> memref<1x80xi32, #tpu.memory_space<hbm>>
    tpu.wait_dma2 semaphore(%arg18 : memref<!tpu.dma_semaphore, #tpu.memory_space<semaphore_mem>>) src(%dma_wait3A_161 : memref<1x80xi32, #tpu.memory_space<hbm>>) dst(%dma_wait3A_157 : memref<1x80xi32, #tpu.memory_space<vmem>>)
    %run_scoped3A = arith.constant 0 : i32
    %run_scoped3A_162 = arith.constant 0 : i32
    "tpu.region"() ({
      %run_scoped3A_166 = tpu.sem_alloc : memref<!tpu.dma_semaphore, #tpu.memory_space<semaphore_mem>>
      %dma_start3A_167 = arith.constant 0 : i32
      %dma_start3A_168 = arith.constant 0 : i32
      %dma_start3A_169 = tpu.memref_slice %arg10[%dma_start3A_167, %dma_start3A_168] : memref<160x128xf32, #tpu.memory_space<vmem>> -> memref<80x128xf32, #tpu.memory_space<vmem>>
      %dma_start3A_170 = arith.constant 0 : i32
      %dma_start3A_171 = tpu.memref_slice %arg9[%run_scoped3A, %run_scoped3A_162, %dma_start3A_170] : memref<2x1x80xi32, #tpu.memory_space<vmem>> -> memref<1x1x80xi32, #tpu.memory_space<vmem>>
      %dma_start3A_172 = tpu.memref_squeeze %dma_start3A_171 : memref<1x1x80xi32, #tpu.memory_space<vmem>> -> memref<80xi32, #tpu.memory_space<vmem>>
      %dma_start3A_173 = arith.constant 0 : i32
      %dma_start3A_174 = arith.constant 0 : i32
      %dma_start3A_175 = tpu.memref_slice %arg7[%dma_start3A_173, %dma_start3A_174] : memref<10000x128xf32, #tpu.memory_space<vmem_shared>> -> memref<10000x128xf32, #tpu.memory_space<vmem_shared>>
      tpu.enqueue_indirect_dma source(%dma_start3A_169 : memref<80x128xf32, #tpu.memory_space<vmem>>) target(%dma_start3A_175 : memref<10000x128xf32, #tpu.memory_space<vmem_shared>>) offsets(%dma_start3A_172 : memref<80xi32, #tpu.memory_space<vmem>>) semaphore(%run_scoped3A_166 : memref<!tpu.dma_semaphore, #tpu.memory_space<semaphore_mem>>) {add = true}
      %dma_wait3A_176 = arith.constant 0 : i32
      %dma_wait3A_177 = arith.constant 0 : i32
      %dma_wait3A_178 = tpu.memref_slice %arg10[%dma_wait3A_176, %dma_wait3A_177] : memref<160x128xf32, #tpu.memory_space<vmem>> -> memref<80x128xf32, #tpu.memory_space<vmem>>
      %dma_wait3A_179 = arith.constant 0 : i32
      %dma_wait3A_180 = tpu.memref_slice %arg9[%run_scoped3A, %run_scoped3A_162, %dma_wait3A_179] : memref<2x1x80xi32, #tpu.memory_space<vmem>> -> memref<1x1x80xi32, #tpu.memory_space<vmem>>
      %dma_wait3A_181 = tpu.memref_squeeze %dma_wait3A_180 : memref<1x1x80xi32, #tpu.memory_space<vmem>> -> memref<80xi32, #tpu.memory_space<vmem>>
      %dma_wait3A_182 = arith.constant 0 : i32
      %dma_wait3A_183 = arith.constant 0 : i32
      %dma_wait3A_184 = tpu.memref_slice %arg7[%dma_wait3A_182, %dma_wait3A_183] : memref<10000x128xf32, #tpu.memory_space<vmem_shared>> -> memref<10000x128xf32, #tpu.memory_space<vmem_shared>>
      tpu.wait_indirect_dma semaphore(%run_scoped3A_166 : memref<!tpu.dma_semaphore, #tpu.memory_space<semaphore_mem>>) src(%dma_wait3A_178 : memref<80x128xf32, #tpu.memory_space<vmem>>) dst(%dma_wait3A_184 : memref<10000x128xf32, #tpu.memory_space<vmem_shared>>)
      tpu.yield
    }) : () -> ()
    %barrier3A_163 = arith.constant 0 : index
    tpu.barrier barrier_id(%barrier3A_163)
    %mul3A_164 = arith.constant 625 : i32
    %mul3A_165 = arith.muli %arg1, %mul3A_164 : i32
    "tpu.region"() ({
      %run_scoped3A_166 = tpu.sem_alloc : memref<!tpu.dma_semaphore, #tpu.memory_space<semaphore_mem>>
      %dma_start3A_167 = arith.constant 0 : i32
      %dma_start3A_168 = arith.constant 0 : i32
      %dma_start3A_169 = tpu.memref_slice %arg6[%arg0, %arg1, %dma_start3A_167, %dma_start3A_168] : memref<2x16x625x128xf32, #tpu.memory_space<hbm>> -> memref<1x1x625x128xf32, #tpu.memory_space<hbm>>
      %dma_start3A_170 = tpu.memref_squeeze %dma_start3A_169 : memref<1x1x625x128xf32, #tpu.memory_space<hbm>> -> memref<625x128xf32, #tpu.memory_space<hbm>>
      %dma_start3A_171 = arith.constant 0 : i32
      %dma_start3A_172 = tpu.memref_slice %arg7[%mul3A_165, %dma_start3A_171] : memref<10000x128xf32, #tpu.memory_space<vmem_shared>> -> memref<625x128xf32, #tpu.memory_space<vmem_shared>>
      tpu.enqueue_dma source(%dma_start3A_172 : memref<625x128xf32, #tpu.memory_space<vmem_shared>>) target(%dma_start3A_170 : memref<625x128xf32, #tpu.memory_space<hbm>>) target_semaphore(%run_scoped3A_166 : memref<!tpu.dma_semaphore, #tpu.memory_space<semaphore_mem>>)
      %dma_wait3A_173 = arith.constant 0 : i32
      %dma_wait3A_174 = arith.constant 0 : i32
      %dma_wait3A_175 = tpu.memref_slice %arg6[%arg0, %arg1, %dma_wait3A_173, %dma_wait3A_174] : memref<2x16x625x128xf32, #tpu.memory_space<hbm>> -> memref<1x1x625x128xf32, #tpu.memory_space<hbm>>
      %dma_wait3A_176 = tpu.memref_squeeze %dma_wait3A_175 : memref<1x1x625x128xf32, #tpu.memory_space<hbm>> -> memref<625x128xf32, #tpu.memory_space<hbm>>
      %dma_wait3A_177 = arith.constant 0 : i32
      %dma_wait3A_178 = tpu.memref_slice %arg7[%mul3A_165, %dma_wait3A_177] : memref<10000x128xf32, #tpu.memory_space<vmem_shared>> -> memref<625x128xf32, #tpu.memory_space<vmem_shared>>
      tpu.wait_dma2 semaphore(%run_scoped3A_166 : memref<!tpu.dma_semaphore, #tpu.memory_space<semaphore_mem>>) src(%dma_wait3A_178 : memref<625x128xf32, #tpu.memory_space<vmem_shared>>) dst(%dma_wait3A_176 : memref<625x128xf32, #tpu.memory_space<hbm>>)
      tpu.yield
    }) : () -> ()
    return
  }
}

module attributes {stable_mosaic.version = 14 : i64} {
  func.func @_edge_proj_body(%arg0: i32, %arg1: memref<2560x16xf32, #tpu.memory_space<vmem>>, %arg2: memref<1x16x128xf32, #tpu.memory_space<vmem>>, %arg3: memref<1x1x128xf32, #tpu.memory_space<vmem>>, %arg4: memref<2560x128xf32, #tpu.memory_space<vmem>>) attributes {dimension_semantics = [#tpu.dimension_semantics<arbitrary>], iteration_bounds = array<i64: 125>, scalar_prefetch = 0 : i64, scratch_operands = 0 : i64, tpu.core_type = #tpu.core_type<tc>, window_params = [{transform_indices = @transform_0, window_bounds = array<i64: 2560, 16>}, {transform_indices = @transform_1, window_bounds = array<i64: 1, 16, 128>}, {transform_indices = @transform_2, window_bounds = array<i64: 1, 1, 128>}, {transform_indices = @transform_3, window_bounds = array<i64: 2560, 128>}]} {
    %get3A = arith.constant 0 : index
    %get3A_0 = arith.constant 0 : index
    %get3A_1 = vector.load %arg1[%get3A, %get3A_0] : memref<2560x16xf32, #tpu.memory_space<vmem>>, vector<2560x16xf32>
    %get3A_2 = arith.constant 0 : index
    %get3A_3 = arith.constant 0 : index
    %get3A_4 = arith.constant 0 : index
    %get3A_5 = vector.load %arg2[%get3A_2, %get3A_3, %get3A_4] : memref<1x16x128xf32, #tpu.memory_space<vmem>>, vector<1x16x128xf32>
    %get3A_6 = vector.shape_cast %get3A_5 : vector<1x16x128xf32> to vector<16x128xf32>
    %dot_general3A = arith.constant dense<0.000000e+00> : vector<2560x128xf32>
    %dot_general3A_7 = tpu.matmul %get3A_1, %get3A_6, %dot_general3A {dimension_numbers = #tpu.dot_dimension_numbers<[1], [0], [0], [1], [0, 0, 1, 1], [], []>, transpose_lhs_hint = false} : vector<2560x16xf32>, vector<16x128xf32>, vector<2560x128xf32> -> vector<2560x128xf32>
    %get3A_8 = arith.constant 0 : index
    %get3A_9 = arith.constant 0 : index
    %get3A_10 = arith.constant 0 : index
    %get3A_11 = vector.load %arg3[%get3A_8, %get3A_9, %get3A_10] : memref<1x1x128xf32, #tpu.memory_space<vmem>>, vector<1x1x128xf32>
    %get3A_12 = vector.shape_cast %get3A_11 : vector<1x1x128xf32> to vector<1x128xf32>
    %add3A = vector.broadcast %get3A_12 : vector<1x128xf32> to vector<2560x128xf32>
    %add3A_13 = arith.addf %dot_general3A_7, %add3A : vector<2560x128xf32>
    %swap3A = arith.constant 0 : index
    %swap3A_14 = arith.constant 0 : index
    %swap3A_15 = vector.load %arg4[%swap3A, %swap3A_14] : memref<2560x128xf32, #tpu.memory_space<vmem>>, vector<2560x128xf32>
    tpu.vector_store %arg4[%swap3A, %swap3A_14], %add3A_13 {strides = array<i32>} : memref<2560x128xf32, #tpu.memory_space<vmem>>, vector<2560x128xf32>,
    return
  }
  func.func @transform_0(%arg0: i32) -> (i32, i32) {
    %c0_i32 = arith.constant 0 : i32
    %c0_i32_0 = arith.constant 0 : i32
    return %arg0, %c0_i32 : i32, i32
  }
  func.func @transform_1(%arg0: i32) -> (i32, i32, i32) {
    %c0_i32 = arith.constant 0 : i32
    %c0_i32_0 = arith.constant 0 : i32
    %c0_i32_1 = arith.constant 0 : i32
    %c0_i32_2 = arith.constant 0 : i32
    return %c0_i32, %c0_i32_0, %c0_i32_1 : i32, i32, i32
  }
  func.func @transform_2(%arg0: i32) -> (i32, i32, i32) {
    %c0_i32 = arith.constant 0 : i32
    %c0_i32_0 = arith.constant 0 : i32
    %c0_i32_1 = arith.constant 0 : i32
    %c0_i32_2 = arith.constant 0 : i32
    return %c0_i32, %c0_i32_0, %c0_i32_1 : i32, i32, i32
  }
  func.func @transform_3(%arg0: i32) -> (i32, i32) {
    %c0_i32 = arith.constant 0 : i32
    %c0_i32_0 = arith.constant 0 : i32
    return %arg0, %c0_i32 : i32, i32
  }
}

module attributes {stable_mosaic.version = 14 : i64} {
  func.func @_node_proj_body(%arg0: i32, %arg1: memref<1000x128xf32, #tpu.memory_space<vmem>>, %arg2: memref<128x128xf32, #tpu.memory_space<vmem>>, %arg3: memref<1x128xf32, #tpu.memory_space<vmem>>, %arg4: memref<1000x128xf32, #tpu.memory_space<vmem>>) attributes {dimension_semantics = [#tpu.dimension_semantics<arbitrary>], iteration_bounds = array<i64: 10>, scalar_prefetch = 0 : i64, scratch_operands = 0 : i64, tpu.core_type = #tpu.core_type<tc>, window_params = [{transform_indices = @transform_0, window_bounds = array<i64: 1000, 128>}, {pipeline_mode = #tpu.pipeline_mode<synchronous>, transform_indices = @transform_1, window_bounds = array<i64: 128, 128>}, {pipeline_mode = #tpu.pipeline_mode<synchronous>, transform_indices = @transform_2, window_bounds = array<i64: 1, 128>}, {transform_indices = @transform_3, window_bounds = array<i64: 1000, 128>}]} {
    %get3A = arith.constant 0 : index
    %get3A_0 = arith.constant 0 : index
    %get3A_1 = vector.load %arg1[%get3A, %get3A_0] : memref<1000x128xf32, #tpu.memory_space<vmem>>, vector<1000x128xf32>
    %get3A_2 = arith.constant 0 : index
    %get3A_3 = arith.constant 0 : index
    %get3A_4 = vector.load %arg2[%get3A_2, %get3A_3] : memref<128x128xf32, #tpu.memory_space<vmem>>, vector<128x128xf32>
    %dot_general3A = arith.constant dense<0.000000e+00> : vector<1000x128xf32>
    %dot_general3A_5 = tpu.matmul %get3A_1, %get3A_4, %dot_general3A {dimension_numbers = #tpu.dot_dimension_numbers<[1], [0], [0], [1], [0, 0, 1, 1], [], []>, transpose_lhs_hint = false} : vector<1000x128xf32>, vector<128x128xf32>, vector<1000x128xf32> -> vector<1000x128xf32>
    %get3A_6 = arith.constant 0 : index
    %get3A_7 = arith.constant 0 : index
    %get3A_8 = vector.load %arg3[%get3A_6, %get3A_7] : memref<1x128xf32, #tpu.memory_space<vmem>>, vector<1x128xf32>
    %add3A = vector.broadcast %get3A_8 : vector<1x128xf32> to vector<1000x128xf32>
    %add3A_9 = arith.addf %dot_general3A_5, %add3A : vector<1000x128xf32>
    %swap3A = arith.constant 0 : index
    %swap3A_10 = arith.constant 0 : index
    %swap3A_11 = vector.load %arg4[%swap3A, %swap3A_10] : memref<1000x128xf32, #tpu.memory_space<vmem>>, vector<1000x128xf32>
    tpu.vector_store %arg4[%swap3A, %swap3A_10], %add3A_9 {strides = array<i32>} : memref<1000x128xf32, #tpu.memory_space<vmem>>, vector<1000x128xf32>,
    return
  }
  func.func @transform_0(%arg0: i32) -> (i32, i32) {
    %c0_i32 = arith.constant 0 : i32
    %c0_i32_0 = arith.constant 0 : i32
    return %arg0, %c0_i32 : i32, i32
  }
  func.func @transform_1(%arg0: i32) -> (i32, i32) {
    %c0_i32 = arith.constant 0 : i32
    %c0_i32_0 = arith.constant 0 : i32
    %c0_i32_1 = arith.constant 0 : i32
    return %c0_i32, %c0_i32_0 : i32, i32
  }
  func.func @transform_2(%arg0: i32) -> (i32, i32) {
    %c0_i32 = arith.constant 0 : i32
    %c0_i32_0 = arith.constant 0 : i32
    %c0_i32_1 = arith.constant 0 : i32
    return %c0_i32, %c0_i32_0 : i32, i32
  }
  func.func @transform_3(%arg0: i32) -> (i32, i32) {
    %c0_i32 = arith.constant 0 : i32
    %c0_i32_0 = arith.constant 0 : i32
    return %arg0, %c0_i32 : i32, i32
  }
}

module attributes {stable_mosaic.version = 14 : i64} {
  func.func @_edge_proj_body(%arg0: i32, %arg1: memref<2560x16xf32, #tpu.memory_space<vmem>>, %arg2: memref<1x16x128xf32, #tpu.memory_space<vmem>>, %arg3: memref<1x1x128xf32, #tpu.memory_space<vmem>>, %arg4: memref<2560x128xf32, #tpu.memory_space<vmem>>) attributes {dimension_semantics = [#tpu.dimension_semantics<arbitrary>], iteration_bounds = array<i64: 125>, scalar_prefetch = 0 : i64, scratch_operands = 0 : i64, tpu.core_type = #tpu.core_type<tc>, window_params = [{transform_indices = @transform_0, window_bounds = array<i64: 2560, 16>}, {transform_indices = @transform_1, window_bounds = array<i64: 1, 16, 128>}, {transform_indices = @transform_2, window_bounds = array<i64: 1, 1, 128>}, {transform_indices = @transform_3, window_bounds = array<i64: 2560, 128>}]} {
    %get3A = arith.constant 0 : index
    %get3A_0 = arith.constant 0 : index
    %get3A_1 = vector.load %arg1[%get3A, %get3A_0] : memref<2560x16xf32, #tpu.memory_space<vmem>>, vector<2560x16xf32>
    %get3A_2 = arith.constant 0 : index
    %get3A_3 = arith.constant 0 : index
    %get3A_4 = arith.constant 0 : index
    %get3A_5 = vector.load %arg2[%get3A_2, %get3A_3, %get3A_4] : memref<1x16x128xf32, #tpu.memory_space<vmem>>, vector<1x16x128xf32>
    %get3A_6 = vector.shape_cast %get3A_5 : vector<1x16x128xf32> to vector<16x128xf32>
    %dot_general3A = arith.constant dense<0.000000e+00> : vector<2560x128xf32>
    %dot_general3A_7 = tpu.matmul %get3A_1, %get3A_6, %dot_general3A {dimension_numbers = #tpu.dot_dimension_numbers<[1], [0], [0], [1], [0, 0, 1, 1], [], []>, transpose_lhs_hint = false} : vector<2560x16xf32>, vector<16x128xf32>, vector<2560x128xf32> -> vector<2560x128xf32>
    %get3A_8 = arith.constant 0 : index
    %get3A_9 = arith.constant 0 : index
    %get3A_10 = arith.constant 0 : index
    %get3A_11 = vector.load %arg3[%get3A_8, %get3A_9, %get3A_10] : memref<1x1x128xf32, #tpu.memory_space<vmem>>, vector<1x1x128xf32>
    %get3A_12 = vector.shape_cast %get3A_11 : vector<1x1x128xf32> to vector<1x128xf32>
    %add3A = vector.broadcast %get3A_12 : vector<1x128xf32> to vector<2560x128xf32>
    %add3A_13 = arith.addf %dot_general3A_7, %add3A : vector<2560x128xf32>
    %swap3A = arith.constant 0 : index
    %swap3A_14 = arith.constant 0 : index
    %swap3A_15 = vector.load %arg4[%swap3A, %swap3A_14] : memref<2560x128xf32, #tpu.memory_space<vmem>>, vector<2560x128xf32>
    tpu.vector_store %arg4[%swap3A, %swap3A_14], %add3A_13 {strides = array<i32>} : memref<2560x128xf32, #tpu.memory_space<vmem>>, vector<2560x128xf32>,
    return
  }
  func.func @transform_0(%arg0: i32) -> (i32, i32) {
    %c0_i32 = arith.constant 0 : i32
    %c0_i32_0 = arith.constant 0 : i32
    return %arg0, %c0_i32 : i32, i32
  }
  func.func @transform_1(%arg0: i32) -> (i32, i32, i32) {
    %c1_i32 = arith.constant 1 : i32
    %c0_i32 = arith.constant 0 : i32
    %c0_i32_0 = arith.constant 0 : i32
    %c0_i32_1 = arith.constant 0 : i32
    return %c1_i32, %c0_i32, %c0_i32_0 : i32, i32, i32
  }
  func.func @transform_2(%arg0: i32) -> (i32, i32, i32) {
    %c1_i32 = arith.constant 1 : i32
    %c0_i32 = arith.constant 0 : i32
    %c0_i32_0 = arith.constant 0 : i32
    %c0_i32_1 = arith.constant 0 : i32
    return %c1_i32, %c0_i32, %c0_i32_0 : i32, i32, i32
  }
  func.func @transform_3(%arg0: i32) -> (i32, i32) {
    %c0_i32 = arith.constant 0 : i32
    %c0_i32_0 = arith.constant 0 : i32
    return %arg0, %c0_i32 : i32, i32
  }
}

module attributes {stable_mosaic.version = 14 : i64} {
  func.func @_update_body(%arg0: i32, %arg1: memref<1x1xf32, #tpu.memory_space<smem>>, %arg2: memref<1000x128xf32, #tpu.memory_space<vmem>>, %arg3: memref<2x1000x128xf32, #tpu.memory_space<vmem>>, %arg4: memref<128x128xf32, #tpu.memory_space<vmem>>, %arg5: memref<1x128xf32, #tpu.memory_space<vmem>>, %arg6: memref<1000x128xf32, #tpu.memory_space<vmem>>) attributes {dimension_semantics = [#tpu.dimension_semantics<arbitrary>], iteration_bounds = array<i64: 10>, scalar_prefetch = 0 : i64, scratch_operands = 0 : i64, tpu.core_type = #tpu.core_type<tc>, window_params = [{transform_indices = @transform_0, window_bounds = array<i64: 1, 1>}, {transform_indices = @transform_1, window_bounds = array<i64: 1000, 128>}, {transform_indices = @transform_2, window_bounds = array<i64: 2, 1000, 128>}, {pipeline_mode = #tpu.pipeline_mode<synchronous>, transform_indices = @transform_3, window_bounds = array<i64: 128, 128>}, {pipeline_mode = #tpu.pipeline_mode<synchronous>, transform_indices = @transform_4, window_bounds = array<i64: 1, 128>}, {transform_indices = @transform_5, window_bounds = array<i64: 1000, 128>}]} {
    %get3A = arith.constant 0 : index
    %get3A_0 = arith.constant 0 : index
    %get3A_1 = memref.load %arg1[%get3A, %get3A_0] : memref<1x1xf32, #tpu.memory_space<smem>>
    %get3A_2 = arith.constant 0 : index
    %get3A_3 = arith.constant 0 : index
    %get3A_4 = vector.load %arg2[%get3A_2, %get3A_3] : memref<1000x128xf32, #tpu.memory_space<vmem>>, vector<1000x128xf32>
    %mul3A = vector.broadcast %get3A_1 : f32 to vector<1000x128xf32>
    %mul3A_5 = arith.mulf %mul3A, %get3A_4 : vector<1000x128xf32>
    %get3A_6 = arith.constant 0 : index
    %get3A_7 = arith.constant 0 : index
    %get3A_8 = arith.constant 0 : index
    %get3A_9 = vector.load %arg3[%get3A_6, %get3A_7, %get3A_8] : memref<2x1000x128xf32, #tpu.memory_space<vmem>>, vector<1x1000x128xf32>
    %get3A_10 = vector.shape_cast %get3A_9 : vector<1x1000x128xf32> to vector<1000x128xf32>
    %get3A_11 = arith.constant 1 : index
    %get3A_12 = arith.constant 0 : index
    %get3A_13 = arith.constant 0 : index
    %get3A_14 = vector.load %arg3[%get3A_11, %get3A_12, %get3A_13] : memref<2x1000x128xf32, #tpu.memory_space<vmem>>, vector<1x1000x128xf32>
    %get3A_15 = vector.shape_cast %get3A_14 : vector<1x1000x128xf32> to vector<1000x128xf32>
    %add3A = arith.addf %get3A_10, %get3A_15 : vector<1000x128xf32>
    %add3A_16 = arith.addf %mul3A_5, %add3A : vector<1000x128xf32>
    %get3A_17 = arith.constant 0 : index
    %get3A_18 = arith.constant 0 : index
    %get3A_19 = vector.load %arg4[%get3A_17, %get3A_18] : memref<128x128xf32, #tpu.memory_space<vmem>>, vector<128x128xf32>
    %dot_general3A = arith.constant dense<0.000000e+00> : vector<1000x128xf32>
    %dot_general3A_20 = tpu.matmul %add3A_16, %get3A_19, %dot_general3A {dimension_numbers = #tpu.dot_dimension_numbers<[1], [0], [0], [1], [0, 0, 1, 1], [], []>, transpose_lhs_hint = false} : vector<1000x128xf32>, vector<128x128xf32>, vector<1000x128xf32> -> vector<1000x128xf32>
    %get3A_21 = arith.constant 0 : index
    %get3A_22 = arith.constant 0 : index
    %get3A_23 = vector.load %arg5[%get3A_21, %get3A_22] : memref<1x128xf32, #tpu.memory_space<vmem>>, vector<1x128xf32>
    %add3A_24 = vector.broadcast %get3A_23 : vector<1x128xf32> to vector<1000x128xf32>
    %add3A_25 = arith.addf %dot_general3A_20, %add3A_24 : vector<1000x128xf32>
    %max3A = arith.constant 0.000000e+00 : f32
    %max3A_26 = vector.broadcast %max3A : f32 to vector<1000x128xf32>
    %max3A_27 = arith.maximumf %add3A_25, %max3A_26 : vector<1000x128xf32>
    %swap3A = arith.constant 0 : index
    %swap3A_28 = arith.constant 0 : index
    %swap3A_29 = vector.load %arg6[%swap3A, %swap3A_28] : memref<1000x128xf32, #tpu.memory_space<vmem>>, vector<1000x128xf32>
    tpu.vector_store %arg6[%swap3A, %swap3A_28], %max3A_27 {strides = array<i32>} : memref<1000x128xf32, #tpu.memory_space<vmem>>, vector<1000x128xf32>,
    return
  }
  func.func @transform_0(%arg0: i32) -> (i32, i32) {
    %c0_i32 = arith.constant 0 : i32
    %c0_i32_0 = arith.constant 0 : i32
    %c0_i32_1 = arith.constant 0 : i32
    return %c0_i32, %c0_i32_0 : i32, i32
  }
  func.func @transform_1(%arg0: i32) -> (i32, i32) {
    %c0_i32 = arith.constant 0 : i32
    %c0_i32_0 = arith.constant 0 : i32
    return %arg0, %c0_i32 : i32, i32
  }
  func.func @transform_2(%arg0: i32) -> (i32, i32, i32) {
    %c0_i32 = arith.constant 0 : i32
    %c0_i32_0 = arith.constant 0 : i32
    %c0_i32_1 = arith.constant 0 : i32
    return %c0_i32, %arg0, %c0_i32_0 : i32, i32, i32
  }
  func.func @transform_3(%arg0: i32) -> (i32, i32) {
    %c0_i32 = arith.constant 0 : i32
    %c0_i32_0 = arith.constant 0 : i32
    %c0_i32_1 = arith.constant 0 : i32
    return %c0_i32, %c0_i32_0 : i32, i32
  }
  func.func @transform_4(%arg0: i32) -> (i32, i32) {
    %c0_i32 = arith.constant 0 : i32
    %c0_i32_0 = arith.constant 0 : i32
    %c0_i32_1 = arith.constant 0 : i32
    return %c0_i32, %c0_i32_0 : i32, i32
  }
  func.func @transform_5(%arg0: i32) -> (i32, i32) {
    %c0_i32 = arith.constant 0 : i32
    %c0_i32_0 = arith.constant 0 : i32
    return %arg0, %c0_i32 : i32, i32
  }
}

module attributes {stable_mosaic.version = 14 : i64} {
  func.func @_edge_proj_body(%arg0: i32, %arg1: memref<2560x16xf32, #tpu.memory_space<vmem>>, %arg2: memref<1x16x128xf32, #tpu.memory_space<vmem>>, %arg3: memref<1x1x128xf32, #tpu.memory_space<vmem>>, %arg4: memref<2560x128xf32, #tpu.memory_space<vmem>>) attributes {dimension_semantics = [#tpu.dimension_semantics<arbitrary>], iteration_bounds = array<i64: 125>, scalar_prefetch = 0 : i64, scratch_operands = 0 : i64, tpu.core_type = #tpu.core_type<tc>, window_params = [{transform_indices = @transform_0, window_bounds = array<i64: 2560, 16>}, {transform_indices = @transform_1, window_bounds = array<i64: 1, 16, 128>}, {transform_indices = @transform_2, window_bounds = array<i64: 1, 1, 128>}, {transform_indices = @transform_3, window_bounds = array<i64: 2560, 128>}]} {
    %get3A = arith.constant 0 : index
    %get3A_0 = arith.constant 0 : index
    %get3A_1 = vector.load %arg1[%get3A, %get3A_0] : memref<2560x16xf32, #tpu.memory_space<vmem>>, vector<2560x16xf32>
    %get3A_2 = arith.constant 0 : index
    %get3A_3 = arith.constant 0 : index
    %get3A_4 = arith.constant 0 : index
    %get3A_5 = vector.load %arg2[%get3A_2, %get3A_3, %get3A_4] : memref<1x16x128xf32, #tpu.memory_space<vmem>>, vector<1x16x128xf32>
    %get3A_6 = vector.shape_cast %get3A_5 : vector<1x16x128xf32> to vector<16x128xf32>
    %dot_general3A = arith.constant dense<0.000000e+00> : vector<2560x128xf32>
    %dot_general3A_7 = tpu.matmul %get3A_1, %get3A_6, %dot_general3A {dimension_numbers = #tpu.dot_dimension_numbers<[1], [0], [0], [1], [0, 0, 1, 1], [], []>, transpose_lhs_hint = false} : vector<2560x16xf32>, vector<16x128xf32>, vector<2560x128xf32> -> vector<2560x128xf32>
    %get3A_8 = arith.constant 0 : index
    %get3A_9 = arith.constant 0 : index
    %get3A_10 = arith.constant 0 : index
    %get3A_11 = vector.load %arg3[%get3A_8, %get3A_9, %get3A_10] : memref<1x1x128xf32, #tpu.memory_space<vmem>>, vector<1x1x128xf32>
    %get3A_12 = vector.shape_cast %get3A_11 : vector<1x1x128xf32> to vector<1x128xf32>
    %add3A = vector.broadcast %get3A_12 : vector<1x128xf32> to vector<2560x128xf32>
    %add3A_13 = arith.addf %dot_general3A_7, %add3A : vector<2560x128xf32>
    %swap3A = arith.constant 0 : index
    %swap3A_14 = arith.constant 0 : index
    %swap3A_15 = vector.load %arg4[%swap3A, %swap3A_14] : memref<2560x128xf32, #tpu.memory_space<vmem>>, vector<2560x128xf32>
    tpu.vector_store %arg4[%swap3A, %swap3A_14], %add3A_13 {strides = array<i32>} : memref<2560x128xf32, #tpu.memory_space<vmem>>, vector<2560x128xf32>,
    return
  }
  func.func @transform_0(%arg0: i32) -> (i32, i32) {
    %c0_i32 = arith.constant 0 : i32
    %c0_i32_0 = arith.constant 0 : i32
    return %arg0, %c0_i32 : i32, i32
  }
  func.func @transform_1(%arg0: i32) -> (i32, i32, i32) {
    %c2_i32 = arith.constant 2 : i32
    %c0_i32 = arith.constant 0 : i32
    %c0_i32_0 = arith.constant 0 : i32
    %c0_i32_1 = arith.constant 0 : i32
    return %c2_i32, %c0_i32, %c0_i32_0 : i32, i32, i32
  }
  func.func @transform_2(%arg0: i32) -> (i32, i32, i32) {
    %c2_i32 = arith.constant 2 : i32
    %c0_i32 = arith.constant 0 : i32
    %c0_i32_0 = arith.constant 0 : i32
    %c0_i32_1 = arith.constant 0 : i32
    return %c2_i32, %c0_i32, %c0_i32_0 : i32, i32, i32
  }
  func.func @transform_3(%arg0: i32) -> (i32, i32) {
    %c0_i32 = arith.constant 0 : i32
    %c0_i32_0 = arith.constant 0 : i32
    return %arg0, %c0_i32 : i32, i32
  }
}

module attributes {stable_mosaic.version = 14 : i64} {
  func.func @_final_body(%arg0: i32, %arg1: memref<400x128xf32, #tpu.memory_space<vmem>>, %arg2: memref<128x256xf32, #tpu.memory_space<vmem>>, %arg3: memref<1x256xf32, #tpu.memory_space<vmem>>, %arg4: memref<256x128xf32, #tpu.memory_space<vmem>>, %arg5: memref<1x128xf32, #tpu.memory_space<vmem>>, %arg6: memref<128x128xf32, #tpu.memory_space<vmem>>, %arg7: memref<128x128xf32, #tpu.memory_space<vmem>>, %arg8: memref<128x128xf32, #tpu.memory_space<vmem>>, %arg9: memref<128x128xf32, #tpu.memory_space<vmem>>, %arg10: memref<8x128xf32, #tpu.memory_space<vmem>>) attributes {dimension_semantics = [#tpu.dimension_semantics<arbitrary>], iteration_bounds = array<i64: 25>, scalar_prefetch = 0 : i64, scratch_operands = 0 : i64, tpu.core_type = #tpu.core_type<tc>, window_params = [{transform_indices = @transform_0, window_bounds = array<i64: 400, 128>}, {pipeline_mode = #tpu.pipeline_mode<synchronous>, transform_indices = @transform_1, window_bounds = array<i64: 128, 256>}, {pipeline_mode = #tpu.pipeline_mode<synchronous>, transform_indices = @transform_2, window_bounds = array<i64: 1, 256>}, {pipeline_mode = #tpu.pipeline_mode<synchronous>, transform_indices = @transform_3, window_bounds = array<i64: 256, 128>}, {pipeline_mode = #tpu.pipeline_mode<synchronous>, transform_indices = @transform_4, window_bounds = array<i64: 1, 128>}, {pipeline_mode = #tpu.pipeline_mode<synchronous>, transform_indices = @transform_5, window_bounds = array<i64: 128, 128>}, {pipeline_mode = #tpu.pipeline_mode<synchronous>, transform_indices = @transform_6, window_bounds = array<i64: 128, 128>}, {pipeline_mode = #tpu.pipeline_mode<synchronous>, transform_indices = @transform_7, window_bounds = array<i64: 128, 128>}, {pipeline_mode = #tpu.pipeline_mode<synchronous>, transform_indices = @transform_8, window_bounds = array<i64: 128, 128>}, {transform_indices = @transform_9, window_bounds = array<i64: 8, 128>}]} {
    %get3A = arith.constant 0 : index
    %get3A_0 = arith.constant 0 : index
    %get3A_1 = vector.load %arg1[%get3A, %get3A_0] : memref<400x128xf32, #tpu.memory_space<vmem>>, vector<400x128xf32>
    %get3A_2 = arith.constant 0 : index
    %get3A_3 = arith.constant 0 : index
    %get3A_4 = vector.load %arg2[%get3A_2, %get3A_3] : memref<128x256xf32, #tpu.memory_space<vmem>>, vector<128x256xf32>
    %dot_general3A = arith.constant dense<0.000000e+00> : vector<400x256xf32>
    %dot_general3A_5 = tpu.matmul %get3A_1, %get3A_4, %dot_general3A {dimension_numbers = #tpu.dot_dimension_numbers<[1], [0], [0], [1], [0, 0, 1, 1], [], []>, transpose_lhs_hint = false} : vector<400x128xf32>, vector<128x256xf32>, vector<400x256xf32> -> vector<400x256xf32>
    %get3A_6 = arith.constant 0 : index
    %get3A_7 = arith.constant 0 : index
    %get3A_8 = vector.load %arg3[%get3A_6, %get3A_7] : memref<1x256xf32, #tpu.memory_space<vmem>>, vector<1x256xf32>
    %add3A = vector.broadcast %get3A_8 : vector<1x256xf32> to vector<400x256xf32>
    %add3A_9 = arith.addf %dot_general3A_5, %add3A : vector<400x256xf32>
    %max3A = arith.constant 0.000000e+00 : f32
    %max3A_10 = vector.broadcast %max3A : f32 to vector<400x256xf32>
    %max3A_11 = arith.maximumf %add3A_9, %max3A_10 : vector<400x256xf32>
    %get3A_12 = arith.constant 0 : index
    %get3A_13 = arith.constant 0 : index
    %get3A_14 = vector.load %arg4[%get3A_12, %get3A_13] : memref<256x128xf32, #tpu.memory_space<vmem>>, vector<256x128xf32>
    %dot_general3A_15 = arith.constant dense<0.000000e+00> : vector<400x128xf32>
    %dot_general3A_16 = tpu.matmul %max3A_11, %get3A_14, %dot_general3A_15 {dimension_numbers = #tpu.dot_dimension_numbers<[1], [0], [0], [1], [0, 0, 1, 1], [], []>, transpose_lhs_hint = false} : vector<400x256xf32>, vector<256x128xf32>, vector<400x128xf32> -> vector<400x128xf32>
    %get3A_17 = arith.constant 0 : index
    %get3A_18 = arith.constant 0 : index
    %get3A_19 = vector.load %arg5[%get3A_17, %get3A_18] : memref<1x128xf32, #tpu.memory_space<vmem>>, vector<1x128xf32>
    %add3A_20 = vector.broadcast %get3A_19 : vector<1x128xf32> to vector<400x128xf32>
    %add3A_21 = arith.addf %dot_general3A_16, %add3A_20 : vector<400x128xf32>
    %get3A_22 = arith.constant 0 : index
    %get3A_23 = arith.constant 0 : index
    %get3A_24 = vector.load %arg6[%get3A_22, %get3A_23] : memref<128x128xf32, #tpu.memory_space<vmem>>, vector<128x128xf32>
    %dot_general3A_25 = arith.constant dense<0.000000e+00> : vector<400x128xf32>
    %dot_general3A_26 = tpu.matmul %add3A_21, %get3A_24, %dot_general3A_25 {dimension_numbers = #tpu.dot_dimension_numbers<[1], [0], [0], [1], [0, 0, 1, 1], [], []>, transpose_lhs_hint = false} : vector<400x128xf32>, vector<128x128xf32>, vector<400x128xf32> -> vector<400x128xf32>
    %get3A_27 = arith.constant 0 : index
    %get3A_28 = arith.constant 0 : index
    %get3A_29 = vector.load %arg7[%get3A_27, %get3A_28] : memref<128x128xf32, #tpu.memory_space<vmem>>, vector<128x128xf32>
    %dot_general3A_30 = arith.constant dense<0.000000e+00> : vector<400x128xf32>
    %dot_general3A_31 = tpu.matmul %add3A_21, %get3A_29, %dot_general3A_30 {dimension_numbers = #tpu.dot_dimension_numbers<[1], [0], [0], [1], [0, 0, 1, 1], [], []>, transpose_lhs_hint = false} : vector<400x128xf32>, vector<128x128xf32>, vector<400x128xf32> -> vector<400x128xf32>
    %get3A_32 = arith.constant 0 : index
    %get3A_33 = arith.constant 0 : index
    %get3A_34 = vector.load %arg8[%get3A_32, %get3A_33] : memref<128x128xf32, #tpu.memory_space<vmem>>, vector<128x128xf32>
    %dot_general3A_35 = arith.constant dense<0.000000e+00> : vector<400x128xf32>
    %dot_general3A_36 = tpu.matmul %add3A_21, %get3A_34, %dot_general3A_35 {dimension_numbers = #tpu.dot_dimension_numbers<[1], [0], [0], [1], [0, 0, 1, 1], [], []>, transpose_lhs_hint = false} : vector<400x128xf32>, vector<128x128xf32>, vector<400x128xf32> -> vector<400x128xf32>
    %dot_general3A_37 = arith.constant dense<0.000000e+00> : vector<400x400xf32>
    %dot_general3A_38 = tpu.matmul %dot_general3A_26, %dot_general3A_31, %dot_general3A_37 {dimension_numbers = #tpu.dot_dimension_numbers<[1], [1], [0], [0], [0, 0, 1, 0], [], []>, transpose_lhs_hint = false} : vector<400x128xf32>, vector<400x128xf32>, vector<400x400xf32> -> vector<400x400xf32>
    %sqrt3A = arith.constant 1.280000e+02 : f32
    %sqrt3A_39 = math.sqrt %sqrt3A : f32
    %div3A = vector.broadcast %sqrt3A_39 : f32 to vector<400x400xf32>
    %div3A_40 = arith.divf %dot_general3A_38, %div3A : vector<400x400xf32>
    %iota3A = tpu.iota {dimensions = array<i32: 0>} : vector<400x400xi32>
    %jit3A = arith.constant 50 : i32
    %div3A_41 = vector.broadcast %jit3A : i32 to vector<400x400xi32>
    %div3A_42 = arith.divsi %iota3A, %div3A_41 : vector<400x400xi32>
    %sign3A = arith.constant 0 : i32
    %sign3A_43 = vector.broadcast %sign3A : i32 to vector<400x400xi32>
    %sign3A_44 = arith.cmpi sgt, %iota3A, %sign3A_43 : vector<400x400xi32>
    %sign3A_45 = arith.extui %sign3A_44 : vector<400x400xi1> to vector<400x400xi32>
    %sign3A_46 = arith.constant 0 : i32
    %sign3A_47 = vector.broadcast %sign3A_46 : i32 to vector<400x400xi32>
    %sign3A_48 = arith.cmpi slt, %iota3A, %sign3A_47 : vector<400x400xi32>
    %sign3A_49 = arith.extui %sign3A_48 : vector<400x400xi1> to vector<400x400xi32>
    %sign3A_50 = arith.subi %sign3A_45, %sign3A_49 : vector<400x400xi32>
    %sign3A_51 = arith.constant 0 : i32
    %sign3A_52 = arith.cmpi sgt, %jit3A, %sign3A_51 : i32
    %sign3A_53 = arith.extui %sign3A_52 : i1 to i32
    %sign3A_54 = arith.constant 0 : i32
    %sign3A_55 = arith.cmpi slt, %jit3A, %sign3A_54 : i32
    %sign3A_56 = arith.extui %sign3A_55 : i1 to i32
    %sign3A_57 = arith.subi %sign3A_53, %sign3A_56 : i32
    %ne3A = vector.broadcast %sign3A_57 : i32 to vector<400x400xi32>
    %ne3A_58 = arith.cmpi ne, %sign3A_50, %ne3A : vector<400x400xi32>
    %rem3A = vector.broadcast %jit3A : i32 to vector<400x400xi32>
    %rem3A_59 = arith.remsi %iota3A, %rem3A : vector<400x400xi32>
    %ne3A_60 = arith.constant 0 : i32
    %ne3A_61 = vector.broadcast %ne3A_60 : i32 to vector<400x400xi32>
    %ne3A_62 = arith.cmpi ne, %rem3A_59, %ne3A_61 : vector<400x400xi32>
    %and3A = arith.andi %ne3A_58, %ne3A_62 : vector<400x400xi1>
    %sub3A = arith.constant 1 : i32
    %sub3A_63 = vector.broadcast %sub3A : i32 to vector<400x400xi32>
    %sub3A_64 = arith.subi %div3A_42, %sub3A_63 : vector<400x400xi32>
    %select_n3A = arith.select %and3A, %sub3A_64, %div3A_42 : vector<400x400xi1>, vector<400x400xi32>
    %iota3A_65 = tpu.iota {dimensions = array<i32: 1>} : vector<400x400xi32>
    %jit3A_66 = arith.constant 50 : i32
    %div3A_67 = vector.broadcast %jit3A_66 : i32 to vector<400x400xi32>
    %div3A_68 = arith.divsi %iota3A_65, %div3A_67 : vector<400x400xi32>
    %sign3A_69 = arith.constant 0 : i32
    %sign3A_70 = vector.broadcast %sign3A_69 : i32 to vector<400x400xi32>
    %sign3A_71 = arith.cmpi sgt, %iota3A_65, %sign3A_70 : vector<400x400xi32>
    %sign3A_72 = arith.extui %sign3A_71 : vector<400x400xi1> to vector<400x400xi32>
    %sign3A_73 = arith.constant 0 : i32
    %sign3A_74 = vector.broadcast %sign3A_73 : i32 to vector<400x400xi32>
    %sign3A_75 = arith.cmpi slt, %iota3A_65, %sign3A_74 : vector<400x400xi32>
    %sign3A_76 = arith.extui %sign3A_75 : vector<400x400xi1> to vector<400x400xi32>
    %sign3A_77 = arith.subi %sign3A_72, %sign3A_76 : vector<400x400xi32>
    %sign3A_78 = arith.constant 0 : i32
    %sign3A_79 = arith.cmpi sgt, %jit3A_66, %sign3A_78 : i32
    %sign3A_80 = arith.extui %sign3A_79 : i1 to i32
    %sign3A_81 = arith.constant 0 : i32
    %sign3A_82 = arith.cmpi slt, %jit3A_66, %sign3A_81 : i32
    %sign3A_83 = arith.extui %sign3A_82 : i1 to i32
    %sign3A_84 = arith.subi %sign3A_80, %sign3A_83 : i32
    %ne3A_85 = vector.broadcast %sign3A_84 : i32 to vector<400x400xi32>
    %ne3A_86 = arith.cmpi ne, %sign3A_77, %ne3A_85 : vector<400x400xi32>
    %rem3A_87 = vector.broadcast %jit3A_66 : i32 to vector<400x400xi32>
    %rem3A_88 = arith.remsi %iota3A_65, %rem3A_87 : vector<400x400xi32>
    %ne3A_89 = arith.constant 0 : i32
    %ne3A_90 = vector.broadcast %ne3A_89 : i32 to vector<400x400xi32>
    %ne3A_91 = arith.cmpi ne, %rem3A_88, %ne3A_90 : vector<400x400xi32>
    %and3A_92 = arith.andi %ne3A_86, %ne3A_91 : vector<400x400xi1>
    %sub3A_93 = arith.constant 1 : i32
    %sub3A_94 = vector.broadcast %sub3A_93 : i32 to vector<400x400xi32>
    %sub3A_95 = arith.subi %div3A_68, %sub3A_94 : vector<400x400xi32>
    %select_n3A_96 = arith.select %and3A_92, %sub3A_95, %div3A_68 : vector<400x400xi1>, vector<400x400xi32>
    %eq3A = arith.cmpi eq, %select_n3A, %select_n3A_96 : vector<400x400xi32>
    %jit3A_97 = arith.constant -1.000000e+30 : f32
    %broadcast_in_dim3A = vector.broadcast %jit3A_97 : f32 to vector<400x400xf32>
    %select_n3A_98 = arith.select %eq3A, %div3A_40, %broadcast_in_dim3A : vector<400x400xi1>, vector<400x400xf32>
    %reduce_max3A = arith.constant dense<0xFF800000> : vector<400xf32>
    %reduce_max3A_99 = vector.multi_reduction <maximumf>, %select_n3A_98, %reduce_max3A [1] : vector<400x400xf32> to vector<400xf32>
    %broadcast_in_dim3A_100 = vector.shape_cast %reduce_max3A_99 : vector<400xf32> to vector<400x1xf32>
    %sub3A_101 = vector.broadcast %broadcast_in_dim3A_100 : vector<400x1xf32> to vector<400x400xf32>
    %sub3A_102 = arith.subf %select_n3A_98, %sub3A_101 : vector<400x400xf32>
    %exp3A = math.exp %sub3A_102 : vector<400x400xf32>
    %reduce_sum3A = arith.constant dense<0.000000e+00> : vector<400xf32>
    %reduce_sum3A_103 = vector.multi_reduction <add>, %exp3A, %reduce_sum3A [1] : vector<400x400xf32> to vector<400xf32>
    %broadcast_in_dim3A_104 = vector.shape_cast %reduce_sum3A_103 : vector<400xf32> to vector<400x1xf32>
    %div3A_105 = vector.broadcast %broadcast_in_dim3A_104 : vector<400x1xf32> to vector<400x400xf32>
    %div3A_106 = arith.divf %exp3A, %div3A_105 : vector<400x400xf32>
    %dot_general3A_107 = arith.constant dense<0.000000e+00> : vector<400x128xf32>
    %dot_general3A_108 = tpu.matmul %div3A_106, %dot_general3A_36, %dot_general3A_107 {dimension_numbers = #tpu.dot_dimension_numbers<[1], [0], [0], [1], [0, 0, 1, 1], [], []>, transpose_lhs_hint = false} : vector<400x400xf32>, vector<400x128xf32>, vector<400x128xf32> -> vector<400x128xf32>
    %get3A_109 = arith.constant 0 : index
    %get3A_110 = arith.constant 0 : index
    %get3A_111 = vector.load %arg9[%get3A_109, %get3A_110] : memref<128x128xf32, #tpu.memory_space<vmem>>, vector<128x128xf32>
    %dot_general3A_112 = arith.constant dense<0.000000e+00> : vector<400x128xf32>
    %dot_general3A_113 = tpu.matmul %dot_general3A_108, %get3A_111, %dot_general3A_112 {dimension_numbers = #tpu.dot_dimension_numbers<[1], [0], [0], [1], [0, 0, 1, 1], [], []>, transpose_lhs_hint = false} : vector<400x128xf32>, vector<128x128xf32>, vector<400x128xf32> -> vector<400x128xf32>
    %iota3A_114 = tpu.iota {dimensions = array<i32: 0>} : vector<8x400xi32>
    %iota3A_115 = tpu.iota {dimensions = array<i32: 1>} : vector<8x400xi32>
    %jit3A_116 = arith.constant 50 : i32
    %div3A_117 = vector.broadcast %jit3A_116 : i32 to vector<8x400xi32>
    %div3A_118 = arith.divsi %iota3A_115, %div3A_117 : vector<8x400xi32>
    %sign3A_119 = arith.constant 0 : i32
    %sign3A_120 = vector.broadcast %sign3A_119 : i32 to vector<8x400xi32>
    %sign3A_121 = arith.cmpi sgt, %iota3A_115, %sign3A_120 : vector<8x400xi32>
    %sign3A_122 = arith.extui %sign3A_121 : vector<8x400xi1> to vector<8x400xi32>
    %sign3A_123 = arith.constant 0 : i32
    %sign3A_124 = vector.broadcast %sign3A_123 : i32 to vector<8x400xi32>
    %sign3A_125 = arith.cmpi slt, %iota3A_115, %sign3A_124 : vector<8x400xi32>
    %sign3A_126 = arith.extui %sign3A_125 : vector<8x400xi1> to vector<8x400xi32>
    %sign3A_127 = arith.subi %sign3A_122, %sign3A_126 : vector<8x400xi32>
    %sign3A_128 = arith.constant 0 : i32
    %sign3A_129 = arith.cmpi sgt, %jit3A_116, %sign3A_128 : i32
    %sign3A_130 = arith.extui %sign3A_129 : i1 to i32
    %sign3A_131 = arith.constant 0 : i32
    %sign3A_132 = arith.cmpi slt, %jit3A_116, %sign3A_131 : i32
    %sign3A_133 = arith.extui %sign3A_132 : i1 to i32
    %sign3A_134 = arith.subi %sign3A_130, %sign3A_133 : i32
    %ne3A_135 = vector.broadcast %sign3A_134 : i32 to vector<8x400xi32>
    %ne3A_136 = arith.cmpi ne, %sign3A_127, %ne3A_135 : vector<8x400xi32>
    %rem3A_137 = vector.broadcast %jit3A_116 : i32 to vector<8x400xi32>
    %rem3A_138 = arith.remsi %iota3A_115, %rem3A_137 : vector<8x400xi32>
    %ne3A_139 = arith.constant 0 : i32
    %ne3A_140 = vector.broadcast %ne3A_139 : i32 to vector<8x400xi32>
    %ne3A_141 = arith.cmpi ne, %rem3A_138, %ne3A_140 : vector<8x400xi32>
    %and3A_142 = arith.andi %ne3A_136, %ne3A_141 : vector<8x400xi1>
    %sub3A_143 = arith.constant 1 : i32
    %sub3A_144 = vector.broadcast %sub3A_143 : i32 to vector<8x400xi32>
    %sub3A_145 = arith.subi %div3A_118, %sub3A_144 : vector<8x400xi32>
    %select_n3A_146 = arith.select %and3A_142, %sub3A_145, %div3A_118 : vector<8x400xi1>, vector<8x400xi32>
    %eq3A_147 = arith.cmpi eq, %iota3A_114, %select_n3A_146 : vector<8x400xi32>
    %convert_element_type3A = arith.extui %eq3A_147 : vector<8x400xi1> to vector<8x400xi32>
    %convert_element_type3A_148 = arith.sitofp %convert_element_type3A : vector<8x400xi32> to vector<8x400xf32>
    %dot_general3A_149 = arith.constant dense<0.000000e+00> : vector<8x128xf32>
    %dot_general3A_150 = tpu.matmul %convert_element_type3A_148, %dot_general3A_113, %dot_general3A_149 {dimension_numbers = #tpu.dot_dimension_numbers<[1], [0], [0], [1], [0, 0, 1, 1], [], []>, transpose_lhs_hint = false} : vector<8x400xf32>, vector<400x128xf32>, vector<8x128xf32> -> vector<8x128xf32>
    %swap3A = arith.constant 0 : index
    %swap3A_151 = arith.constant 0 : index
    %swap3A_152 = vector.load %arg10[%swap3A, %swap3A_151] : memref<8x128xf32, #tpu.memory_space<vmem>>, vector<8x128xf32>
    tpu.vector_store %arg10[%swap3A, %swap3A_151], %dot_general3A_150 {strides = array<i32>} : memref<8x128xf32, #tpu.memory_space<vmem>>, vector<8x128xf32>,
    return
  }
  func.func @transform_0(%arg0: i32) -> (i32, i32) {
    %c0_i32 = arith.constant 0 : i32
    %c0_i32_0 = arith.constant 0 : i32
    return %arg0, %c0_i32 : i32, i32
  }
  func.func @transform_1(%arg0: i32) -> (i32, i32) {
    %c0_i32 = arith.constant 0 : i32
    %c0_i32_0 = arith.constant 0 : i32
    %c0_i32_1 = arith.constant 0 : i32
    return %c0_i32, %c0_i32_0 : i32, i32
  }
  func.func @transform_2(%arg0: i32) -> (i32, i32) {
    %c0_i32 = arith.constant 0 : i32
    %c0_i32_0 = arith.constant 0 : i32
    %c0_i32_1 = arith.constant 0 : i32
    return %c0_i32, %c0_i32_0 : i32, i32
  }
  func.func @transform_3(%arg0: i32) -> (i32, i32) {
    %c0_i32 = arith.constant 0 : i32
    %c0_i32_0 = arith.constant 0 : i32
    %c0_i32_1 = arith.constant 0 : i32
    return %c0_i32, %c0_i32_0 : i32, i32
  }
  func.func @transform_4(%arg0: i32) -> (i32, i32) {
    %c0_i32 = arith.constant 0 : i32
    %c0_i32_0 = arith.constant 0 : i32
    %c0_i32_1 = arith.constant 0 : i32
    return %c0_i32, %c0_i32_0 : i32, i32
  }
  func.func @transform_5(%arg0: i32) -> (i32, i32) {
    %c0_i32 = arith.constant 0 : i32
    %c0_i32_0 = arith.constant 0 : i32
    %c0_i32_1 = arith.constant 0 : i32
    return %c0_i32, %c0_i32_0 : i32, i32
  }
  func.func @transform_6(%arg0: i32) -> (i32, i32) {
    %c0_i32 = arith.constant 0 : i32
    %c0_i32_0 = arith.constant 0 : i32
    %c0_i32_1 = arith.constant 0 : i32
    return %c0_i32, %c0_i32_0 : i32, i32
  }
  func.func @transform_7(%arg0: i32) -> (i32, i32) {
    %c0_i32 = arith.constant 0 : i32
    %c0_i32_0 = arith.constant 0 : i32
    %c0_i32_1 = arith.constant 0 : i32
    return %c0_i32, %c0_i32_0 : i32, i32
  }
  func.func @transform_8(%arg0: i32) -> (i32, i32) {
    %c0_i32 = arith.constant 0 : i32
    %c0_i32_0 = arith.constant 0 : i32
    %c0_i32_1 = arith.constant 0 : i32
    return %c0_i32, %c0_i32_0 : i32, i32
  }
  func.func @transform_9(%arg0: i32) -> (i32, i32) {
    %c0_i32 = arith.constant 0 : i32
    %c0_i32_0 = arith.constant 0 : i32
    return %arg0, %c0_i32 : i32, i32
  }
}

</mosaic_0001>

<sc_bundles>
// kernel: kernel.13.cloned.1.call-start
scs
__scs_entry_jumppad:
0x0: {  	(pc) =	sbr.rel $0x88, $3  }
0x1: {  	(tag) =	ssettag $0x0;
	lr =	simm.s32 $0x1  }
0x2: {  	[smem:$0x3F8F] =	sst lr;
	_ =	strace $0xD0000000  }
0x3: {  	_ = 	snop  }
0x4: {  	_ = 	snop  }
0x5: {  	_ = 	snop  }
0x6: {  	_ = 	snop  }
0x7: {  	_ = 	snop  }
__scs_overlays_trampoline_lowered:
0x8: {  	[smem:$0x3F9E] =	sst s0  }
0x9: {  	[smem:$0x3F9F] =	sst s1  }
0xa: {  	[smem:$0x3FA0] =	sst s2  }
0xb: {  	[smem:$0x3FA1] =	sst s3  }
0xc: {  	[smem:$0x3FA2] =	sst s4  }
0xd: {  	[smem:$0x3FA3] =	sst s5  }
0xe: {  	[smem:$0x3FA4] =	sst s6  }
0xf: {  	[smem:$0x3FA5] =	sst s7  }
0x10: {  	[smem:$0x3FA6] =	sst s8  }
0x11: {  	[smem:$0x3FA7] =	sst s9;
	s0 =	simm.s32 @!p0 $0x0  }
0x12: {  	s1 =	sld [smem:$0x3F8D];
	s0 =	simm.s32 @p0 $0x1  }
0x13: {  	[smem:$0x3FA8] =	sst s0;
	s0 =	simm.s32 @!p1 $0x0  }
0x14: {  	s2 =	sld [smem:$0x3F8C];
	s0 =	simm.s32 @p1 $0x1  }
0x15: {  	[smem:$0x3FA9] =	sst s0;
	s0 =	simm.s32 @!p2 $0x0  }
0x16: {  	s3 =	sld [smem:$0x3FDB];
	s0 =	simm.s32 @p2 $0x1  }
0x17: {  	s4 =	simm.s32 $0x1BF5;
	[smem:$0x3FAB] =	sst s0  }
0x18: {  	s0 =	sld [smem:$0x3F8E];
	_ =	swait.ge [sflag:s4], $0x0  }
0x19: {  	s7 =	sld [smem:$0x3F8F]  }
0x1a: {  	s8 =	sadd.s32 $0xFFFFE003, lr  }
0x1b: {  	s9 =	sadd.s32 $0xFFFFFEF7, lr;
	s5 =	simm.s32 $0xFFFFFFFF;
	p2 =	slt.u32 s8, $0xFFFFF086  }
0x1c: {  	p1 =	slt.u32 s9, $0xF7A;
	s5 =	simm.s32 @!p2 $0x0  }
0x1d: {  	s5 =	simm.s32 @p1 $0x1;
	p0 =	seq.s32 s7, s2  }
0x1e: {  	s7 =	smul.u32 @!p0 $0xF7A, s2;
	p2 =	seq.s32 @!p0 s5, $0x0  }
0x1f: {  	s9 =	smul.u32 $0xF7A, s1;
	s8 =	simm.s32 @!p0 $0x1BF5;
	p2 =	por !p2, p0  }
0x20: {  	[sflag:s8] =	ssyncset.s32 @!p0 $0xFFFFF086;
	s6 =	sadd.s32 @!p0 s3, s7;
	s7 =	simm.s32 @!p0 $0x108  }
0x21: {  	s3 =	sadd.s32 s3, s9;
	s6 =	sadd.s32 @!p0 $0x88, s6;
	s7 =	simm.s32 @p2 $0x1082  }
0x22: {  	[simem:s7], [sflag:s8] =	dma.local @!p0 [hbm:s6], $0xF7A  }
0x23: {  	s9 =	sor.u32 $0xD0000000, s2;
	s6 =	simm.s32 $0x108;
	_ =	swait.ge @!p0 [sflag:s8], $0x0  }
0x24: {  	s3 =	sadd.s32 $0x88, s3;
	s6 =	simm.s32 @!p1 $0x1082;
	[sflag:s4] =	ssyncset.s32 $0xFFFFF086  }
0x25: {  	[simem:s6], [sflag:s4] =	dma.local [hbm:s3], $0xF7A  }
0x26: {  	[smem:$0x3F8F] =	sst s1;
	(tag) =	ssettag s2;
	_ =	strace s9  }
0x27: {  	s1 =	sld [smem:$0x3F9F]  }
0x28: {  	s2 =	sld [smem:$0x3FA0]  }
0x29: {  	s4 =	sld [smem:$0x3FA2]  }
0x2a: {  	p0 =	seq.s32 s5, $0x0;
	s5 =	sld [smem:$0x3FA3]  }
0x2b: {  	s6 =	sld [smem:$0x3FA4]  }
0x2c: {  	s7 =	sld [smem:$0x3FA5]  }
0x2d: {  	s3 =	simm.s32 $0x108;
	s8 =	sld [smem:$0x3FA6]  }
0x2e: {  	s3 =	simm.s32 @!p0 $0x1082;
	s9 =	sld [smem:$0x3FA7]  }
0x2f: {  	lr =	sadd.s32 s0, s3;
	s0 =	sld [smem:$0x3F9E]  }
0x30: {  	s3 =	sld [smem:$0x3FA1]  }
0x31: {  	[smem:$0x3FAA] =	sst s10  }
0x32: {  	s10 =	sld [smem:$0x3FA8];
	_ =	sdelay $0x3  }
0x33: {  	p0 =	seq.s32 s10, $0x1;
	s10 =	sld [smem:$0x3FAA];
	_ =	sdelay $0x3  }
0x34: {  	[smem:$0x3FAA] =	sst s10  }
0x35: {  	s10 =	sld [smem:$0x3FA9];
	_ =	sdelay $0x3  }
0x36: {  	p1 =	seq.s32 s10, $0x1;
	s10 =	sld [smem:$0x3FAA];
	_ =	sdelay $0x3  }
0x37: {  	[smem:$0x3FAA] =	sst s10  }
0x38: {  	s10 =	sld [smem:$0x3FAB]  }
0x39: {  	_ = 	snop;
	(pc) =	sbr.ind lr, $3  }
0x3a: {  	_ = 	snop  }
0x3b: {  	_ = 	snop  }
0x3c: {  	p2 =	seq.s32 s10, $0x1;
	s10 =	sld [smem:$0x3FAA]  }
0x3d: {  	_ =	shalt  }
0x3e: {  	_ =	shalt  }
0x3f: {  	_ =	shalt  }
0x40: {  	_ =	shalt  }
0x41: {  	_ =	shalt  }
0x42: {  	_ =	shalt  }
0x43: {  	_ =	shalt  }
0x44: {  	_ =	shalt  }
0x45: {  	_ =	shalt  }
0x46: {  	_ =	shalt  }
0x47: {  	_ =	shalt  }
0x48: {  	_ =	shalt  }
0x49: {  	_ =	shalt  }
0x4a: {  	_ =	shalt  }
0x4b: {  	_ =	shalt  }
0x4c: {  	_ =	shalt  }
0x4d: {  	_ =	shalt  }
0x4e: {  	_ =	shalt  }
0x4f: {  	_ =	shalt  }
0x50: {  	_ =	shalt  }
0x51: {  	_ =	shalt  }
0x52: {  	_ =	shalt  }
0x53: {  	_ =	shalt  }
0x54: {  	_ =	shalt  }
0x55: {  	_ =	shalt  }
0x56: {  	_ =	shalt  }
0x57: {  	_ =	shalt  }
0x58: {  	_ =	shalt  }
0x59: {  	_ =	shalt  }
0x5a: {  	_ =	shalt  }
0x5b: {  	_ =	shalt  }
0x5c: {  	_ =	shalt  }
0x5d: {  	_ =	shalt  }
0x5e: {  	_ =	shalt  }
0x5f: {  	_ =	shalt  }
0x60: {  	_ =	shalt  }
0x61: {  	_ =	shalt  }
0x62: {  	_ =	shalt  }
0x63: {  	_ =	shalt  }
0x64: {  	_ =	shalt  }
0x65: {  	_ =	shalt  }
0x66: {  	_ =	shalt  }
0x67: {  	_ =	shalt  }
0x68: {  	_ =	shalt  }
0x69: {  	_ =	shalt  }
0x6a: {  	_ =	shalt  }
0x6b: {  	_ =	shalt  }
0x6c: {  	_ =	shalt  }
0x6d: {  	_ =	shalt  }
0x6e: {  	_ =	shalt  }
0x6f: {  	_ =	shalt  }
0x70: {  	_ =	shalt  }
0x71: {  	_ =	shalt  }
0x72: {  	_ =	shalt  }
0x73: {  	_ =	shalt  }
0x74: {  	_ =	shalt  }
0x75: {  	_ =	shalt  }
0x76: {  	_ =	shalt  }
0x77: {  	_ =	shalt  }
0x78: {  	_ =	shalt  }
0x79: {  	_ =	shalt  }
0x7a: {  	_ =	shalt  }
0x7b: {  	_ =	shalt  }
0x7c: {  	_ =	shalt  }
0x7d: {  	_ =	shalt  }
0x7e: {  	_ =	shalt  }
0x7f: {  	_ =	shalt  }
0x80: {  	_ =	shalt  }
0x81: {  	_ =	shalt  }
0x82: {  	_ =	shalt  }
0x83: {  	_ =	shalt  }
0x84: {  	_ =	shalt  }
0x85: {  	_ =	shalt  }
0x86: {  	_ =	shalt  }
0x87: {  	_ =	shalt  }
.Lfunc_end0:
.L_simem_size_0:
called_computation_lowered:
.L_overlay_start_0:
0x88: {  	s2 =	sld [smem:$0x3FD9]  }
0x89: {  	s3 =	sld [smem:$0x3FFE];
	_ =	sdelay $0x1  }
0x8a: {  	s1 =	srdreg.scid  }
0x8b: {  	s0 =	sand.u32 $0x1, s1  }
0x8c: {  	s16 =	sshll.u32 s0, $0xA;
	s2 =	sadd.s32 s3, s2  }
0x8d: {  	s2 =	sadd.s32 s2, s16  }
0x8e: {  	[smem:$0x3FB6] =	sst s2  }
0x8f: {  	_ = 	snop  }
0x90: {  	(tm) =	ssettm $0x1  }
0x91: {  	s17 =	sld [smem:$0x3FFB];
	_ =	sdelay $0x3  }
0x92: {  	_ =	strace s17  }
0x93: {  	s2 =	sld [smem:$0x3FFC];
	_ =	sdelay $0x3  }
0x94: {  	_ =	strace s2  }
0x95: {  	s2 =	sld [smem:$0x3FFD];
	_ =	sdelay $0x3  }
0x96: {  	_ =	strace s2  }
0x97: {  	_ =	strace $0x8FFFFFFF  }
0x98: {  	s18 =	sld [smem:$0x3FDB];
	_ =	sdelay $0x1  }
0x99: {  	s19 =	simm.s32 $_scs_section_size  }
0x9a: {  	s4 =	simm.s32 $_size__tile_overlayer_lowered;
	s5 =	simm.s32 $_tile_overlayer_lowered  }
0x9b: {  	s22 =	simm.s32 $0x1BFF;
	s21 =	sshll.u32 s5, $0x1;
	s2 =	sadd.s32 s19, s18  }
0x9c: {  	s6 =	simm.s32 $0x0;
	s20 =	sshll.u32 s4, $0x1;
	s4 =	sadd.s32 s21, s2  }
0x9d: {  	[timem:s6], [sflag:s22] =	dma.local [hbm:s4], s20  }
0x9e: {  	_ =	swait.ge [sflag:s22], s20  }
0x9f: {  	s3 =	ssub.s32 $0x0, s20;
	[sflag:s22] =	ssyncset.done $0x0  }
0xa0: {  	[sflag:s22] =	ssyncadd.s32 s3;
	_ =	sdelay $0x1  }
0xa1: {  	s23 =	simm.s32 $0x1B8B  }
0xa2: {  	_ =	swait.ge [sflag:s23], $0x1  }
0xa3: {  	[sflag:s23] =	ssyncset.done $0x0  }
0xa4: {  	s25 =	simm.s32 $0x1B8E;
	s24 =	sld [smem:$0x3FFE];
	[sflag:s23] =	ssyncadd.s32 $0xFFFFFFFF  }
0xa5: {  	s26 =	simm.s32 $execute0_lowered;
	[smem:$0x3FD2] =	sst s25  }
0xa6: {  	s4 =	sshll.u32 s26, $0x1;
	_ =	strace $0x80000046;
	[dreg:$0x1] =	wrdreg $0xFFFFFFFF  }
0xa7: {  	s28 =	simm.s32 $_size_execute0_lowered;
	s2 =	sadd.s32 s2, s4;
	[dreg:$0x0] =	wrdreg $0x0  }
0xa8: {  	s4 =	sshll.u32 s28, $0x1;
	[dreg:$0x2] =	wrdreg s2  }
0xa9: {  	[dreg:$0x3] =	wrdreg s4  }
0xaa: {  	[dreg:$0x4] =	wrdreg $0xC0  }
0xab: {  	_ =	task [dreg:s6], $0x5FFFF  }
0xac: {  	[dreg:$0x1] =	wrdreg $0xFFFFFFFF  }
0xad: {  	[dreg:$0x0] =	wrdreg $0x60  }
0xae: {  	[dreg:$0x2] =	wrdreg s24  }
0xaf: {  	[dreg:$0x3] =	wrdreg $0x0  }
0xb0: {  	[dreg:$0x4] =	wrdreg $0x9  }
0xb1: {  	_ =	task.clear_ibuf [dreg:s6], $0x5FFFF;
	_ =	strace $0x90000046  }
0xb2: {  	s29 =	simm.s32 $0x9;
	_ =	strace $0x80000048  }
0xb3: {  	_ =	swait.ge [sflag:s29], $0x1  }
0xb4: {  	[sflag:s29] =	ssyncadd.s32 $0xFFFFFFFF  }
0xb5: {  	_ =	strace $0x90000048  }
0xb6: {  	_ =	sfence  }
0xb7: {  	s30 =	sld [smem:$0x0];
	_ =	sdelay $0x2  }
0xb8: {  	s31 =	sshll.u32 s1, $0xD;
	s1 =	sshrl.u32 s1, $0x2  }
0xb9: {  	s3 =	sand.u32 $0x4000, s31;
	s1 =	sadd.s32 s1, s30  }
0xba: {  	s0 =	sor.u32 s3, s0;
	s1 =	sshll.u32 s1, $0x11  }
0xbb: {  	s0 =	sor.u32 s1, s0  }
0xbc: {  	s0 =	sadd.s32 $0x8F2B, s0  }
0xbd: {  	[sflag:s0] =	ssyncadd.remote.s32 $0x1  }
0xbe: {  	_ =	sfence.sel $0xFFFF  }
0xbf: {  	[dreg:$0x0] =	wrdreg $0xFFFFFFFF;
	(pc) =	sbr.abs _section_cstart, $3  }
0xc0: {  	[dreg:$0x1] =	wrdreg $0xFFFFFFFF  }
0xc1: {  	_ =	task.clear_ibuf [dreg:s6], $0x2FFFF;
	_ =	strace $0x9FFFFFFF  }
0xc2: {  	(tm) =	ssettm $0x7FFFFFFF  }
0xc3: {  	_ =	shalt  }
tec
execute0_lowered:
.L_overlay_start_1:
0x0: {  	(tag) =	ssettag $0x1  }
0x1: {  	s0 =	rddreg [dreg:$0x0]  }
0x2: {  	s1 =	rddreg [dreg:$0x1];
	s2 =	simm.s32 $0x0  }
0x3: {  	s3 =	srdreg.scid;
	s12 =	stileid.u32;
	s21 =	simm.s32 $0x13A80  }
0x4: {  	s29 =	simm.s32 $0x50;
	s30 =	simm.s32 $0x6;
	s31 =	simm.s32 $0x13A00  }
0x5: {  	s15 =	simm.s32 $0x2;
	s17 =	simm.s32 $0x8;
	s20 =	simm.s32 $0x0  }
0x6: {  	[smem:$0x7FF] =	sst s2;
	s4 =	sadd.s32 $0x9E9200, s0;
	s8 =	smul.u32 $0x13C00, s12  }
0x7: {  	s3 =	sand.u32 $0x1, s3;
	s5 =	sadd.s32 $0x507200, s0;
	s10 =	smul.u32 $0x4E200, s12  }
0x8: {  	s6 =	sadd.s32 $0x4E7E00, s0;
	s7 =	smul.u32 $0x13C000, s3;
	s9 =	sshll.u32 s3, $0x4  }
0x9: {  	_ =	strace $0x80000047;
	s3 =	ssub.s32 $0x2, s3;
	s9 =	sor.u32 s12, s9  }
0xa: {  	s10 =	sshrl.u32 s10, $0x2;
	s22 =	sshrl.u32 s3, $0x1;
	s8 =	sadd.s32 s8, s7  }
0xb: {  	s7 =	sadd.s32 $0x4F7800, s0;
	s12 =	sadd.s32 s10, s1;
	s25 =	smul.u32 $0x27100, s9  }
0xc: {  	s3 =	ssub.s32 s3, s22;
	s16 =	smul.u32 $0x2710, s9;
	s22 =	simm.s32 $0x9  }
0xd: {  	s11 =	sshrl.u32 s8, $0x3;
	s10 =	sadd.s32 $0x5000, s12;
	[dreg:$0x3] =	wrdreg s12  }
0xe: {  	s8 =	smul.u32 $0x3E80, s9;
	s24 =	sadd.s32 $0xA000, s12;
	[dreg:$0x4] =	wrdreg s10  }
0xf: {  	s14 =	sadd.s32 $0xF000, s12;
	s28 =	smax.u32 s3, $0x1;
	[dreg:$0x5] =	wrdreg s24  }
0x10: {  	s3 =	simm.s32 $0x16280;
	s9 =	simm.s32 $0x0;
	[dreg:$0x7] =	wrdreg s14  }
0x11: {  	s0 =	sadd.s32 s11, s0;
	s26 =	sadd.s32 s5, s25;
	[dreg:$0xc] =	wrdreg s28  }
0x12: {  	s25 =	simm.s32 $0x5;
	s11 =	simm.s32 $0x1;
	s14 =	simm.s32 $0x4  }
0x13: {  	s23 =	sshrl.u32 s8, $0x3;
	[dreg:$0xa] =	wrdreg s26;
	s0 =	sadd.s32 $0xA10400, s0  }
0x14: {  	s18 =	sadd.s32 $0x180, s8;
	s13 =	sadd.s32 s6, s23;
	[dreg:$0xb] =	wrdreg s0  }
0x15: {  	s26 =	simm.s32 $0x13980;
	s10 =	sadd.s32 s7, s23;
	[dreg:$0x6] =	wrdreg s13  }
0x16: {  	s23 =	simm.s32 $0x13880;
	s13 =	sadd.s32 $0x10, s13;
	[dreg:$0x9] =	wrdreg s10  }
0x17: {  	v0 =	vimm.f32 $0.0e+00;
	s10 =	simm.s32 $0x3;
	[dreg:$0x8] =	wrdreg s13;
	s13 =	simm.s32 $0x7  }
.LBB2_1:
0x18: {  	[dreg:$0xd] =	wrdreg s9;
	s0 =	simm.s32 $0x0;
	s9 =	simm.s32 $0x200  }
.LBB2_2:
0x19: {  	p0 =	sne.s32 s9, $0x13E00;
	[tilespmem:s0+$0x13AF0] =	vst v0  }
0x1a: {  	[tilespmem:s0+$0x13A80] =	vst v0  }
0x1b: {  	[tilespmem:s0+$0x13A90] =	vst v0  }
.Ltmp0:
0x1c: {  	[tilespmem:s0+$0x13AA0] =	vst v0;
	(pc) =	sbr.rel @p0 .LBB2_2-.Ltmp0, $4  }
0x1d: {  	[tilespmem:s0+$0x13AB0] =	vst v0  }
0x1e: {  	[tilespmem:s0+$0x13AC0] =	vst v0  }
0x1f: {  	[tilespmem:s0+$0x13AD0] =	vst v0  }
0x20: {  	[tilespmem:s0+$0x13AE0] =	vst v0;
	s0 =	sshra.s32 s9, $0x2;
	s9 =	sadd.s32 $0x200, s9  }
0x21: {  	[tilespmem:s0+$0x13AF0] =	vst v0  }
0x22: {  	[tilespmem:s0+$0x13A80] =	vst v0  }
0x23: {  	[tilespmem:s0+$0x13A90] =	vst v0  }
0x24: {  	[tilespmem:s0+$0x13AA0] =	vst v0  }
0x25: {  	[tilespmem:s0+$0x13AB0] =	vst v0  }
0x26: {  	[tilespmem:s0+$0x13AC0] =	vst v0  }
0x27: {  	[tilespmem:s0+$0x13AD0] =	vst v0  }
0x28: {  	[tilespmem:s0+$0x13AE0] =	vst v0  }
0x29: {  	[spmem:s12] =	stream.linear.scatter [tilespmem:s21], [sflag:$0x9], $0x5000, $0x38;
	[tilespmem:$0x1DA80] =	vst v63  }
0x2a: {  	_ =	swait.ge [sflag:s22], $0x5000  }
0x2b: {  	[sflag:s22] =	ssyncset.done $0x0  }
0x2c: {  	s19 =	rddreg [dreg:$0x4];
	[sflag:s22] =	ssyncadd.s32 $0xFFFFB000  }
0x2d: {  	[spmem:s19] =	stream.linear.scatter [tilespmem:s21], [sflag:$0x9], $0x5000, $0x38;
	[tilespmem:$0x1DA80] =	vst v63  }
0x2e: {  	_ =	swait.ge [sflag:s22], $0x5000  }
0x2f: {  	[sflag:s22] =	ssyncset.done $0x0  }
0x30: {  	s24 =	rddreg [dreg:$0x5];
	[sflag:s22] =	ssyncadd.s32 $0xFFFFB000  }
0x31: {  	[spmem:s24] =	stream.linear.scatter [tilespmem:s21], [sflag:$0x9], $0x5000, $0x38;
	[tilespmem:$0x1DA80] =	vst v63  }
0x32: {  	_ =	swait.ge [sflag:s22], $0x5000  }
0x33: {  	[sflag:s22] =	ssyncset.done $0x0  }
0x34: {  	s28 =	rddreg [dreg:$0x7];
	[sflag:s22] =	ssyncadd.s32 $0xFFFFB000  }
0x35: {  	[spmem:s28] =	stream.linear.scatter [tilespmem:s21], [sflag:$0x9], $0x4880, $0x38;
	[tilespmem:$0x1DA80] =	vst v63  }
0x36: {  	_ =	swait.ge [sflag:s22], $0x4880  }
0x37: {  	[sflag:s22] =	ssyncset.done $0x0  }
0x38: {  	[sflag:s22] =	ssyncadd.s32 $0xFFFFB780  }
0x39: {  	[bflag:$0x0] =	sbarrier.arrive $0xFFFF  }
0x3a: {  	s9 =	rddreg [dreg:$0x6]  }
0x3b: {  	[tilespmem:s23], [sflag:$0x5] =	stream.linear.gather [hbm4b:s9+s20], $0x80, $0x38;
	[tilespmem:$0x1DA80] =	vst v63  }
0x3c: {  	s12 =	rddreg [dreg:$0x8];
	s9 =	simm.s32 $0x13900  }
0x3d: {  	[tilespmem:s9], [sflag:$0x6] =	stream.linear.gather [hbm4b:s12+s20], $0x80, $0x38;
	[tilespmem:$0x1DA80] =	vst v63  }
0x3e: {  	_ =	swait.ge [sflag:s25], $0x80  }
0x3f: {  	[sflag:s25] =	ssyncset.done $0x0  }
0x40: {  	s19 =	rddreg [dreg:$0x9];
	[sflag:s25] =	ssyncadd.s32 $0xFFFFFF80  }
0x41: {  	[tilespmem:s26], [sflag:$0x7] =	stream.linear.gather [hbm4b:s19+s20], $0x80, $0x38;
	[tilespmem:$0x1DA80] =	vst v63  }
0x42: {  	s28 =	simm.s32 $0x18A80;
	s24 =	rddreg [dreg:$0xa]  }
0x43: {  	[tilespmem:s28], [sflag:$0x3] =	stream.linear.gather [hbm4b:s24+s20], $0x2800, $0x38;
	[tilespmem:$0x1DA80] =	vst v63  }
0x44: {  	s12 =	simm.s32 $0x0  }
0x45: {  	[tilespmem:s21], [sflag:$0x1] =	stream.indirect.gather [hbm4b:s4+s29], $0x80, s23, s29, $0xb8;
	[tilespmem:$0x1DA80] =	vst v63  }
.LBB2_4:
0x46: {  	s0 =	sshllo.u32 s12, $0x1  }
0x47: {  	s9 =	sshll.u32 s0, $0x7;
	s0 =	smul.u32 $0x50, s0  }
0x48: {  	_ =	swait.ge [sflag:s30], $0x80;
	s9 =	sadd.s32 s8, s9  }
0x49: {  	[sflag:s30] =	ssyncset.done $0x0;
	s9 =	sshrl.u32 s9, $0x3;
	s0 =	sadd.s32 s16, s0  }
0x4a: {  	[sflag:s30] =	ssyncadd.s32 $0xFFFFFF80;
	s9 =	sadd.s32 s7, s9;
	s0 =	sshll.u32 s0, $0x4  }
0x4b: {  	[tilespmem:s31], [sflag:$0x8] =	stream.linear.gather [hbm4b:s9+s20], $0x80, $0x38;
	[tilespmem:$0x1DA80] =	vst v63  }
0x4c: {  	s19 =	simm.s32 $0x1B280;
	s0 =	sadd.s32 s5, s0  }
0x4d: {  	[tilespmem:s19], [sflag:$0x4] =	stream.linear.gather [hbm4b:s0+s20], $0x2800, $0x38;
	[tilespmem:$0x1DA80] =	vst v63  }
0x4e: {  	s24 =	simm.s32 $0x13900  }
0x4f: {  	[tilespmem:s3], [sflag:$0x2] =	stream.indirect.gather [hbm4b:s4+s29], $0x80, s24, s29, $0xb8;
	[tilespmem:$0x1DA80] =	vst v63  }
0x50: {  	s28 =	sshll.u32 s12, $0x1;
	_ =	swait.ge [sflag:s10], $0x2800  }
0x51: {  	s9 =	sadd.s32 $0x2, s28;
	[sflag:s10] =	ssyncset.done $0x0  }
0x52: {  	s0 =	sshll.u32 s9, $0x7;
	[sflag:s10] =	ssyncadd.s32 $0xFFFFD800  }
0x53: {  	s0 =	sadd.s32 s8, s0;
	_ =	swait.ge [sflag:s11], $0x2800  }
0x54: {  	s19 =	sshrl.u32 s0, $0x3;
	[sflag:s11] =	ssyncset.done $0x0  }
0x55: {  	s0 =	sadd.s32 s6, s19;
	[sflag:s11] =	ssyncadd.s32 $0xFFFFD800  }
0x56: {  	[tilespmem:s23], [sflag:$0x5] =	stream.linear.gather [hbm4b:s0+s20], $0x80, $0x38;
	[tilespmem:$0x1DA80] =	vst v63  }
0x57: {  	s0 =	simm.s32 $0x0  }
0x58: {  	v7 =	vld [tilespmem:s0+$0x18A80]  }
0x59: {  	v12 =	vld [tilespmem:s0+$0x18A90]  }
0x5a: {  	v6 =	vld [tilespmem:s0+$0x18AA0]  }
0x5b: {  	v5 =	vld [tilespmem:s0+$0x18AB0]  }
0x5c: {  	v4 =	vld [tilespmem:s0+$0x18AC0]  }
0x5d: {  	v3 =	vld [tilespmem:s0+$0x18AD0]  }
0x5e: {  	v2 =	vld [tilespmem:s0+$0x18AE0]  }
0x5f: {  	v1 =	vld [tilespmem:s0+$0x18AF0]  }
0x60: {  	v13 =	vld [tilespmem:s0+$0x13A80]  }
0x61: {  	v14 =	vld [tilespmem:s0+$0x13A90]  }
0x62: {  	v11 =	vld [tilespmem:s0+$0x13AA0]  }
0x63: {  	v10 =	vld [tilespmem:s0+$0x13AB0]  }
0x64: {  	v9 =	vld [tilespmem:s0+$0x13AC0]  }
0x65: {  	v8 =	vld [tilespmem:s0+$0x13AD0];
	v13 =	vadd.f32 v7, v13  }
0x66: {  	s24 =	simm.s32 $0x200;
	v12 =	vadd.f32 v12, v14;
	v7 =	vld [tilespmem:s0+$0x13AE0]  }
.LBB2_5:
0x67: {  	s28 =	sshra.s32 s24, $0x2;
	p0 =	sne.s32 s24, $0x9E00;
	v13 =	vmax.f32 v13, $0.0e+00;
	v6 =	vadd.f32 v6, v11;
	v11 =	vld [tilespmem:s0+$0x13AF0]  }
0x68: {  	v14 =	vld [tilespmem:s28+$0x18A80];
	[tilespmem:s0+$0x13A80] =	vst v13;
	v12 =	vmax.f32 v12, $0.0e+00;
	v5 =	vadd.f32 v5, v10  }
0x69: {  	v15 =	vld [tilespmem:s28+$0x18A90];
	[tilespmem:s0+$0x13A90] =	vst v12;
	v10 =	vmax.f32 v6, $0.0e+00;
	v4 =	vadd.f32 v4, v9  }
0x6a: {  	v6 =	vld [tilespmem:s28+$0x18AA0];
	[tilespmem:s0+$0x13AA0] =	vst v10;
	v9 =	vmax.f32 v5, $0.0e+00;
	v3 =	vadd.f32 v3, v8  }
0x6b: {  	v5 =	vld [tilespmem:s28+$0x18AB0];
	[tilespmem:s0+$0x13AB0] =	vst v9;
	v8 =	vmax.f32 v4, $0.0e+00;
	v2 =	vadd.f32 v2, v7  }
0x6c: {  	v4 =	vld [tilespmem:s28+$0x18AC0];
	[tilespmem:s0+$0x13AC0] =	vst v8;
	v7 =	vmax.f32 v3, $0.0e+00;
	v1 =	vadd.f32 v1, v11  }
0x6d: {  	v3 =	vld [tilespmem:s28+$0x18AD0];
	[tilespmem:s0+$0x13AD0] =	vst v7;
	v7 =	vmax.f32 v2, $0.0e+00  }
0x6e: {  	v2 =	vld [tilespmem:s28+$0x18AE0];
	[tilespmem:s0+$0x13AE0] =	vst v7;
	v7 =	vmax.f32 v1, $0.0e+00  }
0x6f: {  	v1 =	vld [tilespmem:s28+$0x18AF0];
	[tilespmem:s0+$0x13AF0] =	vst v7;
	s0 =	smov.u32 s28  }
0x70: {  	v7 =	vld [tilespmem:s0+$0x13A80]  }
0x71: {  	v12 =	vld [tilespmem:s0+$0x13A90]  }
.Ltmp1:
0x72: {  	v11 =	vld [tilespmem:s0+$0x13AA0];
	(pc) =	sbr.rel @p0 .LBB2_5-.Ltmp1, $4  }
0x73: {  	v10 =	vld [tilespmem:s0+$0x13AB0]  }
0x74: {  	v9 =	vld [tilespmem:s0+$0x13AC0]  }
0x75: {  	v13 =	vadd.f32 v14, v7;
	v8 =	vld [tilespmem:s0+$0x13AD0]  }
0x76: {  	s24 =	sadd.s32 $0x200, s24;
	v12 =	vadd.f32 v15, v12;
	v7 =	vld [tilespmem:s0+$0x13AE0]  }
0x77: {  	v13 =	vmax.f32 v13, $0.0e+00;
	v6 =	vadd.f32 v6, v11;
	v11 =	vld [tilespmem:s0+$0x13AF0]  }
0x78: {  	[tilespmem:s0+$0x13A80] =	vst v13;
	v12 =	vmax.f32 v12, $0.0e+00;
	v5 =	vadd.f32 v5, v10  }
0x79: {  	[tilespmem:s0+$0x13A90] =	vst v12;
	v6 =	vmax.f32 v6, $0.0e+00;
	v4 =	vadd.f32 v4, v9  }
0x7a: {  	[tilespmem:s0+$0x13AA0] =	vst v6;
	v5 =	vmax.f32 v5, $0.0e+00;
	v3 =	vadd.f32 v3, v8  }
0x7b: {  	[tilespmem:s0+$0x13AB0] =	vst v5;
	v4 =	vmax.f32 v4, $0.0e+00;
	v2 =	vadd.f32 v2, v7  }
0x7c: {  	[tilespmem:s0+$0x13AC0] =	vst v4;
	v3 =	vmax.f32 v3, $0.0e+00;
	v1 =	vadd.f32 v1, v11  }
0x7d: {  	[tilespmem:s0+$0x13AD0] =	vst v3;
	v2 =	vmax.f32 v2, $0.0e+00  }
0x7e: {  	[tilespmem:s0+$0x13AE0] =	vst v2;
	v1 =	vmax.f32 v1, $0.0e+00  }
0x7f: {  	[tilespmem:s0+$0x13AF0] =	vst v1  }
0x80: {  	_ =	swait.ge [sflag:s13], $0x80  }
0x81: {  	[sflag:s13] =	ssyncset.done $0x0  }
0x82: {  	[sflag:s13] =	ssyncadd.s32 $0xFFFFFF80  }
0x83: {  	[spmem:s1] =	stream.indirect.scatter.add.f32 [tilespmem:s21], [sflag:$0x9], $0x80, s26, s29, $0xb8;
	[tilespmem:$0x1DA80] =	vst v63  }
0x84: {  	_ =	swait.ge [sflag:s22], $0x2800  }
0x85: {  	[sflag:s22] =	ssyncset.done $0x0  }
0x86: {  	s9 =	smul.u32 $0x50, s9;
	[sflag:s22] =	ssyncadd.s32 $0xFFFFD800  }
0x87: {  	_ =	swait.ge [sflag:s25], $0x80  }
0x88: {  	s24 =	sadd.s32 s16, s9;
	[sflag:s25] =	ssyncset.done $0x0  }
0x89: {  	s19 =	sadd.s32 s7, s19;
	s0 =	sshll.u32 s24, $0x4;
	[sflag:s25] =	ssyncadd.s32 $0xFFFFFF80  }
0x8a: {  	[tilespmem:s26], [sflag:$0x7] =	stream.linear.gather [hbm4b:s19+s2], $0x80, $0x38;
	[tilespmem:$0x1DA80] =	vst v63  }
0x8b: {  	s28 =	simm.s32 $0x18A80;
	s0 =	sadd.s32 s5, s0  }
0x8c: {  	[tilespmem:s28], [sflag:$0x3] =	stream.linear.gather [hbm4b:s0+s2], $0x2800, $0x38;
	[tilespmem:$0x1DA80] =	vst v63  }
0x8d: {  	_ = 	snop  }
0x8e: {  	[tilespmem:s21], [sflag:$0x1] =	stream.indirect.gather [hbm4b:s4+s29], $0x80, s23, s29, $0xb8;
	[tilespmem:$0x1DA80] =	vst v63  }
0x8f: {  	_ =	swait.ge [sflag:s14], $0x2800  }
0x90: {  	p0 =	seq.s32 s12, $0x3D;
	[sflag:s14] =	ssyncset.done $0x0  }
0x91: {  	s0 =	sshll.u32 @!p0 s12, $0x8;
	[sflag:s14] =	ssyncadd.s32 $0xFFFFD800  }
0x92: {  	s0 =	sadd.s32 @!p0 s0, s18;
	_ =	swait.ge [sflag:s15], $0x2800  }
0x93: {  	s9 =	simm.s32 @!p0 $0x0;
	s0 =	sshrl.u32 @!p0 s0, $0x3;
	[sflag:s15] =	ssyncset.done $0x0  }
0x94: {  	s19 =	simm.s32 @!p0 $0x13900;
	s0 =	sadd.s32 @!p0 s6, s0;
	[sflag:s15] =	ssyncadd.s32 $0xFFFFD800  }
0x95: {  	[tilespmem:s19], [sflag:$0x6] =	stream.linear.gather @!p0 [hbm4b:s0+s9], $0x80, $0x38;
	[tilespmem:$0x1DA80] =	vst v63  }
0x96: {  	s0 =	simm.s32 $0x0  }
0x97: {  	v7 =	vld [tilespmem:s0+$0x1B280]  }
0x98: {  	v12 =	vld [tilespmem:s0+$0x1B290]  }
0x99: {  	v6 =	vld [tilespmem:s0+$0x1B2A0]  }
0x9a: {  	v5 =	vld [tilespmem:s0+$0x1B2B0]  }
0x9b: {  	v4 =	vld [tilespmem:s0+$0x1B2C0]  }
0x9c: {  	v3 =	vld [tilespmem:s0+$0x1B2D0]  }
0x9d: {  	v2 =	vld [tilespmem:s0+$0x1B2E0]  }
0x9e: {  	v1 =	vld [tilespmem:s0+$0x1B2F0]  }
0x9f: {  	v13 =	vld [tilespmem:s0+$0x16280]  }
0xa0: {  	v14 =	vld [tilespmem:s0+$0x16290]  }
0xa1: {  	v11 =	vld [tilespmem:s0+$0x162A0]  }
0xa2: {  	v10 =	vld [tilespmem:s0+$0x162B0]  }
0xa3: {  	v9 =	vld [tilespmem:s0+$0x162C0]  }
0xa4: {  	v8 =	vld [tilespmem:s0+$0x162D0];
	v13 =	vadd.f32 v7, v13  }
0xa5: {  	s9 =	simm.s32 $0x200;
	v12 =	vadd.f32 v12, v14;
	v7 =	vld [tilespmem:s0+$0x162E0]  }
.LBB2_7:
0xa6: {  	s19 =	sshra.s32 s9, $0x2;
	p0 =	sne.s32 s9, $0x9E00;
	v13 =	vmax.f32 v13, $0.0e+00;
	v6 =	vadd.f32 v6, v11;
	v11 =	vld [tilespmem:s0+$0x162F0]  }
0xa7: {  	v14 =	vld [tilespmem:s19+$0x1B280];
	[tilespmem:s0+$0x16280] =	vst v13;
	v12 =	vmax.f32 v12, $0.0e+00;
	v5 =	vadd.f32 v5, v10  }
0xa8: {  	v15 =	vld [tilespmem:s19+$0x1B290];
	[tilespmem:s0+$0x16290] =	vst v12;
	v10 =	vmax.f32 v6, $0.0e+00;
	v4 =	vadd.f32 v4, v9  }
0xa9: {  	v6 =	vld [tilespmem:s19+$0x1B2A0];
	[tilespmem:s0+$0x162A0] =	vst v10;
	v9 =	vmax.f32 v5, $0.0e+00;
	v3 =	vadd.f32 v3, v8  }
0xaa: {  	v5 =	vld [tilespmem:s19+$0x1B2B0];
	[tilespmem:s0+$0x162B0] =	vst v9;
	v8 =	vmax.f32 v4, $0.0e+00;
	v2 =	vadd.f32 v2, v7  }
0xab: {  	v4 =	vld [tilespmem:s19+$0x1B2C0];
	[tilespmem:s0+$0x162C0] =	vst v8;
	v7 =	vmax.f32 v3, $0.0e+00;
	v1 =	vadd.f32 v1, v11  }
0xac: {  	v3 =	vld [tilespmem:s19+$0x1B2D0];
	[tilespmem:s0+$0x162D0] =	vst v7;
	v7 =	vmax.f32 v2, $0.0e+00  }
0xad: {  	v2 =	vld [tilespmem:s19+$0x1B2E0];
	[tilespmem:s0+$0x162E0] =	vst v7;
	v7 =	vmax.f32 v1, $0.0e+00  }
0xae: {  	v1 =	vld [tilespmem:s19+$0x1B2F0];
	[tilespmem:s0+$0x162F0] =	vst v7;
	s0 =	smov.u32 s19  }
0xaf: {  	v7 =	vld [tilespmem:s0+$0x16280]  }
0xb0: {  	v12 =	vld [tilespmem:s0+$0x16290]  }
.Ltmp2:
0xb1: {  	v11 =	vld [tilespmem:s0+$0x162A0];
	(pc) =	sbr.rel @p0 .LBB2_7-.Ltmp2, $4  }
0xb2: {  	v10 =	vld [tilespmem:s0+$0x162B0]  }
0xb3: {  	v9 =	vld [tilespmem:s0+$0x162C0]  }
0xb4: {  	v13 =	vadd.f32 v14, v7;
	v8 =	vld [tilespmem:s0+$0x162D0]  }
0xb5: {  	s9 =	sadd.s32 $0x200, s9;
	v12 =	vadd.f32 v15, v12;
	v7 =	vld [tilespmem:s0+$0x162E0]  }
0xb6: {  	v13 =	vmax.f32 v13, $0.0e+00;
	v6 =	vadd.f32 v6, v11;
	v63 =	vld [tilespmem:s0+$0x162F0]  }
0xb7: {  	[tilespmem:s0+$0x16280] =	vst v13;
	v12 =	vmax.f32 v12, $0.0e+00;
	v5 =	vadd.f32 v5, v10  }
0xb8: {  	[tilespmem:s0+$0x16290] =	vst v12;
	v6 =	vmax.f32 v6, $0.0e+00;
	v4 =	vadd.f32 v4, v9  }
0xb9: {  	[tilespmem:s0+$0x162A0] =	vst v6;
	v5 =	vmax.f32 v5, $0.0e+00;
	v3 =	vadd.f32 v3, v8  }
0xba: {  	[tilespmem:s0+$0x162B0] =	vst v5;
	v4 =	vmax.f32 v4, $0.0e+00;
	v2 =	vadd.f32 v2, v7  }
0xbb: {  	[tilespmem:s0+$0x162C0] =	vst v4;
	v3 =	vmax.f32 v3, $0.0e+00;
	v1 =	vadd.f32 v1, v63  }
0xbc: {  	[tilespmem:s0+$0x162D0] =	vst v3;
	v2 =	vmax.f32 v2, $0.0e+00  }
0xbd: {  	[tilespmem:s0+$0x162E0] =	vst v2;
	v1 =	vmax.f32 v1, $0.0e+00  }
0xbe: {  	[tilespmem:s0+$0x162F0] =	vst v1  }
0xbf: {  	s12 =	sadd.s32 $0x1, s12;
	_ =	swait.ge [sflag:s17], $0x80  }
0xc0: {  	p0 =	sne.s32 s12, $0x3E;
	[sflag:s17] =	ssyncset.done $0x0  }
.Ltmp3:
0xc1: {  	[sflag:s17] =	ssyncadd.s32 $0xFFFFFF80;
	(pc) =	sbr.rel @p0 .LBB2_4-.Ltmp3, $4  }
0xc2: {  	[spmem:s1] =	stream.indirect.scatter.add.f32 [tilespmem:s3], [sflag:$0x9], $0x80, s31, s29, $0xb8;
	[tilespmem:$0x1DA80] =	vst v63  }
0xc3: {  	_ =	swait.ge [sflag:s22], $0x2800  }
0xc4: {  	[sflag:s22] =	ssyncset.done $0x0  }
0xc5: {  	[sflag:s22] =	ssyncadd.s32 $0xFFFFD800  }
0xc6: {  	_ =	swait.ge [sflag:s10], $0x2800  }
0xc7: {  	[sflag:s10] =	ssyncset.done $0x0  }
0xc8: {  	[sflag:s10] =	ssyncadd.s32 $0xFFFFD800  }
0xc9: {  	_ =	swait.ge [sflag:s11], $0x2800  }
0xca: {  	[sflag:s11] =	ssyncset.done $0x0  }
0xcb: {  	s0 =	simm.s32 $0x0;
	[sflag:s11] =	ssyncadd.s32 $0xFFFFD800  }
0xcc: {  	v7 =	vld [tilespmem:s0+$0x18A80]  }
0xcd: {  	v12 =	vld [tilespmem:s0+$0x18A90]  }
0xce: {  	v6 =	vld [tilespmem:s0+$0x18AA0]  }
0xcf: {  	v5 =	vld [tilespmem:s0+$0x18AB0]  }
0xd0: {  	v4 =	vld [tilespmem:s0+$0x18AC0]  }
0xd1: {  	v3 =	vld [tilespmem:s0+$0x18AD0]  }
0xd2: {  	v2 =	vld [tilespmem:s0+$0x18AE0]  }
0xd3: {  	v1 =	vld [tilespmem:s0+$0x18AF0]  }
0xd4: {  	v13 =	vld [tilespmem:s0+$0x13A80]  }
0xd5: {  	v14 =	vld [tilespmem:s0+$0x13A90]  }
0xd6: {  	v11 =	vld [tilespmem:s0+$0x13AA0]  }
0xd7: {  	v10 =	vld [tilespmem:s0+$0x13AB0]  }
0xd8: {  	v9 =	vld [tilespmem:s0+$0x13AC0]  }
0xd9: {  	v8 =	vld [tilespmem:s0+$0x13AD0];
	v13 =	vadd.f32 v7, v13  }
0xda: {  	s9 =	simm.s32 $0x200;
	v12 =	vadd.f32 v12, v14;
	v7 =	vld [tilespmem:s0+$0x13AE0]  }
.LBB2_10:
0xdb: {  	s12 =	sshra.s32 s9, $0x2;
	p0 =	sne.s32 s9, $0x9E00;
	v13 =	vmax.f32 v13, $0.0e+00;
	v6 =	vadd.f32 v6, v11;
	v11 =	vld [tilespmem:s0+$0x13AF0]  }
0xdc: {  	v14 =	vld [tilespmem:s12+$0x18A80];
	[tilespmem:s0+$0x13A80] =	vst v13;
	v12 =	vmax.f32 v12, $0.0e+00;
	v5 =	vadd.f32 v5, v10  }
0xdd: {  	v15 =	vld [tilespmem:s12+$0x18A90];
	[tilespmem:s0+$0x13A90] =	vst v12;
	v10 =	vmax.f32 v6, $0.0e+00;
	v4 =	vadd.f32 v4, v9  }
0xde: {  	v6 =	vld [tilespmem:s12+$0x18AA0];
	[tilespmem:s0+$0x13AA0] =	vst v10;
	v9 =	vmax.f32 v5, $0.0e+00;
	v3 =	vadd.f32 v3, v8  }
0xdf: {  	v5 =	vld [tilespmem:s12+$0x18AB0];
	[tilespmem:s0+$0x13AB0] =	vst v9;
	v8 =	vmax.f32 v4, $0.0e+00;
	v2 =	vadd.f32 v2, v7  }
0xe0: {  	v4 =	vld [tilespmem:s12+$0x18AC0];
	[tilespmem:s0+$0x13AC0] =	vst v8;
	v7 =	vmax.f32 v3, $0.0e+00;
	v1 =	vadd.f32 v1, v11  }
0xe1: {  	v3 =	vld [tilespmem:s12+$0x18AD0];
	[tilespmem:s0+$0x13AD0] =	vst v7;
	v7 =	vmax.f32 v2, $0.0e+00  }
0xe2: {  	v2 =	vld [tilespmem:s12+$0x18AE0];
	[tilespmem:s0+$0x13AE0] =	vst v7;
	v7 =	vmax.f32 v1, $0.0e+00  }
0xe3: {  	v1 =	vld [tilespmem:s12+$0x18AF0];
	[tilespmem:s0+$0x13AF0] =	vst v7;
	s0 =	smov.u32 s12  }
0xe4: {  	v7 =	vld [tilespmem:s0+$0x13A80]  }
0xe5: {  	v12 =	vld [tilespmem:s0+$0x13A90]  }
.Ltmp4:
0xe6: {  	v11 =	vld [tilespmem:s0+$0x13AA0];
	(pc) =	sbr.rel @p0 .LBB2_10-.Ltmp4, $4  }
0xe7: {  	v10 =	vld [tilespmem:s0+$0x13AB0]  }
0xe8: {  	v9 =	vld [tilespmem:s0+$0x13AC0]  }
0xe9: {  	v13 =	vadd.f32 v14, v7;
	v8 =	vld [tilespmem:s0+$0x13AD0]  }
0xea: {  	s9 =	sadd.s32 $0x200, s9;
	v12 =	vadd.f32 v15, v12;
	v7 =	vld [tilespmem:s0+$0x13AE0]  }
0xeb: {  	v13 =	vmax.f32 v13, $0.0e+00;
	v6 =	vadd.f32 v6, v11;
	v63 =	vld [tilespmem:s0+$0x13AF0]  }
0xec: {  	[tilespmem:s0+$0x13A80] =	vst v13;
	v12 =	vmax.f32 v12, $0.0e+00;
	v5 =	vadd.f32 v5, v10  }
0xed: {  	[tilespmem:s0+$0x13A90] =	vst v12;
	v6 =	vmax.f32 v6, $0.0e+00;
	v4 =	vadd.f32 v4, v9  }
0xee: {  	[tilespmem:s0+$0x13AA0] =	vst v6;
	v5 =	vmax.f32 v5, $0.0e+00;
	v3 =	vadd.f32 v3, v8  }
0xef: {  	[tilespmem:s0+$0x13AB0] =	vst v5;
	v4 =	vmax.f32 v4, $0.0e+00;
	v2 =	vadd.f32 v2, v7  }
0xf0: {  	[tilespmem:s0+$0x13AC0] =	vst v4;
	v3 =	vmax.f32 v3, $0.0e+00;
	v1 =	vadd.f32 v1, v63  }
0xf1: {  	[tilespmem:s0+$0x13AD0] =	vst v3;
	v2 =	vmax.f32 v2, $0.0e+00  }
0xf2: {  	[tilespmem:s0+$0x13AE0] =	vst v2;
	v1 =	vmax.f32 v1, $0.0e+00  }
0xf3: {  	[tilespmem:s0+$0x13AF0] =	vst v1  }
0xf4: {  	_ =	swait.ge [sflag:s13], $0x80  }
0xf5: {  	[sflag:s13] =	ssyncset.done $0x0  }
0xf6: {  	[sflag:s13] =	ssyncadd.s32 $0xFFFFFF80  }
0xf7: {  	[spmem:s1] =	stream.indirect.scatter.add.f32 [tilespmem:s21], [sflag:$0x9], $0x80, s26, s29, $0xb8;
	[tilespmem:$0x1DA80] =	vst v63  }
0xf8: {  	_ =	swait.ge [sflag:s22], $0x2800  }
0xf9: {  	[sflag:s22] =	ssyncset.done $0x0  }
0xfa: {  	[sflag:s22] =	ssyncadd.s32 $0xFFFFD800  }
0xfb: {  	s19 =	stileid.u32;
	[bflag:$0x0] =	sbarrier.arrive $0xFFFF  }
0xfc: {  	s0 =	sshll.u32 s19, $0x6;
	s12 =	rddreg [dreg:$0x3]  }
0xfd: {  	s0 =	sor.u32 $0x1C09, s0;
	s19 =	rddreg [dreg:$0xb];
	s9 =	sshrl.u32 s12, $0x3  }
0xfe: {  	[hbm:s19], [sflag:s0] =	dma.local [spmem:s9], $0x2710  }
0xff: {  	_ =	swait.ge [sflag:s22], $0x2710  }
0x100: {  	s24 =	rddreg [dreg:$0xd]  }
0x101: {  	s28 =	rddreg [dreg:$0xc];
	s9 =	sadd.s32 $0x1, s24  }
0x102: {  	p0 =	sne.s32 s9, s28  }
.Ltmp5:
0x103: {  	_ = 	snop;
	(pc) =	sbr.rel @p0 .LBB2_1-.Ltmp5, $3  }
0x104: {  	_ =	sdelay $0x1  }
0x105: {  	[sflag:s22] =	ssyncset.done $0x0  }
0x106: {  	[sflag:s22] =	ssyncadd.s32 $0xFFFFD8F0  }
0x107: {  	_ =	sfence.sel $0x180000  }
0x108: {  	[bflag:$0x0] =	sbarrier.arrive $0xFFFF  }
0x109: {  	_ =	strace $0x90000047  }
0x10a: {  	s0 =	stileid.u32;
	[bflag:$0x2] =	sbarrier.arrive $0xFFFF  }
0x10b: {  	p0 =	sne.s32 s0, $0x0;
	s0 =	rddreg [dreg:$0x2]  }
0x10c: {  	s0 =	sadd.s32 @!p0 $0x100000, s0  }
0x10d: {  	[sflag:s0] =	ssyncadd.tile.s32 @!p0 $0x1;
	_ =	shalt  }
.Lfunc_end2:
_tile_overlayer_lowered:
.L_overlay_start_2:
0x10e: {  	(tag) =	ssettag $0x2  }
0x10f: {  	s0 =	rddreg [dreg:$0x0];
	s2 =	stileid.u32  }
0x110: {  	s1 =	rddreg [dreg:$0x1];
	p0 =	sne.s32 s2, $0x0  }
0x111: {  	s3 =	rddreg [dreg:$0x2];
	[bflag:$0x3] =	sbarrier.arrive $0xFFFF;
	s2 =	simm.s32 @!p0 $0x1C09  }
0x112: {  	[timem:s3], [sflag:s2] =	dma.local @!p0 [hbm:s0], s1  }
0x113: {  	s0 =	simm.s32 @!p0 $0x9  }
0x114: {  	_ =	swait.ge @!p0 [sflag:s0], s1  }
0x115: {  	s1 =	ssub.s32 @!p0 $0x0, s1;
	[sflag:s0] =	ssyncset.done @!p0 $0x0  }
0x116: {  	[sflag:s0] =	ssyncadd.s32 @!p0 s1  }
0x117: {  	[bflag:$0x3] =	sbarrier.arrive $0xFFFF  }
0x118: {  	_ =	shalt  }

// kernel: kernel.16.cloned.1.call-start
scs
__scs_entry_jumppad:
0x0: {  	(pc) =	sbr.rel $0x88, $3  }
0x1: {  	(tag) =	ssettag $0x0;
	lr =	simm.s32 $0x1  }
0x2: {  	[smem:$0x3F8F] =	sst lr;
	_ =	strace $0xD0000000  }
0x3: {  	_ = 	snop  }
0x4: {  	_ = 	snop  }
0x5: {  	_ = 	snop  }
0x6: {  	_ = 	snop  }
0x7: {  	_ = 	snop  }
__scs_overlays_trampoline_lowered:
0x8: {  	[smem:$0x3F9E] =	sst s0  }
0x9: {  	[smem:$0x3F9F] =	sst s1  }
0xa: {  	[smem:$0x3FA0] =	sst s2  }
0xb: {  	[smem:$0x3FA1] =	sst s3  }
0xc: {  	[smem:$0x3FA2] =	sst s4  }
0xd: {  	[smem:$0x3FA3] =	sst s5  }
0xe: {  	[smem:$0x3FA4] =	sst s6  }
0xf: {  	[smem:$0x3FA5] =	sst s7  }
0x10: {  	[smem:$0x3FA6] =	sst s8  }
0x11: {  	[smem:$0x3FA7] =	sst s9;
	s0 =	simm.s32 @!p0 $0x0  }
0x12: {  	s1 =	sld [smem:$0x3F8D];
	s0 =	simm.s32 @p0 $0x1  }
0x13: {  	[smem:$0x3FA8] =	sst s0;
	s0 =	simm.s32 @!p1 $0x0  }
0x14: {  	s2 =	sld [smem:$0x3F8C];
	s0 =	simm.s32 @p1 $0x1  }
0x15: {  	[smem:$0x3FA9] =	sst s0;
	s0 =	simm.s32 @!p2 $0x0  }
0x16: {  	s3 =	sld [smem:$0x3FDB];
	s0 =	simm.s32 @p2 $0x1  }
0x17: {  	s4 =	simm.s32 $0x1BF5;
	[smem:$0x3FAB] =	sst s0  }
0x18: {  	s0 =	sld [smem:$0x3F8E];
	_ =	swait.ge [sflag:s4], $0x0  }
0x19: {  	s7 =	sld [smem:$0x3F8F]  }
0x1a: {  	s8 =	sadd.s32 $0xFFFFE003, lr  }
0x1b: {  	s9 =	sadd.s32 $0xFFFFFEF7, lr;
	s5 =	simm.s32 $0xFFFFFFFF;
	p2 =	slt.u32 s8, $0xFFFFF086  }
0x1c: {  	p1 =	slt.u32 s9, $0xF7A;
	s5 =	simm.s32 @!p2 $0x0  }
0x1d: {  	s5 =	simm.s32 @p1 $0x1;
	p0 =	seq.s32 s7, s2  }
0x1e: {  	s7 =	smul.u32 @!p0 $0xF7A, s2;
	p2 =	seq.s32 @!p0 s5, $0x0  }
0x1f: {  	s9 =	smul.u32 $0xF7A, s1;
	s8 =	simm.s32 @!p0 $0x1BF5;
	p2 =	por !p2, p0  }
0x20: {  	[sflag:s8] =	ssyncset.s32 @!p0 $0xFFFFF086;
	s6 =	sadd.s32 @!p0 s3, s7;
	s7 =	simm.s32 @!p0 $0x108  }
0x21: {  	s3 =	sadd.s32 s3, s9;
	s6 =	sadd.s32 @!p0 $0x88, s6;
	s7 =	simm.s32 @p2 $0x1082  }
0x22: {  	[simem:s7], [sflag:s8] =	dma.local @!p0 [hbm:s6], $0xF7A  }
0x23: {  	s9 =	sor.u32 $0xD0000000, s2;
	s6 =	simm.s32 $0x108;
	_ =	swait.ge @!p0 [sflag:s8], $0x0  }
0x24: {  	s3 =	sadd.s32 $0x88, s3;
	s6 =	simm.s32 @!p1 $0x1082;
	[sflag:s4] =	ssyncset.s32 $0xFFFFF086  }
0x25: {  	[simem:s6], [sflag:s4] =	dma.local [hbm:s3], $0xF7A  }
0x26: {  	[smem:$0x3F8F] =	sst s1;
	(tag) =	ssettag s2;
	_ =	strace s9  }
0x27: {  	s1 =	sld [smem:$0x3F9F]  }
0x28: {  	s2 =	sld [smem:$0x3FA0]  }
0x29: {  	s4 =	sld [smem:$0x3FA2]  }
0x2a: {  	p0 =	seq.s32 s5, $0x0;
	s5 =	sld [smem:$0x3FA3]  }
0x2b: {  	s6 =	sld [smem:$0x3FA4]  }
0x2c: {  	s7 =	sld [smem:$0x3FA5]  }
0x2d: {  	s3 =	simm.s32 $0x108;
	s8 =	sld [smem:$0x3FA6]  }
0x2e: {  	s3 =	simm.s32 @!p0 $0x1082;
	s9 =	sld [smem:$0x3FA7]  }
0x2f: {  	lr =	sadd.s32 s0, s3;
	s0 =	sld [smem:$0x3F9E]  }
0x30: {  	s3 =	sld [smem:$0x3FA1]  }
0x31: {  	[smem:$0x3FAA] =	sst s10  }
0x32: {  	s10 =	sld [smem:$0x3FA8];
	_ =	sdelay $0x3  }
0x33: {  	p0 =	seq.s32 s10, $0x1;
	s10 =	sld [smem:$0x3FAA];
	_ =	sdelay $0x3  }
0x34: {  	[smem:$0x3FAA] =	sst s10  }
0x35: {  	s10 =	sld [smem:$0x3FA9];
	_ =	sdelay $0x3  }
0x36: {  	p1 =	seq.s32 s10, $0x1;
	s10 =	sld [smem:$0x3FAA];
	_ =	sdelay $0x3  }
0x37: {  	[smem:$0x3FAA] =	sst s10  }
0x38: {  	s10 =	sld [smem:$0x3FAB]  }
0x39: {  	_ = 	snop;
	(pc) =	sbr.ind lr, $3  }
0x3a: {  	_ = 	snop  }
0x3b: {  	_ = 	snop  }
0x3c: {  	p2 =	seq.s32 s10, $0x1;
	s10 =	sld [smem:$0x3FAA]  }
0x3d: {  	_ =	shalt  }
0x3e: {  	_ =	shalt  }
0x3f: {  	_ =	shalt  }
0x40: {  	_ =	shalt  }
0x41: {  	_ =	shalt  }
0x42: {  	_ =	shalt  }
0x43: {  	_ =	shalt  }
0x44: {  	_ =	shalt  }
0x45: {  	_ =	shalt  }
0x46: {  	_ =	shalt  }
0x47: {  	_ =	shalt  }
0x48: {  	_ =	shalt  }
0x49: {  	_ =	shalt  }
0x4a: {  	_ =	shalt  }
0x4b: {  	_ =	shalt  }
0x4c: {  	_ =	shalt  }
0x4d: {  	_ =	shalt  }
0x4e: {  	_ =	shalt  }
0x4f: {  	_ =	shalt  }
0x50: {  	_ =	shalt  }
0x51: {  	_ =	shalt  }
0x52: {  	_ =	shalt  }
0x53: {  	_ =	shalt  }
0x54: {  	_ =	shalt  }
0x55: {  	_ =	shalt  }
0x56: {  	_ =	shalt  }
0x57: {  	_ =	shalt  }
0x58: {  	_ =	shalt  }
0x59: {  	_ =	shalt  }
0x5a: {  	_ =	shalt  }
0x5b: {  	_ =	shalt  }
0x5c: {  	_ =	shalt  }
0x5d: {  	_ =	shalt  }
0x5e: {  	_ =	shalt  }
0x5f: {  	_ =	shalt  }
0x60: {  	_ =	shalt  }
0x61: {  	_ =	shalt  }
0x62: {  	_ =	shalt  }
0x63: {  	_ =	shalt  }
0x64: {  	_ =	shalt  }
0x65: {  	_ =	shalt  }
0x66: {  	_ =	shalt  }
0x67: {  	_ =	shalt  }
0x68: {  	_ =	shalt  }
0x69: {  	_ =	shalt  }
0x6a: {  	_ =	shalt  }
0x6b: {  	_ =	shalt  }
0x6c: {  	_ =	shalt  }
0x6d: {  	_ =	shalt  }
0x6e: {  	_ =	shalt  }
0x6f: {  	_ =	shalt  }
0x70: {  	_ =	shalt  }
0x71: {  	_ =	shalt  }
0x72: {  	_ =	shalt  }
0x73: {  	_ =	shalt  }
0x74: {  	_ =	shalt  }
0x75: {  	_ =	shalt  }
0x76: {  	_ =	shalt  }
0x77: {  	_ =	shalt  }
0x78: {  	_ =	shalt  }
0x79: {  	_ =	shalt  }
0x7a: {  	_ =	shalt  }
0x7b: {  	_ =	shalt  }
0x7c: {  	_ =	shalt  }
0x7d: {  	_ =	shalt  }
0x7e: {  	_ =	shalt  }
0x7f: {  	_ =	shalt  }
0x80: {  	_ =	shalt  }
0x81: {  	_ =	shalt  }
0x82: {  	_ =	shalt  }
0x83: {  	_ =	shalt  }
0x84: {  	_ =	shalt  }
0x85: {  	_ =	shalt  }
0x86: {  	_ =	shalt  }
0x87: {  	_ =	shalt  }
.Lfunc_end0:
.L_simem_size_0:
called_computation.1_lowered:
.L_overlay_start_0:
0x88: {  	s2 =	sld [smem:$0x3FD9]  }
0x89: {  	s3 =	sld [smem:$0x3FFE];
	_ =	sdelay $0x1  }
0x8a: {  	s1 =	srdreg.scid  }
0x8b: {  	s0 =	sand.u32 $0x1, s1  }
0x8c: {  	s16 =	sshll.u32 s0, $0xA;
	s2 =	sadd.s32 s3, s2  }
0x8d: {  	s2 =	sadd.s32 s2, s16  }
0x8e: {  	[smem:$0x3FB6] =	sst s2  }
0x8f: {  	_ = 	snop  }
0x90: {  	(tm) =	ssettm $0x1  }
0x91: {  	s17 =	sld [smem:$0x3FFB];
	_ =	sdelay $0x3  }
0x92: {  	_ =	strace s17  }
0x93: {  	s2 =	sld [smem:$0x3FFC];
	_ =	sdelay $0x3  }
0x94: {  	_ =	strace s2  }
0x95: {  	s2 =	sld [smem:$0x3FFD];
	_ =	sdelay $0x3  }
0x96: {  	_ =	strace s2  }
0x97: {  	_ =	strace $0x8FFFFFFF  }
0x98: {  	s18 =	sld [smem:$0x3FDB];
	_ =	sdelay $0x1  }
0x99: {  	s19 =	simm.s32 $_scs_section_size  }
0x9a: {  	s4 =	simm.s32 $_size__tile_overlayer_lowered;
	s5 =	simm.s32 $_tile_overlayer_lowered  }
0x9b: {  	s22 =	simm.s32 $0x1BFF;
	s21 =	sshll.u32 s5, $0x1;
	s2 =	sadd.s32 s19, s18  }
0x9c: {  	s6 =	simm.s32 $0x0;
	s20 =	sshll.u32 s4, $0x1;
	s4 =	sadd.s32 s21, s2  }
0x9d: {  	[timem:s6], [sflag:s22] =	dma.local [hbm:s4], s20  }
0x9e: {  	_ =	swait.ge [sflag:s22], s20  }
0x9f: {  	s3 =	ssub.s32 $0x0, s20;
	[sflag:s22] =	ssyncset.done $0x0  }
0xa0: {  	[sflag:s22] =	ssyncadd.s32 s3;
	_ =	sdelay $0x1  }
0xa1: {  	s23 =	simm.s32 $0x1B8B  }
0xa2: {  	_ =	swait.ge [sflag:s23], $0x1  }
0xa3: {  	[sflag:s23] =	ssyncset.done $0x0  }
0xa4: {  	s25 =	simm.s32 $0x1B8E;
	s24 =	sld [smem:$0x3FFE];
	[sflag:s23] =	ssyncadd.s32 $0xFFFFFFFF  }
0xa5: {  	s26 =	simm.s32 $execute0_lowered;
	[smem:$0x3FD2] =	sst s25  }
0xa6: {  	s4 =	sshll.u32 s26, $0x1;
	_ =	strace $0x80000049;
	[dreg:$0x1] =	wrdreg $0xFFFFFFFF  }
0xa7: {  	s28 =	simm.s32 $_size_execute0_lowered;
	s2 =	sadd.s32 s2, s4;
	[dreg:$0x0] =	wrdreg $0x0  }
0xa8: {  	s4 =	sshll.u32 s28, $0x1;
	[dreg:$0x2] =	wrdreg s2  }
0xa9: {  	[dreg:$0x3] =	wrdreg s4  }
0xaa: {  	[dreg:$0x4] =	wrdreg $0xC0  }
0xab: {  	_ =	task [dreg:s6], $0x5FFFF  }
0xac: {  	[dreg:$0x1] =	wrdreg $0xFFFFFFFF  }
0xad: {  	[dreg:$0x0] =	wrdreg $0x60  }
0xae: {  	[dreg:$0x2] =	wrdreg s24  }
0xaf: {  	[dreg:$0x3] =	wrdreg $0x0  }
0xb0: {  	[dreg:$0x4] =	wrdreg $0x9  }
0xb1: {  	_ =	task.clear_ibuf [dreg:s6], $0x5FFFF;
	_ =	strace $0x90000049  }
0xb2: {  	s29 =	simm.s32 $0x9;
	_ =	strace $0x8000004B  }
0xb3: {  	_ =	swait.ge [sflag:s29], $0x1  }
0xb4: {  	[sflag:s29] =	ssyncadd.s32 $0xFFFFFFFF  }
0xb5: {  	_ =	strace $0x9000004B  }
0xb6: {  	_ =	sfence  }
0xb7: {  	s30 =	sld [smem:$0x0];
	_ =	sdelay $0x2  }
0xb8: {  	s31 =	sshll.u32 s1, $0xD;
	s1 =	sshrl.u32 s1, $0x2  }
0xb9: {  	s3 =	sand.u32 $0x4000, s31;
	s1 =	sadd.s32 s1, s30  }
0xba: {  	s0 =	sor.u32 s3, s0;
	s1 =	sshll.u32 s1, $0x11  }
0xbb: {  	s0 =	sor.u32 s1, s0  }
0xbc: {  	s0 =	sadd.s32 $0x8F2B, s0  }
0xbd: {  	[sflag:s0] =	ssyncadd.remote.s32 $0x1  }
0xbe: {  	_ =	sfence.sel $0xFFFF  }
0xbf: {  	[dreg:$0x0] =	wrdreg $0xFFFFFFFF;
	(pc) =	sbr.abs _section_cstart, $3  }
0xc0: {  	[dreg:$0x1] =	wrdreg $0xFFFFFFFF  }
0xc1: {  	_ =	task.clear_ibuf [dreg:s6], $0x2FFFF;
	_ =	strace $0x9FFFFFFF  }
0xc2: {  	(tm) =	ssettm $0x7FFFFFFF  }
0xc3: {  	_ =	shalt  }
tec
execute0_lowered:
.L_overlay_start_1:
0x0: {  	(tag) =	ssettag $0x1  }
0x1: {  	s0 =	rddreg [dreg:$0x0]  }
0x2: {  	s1 =	rddreg [dreg:$0x1];
	s2 =	simm.s32 $0x0  }
0x3: {  	s3 =	srdreg.scid;
	s12 =	stileid.u32;
	s21 =	simm.s32 $0x13A80  }
0x4: {  	s29 =	simm.s32 $0x50;
	s30 =	simm.s32 $0x6;
	s31 =	simm.s32 $0x13A00  }
0x5: {  	s15 =	simm.s32 $0x2;
	s17 =	simm.s32 $0x8;
	s20 =	simm.s32 $0x0  }
0x6: {  	[smem:$0x7FF] =	sst s2;
	s4 =	sadd.s32 $0x507200, s0;
	s8 =	smul.u32 $0x13C00, s12  }
0x7: {  	s3 =	sand.u32 $0x1, s3;
	s5 =	sadd.s32 $0xA5F400, s0;
	s10 =	smul.u32 $0x4E200, s12  }
0x8: {  	s6 =	sadd.s32 $0x4E7E00, s0;
	s7 =	smul.u32 $0x13C000, s3;
	s9 =	sshll.u32 s3, $0x4  }
0x9: {  	_ =	strace $0x8000004A;
	s3 =	ssub.s32 $0x2, s3;
	s9 =	sor.u32 s12, s9  }
0xa: {  	s10 =	sshrl.u32 s10, $0x2;
	s22 =	sshrl.u32 s3, $0x1;
	s8 =	sadd.s32 s8, s7  }
0xb: {  	s7 =	sadd.s32 $0x4F7800, s0;
	s12 =	sadd.s32 s10, s1;
	s25 =	smul.u32 $0x27100, s9  }
0xc: {  	s3 =	ssub.s32 s3, s22;
	s16 =	smul.u32 $0x2710, s9;
	s22 =	simm.s32 $0x9  }
0xd: {  	s11 =	sshrl.u32 s8, $0x3;
	s10 =	sadd.s32 $0x5000, s12;
	[dreg:$0x3] =	wrdreg s12  }
0xe: {  	s8 =	smul.u32 $0x3E80, s9;
	s24 =	sadd.s32 $0xA000, s12;
	[dreg:$0x4] =	wrdreg s10  }
0xf: {  	s14 =	sadd.s32 $0xF000, s12;
	s28 =	smax.u32 s3, $0x1;
	[dreg:$0x5] =	wrdreg s24  }
0x10: {  	s3 =	simm.s32 $0x16280;
	s9 =	simm.s32 $0x0;
	[dreg:$0x7] =	wrdreg s14  }
0x11: {  	s0 =	sadd.s32 s11, s0;
	s26 =	sadd.s32 s5, s25;
	[dreg:$0xc] =	wrdreg s28  }
0x12: {  	s25 =	simm.s32 $0x5;
	s11 =	simm.s32 $0x1;
	s14 =	simm.s32 $0x4  }
0x13: {  	s23 =	sshrl.u32 s8, $0x3;
	[dreg:$0xa] =	wrdreg s26;
	s0 =	sadd.s32 $0x52E400, s0  }
0x14: {  	s18 =	sadd.s32 $0x180, s8;
	s13 =	sadd.s32 s6, s23;
	[dreg:$0xb] =	wrdreg s0  }
0x15: {  	s26 =	simm.s32 $0x13980;
	s10 =	sadd.s32 s7, s23;
	[dreg:$0x6] =	wrdreg s13  }
0x16: {  	s23 =	simm.s32 $0x13880;
	s13 =	sadd.s32 $0x10, s13;
	[dreg:$0x9] =	wrdreg s10  }
0x17: {  	v0 =	vimm.f32 $0.0e+00;
	s10 =	simm.s32 $0x3;
	[dreg:$0x8] =	wrdreg s13;
	s13 =	simm.s32 $0x7  }
.LBB2_1:
0x18: {  	[dreg:$0xd] =	wrdreg s9;
	s0 =	simm.s32 $0x0;
	s9 =	simm.s32 $0x200  }
.LBB2_2:
0x19: {  	p0 =	sne.s32 s9, $0x13E00;
	[tilespmem:s0+$0x13AF0] =	vst v0  }
0x1a: {  	[tilespmem:s0+$0x13A80] =	vst v0  }
0x1b: {  	[tilespmem:s0+$0x13A90] =	vst v0  }
.Ltmp0:
0x1c: {  	[tilespmem:s0+$0x13AA0] =	vst v0;
	(pc) =	sbr.rel @p0 .LBB2_2-.Ltmp0, $4  }
0x1d: {  	[tilespmem:s0+$0x13AB0] =	vst v0  }
0x1e: {  	[tilespmem:s0+$0x13AC0] =	vst v0  }
0x1f: {  	[tilespmem:s0+$0x13AD0] =	vst v0  }
0x20: {  	[tilespmem:s0+$0x13AE0] =	vst v0;
	s0 =	sshra.s32 s9, $0x2;
	s9 =	sadd.s32 $0x200, s9  }
0x21: {  	[tilespmem:s0+$0x13AF0] =	vst v0  }
0x22: {  	[tilespmem:s0+$0x13A80] =	vst v0  }
0x23: {  	[tilespmem:s0+$0x13A90] =	vst v0  }
0x24: {  	[tilespmem:s0+$0x13AA0] =	vst v0  }
0x25: {  	[tilespmem:s0+$0x13AB0] =	vst v0  }
0x26: {  	[tilespmem:s0+$0x13AC0] =	vst v0  }
0x27: {  	[tilespmem:s0+$0x13AD0] =	vst v0  }
0x28: {  	[tilespmem:s0+$0x13AE0] =	vst v0  }
0x29: {  	[spmem:s12] =	stream.linear.scatter [tilespmem:s21], [sflag:$0x9], $0x5000, $0x38;
	[tilespmem:$0x1DA80] =	vst v63  }
0x2a: {  	_ =	swait.ge [sflag:s22], $0x5000  }
0x2b: {  	[sflag:s22] =	ssyncset.done $0x0  }
0x2c: {  	s19 =	rddreg [dreg:$0x4];
	[sflag:s22] =	ssyncadd.s32 $0xFFFFB000  }
0x2d: {  	[spmem:s19] =	stream.linear.scatter [tilespmem:s21], [sflag:$0x9], $0x5000, $0x38;
	[tilespmem:$0x1DA80] =	vst v63  }
0x2e: {  	_ =	swait.ge [sflag:s22], $0x5000  }
0x2f: {  	[sflag:s22] =	ssyncset.done $0x0  }
0x30: {  	s24 =	rddreg [dreg:$0x5];
	[sflag:s22] =	ssyncadd.s32 $0xFFFFB000  }
0x31: {  	[spmem:s24] =	stream.linear.scatter [tilespmem:s21], [sflag:$0x9], $0x5000, $0x38;
	[tilespmem:$0x1DA80] =	vst v63  }
0x32: {  	_ =	swait.ge [sflag:s22], $0x5000  }
0x33: {  	[sflag:s22] =	ssyncset.done $0x0  }
0x34: {  	s28 =	rddreg [dreg:$0x7];
	[sflag:s22] =	ssyncadd.s32 $0xFFFFB000  }
0x35: {  	[spmem:s28] =	stream.linear.scatter [tilespmem:s21], [sflag:$0x9], $0x4880, $0x38;
	[tilespmem:$0x1DA80] =	vst v63  }
0x36: {  	_ =	swait.ge [sflag:s22], $0x4880  }
0x37: {  	[sflag:s22] =	ssyncset.done $0x0  }
0x38: {  	[sflag:s22] =	ssyncadd.s32 $0xFFFFB780  }
0x39: {  	[bflag:$0x0] =	sbarrier.arrive $0xFFFF  }
0x3a: {  	s9 =	rddreg [dreg:$0x6]  }
0x3b: {  	[tilespmem:s23], [sflag:$0x5] =	stream.linear.gather [hbm4b:s9+s20], $0x80, $0x38;
	[tilespmem:$0x1DA80] =	vst v63  }
0x3c: {  	s12 =	rddreg [dreg:$0x8];
	s9 =	simm.s32 $0x13900  }
0x3d: {  	[tilespmem:s9], [sflag:$0x6] =	stream.linear.gather [hbm4b:s12+s20], $0x80, $0x38;
	[tilespmem:$0x1DA80] =	vst v63  }
0x3e: {  	_ =	swait.ge [sflag:s25], $0x80  }
0x3f: {  	[sflag:s25] =	ssyncset.done $0x0  }
0x40: {  	s19 =	rddreg [dreg:$0x9];
	[sflag:s25] =	ssyncadd.s32 $0xFFFFFF80  }
0x41: {  	[tilespmem:s26], [sflag:$0x7] =	stream.linear.gather [hbm4b:s19+s20], $0x80, $0x38;
	[tilespmem:$0x1DA80] =	vst v63  }
0x42: {  	s28 =	simm.s32 $0x18A80;
	s24 =	rddreg [dreg:$0xa]  }
0x43: {  	[tilespmem:s28], [sflag:$0x3] =	stream.linear.gather [hbm4b:s24+s20], $0x2800, $0x38;
	[tilespmem:$0x1DA80] =	vst v63  }
0x44: {  	s12 =	simm.s32 $0x0  }
0x45: {  	[tilespmem:s21], [sflag:$0x1] =	stream.indirect.gather [hbm4b:s4+s29], $0x80, s23, s29, $0xb8;
	[tilespmem:$0x1DA80] =	vst v63  }
.LBB2_4:
0x46: {  	s0 =	sshllo.u32 s12, $0x1  }
0x47: {  	s9 =	sshll.u32 s0, $0x7;
	s0 =	smul.u32 $0x50, s0  }
0x48: {  	_ =	swait.ge [sflag:s30], $0x80;
	s9 =	sadd.s32 s8, s9  }
0x49: {  	[sflag:s30] =	ssyncset.done $0x0;
	s9 =	sshrl.u32 s9, $0x3;
	s0 =	sadd.s32 s16, s0  }
0x4a: {  	[sflag:s30] =	ssyncadd.s32 $0xFFFFFF80;
	s9 =	sadd.s32 s7, s9;
	s0 =	sshll.u32 s0, $0x4  }
0x4b: {  	[tilespmem:s31], [sflag:$0x8] =	stream.linear.gather [hbm4b:s9+s20], $0x80, $0x38;
	[tilespmem:$0x1DA80] =	vst v63  }
0x4c: {  	s19 =	simm.s32 $0x1B280;
	s0 =	sadd.s32 s5, s0  }
0x4d: {  	[tilespmem:s19], [sflag:$0x4] =	stream.linear.gather [hbm4b:s0+s20], $0x2800, $0x38;
	[tilespmem:$0x1DA80] =	vst v63  }
0x4e: {  	s24 =	simm.s32 $0x13900  }
0x4f: {  	[tilespmem:s3], [sflag:$0x2] =	stream.indirect.gather [hbm4b:s4+s29], $0x80, s24, s29, $0xb8;
	[tilespmem:$0x1DA80] =	vst v63  }
0x50: {  	s28 =	sshll.u32 s12, $0x1;
	_ =	swait.ge [sflag:s10], $0x2800  }
0x51: {  	s9 =	sadd.s32 $0x2, s28;
	[sflag:s10] =	ssyncset.done $0x0  }
0x52: {  	s0 =	sshll.u32 s9, $0x7;
	[sflag:s10] =	ssyncadd.s32 $0xFFFFD800  }
0x53: {  	s0 =	sadd.s32 s8, s0;
	_ =	swait.ge [sflag:s11], $0x2800  }
0x54: {  	s19 =	sshrl.u32 s0, $0x3;
	[sflag:s11] =	ssyncset.done $0x0  }
0x55: {  	s0 =	sadd.s32 s6, s19;
	[sflag:s11] =	ssyncadd.s32 $0xFFFFD800  }
0x56: {  	[tilespmem:s23], [sflag:$0x5] =	stream.linear.gather [hbm4b:s0+s20], $0x80, $0x38;
	[tilespmem:$0x1DA80] =	vst v63  }
0x57: {  	s0 =	simm.s32 $0x0  }
0x58: {  	v7 =	vld [tilespmem:s0+$0x18A80]  }
0x59: {  	v12 =	vld [tilespmem:s0+$0x18A90]  }
0x5a: {  	v6 =	vld [tilespmem:s0+$0x18AA0]  }
0x5b: {  	v5 =	vld [tilespmem:s0+$0x18AB0]  }
0x5c: {  	v4 =	vld [tilespmem:s0+$0x18AC0]  }
0x5d: {  	v3 =	vld [tilespmem:s0+$0x18AD0]  }
0x5e: {  	v2 =	vld [tilespmem:s0+$0x18AE0]  }
0x5f: {  	v1 =	vld [tilespmem:s0+$0x18AF0]  }
0x60: {  	v13 =	vld [tilespmem:s0+$0x13A80]  }
0x61: {  	v14 =	vld [tilespmem:s0+$0x13A90]  }
0x62: {  	v11 =	vld [tilespmem:s0+$0x13AA0]  }
0x63: {  	v10 =	vld [tilespmem:s0+$0x13AB0]  }
0x64: {  	v9 =	vld [tilespmem:s0+$0x13AC0]  }
0x65: {  	v8 =	vld [tilespmem:s0+$0x13AD0];
	v13 =	vadd.f32 v7, v13  }
0x66: {  	s24 =	simm.s32 $0x200;
	v12 =	vadd.f32 v12, v14;
	v7 =	vld [tilespmem:s0+$0x13AE0]  }
.LBB2_5:
0x67: {  	s28 =	sshra.s32 s24, $0x2;
	p0 =	sne.s32 s24, $0x9E00;
	v13 =	vmax.f32 v13, $0.0e+00;
	v6 =	vadd.f32 v6, v11;
	v11 =	vld [tilespmem:s0+$0x13AF0]  }
0x68: {  	v14 =	vld [tilespmem:s28+$0x18A80];
	[tilespmem:s0+$0x13A80] =	vst v13;
	v12 =	vmax.f32 v12, $0.0e+00;
	v5 =	vadd.f32 v5, v10  }
0x69: {  	v15 =	vld [tilespmem:s28+$0x18A90];
	[tilespmem:s0+$0x13A90] =	vst v12;
	v10 =	vmax.f32 v6, $0.0e+00;
	v4 =	vadd.f32 v4, v9  }
0x6a: {  	v6 =	vld [tilespmem:s28+$0x18AA0];
	[tilespmem:s0+$0x13AA0] =	vst v10;
	v9 =	vmax.f32 v5, $0.0e+00;
	v3 =	vadd.f32 v3, v8  }
0x6b: {  	v5 =	vld [tilespmem:s28+$0x18AB0];
	[tilespmem:s0+$0x13AB0] =	vst v9;
	v8 =	vmax.f32 v4, $0.0e+00;
	v2 =	vadd.f32 v2, v7  }
0x6c: {  	v4 =	vld [tilespmem:s28+$0x18AC0];
	[tilespmem:s0+$0x13AC0] =	vst v8;
	v7 =	vmax.f32 v3, $0.0e+00;
	v1 =	vadd.f32 v1, v11  }
0x6d: {  	v3 =	vld [tilespmem:s28+$0x18AD0];
	[tilespmem:s0+$0x13AD0] =	vst v7;
	v7 =	vmax.f32 v2, $0.0e+00  }
0x6e: {  	v2 =	vld [tilespmem:s28+$0x18AE0];
	[tilespmem:s0+$0x13AE0] =	vst v7;
	v7 =	vmax.f32 v1, $0.0e+00  }
0x6f: {  	v1 =	vld [tilespmem:s28+$0x18AF0];
	[tilespmem:s0+$0x13AF0] =	vst v7;
	s0 =	smov.u32 s28  }
0x70: {  	v7 =	vld [tilespmem:s0+$0x13A80]  }
0x71: {  	v12 =	vld [tilespmem:s0+$0x13A90]  }
.Ltmp1:
0x72: {  	v11 =	vld [tilespmem:s0+$0x13AA0];
	(pc) =	sbr.rel @p0 .LBB2_5-.Ltmp1, $4  }
0x73: {  	v10 =	vld [tilespmem:s0+$0x13AB0]  }
0x74: {  	v9 =	vld [tilespmem:s0+$0x13AC0]  }
0x75: {  	v13 =	vadd.f32 v14, v7;
	v8 =	vld [tilespmem:s0+$0x13AD0]  }
0x76: {  	s24 =	sadd.s32 $0x200, s24;
	v12 =	vadd.f32 v15, v12;
	v7 =	vld [tilespmem:s0+$0x13AE0]  }
0x77: {  	v13 =	vmax.f32 v13, $0.0e+00;
	v6 =	vadd.f32 v6, v11;
	v11 =	vld [tilespmem:s0+$0x13AF0]  }
0x78: {  	[tilespmem:s0+$0x13A80] =	vst v13;
	v12 =	vmax.f32 v12, $0.0e+00;
	v5 =	vadd.f32 v5, v10  }
0x79: {  	[tilespmem:s0+$0x13A90] =	vst v12;
	v6 =	vmax.f32 v6, $0.0e+00;
	v4 =	vadd.f32 v4, v9  }
0x7a: {  	[tilespmem:s0+$0x13AA0] =	vst v6;
	v5 =	vmax.f32 v5, $0.0e+00;
	v3 =	vadd.f32 v3, v8  }
0x7b: {  	[tilespmem:s0+$0x13AB0] =	vst v5;
	v4 =	vmax.f32 v4, $0.0e+00;
	v2 =	vadd.f32 v2, v7  }
0x7c: {  	[tilespmem:s0+$0x13AC0] =	vst v4;
	v3 =	vmax.f32 v3, $0.0e+00;
	v1 =	vadd.f32 v1, v11  }
0x7d: {  	[tilespmem:s0+$0x13AD0] =	vst v3;
	v2 =	vmax.f32 v2, $0.0e+00  }
0x7e: {  	[tilespmem:s0+$0x13AE0] =	vst v2;
	v1 =	vmax.f32 v1, $0.0e+00  }
0x7f: {  	[tilespmem:s0+$0x13AF0] =	vst v1  }
0x80: {  	_ =	swait.ge [sflag:s13], $0x80  }
0x81: {  	[sflag:s13] =	ssyncset.done $0x0  }
0x82: {  	[sflag:s13] =	ssyncadd.s32 $0xFFFFFF80  }
0x83: {  	[spmem:s1] =	stream.indirect.scatter.add.f32 [tilespmem:s21], [sflag:$0x9], $0x80, s26, s29, $0xb8;
	[tilespmem:$0x1DA80] =	vst v63  }
0x84: {  	_ =	swait.ge [sflag:s22], $0x2800  }
0x85: {  	[sflag:s22] =	ssyncset.done $0x0  }
0x86: {  	s9 =	smul.u32 $0x50, s9;
	[sflag:s22] =	ssyncadd.s32 $0xFFFFD800  }
0x87: {  	_ =	swait.ge [sflag:s25], $0x80  }
0x88: {  	s24 =	sadd.s32 s16, s9;
	[sflag:s25] =	ssyncset.done $0x0  }
0x89: {  	s19 =	sadd.s32 s7, s19;
	s0 =	sshll.u32 s24, $0x4;
	[sflag:s25] =	ssyncadd.s32 $0xFFFFFF80  }
0x8a: {  	[tilespmem:s26], [sflag:$0x7] =	stream.linear.gather [hbm4b:s19+s2], $0x80, $0x38;
	[tilespmem:$0x1DA80] =	vst v63  }
0x8b: {  	s28 =	simm.s32 $0x18A80;
	s0 =	sadd.s32 s5, s0  }
0x8c: {  	[tilespmem:s28], [sflag:$0x3] =	stream.linear.gather [hbm4b:s0+s2], $0x2800, $0x38;
	[tilespmem:$0x1DA80] =	vst v63  }
0x8d: {  	_ = 	snop  }
0x8e: {  	[tilespmem:s21], [sflag:$0x1] =	stream.indirect.gather [hbm4b:s4+s29], $0x80, s23, s29, $0xb8;
	[tilespmem:$0x1DA80] =	vst v63  }
0x8f: {  	_ =	swait.ge [sflag:s14], $0x2800  }
0x90: {  	p0 =	seq.s32 s12, $0x3D;
	[sflag:s14] =	ssyncset.done $0x0  }
0x91: {  	s0 =	sshll.u32 @!p0 s12, $0x8;
	[sflag:s14] =	ssyncadd.s32 $0xFFFFD800  }
0x92: {  	s0 =	sadd.s32 @!p0 s0, s18;
	_ =	swait.ge [sflag:s15], $0x2800  }
0x93: {  	s9 =	simm.s32 @!p0 $0x0;
	s0 =	sshrl.u32 @!p0 s0, $0x3;
	[sflag:s15] =	ssyncset.done $0x0  }
0x94: {  	s19 =	simm.s32 @!p0 $0x13900;
	s0 =	sadd.s32 @!p0 s6, s0;
	[sflag:s15] =	ssyncadd.s32 $0xFFFFD800  }
0x95: {  	[tilespmem:s19], [sflag:$0x6] =	stream.linear.gather @!p0 [hbm4b:s0+s9], $0x80, $0x38;
	[tilespmem:$0x1DA80] =	vst v63  }
0x96: {  	s0 =	simm.s32 $0x0  }
0x97: {  	v7 =	vld [tilespmem:s0+$0x1B280]  }
0x98: {  	v12 =	vld [tilespmem:s0+$0x1B290]  }
0x99: {  	v6 =	vld [tilespmem:s0+$0x1B2A0]  }
0x9a: {  	v5 =	vld [tilespmem:s0+$0x1B2B0]  }
0x9b: {  	v4 =	vld [tilespmem:s0+$0x1B2C0]  }
0x9c: {  	v3 =	vld [tilespmem:s0+$0x1B2D0]  }
0x9d: {  	v2 =	vld [tilespmem:s0+$0x1B2E0]  }
0x9e: {  	v1 =	vld [tilespmem:s0+$0x1B2F0]  }
0x9f: {  	v13 =	vld [tilespmem:s0+$0x16280]  }
0xa0: {  	v14 =	vld [tilespmem:s0+$0x16290]  }
0xa1: {  	v11 =	vld [tilespmem:s0+$0x162A0]  }
0xa2: {  	v10 =	vld [tilespmem:s0+$0x162B0]  }
0xa3: {  	v9 =	vld [tilespmem:s0+$0x162C0]  }
0xa4: {  	v8 =	vld [tilespmem:s0+$0x162D0];
	v13 =	vadd.f32 v7, v13  }
0xa5: {  	s9 =	simm.s32 $0x200;
	v12 =	vadd.f32 v12, v14;
	v7 =	vld [tilespmem:s0+$0x162E0]  }
.LBB2_7:
0xa6: {  	s19 =	sshra.s32 s9, $0x2;
	p0 =	sne.s32 s9, $0x9E00;
	v13 =	vmax.f32 v13, $0.0e+00;
	v6 =	vadd.f32 v6, v11;
	v11 =	vld [tilespmem:s0+$0x162F0]  }
0xa7: {  	v14 =	vld [tilespmem:s19+$0x1B280];
	[tilespmem:s0+$0x16280] =	vst v13;
	v12 =	vmax.f32 v12, $0.0e+00;
	v5 =	vadd.f32 v5, v10  }
0xa8: {  	v15 =	vld [tilespmem:s19+$0x1B290];
	[tilespmem:s0+$0x16290] =	vst v12;
	v10 =	vmax.f32 v6, $0.0e+00;
	v4 =	vadd.f32 v4, v9  }
0xa9: {  	v6 =	vld [tilespmem:s19+$0x1B2A0];
	[tilespmem:s0+$0x162A0] =	vst v10;
	v9 =	vmax.f32 v5, $0.0e+00;
	v3 =	vadd.f32 v3, v8  }
0xaa: {  	v5 =	vld [tilespmem:s19+$0x1B2B0];
	[tilespmem:s0+$0x162B0] =	vst v9;
	v8 =	vmax.f32 v4, $0.0e+00;
	v2 =	vadd.f32 v2, v7  }
0xab: {  	v4 =	vld [tilespmem:s19+$0x1B2C0];
	[tilespmem:s0+$0x162C0] =	vst v8;
	v7 =	vmax.f32 v3, $0.0e+00;
	v1 =	vadd.f32 v1, v11  }
0xac: {  	v3 =	vld [tilespmem:s19+$0x1B2D0];
	[tilespmem:s0+$0x162D0] =	vst v7;
	v7 =	vmax.f32 v2, $0.0e+00  }
0xad: {  	v2 =	vld [tilespmem:s19+$0x1B2E0];
	[tilespmem:s0+$0x162E0] =	vst v7;
	v7 =	vmax.f32 v1, $0.0e+00  }
0xae: {  	v1 =	vld [tilespmem:s19+$0x1B2F0];
	[tilespmem:s0+$0x162F0] =	vst v7;
	s0 =	smov.u32 s19  }
0xaf: {  	v7 =	vld [tilespmem:s0+$0x16280]  }
0xb0: {  	v12 =	vld [tilespmem:s0+$0x16290]  }
.Ltmp2:
0xb1: {  	v11 =	vld [tilespmem:s0+$0x162A0];
	(pc) =	sbr.rel @p0 .LBB2_7-.Ltmp2, $4  }
0xb2: {  	v10 =	vld [tilespmem:s0+$0x162B0]  }
0xb3: {  	v9 =	vld [tilespmem:s0+$0x162C0]  }
0xb4: {  	v13 =	vadd.f32 v14, v7;
	v8 =	vld [tilespmem:s0+$0x162D0]  }
0xb5: {  	s9 =	sadd.s32 $0x200, s9;
	v12 =	vadd.f32 v15, v12;
	v7 =	vld [tilespmem:s0+$0x162E0]  }
0xb6: {  	v13 =	vmax.f32 v13, $0.0e+00;
	v6 =	vadd.f32 v6, v11;
	v63 =	vld [tilespmem:s0+$0x162F0]  }
0xb7: {  	[tilespmem:s0+$0x16280] =	vst v13;
	v12 =	vmax.f32 v12, $0.0e+00;
	v5 =	vadd.f32 v5, v10  }
0xb8: {  	[tilespmem:s0+$0x16290] =	vst v12;
	v6 =	vmax.f32 v6, $0.0e+00;
	v4 =	vadd.f32 v4, v9  }
0xb9: {  	[tilespmem:s0+$0x162A0] =	vst v6;
	v5 =	vmax.f32 v5, $0.0e+00;
	v3 =	vadd.f32 v3, v8  }
0xba: {  	[tilespmem:s0+$0x162B0] =	vst v5;
	v4 =	vmax.f32 v4, $0.0e+00;
	v2 =	vadd.f32 v2, v7  }
0xbb: {  	[tilespmem:s0+$0x162C0] =	vst v4;
	v3 =	vmax.f32 v3, $0.0e+00;
	v1 =	vadd.f32 v1, v63  }
0xbc: {  	[tilespmem:s0+$0x162D0] =	vst v3;
	v2 =	vmax.f32 v2, $0.0e+00  }
0xbd: {  	[tilespmem:s0+$0x162E0] =	vst v2;
	v1 =	vmax.f32 v1, $0.0e+00  }
0xbe: {  	[tilespmem:s0+$0x162F0] =	vst v1  }
0xbf: {  	s12 =	sadd.s32 $0x1, s12;
	_ =	swait.ge [sflag:s17], $0x80  }
0xc0: {  	p0 =	sne.s32 s12, $0x3E;
	[sflag:s17] =	ssyncset.done $0x0  }
.Ltmp3:
0xc1: {  	[sflag:s17] =	ssyncadd.s32 $0xFFFFFF80;
	(pc) =	sbr.rel @p0 .LBB2_4-.Ltmp3, $4  }
0xc2: {  	[spmem:s1] =	stream.indirect.scatter.add.f32 [tilespmem:s3], [sflag:$0x9], $0x80, s31, s29, $0xb8;
	[tilespmem:$0x1DA80] =	vst v63  }
0xc3: {  	_ =	swait.ge [sflag:s22], $0x2800  }
0xc4: {  	[sflag:s22] =	ssyncset.done $0x0  }
0xc5: {  	[sflag:s22] =	ssyncadd.s32 $0xFFFFD800  }
0xc6: {  	_ =	swait.ge [sflag:s10], $0x2800  }
0xc7: {  	[sflag:s10] =	ssyncset.done $0x0  }
0xc8: {  	[sflag:s10] =	ssyncadd.s32 $0xFFFFD800  }
0xc9: {  	_ =	swait.ge [sflag:s11], $0x2800  }
0xca: {  	[sflag:s11] =	ssyncset.done $0x0  }
0xcb: {  	s0 =	simm.s32 $0x0;
	[sflag:s11] =	ssyncadd.s32 $0xFFFFD800  }
0xcc: {  	v7 =	vld [tilespmem:s0+$0x18A80]  }
0xcd: {  	v12 =	vld [tilespmem:s0+$0x18A90]  }
0xce: {  	v6 =	vld [tilespmem:s0+$0x18AA0]  }
0xcf: {  	v5 =	vld [tilespmem:s0+$0x18AB0]  }
0xd0: {  	v4 =	vld [tilespmem:s0+$0x18AC0]  }
0xd1: {  	v3 =	vld [tilespmem:s0+$0x18AD0]  }
0xd2: {  	v2 =	vld [tilespmem:s0+$0x18AE0]  }
0xd3: {  	v1 =	vld [tilespmem:s0+$0x18AF0]  }
0xd4: {  	v13 =	vld [tilespmem:s0+$0x13A80]  }
0xd5: {  	v14 =	vld [tilespmem:s0+$0x13A90]  }
0xd6: {  	v11 =	vld [tilespmem:s0+$0x13AA0]  }
0xd7: {  	v10 =	vld [tilespmem:s0+$0x13AB0]  }
0xd8: {  	v9 =	vld [tilespmem:s0+$0x13AC0]  }
0xd9: {  	v8 =	vld [tilespmem:s0+$0x13AD0];
	v13 =	vadd.f32 v7, v13  }
0xda: {  	s9 =	simm.s32 $0x200;
	v12 =	vadd.f32 v12, v14;
	v7 =	vld [tilespmem:s0+$0x13AE0]  }
.LBB2_10:
0xdb: {  	s12 =	sshra.s32 s9, $0x2;
	p0 =	sne.s32 s9, $0x9E00;
	v13 =	vmax.f32 v13, $0.0e+00;
	v6 =	vadd.f32 v6, v11;
	v11 =	vld [tilespmem:s0+$0x13AF0]  }
0xdc: {  	v14 =	vld [tilespmem:s12+$0x18A80];
	[tilespmem:s0+$0x13A80] =	vst v13;
	v12 =	vmax.f32 v12, $0.0e+00;
	v5 =	vadd.f32 v5, v10  }
0xdd: {  	v15 =	vld [tilespmem:s12+$0x18A90];
	[tilespmem:s0+$0x13A90] =	vst v12;
	v10 =	vmax.f32 v6, $0.0e+00;
	v4 =	vadd.f32 v4, v9  }
0xde: {  	v6 =	vld [tilespmem:s12+$0x18AA0];
	[tilespmem:s0+$0x13AA0] =	vst v10;
	v9 =	vmax.f32 v5, $0.0e+00;
	v3 =	vadd.f32 v3, v8  }
0xdf: {  	v5 =	vld [tilespmem:s12+$0x18AB0];
	[tilespmem:s0+$0x13AB0] =	vst v9;
	v8 =	vmax.f32 v4, $0.0e+00;
	v2 =	vadd.f32 v2, v7  }
0xe0: {  	v4 =	vld [tilespmem:s12+$0x18AC0];
	[tilespmem:s0+$0x13AC0] =	vst v8;
	v7 =	vmax.f32 v3, $0.0e+00;
	v1 =	vadd.f32 v1, v11  }
0xe1: {  	v3 =	vld [tilespmem:s12+$0x18AD0];
	[tilespmem:s0+$0x13AD0] =	vst v7;
	v7 =	vmax.f32 v2, $0.0e+00  }
0xe2: {  	v2 =	vld [tilespmem:s12+$0x18AE0];
	[tilespmem:s0+$0x13AE0] =	vst v7;
	v7 =	vmax.f32 v1, $0.0e+00  }
0xe3: {  	v1 =	vld [tilespmem:s12+$0x18AF0];
	[tilespmem:s0+$0x13AF0] =	vst v7;
	s0 =	smov.u32 s12  }
0xe4: {  	v7 =	vld [tilespmem:s0+$0x13A80]  }
0xe5: {  	v12 =	vld [tilespmem:s0+$0x13A90]  }
.Ltmp4:
0xe6: {  	v11 =	vld [tilespmem:s0+$0x13AA0];
	(pc) =	sbr.rel @p0 .LBB2_10-.Ltmp4, $4  }
0xe7: {  	v10 =	vld [tilespmem:s0+$0x13AB0]  }
0xe8: {  	v9 =	vld [tilespmem:s0+$0x13AC0]  }
0xe9: {  	v13 =	vadd.f32 v14, v7;
	v8 =	vld [tilespmem:s0+$0x13AD0]  }
0xea: {  	s9 =	sadd.s32 $0x200, s9;
	v12 =	vadd.f32 v15, v12;
	v7 =	vld [tilespmem:s0+$0x13AE0]  }
0xeb: {  	v13 =	vmax.f32 v13, $0.0e+00;
	v6 =	vadd.f32 v6, v11;
	v63 =	vld [tilespmem:s0+$0x13AF0]  }
0xec: {  	[tilespmem:s0+$0x13A80] =	vst v13;
	v12 =	vmax.f32 v12, $0.0e+00;
	v5 =	vadd.f32 v5, v10  }
0xed: {  	[tilespmem:s0+$0x13A90] =	vst v12;
	v6 =	vmax.f32 v6, $0.0e+00;
	v4 =	vadd.f32 v4, v9  }
0xee: {  	[tilespmem:s0+$0x13AA0] =	vst v6;
	v5 =	vmax.f32 v5, $0.0e+00;
	v3 =	vadd.f32 v3, v8  }
0xef: {  	[tilespmem:s0+$0x13AB0] =	vst v5;
	v4 =	vmax.f32 v4, $0.0e+00;
	v2 =	vadd.f32 v2, v7  }
0xf0: {  	[tilespmem:s0+$0x13AC0] =	vst v4;
	v3 =	vmax.f32 v3, $0.0e+00;
	v1 =	vadd.f32 v1, v63  }
0xf1: {  	[tilespmem:s0+$0x13AD0] =	vst v3;
	v2 =	vmax.f32 v2, $0.0e+00  }
0xf2: {  	[tilespmem:s0+$0x13AE0] =	vst v2;
	v1 =	vmax.f32 v1, $0.0e+00  }
0xf3: {  	[tilespmem:s0+$0x13AF0] =	vst v1  }
0xf4: {  	_ =	swait.ge [sflag:s13], $0x80  }
0xf5: {  	[sflag:s13] =	ssyncset.done $0x0  }
0xf6: {  	[sflag:s13] =	ssyncadd.s32 $0xFFFFFF80  }
0xf7: {  	[spmem:s1] =	stream.indirect.scatter.add.f32 [tilespmem:s21], [sflag:$0x9], $0x80, s26, s29, $0xb8;
	[tilespmem:$0x1DA80] =	vst v63  }
0xf8: {  	_ =	swait.ge [sflag:s22], $0x2800  }
0xf9: {  	[sflag:s22] =	ssyncset.done $0x0  }
0xfa: {  	[sflag:s22] =	ssyncadd.s32 $0xFFFFD800  }
0xfb: {  	s19 =	stileid.u32;
	[bflag:$0x0] =	sbarrier.arrive $0xFFFF  }
0xfc: {  	s0 =	sshll.u32 s19, $0x6;
	s12 =	rddreg [dreg:$0x3]  }
0xfd: {  	s0 =	sor.u32 $0x1C09, s0;
	s19 =	rddreg [dreg:$0xb];
	s9 =	sshrl.u32 s12, $0x3  }
0xfe: {  	[hbm:s19], [sflag:s0] =	dma.local [spmem:s9], $0x2710  }
0xff: {  	_ =	swait.ge [sflag:s22], $0x2710  }
0x100: {  	s24 =	rddreg [dreg:$0xd]  }
0x101: {  	s28 =	rddreg [dreg:$0xc];
	s9 =	sadd.s32 $0x1, s24  }
0x102: {  	p0 =	sne.s32 s9, s28  }
.Ltmp5:
0x103: {  	_ = 	snop;
	(pc) =	sbr.rel @p0 .LBB2_1-.Ltmp5, $3  }
0x104: {  	_ =	sdelay $0x1  }
0x105: {  	[sflag:s22] =	ssyncset.done $0x0  }
0x106: {  	[sflag:s22] =	ssyncadd.s32 $0xFFFFD8F0  }
0x107: {  	_ =	sfence.sel $0x180000  }
0x108: {  	[bflag:$0x0] =	sbarrier.arrive $0xFFFF  }
0x109: {  	_ =	strace $0x9000004A  }
0x10a: {  	s0 =	stileid.u32;
	[bflag:$0x2] =	sbarrier.arrive $0xFFFF  }
0x10b: {  	p0 =	sne.s32 s0, $0x0;
	s0 =	rddreg [dreg:$0x2]  }
0x10c: {  	s0 =	sadd.s32 @!p0 $0x100000, s0  }
0x10d: {  	[sflag:s0] =	ssyncadd.tile.s32 @!p0 $0x1;
	_ =	shalt  }
.Lfunc_end2:
_tile_overlayer_lowered:
.L_overlay_start_2:
0x10e: {  	(tag) =	ssettag $0x2  }
0x10f: {  	s0 =	rddreg [dreg:$0x0];
	s2 =	stileid.u32  }
0x110: {  	s1 =	rddreg [dreg:$0x1];
	p0 =	sne.s32 s2, $0x0  }
0x111: {  	s3 =	rddreg [dreg:$0x2];
	[bflag:$0x3] =	sbarrier.arrive $0xFFFF;
	s2 =	simm.s32 @!p0 $0x1C09  }
0x112: {  	[timem:s3], [sflag:s2] =	dma.local @!p0 [hbm:s0], s1  }
0x113: {  	s0 =	simm.s32 @!p0 $0x9  }
0x114: {  	_ =	swait.ge @!p0 [sflag:s0], s1  }
0x115: {  	s1 =	ssub.s32 @!p0 $0x0, s1;
	[sflag:s0] =	ssyncset.done @!p0 $0x0  }
0x116: {  	[sflag:s0] =	ssyncadd.s32 @!p0 s1  }
0x117: {  	[bflag:$0x3] =	sbarrier.arrive $0xFFFF  }
0x118: {  	_ =	shalt  }

// kernel: kernel.19.cloned.1.call-start
scs
__scs_entry_jumppad:
0x0: {  	(pc) =	sbr.rel $0x88, $3  }
0x1: {  	(tag) =	ssettag $0x0;
	lr =	simm.s32 $0x1  }
0x2: {  	[smem:$0x3F8F] =	sst lr;
	_ =	strace $0xD0000000  }
0x3: {  	_ = 	snop  }
0x4: {  	_ = 	snop  }
0x5: {  	_ = 	snop  }
0x6: {  	_ = 	snop  }
0x7: {  	_ = 	snop  }
__scs_overlays_trampoline_lowered:
0x8: {  	[smem:$0x3F9E] =	sst s0  }
0x9: {  	[smem:$0x3F9F] =	sst s1  }
0xa: {  	[smem:$0x3FA0] =	sst s2  }
0xb: {  	[smem:$0x3FA1] =	sst s3  }
0xc: {  	[smem:$0x3FA2] =	sst s4  }
0xd: {  	[smem:$0x3FA3] =	sst s5  }
0xe: {  	[smem:$0x3FA4] =	sst s6  }
0xf: {  	[smem:$0x3FA5] =	sst s7  }
0x10: {  	[smem:$0x3FA6] =	sst s8  }
0x11: {  	[smem:$0x3FA7] =	sst s9;
	s0 =	simm.s32 @!p0 $0x0  }
0x12: {  	s1 =	sld [smem:$0x3F8D];
	s0 =	simm.s32 @p0 $0x1  }
0x13: {  	[smem:$0x3FA8] =	sst s0;
	s0 =	simm.s32 @!p1 $0x0  }
0x14: {  	s2 =	sld [smem:$0x3F8C];
	s0 =	simm.s32 @p1 $0x1  }
0x15: {  	[smem:$0x3FA9] =	sst s0;
	s0 =	simm.s32 @!p2 $0x0  }
0x16: {  	s3 =	sld [smem:$0x3FDB];
	s0 =	simm.s32 @p2 $0x1  }
0x17: {  	s4 =	simm.s32 $0x1BF5;
	[smem:$0x3FAB] =	sst s0  }
0x18: {  	s0 =	sld [smem:$0x3F8E];
	_ =	swait.ge [sflag:s4], $0x0  }
0x19: {  	s7 =	sld [smem:$0x3F8F]  }
0x1a: {  	s8 =	sadd.s32 $0xFFFFE003, lr  }
0x1b: {  	s9 =	sadd.s32 $0xFFFFFEF7, lr;
	s5 =	simm.s32 $0xFFFFFFFF;
	p2 =	slt.u32 s8, $0xFFFFF086  }
0x1c: {  	p1 =	slt.u32 s9, $0xF7A;
	s5 =	simm.s32 @!p2 $0x0  }
0x1d: {  	s5 =	simm.s32 @p1 $0x1;
	p0 =	seq.s32 s7, s2  }
0x1e: {  	s7 =	smul.u32 @!p0 $0xF7A, s2;
	p2 =	seq.s32 @!p0 s5, $0x0  }
0x1f: {  	s9 =	smul.u32 $0xF7A, s1;
	s8 =	simm.s32 @!p0 $0x1BF5;
	p2 =	por !p2, p0  }
0x20: {  	[sflag:s8] =	ssyncset.s32 @!p0 $0xFFFFF086;
	s6 =	sadd.s32 @!p0 s3, s7;
	s7 =	simm.s32 @!p0 $0x108  }
0x21: {  	s3 =	sadd.s32 s3, s9;
	s6 =	sadd.s32 @!p0 $0x88, s6;
	s7 =	simm.s32 @p2 $0x1082  }
0x22: {  	[simem:s7], [sflag:s8] =	dma.local @!p0 [hbm:s6], $0xF7A  }
0x23: {  	s9 =	sor.u32 $0xD0000000, s2;
	s6 =	simm.s32 $0x108;
	_ =	swait.ge @!p0 [sflag:s8], $0x0  }
0x24: {  	s3 =	sadd.s32 $0x88, s3;
	s6 =	simm.s32 @!p1 $0x1082;
	[sflag:s4] =	ssyncset.s32 $0xFFFFF086  }
0x25: {  	[simem:s6], [sflag:s4] =	dma.local [hbm:s3], $0xF7A  }
0x26: {  	[smem:$0x3F8F] =	sst s1;
	(tag) =	ssettag s2;
	_ =	strace s9  }
0x27: {  	s1 =	sld [smem:$0x3F9F]  }
0x28: {  	s2 =	sld [smem:$0x3FA0]  }
0x29: {  	s4 =	sld [smem:$0x3FA2]  }
0x2a: {  	p0 =	seq.s32 s5, $0x0;
	s5 =	sld [smem:$0x3FA3]  }
0x2b: {  	s6 =	sld [smem:$0x3FA4]  }
0x2c: {  	s7 =	sld [smem:$0x3FA5]  }
0x2d: {  	s3 =	simm.s32 $0x108;
	s8 =	sld [smem:$0x3FA6]  }
0x2e: {  	s3 =	simm.s32 @!p0 $0x1082;
	s9 =	sld [smem:$0x3FA7]  }
0x2f: {  	lr =	sadd.s32 s0, s3;
	s0 =	sld [smem:$0x3F9E]  }
0x30: {  	s3 =	sld [smem:$0x3FA1]  }
0x31: {  	[smem:$0x3FAA] =	sst s10  }
0x32: {  	s10 =	sld [smem:$0x3FA8];
	_ =	sdelay $0x3  }
0x33: {  	p0 =	seq.s32 s10, $0x1;
	s10 =	sld [smem:$0x3FAA];
	_ =	sdelay $0x3  }
0x34: {  	[smem:$0x3FAA] =	sst s10  }
0x35: {  	s10 =	sld [smem:$0x3FA9];
	_ =	sdelay $0x3  }
0x36: {  	p1 =	seq.s32 s10, $0x1;
	s10 =	sld [smem:$0x3FAA];
	_ =	sdelay $0x3  }
0x37: {  	[smem:$0x3FAA] =	sst s10  }
0x38: {  	s10 =	sld [smem:$0x3FAB]  }
0x39: {  	_ = 	snop;
	(pc) =	sbr.ind lr, $3  }
0x3a: {  	_ = 	snop  }
0x3b: {  	_ = 	snop  }
0x3c: {  	p2 =	seq.s32 s10, $0x1;
	s10 =	sld [smem:$0x3FAA]  }
0x3d: {  	_ =	shalt  }
0x3e: {  	_ =	shalt  }
0x3f: {  	_ =	shalt  }
0x40: {  	_ =	shalt  }
0x41: {  	_ =	shalt  }
0x42: {  	_ =	shalt  }
0x43: {  	_ =	shalt  }
0x44: {  	_ =	shalt  }
0x45: {  	_ =	shalt  }
0x46: {  	_ =	shalt  }
0x47: {  	_ =	shalt  }
0x48: {  	_ =	shalt  }
0x49: {  	_ =	shalt  }
0x4a: {  	_ =	shalt  }
0x4b: {  	_ =	shalt  }
0x4c: {  	_ =	shalt  }
0x4d: {  	_ =	shalt  }
0x4e: {  	_ =	shalt  }
0x4f: {  	_ =	shalt  }
0x50: {  	_ =	shalt  }
0x51: {  	_ =	shalt  }
0x52: {  	_ =	shalt  }
0x53: {  	_ =	shalt  }
0x54: {  	_ =	shalt  }
0x55: {  	_ =	shalt  }
0x56: {  	_ =	shalt  }
0x57: {  	_ =	shalt  }
0x58: {  	_ =	shalt  }
0x59: {  	_ =	shalt  }
0x5a: {  	_ =	shalt  }
0x5b: {  	_ =	shalt  }
0x5c: {  	_ =	shalt  }
0x5d: {  	_ =	shalt  }
0x5e: {  	_ =	shalt  }
0x5f: {  	_ =	shalt  }
0x60: {  	_ =	shalt  }
0x61: {  	_ =	shalt  }
0x62: {  	_ =	shalt  }
0x63: {  	_ =	shalt  }
0x64: {  	_ =	shalt  }
0x65: {  	_ =	shalt  }
0x66: {  	_ =	shalt  }
0x67: {  	_ =	shalt  }
0x68: {  	_ =	shalt  }
0x69: {  	_ =	shalt  }
0x6a: {  	_ =	shalt  }
0x6b: {  	_ =	shalt  }
0x6c: {  	_ =	shalt  }
0x6d: {  	_ =	shalt  }
0x6e: {  	_ =	shalt  }
0x6f: {  	_ =	shalt  }
0x70: {  	_ =	shalt  }
0x71: {  	_ =	shalt  }
0x72: {  	_ =	shalt  }
0x73: {  	_ =	shalt  }
0x74: {  	_ =	shalt  }
0x75: {  	_ =	shalt  }
0x76: {  	_ =	shalt  }
0x77: {  	_ =	shalt  }
0x78: {  	_ =	shalt  }
0x79: {  	_ =	shalt  }
0x7a: {  	_ =	shalt  }
0x7b: {  	_ =	shalt  }
0x7c: {  	_ =	shalt  }
0x7d: {  	_ =	shalt  }
0x7e: {  	_ =	shalt  }
0x7f: {  	_ =	shalt  }
0x80: {  	_ =	shalt  }
0x81: {  	_ =	shalt  }
0x82: {  	_ =	shalt  }
0x83: {  	_ =	shalt  }
0x84: {  	_ =	shalt  }
0x85: {  	_ =	shalt  }
0x86: {  	_ =	shalt  }
0x87: {  	_ =	shalt  }
.Lfunc_end0:
.L_simem_size_0:
called_computation.2_lowered:
.L_overlay_start_0:
0x88: {  	s2 =	sld [smem:$0x3FD9]  }
0x89: {  	s3 =	sld [smem:$0x3FFE];
	_ =	sdelay $0x1  }
0x8a: {  	s1 =	srdreg.scid  }
0x8b: {  	s0 =	sand.u32 $0x1, s1  }
0x8c: {  	s16 =	sshll.u32 s0, $0xA;
	s2 =	sadd.s32 s3, s2  }
0x8d: {  	s2 =	sadd.s32 s2, s16  }
0x8e: {  	[smem:$0x3FB6] =	sst s2  }
0x8f: {  	_ = 	snop  }
0x90: {  	(tm) =	ssettm $0x1  }
0x91: {  	s17 =	sld [smem:$0x3FFB];
	_ =	sdelay $0x3  }
0x92: {  	_ =	strace s17  }
0x93: {  	s2 =	sld [smem:$0x3FFC];
	_ =	sdelay $0x3  }
0x94: {  	_ =	strace s2  }
0x95: {  	s2 =	sld [smem:$0x3FFD];
	_ =	sdelay $0x3  }
0x96: {  	_ =	strace s2  }
0x97: {  	_ =	strace $0x8FFFFFFF  }
0x98: {  	s18 =	sld [smem:$0x3FDB];
	_ =	sdelay $0x1  }
0x99: {  	s19 =	simm.s32 $_scs_section_size  }
0x9a: {  	s4 =	simm.s32 $_size__tile_overlayer_lowered;
	s5 =	simm.s32 $_tile_overlayer_lowered  }
0x9b: {  	s22 =	simm.s32 $0x1BFF;
	s21 =	sshll.u32 s5, $0x1;
	s2 =	sadd.s32 s19, s18  }
0x9c: {  	s6 =	simm.s32 $0x0;
	s20 =	sshll.u32 s4, $0x1;
	s4 =	sadd.s32 s21, s2  }
0x9d: {  	[timem:s6], [sflag:s22] =	dma.local [hbm:s4], s20  }
0x9e: {  	_ =	swait.ge [sflag:s22], s20  }
0x9f: {  	s3 =	ssub.s32 $0x0, s20;
	[sflag:s22] =	ssyncset.done $0x0  }
0xa0: {  	[sflag:s22] =	ssyncadd.s32 s3;
	_ =	sdelay $0x1  }
0xa1: {  	s23 =	simm.s32 $0x1B8B  }
0xa2: {  	_ =	swait.ge [sflag:s23], $0x1  }
0xa3: {  	[sflag:s23] =	ssyncset.done $0x0  }
0xa4: {  	s25 =	simm.s32 $0x1B8E;
	s24 =	sld [smem:$0x3FFE];
	[sflag:s23] =	ssyncadd.s32 $0xFFFFFFFF  }
0xa5: {  	s26 =	simm.s32 $execute0_lowered;
	[smem:$0x3FD2] =	sst s25  }
0xa6: {  	s4 =	sshll.u32 s26, $0x1;
	_ =	strace $0x8000004C;
	[dreg:$0x1] =	wrdreg $0xFFFFFFFF  }
0xa7: {  	s28 =	simm.s32 $_size_execute0_lowered;
	s2 =	sadd.s32 s2, s4;
	[dreg:$0x0] =	wrdreg $0x0  }
0xa8: {  	s4 =	sshll.u32 s28, $0x1;
	[dreg:$0x2] =	wrdreg s2  }
0xa9: {  	[dreg:$0x3] =	wrdreg s4  }
0xaa: {  	[dreg:$0x4] =	wrdreg $0xC0  }
0xab: {  	_ =	task [dreg:s6], $0x5FFFF  }
0xac: {  	[dreg:$0x1] =	wrdreg $0xFFFFFFFF  }
0xad: {  	[dreg:$0x0] =	wrdreg $0x60  }
0xae: {  	[dreg:$0x2] =	wrdreg s24  }
0xaf: {  	[dreg:$0x3] =	wrdreg $0x0  }
0xb0: {  	[dreg:$0x4] =	wrdreg $0x9  }
0xb1: {  	_ =	task.clear_ibuf [dreg:s6], $0x5FFFF;
	_ =	strace $0x9000004C  }
0xb2: {  	s29 =	simm.s32 $0x9;
	_ =	strace $0x8000004E  }
0xb3: {  	_ =	swait.ge [sflag:s29], $0x1  }
0xb4: {  	[sflag:s29] =	ssyncadd.s32 $0xFFFFFFFF  }
0xb5: {  	_ =	strace $0x9000004E  }
0xb6: {  	_ =	sfence  }
0xb7: {  	s30 =	sld [smem:$0x0];
	_ =	sdelay $0x2  }
0xb8: {  	s31 =	sshll.u32 s1, $0xD;
	s1 =	sshrl.u32 s1, $0x2  }
0xb9: {  	s3 =	sand.u32 $0x4000, s31;
	s1 =	sadd.s32 s1, s30  }
0xba: {  	s0 =	sor.u32 s3, s0;
	s1 =	sshll.u32 s1, $0x11  }
0xbb: {  	s0 =	sor.u32 s1, s0  }
0xbc: {  	s0 =	sadd.s32 $0x8F2B, s0  }
0xbd: {  	[sflag:s0] =	ssyncadd.remote.s32 $0x1  }
0xbe: {  	_ =	sfence.sel $0xFFFF  }
0xbf: {  	[dreg:$0x0] =	wrdreg $0xFFFFFFFF;
	(pc) =	sbr.abs _section_cstart, $3  }
0xc0: {  	[dreg:$0x1] =	wrdreg $0xFFFFFFFF  }
0xc1: {  	_ =	task.clear_ibuf [dreg:s6], $0x2FFFF;
	_ =	strace $0x9FFFFFFF  }
0xc2: {  	(tm) =	ssettm $0x7FFFFFFF  }
0xc3: {  	_ =	shalt  }
tec
execute0_lowered:
.L_overlay_start_1:
0x0: {  	(tag) =	ssettag $0x1  }
0x1: {  	s0 =	rddreg [dreg:$0x0]  }
0x2: {  	s1 =	rddreg [dreg:$0x1];
	s2 =	simm.s32 $0x0  }
0x3: {  	s3 =	srdreg.scid;
	s12 =	stileid.u32;
	s21 =	simm.s32 $0x13A80  }
0x4: {  	s29 =	simm.s32 $0x50;
	s30 =	simm.s32 $0x6;
	s31 =	simm.s32 $0x13A00  }
0x5: {  	s15 =	simm.s32 $0x2;
	s17 =	simm.s32 $0x8;
	s20 =	simm.s32 $0x0  }
0x6: {  	[smem:$0x7FF] =	sst s2;
	s4 =	sadd.s32 $0x507200, s0;
	s8 =	smul.u32 $0x13C00, s12  }
0x7: {  	s3 =	sand.u32 $0x1, s3;
	s5 =	sadd.s32 $0x57D400, s0;
	s10 =	smul.u32 $0x4E200, s12  }
0x8: {  	s6 =	sadd.s32 $0x4E7E00, s0;
	s7 =	smul.u32 $0x13C000, s3;
	s9 =	sshll.u32 s3, $0x4  }
0x9: {  	_ =	strace $0x8000004D;
	s3 =	ssub.s32 $0x2, s3;
	s9 =	sor.u32 s12, s9  }
0xa: {  	s10 =	sshrl.u32 s10, $0x2;
	s22 =	sshrl.u32 s3, $0x1;
	s8 =	sadd.s32 s8, s7  }
0xb: {  	s7 =	sadd.s32 $0x4F7800, s0;
	s12 =	sadd.s32 s10, s1;
	s25 =	smul.u32 $0x27100, s9  }
0xc: {  	s3 =	ssub.s32 s3, s22;
	s16 =	smul.u32 $0x2710, s9;
	s22 =	simm.s32 $0x9  }
0xd: {  	s11 =	sshrl.u32 s8, $0x3;
	s10 =	sadd.s32 $0x5000, s12;
	[dreg:$0x3] =	wrdreg s12  }
0xe: {  	s8 =	smul.u32 $0x3E80, s9;
	s24 =	sadd.s32 $0xA000, s12;
	[dreg:$0x4] =	wrdreg s10  }
0xf: {  	s14 =	sadd.s32 $0xF000, s12;
	s28 =	smax.u32 s3, $0x1;
	[dreg:$0x5] =	wrdreg s24  }
0x10: {  	s3 =	simm.s32 $0x16280;
	s9 =	simm.s32 $0x0;
	[dreg:$0x7] =	wrdreg s14  }
0x11: {  	s0 =	sadd.s32 s11, s0;
	s26 =	sadd.s32 s5, s25;
	[dreg:$0xc] =	wrdreg s28  }
0x12: {  	s25 =	simm.s32 $0x5;
	s11 =	simm.s32 $0x1;
	s14 =	simm.s32 $0x4  }
0x13: {  	s23 =	sshrl.u32 s8, $0x3;
	[dreg:$0xa] =	wrdreg s26;
	s0 =	sadd.s32 $0x52E400, s0  }
0x14: {  	s18 =	sadd.s32 $0x180, s8;
	s13 =	sadd.s32 s6, s23;
	[dreg:$0xb] =	wrdreg s0  }
0x15: {  	s26 =	simm.s32 $0x13980;
	s10 =	sadd.s32 s7, s23;
	[dreg:$0x6] =	wrdreg s13  }
0x16: {  	s23 =	simm.s32 $0x13880;
	s13 =	sadd.s32 $0x10, s13;
	[dreg:$0x9] =	wrdreg s10  }
0x17: {  	v0 =	vimm.f32 $0.0e+00;
	s10 =	simm.s32 $0x3;
	[dreg:$0x8] =	wrdreg s13;
	s13 =	simm.s32 $0x7  }
.LBB2_1:
0x18: {  	[dreg:$0xd] =	wrdreg s9;
	s0 =	simm.s32 $0x0;
	s9 =	simm.s32 $0x200  }
.LBB2_2:
0x19: {  	p0 =	sne.s32 s9, $0x13E00;
	[tilespmem:s0+$0x13AF0] =	vst v0  }
0x1a: {  	[tilespmem:s0+$0x13A80] =	vst v0  }
0x1b: {  	[tilespmem:s0+$0x13A90] =	vst v0  }
.Ltmp0:
0x1c: {  	[tilespmem:s0+$0x13AA0] =	vst v0;
	(pc) =	sbr.rel @p0 .LBB2_2-.Ltmp0, $4  }
0x1d: {  	[tilespmem:s0+$0x13AB0] =	vst v0  }
0x1e: {  	[tilespmem:s0+$0x13AC0] =	vst v0  }
0x1f: {  	[tilespmem:s0+$0x13AD0] =	vst v0  }
0x20: {  	[tilespmem:s0+$0x13AE0] =	vst v0;
	s0 =	sshra.s32 s9, $0x2;
	s9 =	sadd.s32 $0x200, s9  }
0x21: {  	[tilespmem:s0+$0x13AF0] =	vst v0  }
0x22: {  	[tilespmem:s0+$0x13A80] =	vst v0  }
0x23: {  	[tilespmem:s0+$0x13A90] =	vst v0  }
0x24: {  	[tilespmem:s0+$0x13AA0] =	vst v0  }
0x25: {  	[tilespmem:s0+$0x13AB0] =	vst v0  }
0x26: {  	[tilespmem:s0+$0x13AC0] =	vst v0  }
0x27: {  	[tilespmem:s0+$0x13AD0] =	vst v0  }
0x28: {  	[tilespmem:s0+$0x13AE0] =	vst v0  }
0x29: {  	[spmem:s12] =	stream.linear.scatter [tilespmem:s21], [sflag:$0x9], $0x5000, $0x38;
	[tilespmem:$0x1DA80] =	vst v63  }
0x2a: {  	_ =	swait.ge [sflag:s22], $0x5000  }
0x2b: {  	[sflag:s22] =	ssyncset.done $0x0  }
0x2c: {  	s19 =	rddreg [dreg:$0x4];
	[sflag:s22] =	ssyncadd.s32 $0xFFFFB000  }
0x2d: {  	[spmem:s19] =	stream.linear.scatter [tilespmem:s21], [sflag:$0x9], $0x5000, $0x38;
	[tilespmem:$0x1DA80] =	vst v63  }
0x2e: {  	_ =	swait.ge [sflag:s22], $0x5000  }
0x2f: {  	[sflag:s22] =	ssyncset.done $0x0  }
0x30: {  	s24 =	rddreg [dreg:$0x5];
	[sflag:s22] =	ssyncadd.s32 $0xFFFFB000  }
0x31: {  	[spmem:s24] =	stream.linear.scatter [tilespmem:s21], [sflag:$0x9], $0x5000, $0x38;
	[tilespmem:$0x1DA80] =	vst v63  }
0x32: {  	_ =	swait.ge [sflag:s22], $0x5000  }
0x33: {  	[sflag:s22] =	ssyncset.done $0x0  }
0x34: {  	s28 =	rddreg [dreg:$0x7];
	[sflag:s22] =	ssyncadd.s32 $0xFFFFB000  }
0x35: {  	[spmem:s28] =	stream.linear.scatter [tilespmem:s21], [sflag:$0x9], $0x4880, $0x38;
	[tilespmem:$0x1DA80] =	vst v63  }
0x36: {  	_ =	swait.ge [sflag:s22], $0x4880  }
0x37: {  	[sflag:s22] =	ssyncset.done $0x0  }
0x38: {  	[sflag:s22] =	ssyncadd.s32 $0xFFFFB780  }
0x39: {  	[bflag:$0x0] =	sbarrier.arrive $0xFFFF  }
0x3a: {  	s9 =	rddreg [dreg:$0x6]  }
0x3b: {  	[tilespmem:s23], [sflag:$0x5] =	stream.linear.gather [hbm4b:s9+s20], $0x80, $0x38;
	[tilespmem:$0x1DA80] =	vst v63  }
0x3c: {  	s12 =	rddreg [dreg:$0x8];
	s9 =	simm.s32 $0x13900  }
0x3d: {  	[tilespmem:s9], [sflag:$0x6] =	stream.linear.gather [hbm4b:s12+s20], $0x80, $0x38;
	[tilespmem:$0x1DA80] =	vst v63  }
0x3e: {  	_ =	swait.ge [sflag:s25], $0x80  }
0x3f: {  	[sflag:s25] =	ssyncset.done $0x0  }
0x40: {  	s19 =	rddreg [dreg:$0x9];
	[sflag:s25] =	ssyncadd.s32 $0xFFFFFF80  }
0x41: {  	[tilespmem:s26], [sflag:$0x7] =	stream.linear.gather [hbm4b:s19+s20], $0x80, $0x38;
	[tilespmem:$0x1DA80] =	vst v63  }
0x42: {  	s28 =	simm.s32 $0x18A80;
	s24 =	rddreg [dreg:$0xa]  }
0x43: {  	[tilespmem:s28], [sflag:$0x3] =	stream.linear.gather [hbm4b:s24+s20], $0x2800, $0x38;
	[tilespmem:$0x1DA80] =	vst v63  }
0x44: {  	s12 =	simm.s32 $0x0  }
0x45: {  	[tilespmem:s21], [sflag:$0x1] =	stream.indirect.gather [hbm4b:s4+s29], $0x80, s23, s29, $0xb8;
	[tilespmem:$0x1DA80] =	vst v63  }
.LBB2_4:
0x46: {  	s0 =	sshllo.u32 s12, $0x1  }
0x47: {  	s9 =	sshll.u32 s0, $0x7;
	s0 =	smul.u32 $0x50, s0  }
0x48: {  	_ =	swait.ge [sflag:s30], $0x80;
	s9 =	sadd.s32 s8, s9  }
0x49: {  	[sflag:s30] =	ssyncset.done $0x0;
	s9 =	sshrl.u32 s9, $0x3;
	s0 =	sadd.s32 s16, s0  }
0x4a: {  	[sflag:s30] =	ssyncadd.s32 $0xFFFFFF80;
	s9 =	sadd.s32 s7, s9;
	s0 =	sshll.u32 s0, $0x4  }
0x4b: {  	[tilespmem:s31], [sflag:$0x8] =	stream.linear.gather [hbm4b:s9+s20], $0x80, $0x38;
	[tilespmem:$0x1DA80] =	vst v63  }
0x4c: {  	s19 =	simm.s32 $0x1B280;
	s0 =	sadd.s32 s5, s0  }
0x4d: {  	[tilespmem:s19], [sflag:$0x4] =	stream.linear.gather [hbm4b:s0+s20], $0x2800, $0x38;
	[tilespmem:$0x1DA80] =	vst v63  }
0x4e: {  	s24 =	simm.s32 $0x13900  }
0x4f: {  	[tilespmem:s3], [sflag:$0x2] =	stream.indirect.gather [hbm4b:s4+s29], $0x80, s24, s29, $0xb8;
	[tilespmem:$0x1DA80] =	vst v63  }
0x50: {  	s28 =	sshll.u32 s12, $0x1;
	_ =	swait.ge [sflag:s10], $0x2800  }
0x51: {  	s9 =	sadd.s32 $0x2, s28;
	[sflag:s10] =	ssyncset.done $0x0  }
0x52: {  	s0 =	sshll.u32 s9, $0x7;
	[sflag:s10] =	ssyncadd.s32 $0xFFFFD800  }
0x53: {  	s0 =	sadd.s32 s8, s0;
	_ =	swait.ge [sflag:s11], $0x2800  }
0x54: {  	s19 =	sshrl.u32 s0, $0x3;
	[sflag:s11] =	ssyncset.done $0x0  }
0x55: {  	s0 =	sadd.s32 s6, s19;
	[sflag:s11] =	ssyncadd.s32 $0xFFFFD800  }
0x56: {  	[tilespmem:s23], [sflag:$0x5] =	stream.linear.gather [hbm4b:s0+s20], $0x80, $0x38;
	[tilespmem:$0x1DA80] =	vst v63  }
0x57: {  	s0 =	simm.s32 $0x0  }
0x58: {  	v7 =	vld [tilespmem:s0+$0x18A80]  }
0x59: {  	v12 =	vld [tilespmem:s0+$0x18A90]  }
0x5a: {  	v6 =	vld [tilespmem:s0+$0x18AA0]  }
0x5b: {  	v5 =	vld [tilespmem:s0+$0x18AB0]  }
0x5c: {  	v4 =	vld [tilespmem:s0+$0x18AC0]  }
0x5d: {  	v3 =	vld [tilespmem:s0+$0x18AD0]  }
0x5e: {  	v2 =	vld [tilespmem:s0+$0x18AE0]  }
0x5f: {  	v1 =	vld [tilespmem:s0+$0x18AF0]  }
0x60: {  	v13 =	vld [tilespmem:s0+$0x13A80]  }
0x61: {  	v14 =	vld [tilespmem:s0+$0x13A90]  }
0x62: {  	v11 =	vld [tilespmem:s0+$0x13AA0]  }
0x63: {  	v10 =	vld [tilespmem:s0+$0x13AB0]  }
0x64: {  	v9 =	vld [tilespmem:s0+$0x13AC0]  }
0x65: {  	v8 =	vld [tilespmem:s0+$0x13AD0];
	v13 =	vadd.f32 v7, v13  }
0x66: {  	s24 =	simm.s32 $0x200;
	v12 =	vadd.f32 v12, v14;
	v7 =	vld [tilespmem:s0+$0x13AE0]  }
.LBB2_5:
0x67: {  	s28 =	sshra.s32 s24, $0x2;
	p0 =	sne.s32 s24, $0x9E00;
	v13 =	vmax.f32 v13, $0.0e+00;
	v6 =	vadd.f32 v6, v11;
	v11 =	vld [tilespmem:s0+$0x13AF0]  }
0x68: {  	v14 =	vld [tilespmem:s28+$0x18A80];
	[tilespmem:s0+$0x13A80] =	vst v13;
	v12 =	vmax.f32 v12, $0.0e+00;
	v5 =	vadd.f32 v5, v10  }
0x69: {  	v15 =	vld [tilespmem:s28+$0x18A90];
	[tilespmem:s0+$0x13A90] =	vst v12;
	v10 =	vmax.f32 v6, $0.0e+00;
	v4 =	vadd.f32 v4, v9  }
0x6a: {  	v6 =	vld [tilespmem:s28+$0x18AA0];
	[tilespmem:s0+$0x13AA0] =	vst v10;
	v9 =	vmax.f32 v5, $0.0e+00;
	v3 =	vadd.f32 v3, v8  }
0x6b: {  	v5 =	vld [tilespmem:s28+$0x18AB0];
	[tilespmem:s0+$0x13AB0] =	vst v9;
	v8 =	vmax.f32 v4, $0.0e+00;
	v2 =	vadd.f32 v2, v7  }
0x6c: {  	v4 =	vld [tilespmem:s28+$0x18AC0];
	[tilespmem:s0+$0x13AC0] =	vst v8;
	v7 =	vmax.f32 v3, $0.0e+00;
	v1 =	vadd.f32 v1, v11  }
0x6d: {  	v3 =	vld [tilespmem:s28+$0x18AD0];
	[tilespmem:s0+$0x13AD0] =	vst v7;
	v7 =	vmax.f32 v2, $0.0e+00  }
0x6e: {  	v2 =	vld [tilespmem:s28+$0x18AE0];
	[tilespmem:s0+$0x13AE0] =	vst v7;
	v7 =	vmax.f32 v1, $0.0e+00  }
0x6f: {  	v1 =	vld [tilespmem:s28+$0x18AF0];
	[tilespmem:s0+$0x13AF0] =	vst v7;
	s0 =	smov.u32 s28  }
0x70: {  	v7 =	vld [tilespmem:s0+$0x13A80]  }
0x71: {  	v12 =	vld [tilespmem:s0+$0x13A90]  }
.Ltmp1:
0x72: {  	v11 =	vld [tilespmem:s0+$0x13AA0];
	(pc) =	sbr.rel @p0 .LBB2_5-.Ltmp1, $4  }
0x73: {  	v10 =	vld [tilespmem:s0+$0x13AB0]  }
0x74: {  	v9 =	vld [tilespmem:s0+$0x13AC0]  }
0x75: {  	v13 =	vadd.f32 v14, v7;
	v8 =	vld [tilespmem:s0+$0x13AD0]  }
0x76: {  	s24 =	sadd.s32 $0x200, s24;
	v12 =	vadd.f32 v15, v12;
	v7 =	vld [tilespmem:s0+$0x13AE0]  }
0x77: {  	v13 =	vmax.f32 v13, $0.0e+00;
	v6 =	vadd.f32 v6, v11;
	v11 =	vld [tilespmem:s0+$0x13AF0]  }
0x78: {  	[tilespmem:s0+$0x13A80] =	vst v13;
	v12 =	vmax.f32 v12, $0.0e+00;
	v5 =	vadd.f32 v5, v10  }
0x79: {  	[tilespmem:s0+$0x13A90] =	vst v12;
	v6 =	vmax.f32 v6, $0.0e+00;
	v4 =	vadd.f32 v4, v9  }
0x7a: {  	[tilespmem:s0+$0x13AA0] =	vst v6;
	v5 =	vmax.f32 v5, $0.0e+00;
	v3 =	vadd.f32 v3, v8  }
0x7b: {  	[tilespmem:s0+$0x13AB0] =	vst v5;
	v4 =	vmax.f32 v4, $0.0e+00;
	v2 =	vadd.f32 v2, v7  }
0x7c: {  	[tilespmem:s0+$0x13AC0] =	vst v4;
	v3 =	vmax.f32 v3, $0.0e+00;
	v1 =	vadd.f32 v1, v11  }
0x7d: {  	[tilespmem:s0+$0x13AD0] =	vst v3;
	v2 =	vmax.f32 v2, $0.0e+00  }
0x7e: {  	[tilespmem:s0+$0x13AE0] =	vst v2;
	v1 =	vmax.f32 v1, $0.0e+00  }
0x7f: {  	[tilespmem:s0+$0x13AF0] =	vst v1  }
0x80: {  	_ =	swait.ge [sflag:s13], $0x80  }
0x81: {  	[sflag:s13] =	ssyncset.done $0x0  }
0x82: {  	[sflag:s13] =	ssyncadd.s32 $0xFFFFFF80  }
0x83: {  	[spmem:s1] =	stream.indirect.scatter.add.f32 [tilespmem:s21], [sflag:$0x9], $0x80, s26, s29, $0xb8;
	[tilespmem:$0x1DA80] =	vst v63  }
0x84: {  	_ =	swait.ge [sflag:s22], $0x2800  }
0x85: {  	[sflag:s22] =	ssyncset.done $0x0  }
0x86: {  	s9 =	smul.u32 $0x50, s9;
	[sflag:s22] =	ssyncadd.s32 $0xFFFFD800  }
0x87: {  	_ =	swait.ge [sflag:s25], $0x80  }
0x88: {  	s24 =	sadd.s32 s16, s9;
	[sflag:s25] =	ssyncset.done $0x0  }
0x89: {  	s19 =	sadd.s32 s7, s19;
	s0 =	sshll.u32 s24, $0x4;
	[sflag:s25] =	ssyncadd.s32 $0xFFFFFF80  }
0x8a: {  	[tilespmem:s26], [sflag:$0x7] =	stream.linear.gather [hbm4b:s19+s2], $0x80, $0x38;
	[tilespmem:$0x1DA80] =	vst v63  }
0x8b: {  	s28 =	simm.s32 $0x18A80;
	s0 =	sadd.s32 s5, s0  }
0x8c: {  	[tilespmem:s28], [sflag:$0x3] =	stream.linear.gather [hbm4b:s0+s2], $0x2800, $0x38;
	[tilespmem:$0x1DA80] =	vst v63  }
0x8d: {  	_ = 	snop  }
0x8e: {  	[tilespmem:s21], [sflag:$0x1] =	stream.indirect.gather [hbm4b:s4+s29], $0x80, s23, s29, $0xb8;
	[tilespmem:$0x1DA80] =	vst v63  }
0x8f: {  	_ =	swait.ge [sflag:s14], $0x2800  }
0x90: {  	p0 =	seq.s32 s12, $0x3D;
	[sflag:s14] =	ssyncset.done $0x0  }
0x91: {  	s0 =	sshll.u32 @!p0 s12, $0x8;
	[sflag:s14] =	ssyncadd.s32 $0xFFFFD800  }
0x92: {  	s0 =	sadd.s32 @!p0 s0, s18;
	_ =	swait.ge [sflag:s15], $0x2800  }
0x93: {  	s9 =	simm.s32 @!p0 $0x0;
	s0 =	sshrl.u32 @!p0 s0, $0x3;
	[sflag:s15] =	ssyncset.done $0x0  }
0x94: {  	s19 =	simm.s32 @!p0 $0x13900;
	s0 =	sadd.s32 @!p0 s6, s0;
	[sflag:s15] =	ssyncadd.s32 $0xFFFFD800  }
0x95: {  	[tilespmem:s19], [sflag:$0x6] =	stream.linear.gather @!p0 [hbm4b:s0+s9], $0x80, $0x38;
	[tilespmem:$0x1DA80] =	vst v63  }
0x96: {  	s0 =	simm.s32 $0x0  }
0x97: {  	v7 =	vld [tilespmem:s0+$0x1B280]  }
0x98: {  	v12 =	vld [tilespmem:s0+$0x1B290]  }
0x99: {  	v6 =	vld [tilespmem:s0+$0x1B2A0]  }
0x9a: {  	v5 =	vld [tilespmem:s0+$0x1B2B0]  }
0x9b: {  	v4 =	vld [tilespmem:s0+$0x1B2C0]  }
0x9c: {  	v3 =	vld [tilespmem:s0+$0x1B2D0]  }
0x9d: {  	v2 =	vld [tilespmem:s0+$0x1B2E0]  }
0x9e: {  	v1 =	vld [tilespmem:s0+$0x1B2F0]  }
0x9f: {  	v13 =	vld [tilespmem:s0+$0x16280]  }
0xa0: {  	v14 =	vld [tilespmem:s0+$0x16290]  }
0xa1: {  	v11 =	vld [tilespmem:s0+$0x162A0]  }
0xa2: {  	v10 =	vld [tilespmem:s0+$0x162B0]  }
0xa3: {  	v9 =	vld [tilespmem:s0+$0x162C0]  }
0xa4: {  	v8 =	vld [tilespmem:s0+$0x162D0];
	v13 =	vadd.f32 v7, v13  }
0xa5: {  	s9 =	simm.s32 $0x200;
	v12 =	vadd.f32 v12, v14;
	v7 =	vld [tilespmem:s0+$0x162E0]  }
.LBB2_7:
0xa6: {  	s19 =	sshra.s32 s9, $0x2;
	p0 =	sne.s32 s9, $0x9E00;
	v13 =	vmax.f32 v13, $0.0e+00;
	v6 =	vadd.f32 v6, v11;
	v11 =	vld [tilespmem:s0+$0x162F0]  }
0xa7: {  	v14 =	vld [tilespmem:s19+$0x1B280];
	[tilespmem:s0+$0x16280] =	vst v13;
	v12 =	vmax.f32 v12, $0.0e+00;
	v5 =	vadd.f32 v5, v10  }
0xa8: {  	v15 =	vld [tilespmem:s19+$0x1B290];
	[tilespmem:s0+$0x16290] =	vst v12;
	v10 =	vmax.f32 v6, $0.0e+00;
	v4 =	vadd.f32 v4, v9  }
0xa9: {  	v6 =	vld [tilespmem:s19+$0x1B2A0];
	[tilespmem:s0+$0x162A0] =	vst v10;
	v9 =	vmax.f32 v5, $0.0e+00;
	v3 =	vadd.f32 v3, v8  }
0xaa: {  	v5 =	vld [tilespmem:s19+$0x1B2B0];
	[tilespmem:s0+$0x162B0] =	vst v9;
	v8 =	vmax.f32 v4, $0.0e+00;
	v2 =	vadd.f32 v2, v7  }
0xab: {  	v4 =	vld [tilespmem:s19+$0x1B2C0];
	[tilespmem:s0+$0x162C0] =	vst v8;
	v7 =	vmax.f32 v3, $0.0e+00;
	v1 =	vadd.f32 v1, v11  }
0xac: {  	v3 =	vld [tilespmem:s19+$0x1B2D0];
	[tilespmem:s0+$0x162D0] =	vst v7;
	v7 =	vmax.f32 v2, $0.0e+00  }
0xad: {  	v2 =	vld [tilespmem:s19+$0x1B2E0];
	[tilespmem:s0+$0x162E0] =	vst v7;
	v7 =	vmax.f32 v1, $0.0e+00  }
0xae: {  	v1 =	vld [tilespmem:s19+$0x1B2F0];
	[tilespmem:s0+$0x162F0] =	vst v7;
	s0 =	smov.u32 s19  }
0xaf: {  	v7 =	vld [tilespmem:s0+$0x16280]  }
0xb0: {  	v12 =	vld [tilespmem:s0+$0x16290]  }
.Ltmp2:
0xb1: {  	v11 =	vld [tilespmem:s0+$0x162A0];
	(pc) =	sbr.rel @p0 .LBB2_7-.Ltmp2, $4  }
0xb2: {  	v10 =	vld [tilespmem:s0+$0x162B0]  }
0xb3: {  	v9 =	vld [tilespmem:s0+$0x162C0]  }
0xb4: {  	v13 =	vadd.f32 v14, v7;
	v8 =	vld [tilespmem:s0+$0x162D0]  }
0xb5: {  	s9 =	sadd.s32 $0x200, s9;
	v12 =	vadd.f32 v15, v12;
	v7 =	vld [tilespmem:s0+$0x162E0]  }
0xb6: {  	v13 =	vmax.f32 v13, $0.0e+00;
	v6 =	vadd.f32 v6, v11;
	v63 =	vld [tilespmem:s0+$0x162F0]  }
0xb7: {  	[tilespmem:s0+$0x16280] =	vst v13;
	v12 =	vmax.f32 v12, $0.0e+00;
	v5 =	vadd.f32 v5, v10  }
0xb8: {  	[tilespmem:s0+$0x16290] =	vst v12;
	v6 =	vmax.f32 v6, $0.0e+00;
	v4 =	vadd.f32 v4, v9  }
0xb9: {  	[tilespmem:s0+$0x162A0] =	vst v6;
	v5 =	vmax.f32 v5, $0.0e+00;
	v3 =	vadd.f32 v3, v8  }
0xba: {  	[tilespmem:s0+$0x162B0] =	vst v5;
	v4 =	vmax.f32 v4, $0.0e+00;
	v2 =	vadd.f32 v2, v7  }
0xbb: {  	[tilespmem:s0+$0x162C0] =	vst v4;
	v3 =	vmax.f32 v3, $0.0e+00;
	v1 =	vadd.f32 v1, v63  }
0xbc: {  	[tilespmem:s0+$0x162D0] =	vst v3;
	v2 =	vmax.f32 v2, $0.0e+00  }
0xbd: {  	[tilespmem:s0+$0x162E0] =	vst v2;
	v1 =	vmax.f32 v1, $0.0e+00  }
0xbe: {  	[tilespmem:s0+$0x162F0] =	vst v1  }
0xbf: {  	s12 =	sadd.s32 $0x1, s12;
	_ =	swait.ge [sflag:s17], $0x80  }
0xc0: {  	p0 =	sne.s32 s12, $0x3E;
	[sflag:s17] =	ssyncset.done $0x0  }
.Ltmp3:
0xc1: {  	[sflag:s17] =	ssyncadd.s32 $0xFFFFFF80;
	(pc) =	sbr.rel @p0 .LBB2_4-.Ltmp3, $4  }
0xc2: {  	[spmem:s1] =	stream.indirect.scatter.add.f32 [tilespmem:s3], [sflag:$0x9], $0x80, s31, s29, $0xb8;
	[tilespmem:$0x1DA80] =	vst v63  }
0xc3: {  	_ =	swait.ge [sflag:s22], $0x2800  }
0xc4: {  	[sflag:s22] =	ssyncset.done $0x0  }
0xc5: {  	[sflag:s22] =	ssyncadd.s32 $0xFFFFD800  }
0xc6: {  	_ =	swait.ge [sflag:s10], $0x2800  }
0xc7: {  	[sflag:s10] =	ssyncset.done $0x0  }
0xc8: {  	[sflag:s10] =	ssyncadd.s32 $0xFFFFD800  }
0xc9: {  	_ =	swait.ge [sflag:s11], $0x2800  }
0xca: {  	[sflag:s11] =	ssyncset.done $0x0  }
0xcb: {  	s0 =	simm.s32 $0x0;
	[sflag:s11] =	ssyncadd.s32 $0xFFFFD800  }
0xcc: {  	v7 =	vld [tilespmem:s0+$0x18A80]  }
0xcd: {  	v12 =	vld [tilespmem:s0+$0x18A90]  }
0xce: {  	v6 =	vld [tilespmem:s0+$0x18AA0]  }
0xcf: {  	v5 =	vld [tilespmem:s0+$0x18AB0]  }
0xd0: {  	v4 =	vld [tilespmem:s0+$0x18AC0]  }
0xd1: {  	v3 =	vld [tilespmem:s0+$0x18AD0]  }
0xd2: {  	v2 =	vld [tilespmem:s0+$0x18AE0]  }
0xd3: {  	v1 =	vld [tilespmem:s0+$0x18AF0]  }
0xd4: {  	v13 =	vld [tilespmem:s0+$0x13A80]  }
0xd5: {  	v14 =	vld [tilespmem:s0+$0x13A90]  }
0xd6: {  	v11 =	vld [tilespmem:s0+$0x13AA0]  }
0xd7: {  	v10 =	vld [tilespmem:s0+$0x13AB0]  }
0xd8: {  	v9 =	vld [tilespmem:s0+$0x13AC0]  }
0xd9: {  	v8 =	vld [tilespmem:s0+$0x13AD0];
	v13 =	vadd.f32 v7, v13  }
0xda: {  	s9 =	simm.s32 $0x200;
	v12 =	vadd.f32 v12, v14;
	v7 =	vld [tilespmem:s0+$0x13AE0]  }
.LBB2_10:
0xdb: {  	s12 =	sshra.s32 s9, $0x2;
	p0 =	sne.s32 s9, $0x9E00;
	v13 =	vmax.f32 v13, $0.0e+00;
	v6 =	vadd.f32 v6, v11;
	v11 =	vld [tilespmem:s0+$0x13AF0]  }
0xdc: {  	v14 =	vld [tilespmem:s12+$0x18A80];
	[tilespmem:s0+$0x13A80] =	vst v13;
	v12 =	vmax.f32 v12, $0.0e+00;
	v5 =	vadd.f32 v5, v10  }
0xdd: {  	v15 =	vld [tilespmem:s12+$0x18A90];
	[tilespmem:s0+$0x13A90] =	vst v12;
	v10 =	vmax.f32 v6, $0.0e+00;
	v4 =	vadd.f32 v4, v9  }
0xde: {  	v6 =	vld [tilespmem:s12+$0x18AA0];
	[tilespmem:s0+$0x13AA0] =	vst v10;
	v9 =	vmax.f32 v5, $0.0e+00;
	v3 =	vadd.f32 v3, v8  }
0xdf: {  	v5 =	vld [tilespmem:s12+$0x18AB0];
	[tilespmem:s0+$0x13AB0] =	vst v9;
	v8 =	vmax.f32 v4, $0.0e+00;
	v2 =	vadd.f32 v2, v7  }
0xe0: {  	v4 =	vld [tilespmem:s12+$0x18AC0];
	[tilespmem:s0+$0x13AC0] =	vst v8;
	v7 =	vmax.f32 v3, $0.0e+00;
	v1 =	vadd.f32 v1, v11  }
0xe1: {  	v3 =	vld [tilespmem:s12+$0x18AD0];
	[tilespmem:s0+$0x13AD0] =	vst v7;
	v7 =	vmax.f32 v2, $0.0e+00  }
0xe2: {  	v2 =	vld [tilespmem:s12+$0x18AE0];
	[tilespmem:s0+$0x13AE0] =	vst v7;
	v7 =	vmax.f32 v1, $0.0e+00  }
0xe3: {  	v1 =	vld [tilespmem:s12+$0x18AF0];
	[tilespmem:s0+$0x13AF0] =	vst v7;
	s0 =	smov.u32 s12  }
0xe4: {  	v7 =	vld [tilespmem:s0+$0x13A80]  }
0xe5: {  	v12 =	vld [tilespmem:s0+$0x13A90]  }
.Ltmp4:
0xe6: {  	v11 =	vld [tilespmem:s0+$0x13AA0];
	(pc) =	sbr.rel @p0 .LBB2_10-.Ltmp4, $4  }
0xe7: {  	v10 =	vld [tilespmem:s0+$0x13AB0]  }
0xe8: {  	v9 =	vld [tilespmem:s0+$0x13AC0]  }
0xe9: {  	v13 =	vadd.f32 v14, v7;
	v8 =	vld [tilespmem:s0+$0x13AD0]  }
0xea: {  	s9 =	sadd.s32 $0x200, s9;
	v12 =	vadd.f32 v15, v12;
	v7 =	vld [tilespmem:s0+$0x13AE0]  }
0xeb: {  	v13 =	vmax.f32 v13, $0.0e+00;
	v6 =	vadd.f32 v6, v11;
	v63 =	vld [tilespmem:s0+$0x13AF0]  }
0xec: {  	[tilespmem:s0+$0x13A80] =	vst v13;
	v12 =	vmax.f32 v12, $0.0e+00;
	v5 =	vadd.f32 v5, v10  }
0xed: {  	[tilespmem:s0+$0x13A90] =	vst v12;
	v6 =	vmax.f32 v6, $0.0e+00;
	v4 =	vadd.f32 v4, v9  }
0xee: {  	[tilespmem:s0+$0x13AA0] =	vst v6;
	v5 =	vmax.f32 v5, $0.0e+00;
	v3 =	vadd.f32 v3, v8  }
0xef: {  	[tilespmem:s0+$0x13AB0] =	vst v5;
	v4 =	vmax.f32 v4, $0.0e+00;
	v2 =	vadd.f32 v2, v7  }
0xf0: {  	[tilespmem:s0+$0x13AC0] =	vst v4;
	v3 =	vmax.f32 v3, $0.0e+00;
	v1 =	vadd.f32 v1, v63  }
0xf1: {  	[tilespmem:s0+$0x13AD0] =	vst v3;
	v2 =	vmax.f32 v2, $0.0e+00  }
0xf2: {  	[tilespmem:s0+$0x13AE0] =	vst v2;
	v1 =	vmax.f32 v1, $0.0e+00  }
0xf3: {  	[tilespmem:s0+$0x13AF0] =	vst v1  }
0xf4: {  	_ =	swait.ge [sflag:s13], $0x80  }
0xf5: {  	[sflag:s13] =	ssyncset.done $0x0  }
0xf6: {  	[sflag:s13] =	ssyncadd.s32 $0xFFFFFF80  }
0xf7: {  	[spmem:s1] =	stream.indirect.scatter.add.f32 [tilespmem:s21], [sflag:$0x9], $0x80, s26, s29, $0xb8;
	[tilespmem:$0x1DA80] =	vst v63  }
0xf8: {  	_ =	swait.ge [sflag:s22], $0x2800  }
0xf9: {  	[sflag:s22] =	ssyncset.done $0x0  }
0xfa: {  	[sflag:s22] =	ssyncadd.s32 $0xFFFFD800  }
0xfb: {  	s19 =	stileid.u32;
	[bflag:$0x0] =	sbarrier.arrive $0xFFFF  }
0xfc: {  	s0 =	sshll.u32 s19, $0x6;
	s12 =	rddreg [dreg:$0x3]  }
0xfd: {  	s0 =	sor.u32 $0x1C09, s0;
	s19 =	rddreg [dreg:$0xb];
	s9 =	sshrl.u32 s12, $0x3  }
0xfe: {  	[hbm:s19], [sflag:s0] =	dma.local [spmem:s9], $0x2710  }
0xff: {  	_ =	swait.ge [sflag:s22], $0x2710  }
0x100: {  	s24 =	rddreg [dreg:$0xd]  }
0x101: {  	s28 =	rddreg [dreg:$0xc];
	s9 =	sadd.s32 $0x1, s24  }
0x102: {  	p0 =	sne.s32 s9, s28  }
.Ltmp5:
0x103: {  	_ = 	snop;
	(pc) =	sbr.rel @p0 .LBB2_1-.Ltmp5, $3  }
0x104: {  	_ =	sdelay $0x1  }
0x105: {  	[sflag:s22] =	ssyncset.done $0x0  }
0x106: {  	[sflag:s22] =	ssyncadd.s32 $0xFFFFD8F0  }
0x107: {  	_ =	sfence.sel $0x180000  }
0x108: {  	[bflag:$0x0] =	sbarrier.arrive $0xFFFF  }
0x109: {  	_ =	strace $0x9000004D  }
0x10a: {  	s0 =	stileid.u32;
	[bflag:$0x2] =	sbarrier.arrive $0xFFFF  }
0x10b: {  	p0 =	sne.s32 s0, $0x0;
	s0 =	rddreg [dreg:$0x2]  }
0x10c: {  	s0 =	sadd.s32 @!p0 $0x100000, s0  }
0x10d: {  	[sflag:s0] =	ssyncadd.tile.s32 @!p0 $0x1;
	_ =	shalt  }
.Lfunc_end2:
_tile_overlayer_lowered:
.L_overlay_start_2:
0x10e: {  	(tag) =	ssettag $0x2  }
0x10f: {  	s0 =	rddreg [dreg:$0x0];
	s2 =	stileid.u32  }
0x110: {  	s1 =	rddreg [dreg:$0x1];
	p0 =	sne.s32 s2, $0x0  }
0x111: {  	s3 =	rddreg [dreg:$0x2];
	[bflag:$0x3] =	sbarrier.arrive $0xFFFF;
	s2 =	simm.s32 @!p0 $0x1C09  }
0x112: {  	[timem:s3], [sflag:s2] =	dma.local @!p0 [hbm:s0], s1  }
0x113: {  	s0 =	simm.s32 @!p0 $0x9  }
0x114: {  	_ =	swait.ge @!p0 [sflag:s0], s1  }
0x115: {  	s1 =	ssub.s32 @!p0 $0x0, s1;
	[sflag:s0] =	ssyncset.done @!p0 $0x0  }
0x116: {  	[sflag:s0] =	ssyncadd.s32 @!p0 s1  }
0x117: {  	[bflag:$0x3] =	sbarrier.arrive $0xFFFF  }
0x118: {  	_ =	shalt  }

</sc_bundles>
